<compile_context>
chip_gen: v7x
topology: tpu7x:2x2x1
jax: 0.10.2.dev20260603
libtpu: 0.0.44.dev20260713+nightly
codegen_flags: <defaults>
</compile_context>

<pallas_src>
import functools

import jax
import jax.numpy as jnp
import numpy as np
from jax import lax
from jax.experimental import pallas as pl
from jax.experimental.pallas import tpu as pltpu
from jax.experimental.pallas import tpu_sc as plsc

_N = 10000
_E = 160000
_F = 128
_H = 33
_C = 16
_HP = 48

_N_PAD = 10240
_ROW_BLK = 512
_HPAIR = (_H + 1) // 2
_XW = _HPAIR * 2 * _C


def _wsd_body(w_ref, s_ref, d_ref, ws_ref, wd_ref):
    ws_ref[...] = jnp.dot(w_ref[...], s_ref[...],
                          preferred_element_type=jnp.float32)
    wd_ref[...] = jnp.dot(w_ref[...], d_ref[...],
                          preferred_element_type=jnp.float32)


def _attn_body(x_ref, ws_ref, wd_ref, as_ref, ad_ref, amax_ref):
    i = pl.program_id(0)
    a_s = jnp.dot(x_ref[...], ws_ref[...], preferred_element_type=jnp.float32)
    a_d = jnp.dot(x_ref[...], wd_ref[...], preferred_element_type=jnp.float32)
    as_ref[...] = a_s
    ad_ref[...] = a_d
    blk_max = jnp.max(a_s, axis=0, keepdims=True)

    @pl.when(i == 0)
    def _init():
        amax_ref[...] = blk_max

    @pl.when(i > 0)
    def _acc():
        amax_ref[...] = jnp.maximum(amax_ref[...], blk_max)


def _xp_body(x_ref, we_ref, wo_ref, xp_ref):
    xe = jnp.dot(x_ref[...], we_ref[...],
                 preferred_element_type=jnp.float32).astype(jnp.bfloat16)
    xo = jnp.dot(x_ref[...], wo_ref[...],
                 preferred_element_type=jnp.float32).astype(jnp.bfloat16)
    ie = lax.bitcast_convert_type(xe, jnp.uint16).astype(jnp.int32)
    io = lax.bitcast_convert_type(xo, jnp.uint16).astype(jnp.int32)
    xp_ref[...] = lax.bitwise_or(lax.shift_left(io, jnp.int32(16)), ie)


def _projection(x_pad, W, S, D):
    ws, wd = pl.pallas_call(
        _wsd_body,
        out_shape=[
            jax.ShapeDtypeStruct((_F, _HP), jnp.float32),
            jax.ShapeDtypeStruct((_F, _HP), jnp.float32),
        ],
    )(W, S, D)
    grid = _N_PAD // _ROW_BLK
    a_s, a_d, amax = pl.pallas_call(
        _attn_body,
        grid=(grid,),
        in_specs=[
            pl.BlockSpec((_ROW_BLK, _F), lambda i: (i, 0)),
            pl.BlockSpec((_F, _HP), lambda i: (0, 0)),
            pl.BlockSpec((_F, _HP), lambda i: (0, 0)),
        ],
        out_specs=[
            pl.BlockSpec((_ROW_BLK, _HP), lambda i: (i, 0)),
            pl.BlockSpec((_ROW_BLK, _HP), lambda i: (i, 0)),
            pl.BlockSpec((1, _HP), lambda i: (0, 0)),
        ],
        out_shape=[
            jax.ShapeDtypeStruct((_N_PAD, _HP), jnp.float32),
            jax.ShapeDtypeStruct((_N_PAD, _HP), jnp.float32),
            jax.ShapeDtypeStruct((1, _HP), jnp.float32),
        ],
    )(x_pad, ws, wd)
    wh = W.reshape(_F, _H, _C)
    wh = jnp.concatenate([wh, jnp.zeros((_F, 1, _C), jnp.float32)], axis=1)
    wp = wh.reshape(_F, _HPAIR, 2, _C)
    w_even = wp[:, :, 0, :].reshape(_F, _XW // 2)
    w_odd = wp[:, :, 1, :].reshape(_F, _XW // 2)
    xp = pl.pallas_call(
        _xp_body,
        grid=(grid,),
        in_specs=[
            pl.BlockSpec((_ROW_BLK, _F), lambda i: (i, 0)),
            pl.BlockSpec((_F, _XW // 2), lambda i: (0, 0)),
            pl.BlockSpec((_F, _XW // 2), lambda i: (0, 0)),
        ],
        out_specs=pl.BlockSpec((_ROW_BLK, _XW // 2), lambda i: (i, 0)),
        out_shape=jax.ShapeDtypeStruct((_N_PAD, _XW // 2), jnp.int32),
    )(x_pad, w_even, w_odd)
    return xp, a_s, a_d, amax


_NC = 2
_NS = 16
_NW = _NC * _NS
_CHA = 128
_CPT_A = 42
_EPT = _CHA * _CPT_A
_E_PAD = _NW * _EPT
_ROWS_PT = _N_PAD // _NS


def _pass_a_body(srcm_hbm, dstm_hbm, as_hbm, ad_hbm, amax_hbm,
                 ex_hbm, den_hbm,
                 src_all, dst_all,
                 as_r0, as_r1, ad_r0, ad_r1, ex_r0, ex_r1,
                 amax_v, zbuf, den_sp, sems):
    cid = lax.axis_index("c")
    sid = lax.axis_index("s")
    wid = cid * _NS + sid
    as_b, ad_b, ex_b = [as_r0, as_r1], [ad_r0, ad_r1], [ex_r0, ex_r1]

    def _z(i, _):
        for v in range(3):
            zbuf[i, pl.ds(v * 16, 16)] = jnp.zeros((16,), jnp.float32)
        return 0
    lax.fori_loop(0, 64, _z, 0)

    def _zs(k, _):
        pltpu.sync_copy(zbuf, den_sp.at[pl.ds(sid * _ROWS_PT + k * 64, 64)])
        return 0
    lax.fori_loop(0, _ROWS_PT // 64, _zs, 0)

    pltpu.sync_copy(amax_hbm, amax_v)
    amax_regs = [amax_v[pl.ds(v * 16, 16)] for v in range(3)]
    pltpu.sync_copy(srcm_hbm.at[pl.ds(wid * _CPT_A, _CPT_A)], src_all)
    pltpu.sync_copy(dstm_hbm.at[pl.ds(wid * _CPT_A, _CPT_A)], dst_all)

    plsc.subcore_barrier()

    def _issue(j, b):
        pltpu.async_copy(as_hbm.at[src_all.at[j]], as_b[b], sems.at[b])
        pltpu.async_copy(ad_hbm.at[dst_all.at[j]], ad_b[b], sems.at[2 + b])

    def _wait_gather(j, b):
        pltpu.make_async_copy(as_hbm.at[src_all.at[j]], as_b[b],
                              sems.at[b]).wait()
        pltpu.make_async_copy(ad_hbm.at[dst_all.at[j]], ad_b[b],
                              sems.at[2 + b]).wait()

    def _wait_outputs(j, b):
        base = wid * _EPT + j * _CHA
        pltpu.make_async_copy(ex_b[b], ex_hbm.at[pl.ds(base, _CHA)],
                              sems.at[4 + b]).wait()
        pltpu.make_async_copy(ex_b[b], den_sp.at[dst_all.at[j]],
                              sems.at[6 + b]).wait()

    _issue(0, 0)

    @pl.loop(0, _CPT_A, step=2)
    def _outer(jj):
        for b in range(2):
            j = jj + b

            @pl.when(j + 1 < _CPT_A)
            def _():
                _issue(j + 1, 1 - b)

            _wait_gather(j, b)

            @pl.when(j >= 2)
            def _():
                _wait_outputs(j - 2, b)

            as_r, ad_r, ex_r = as_b[b], ad_b[b], ex_b[b]

            @plsc.parallel_loop(0, _CHA, unroll=2)
            def _edge(e):
                for v in range(3):
                    sl = pl.ds(v * 16, 16)
                    s = as_r[e, sl] + ad_r[e, sl]
                    el = jnp.maximum(s, 0.2 * s)
                    bb = amax_regs[v] + ad_r[e, sl]
                    bl = jnp.maximum(bb, 0.2 * bb)
                    ex_r[e, sl] = jnp.exp(el - bl)

            base = wid * _EPT + j * _CHA
            pltpu.async_copy(ex_r, ex_hbm.at[pl.ds(base, _CHA)],
                             sems.at[4 + b])
            pltpu.async_copy(ex_r, den_sp.at[dst_all.at[j]],
                             sems.at[6 + b], add=True)

    for b in range(2):
        _wait_outputs(_CPT_A - 2 + b, b)

    plsc.subcore_barrier()
    pltpu.sync_copy(den_sp.at[pl.ds(sid * _ROWS_PT, _ROWS_PT)],
                    den_hbm.at[cid, pl.ds(sid * _ROWS_PT, _ROWS_PT)])


def _pass_a(srcm, dstm, a_s, a_d, amax):
    mesh = plsc.VectorSubcoreMesh(core_axis_name="c", subcore_axis_name="s",
                                  num_cores=_NC, num_subcores=_NS)
    return pl.kernel(
        _pass_a_body,
        out_type=[
            jax.ShapeDtypeStruct((_E_PAD, _HP), jnp.float32),
            jax.ShapeDtypeStruct((_NC, _N_PAD, _HP), jnp.float32),
        ],
        mesh=mesh,
        scratch_types=[
            pltpu.VMEM((_CPT_A, _CHA), jnp.int32),
            pltpu.VMEM((_CPT_A, _CHA), jnp.int32),
            pltpu.VMEM((_CHA, _HP), jnp.float32),
            pltpu.VMEM((_CHA, _HP), jnp.float32),
            pltpu.VMEM((_CHA, _HP), jnp.float32),
            pltpu.VMEM((_CHA, _HP), jnp.float32),
            pltpu.VMEM((_CHA, _HP), jnp.float32),
            pltpu.VMEM((_CHA, _HP), jnp.float32),
            pltpu.VMEM((_HP,), jnp.float32),
            pltpu.VMEM((64, _HP), jnp.float32),
            pltpu.VMEM_SHARED((_N_PAD, _HP), jnp.float32),
            pltpu.SemaphoreType.DMA((8,)),
        ],
        compiler_params=pltpu.CompilerParams(use_tc_tiling_on_sc=False),
        name="gat_edge_pass_a",
    )(srcm, dstm, a_s, a_d, amax)


_CHB = 64
_CPT_B = _EPT // _CHB


def _pass_b_body(srcm_hbm, dstm_hbm, ex_hbm, inv_hbm, xp_hbm,
                 out_hbm,
                 src_all, dst_all,
                 ex_r0, ex_r1, inv_r0, inv_r1, xp_r0, xp_r1,
                 msg_r0, msg_r1, zbuf, out_sp, sems):
    cid = lax.axis_index("c")
    sid = lax.axis_index("s")
    wid = cid * _NS + sid
    ex_b, inv_b, xp_b = [ex_r0, ex_r1], [inv_r0, inv_r1], [xp_r0, xp_r1]
    msg_b = [msg_r0, msg_r1]

    def _z(i, _):
        zbuf[i, pl.ds(0, 16)] = jnp.zeros((16,), jnp.float32)
        zbuf[i, pl.ds(16, 16)] = jnp.zeros((16,), jnp.float32)
        msg_r0[i, pl.ds(16, 16)] = jnp.zeros((16,), jnp.float32)
        msg_r1[i, pl.ds(16, 16)] = jnp.zeros((16,), jnp.float32)
        return 0
    lax.fori_loop(0, 64, _z, 0)

    def _zs(k, _):
        pltpu.sync_copy(zbuf, out_sp.at[pl.ds(sid * _ROWS_PT + k * 64, 64)])
        return 0
    lax.fori_loop(0, _ROWS_PT // 64, _zs, 0)

    pltpu.sync_copy(srcm_hbm.at[pl.ds(wid * _CPT_B, _CPT_B)], src_all)
    pltpu.sync_copy(dstm_hbm.at[pl.ds(wid * _CPT_B, _CPT_B)], dst_all)

    plsc.subcore_barrier()

    def _issue(j, b):
        base = wid * _EPT + j * _CHB
        pltpu.async_copy(ex_hbm.at[pl.ds(base, _CHB)], ex_b[b], sems.at[b])
        pltpu.async_copy(inv_hbm.at[dst_all.at[j]], inv_b[b], sems.at[2 + b])
        pltpu.async_copy(xp_hbm.at[src_all.at[j]], xp_b[b], sems.at[4 + b])

    def _wait_gather(j, b):
        base = wid * _EPT + j * _CHB
        pltpu.make_async_copy(ex_hbm.at[pl.ds(base, _CHB)], ex_b[b],
                              sems.at[b]).wait()
        pltpu.make_async_copy(inv_hbm.at[dst_all.at[j]], inv_b[b],
                              sems.at[2 + b]).wait()
        pltpu.make_async_copy(xp_hbm.at[src_all.at[j]], xp_b[b],
                              sems.at[4 + b]).wait()

    def _wait_scatter(j, b):
        pltpu.make_async_copy(msg_b[b], out_sp.at[dst_all.at[j]],
                              sems.at[6 + b]).wait()

    _issue(0, 0)

    dnums = lax.GatherDimensionNumbers(
        offset_dims=(), collapsed_slice_dims=(0,), start_index_map=(0,))

    @pl.loop(0, _CPT_B, step=2)
    def _outer(jj):
        for b in range(2):
            j = jj + b

            @pl.when(j + 1 < _CPT_B)
            def _():
                _issue(j + 1, 1 - b)

            _wait_gather(j, b)

            ex_r, inv_r, xp_r, msg_r = ex_b[b], inv_b[b], xp_b[b], msg_b[b]

            @pl.when(j >= 2)
            def _():
                _wait_scatter(j - 2, b)

            @plsc.parallel_loop(0, _CHB, unroll=4)
            def _edge(e):
                acc = [jnp.zeros((16,), jnp.float32) for _ in range(4)]
                for v in range(3):
                    sl = pl.ds(v * 16, 16)
                    av = ex_r[e, sl] * inv_r[e, sl]
                    for k in range(v * 8, min((v + 1) * 8, _HPAIR)):
                        w32 = xp_r[e, pl.ds(k * 16, 16)]
                        xa = lax.bitcast_convert_type(
                            lax.shift_left(w32, jnp.int32(16)), jnp.float32)
                        xb = lax.bitcast_convert_type(
                            lax.bitwise_and(w32, jnp.int32(-65536)),
                            jnp.float32)
                        ia = jnp.full((16, 1), (2 * k) % 16, jnp.int32)
                        ib = jnp.full((16, 1), (2 * k + 1) % 16, jnp.int32)
                        aa = lax.gather(
                            av, ia, dnums, slice_sizes=(1,),
                            mode=lax.GatherScatterMode.PROMISE_IN_BOUNDS)
                        ab = lax.gather(
                            av, ib, dnums, slice_sizes=(1,),
                            mode=lax.GatherScatterMode.PROMISE_IN_BOUNDS)
                        acc[(2 * k) % 4] = acc[(2 * k) % 4] + aa * xa
                        acc[(2 * k + 1) % 4] = acc[(2 * k + 1) % 4] + ab * xb
                msg_r[e, pl.ds(0, 16)] = (acc[0] + acc[1]) + (acc[2] + acc[3])

            pltpu.async_copy(msg_r, out_sp.at[dst_all.at[j]],
                             sems.at[6 + b], add=True)

    for b in range(2):
        _wait_scatter(_CPT_B - 2 + b, b)

    plsc.subcore_barrier()
    pltpu.sync_copy(out_sp.at[pl.ds(sid * _ROWS_PT, _ROWS_PT)],
                    out_hbm.at[cid, pl.ds(sid * _ROWS_PT, _ROWS_PT)])


def _pass_b(srcm, dstm, ex_pad, inv_den, xp):
    mesh = plsc.VectorSubcoreMesh(core_axis_name="c", subcore_axis_name="s",
                                  num_cores=_NC, num_subcores=_NS)
    return pl.kernel(
        _pass_b_body,
        out_type=jax.ShapeDtypeStruct((_NC, _N_PAD, 32), jnp.float32),
        mesh=mesh,
        scratch_types=[
            pltpu.VMEM((_CPT_B, _CHB), jnp.int32),
            pltpu.VMEM((_CPT_B, _CHB), jnp.int32),
            pltpu.VMEM((_CHB, _HP), jnp.float32),
            pltpu.VMEM((_CHB, _HP), jnp.float32),
            pltpu.VMEM((_CHB, _HP), jnp.float32),
            pltpu.VMEM((_CHB, _HP), jnp.float32),
            pltpu.VMEM((_CHB, _XW // 2), jnp.int32),
            pltpu.VMEM((_CHB, _XW // 2), jnp.int32),
            pltpu.VMEM((_CHB, 32), jnp.float32),
            pltpu.VMEM((_CHB, 32), jnp.float32),
            pltpu.VMEM((64, 32), jnp.float32),
            pltpu.VMEM_SHARED((_N_PAD, 32), jnp.float32),
            pltpu.SemaphoreType.DMA((8,)),
        ],
        compiler_params=pltpu.CompilerParams(use_tc_tiling_on_sc=False),
        name="gat_edge_pass_b",
    )(srcm, dstm, ex_pad, inv_den, xp)


def _inv_body(den_ref, inv_ref):
    inv_ref[...] = 1.0 / (den_ref[0] + den_ref[1] + 1e-16)


def _final_body(parts_ref, bias_ref, out_ref):
    s = (parts_ref[0] + parts_ref[1]) * (1.0 / _H)
    out_ref[...] = jnp.tanh(s + bias_ref[...])


def kernel(sensor_x, sensor_edge_index, W, att_src, att_dst, bias):
    H, C = _H, _C
    eye = jnp.eye(H, _HP, dtype=jnp.float32)
    S = (att_src.reshape(H, C, 1) * eye[:, None, :]).reshape(H * C, _HP)
    D = (att_dst.reshape(H, C, 1) * eye[:, None, :]).reshape(H * C, _HP)

    x_pad = jnp.zeros((_N_PAD, _F), jnp.float32).at[:_N].set(sensor_x)
    xp, a_s, a_d, amax = _projection(x_pad, W, S, D)

    loop = jnp.arange(_N, dtype=jnp.int32)
    trash = 10000 + (jnp.arange(_E_PAD - _E - _N, dtype=jnp.int32) % 240)
    src_pad = jnp.concatenate(
        [sensor_edge_index[0].astype(jnp.int32), loop, trash])
    dst_pad = jnp.concatenate(
        [sensor_edge_index[1].astype(jnp.int32), loop, trash])

    srcm_a = src_pad.reshape(_E_PAD // _CHA, _CHA)
    dstm_a = dst_pad.reshape(_E_PAD // _CHA, _CHA)
    srcm_b = src_pad.reshape(_E_PAD // _CHB, _CHB)
    dstm_b = dst_pad.reshape(_E_PAD // _CHB, _CHB)

    ex_pad, den_parts = _pass_a(srcm_a, dstm_a, a_s, a_d,
                                amax.reshape(_HP))

    inv_den = pl.pallas_call(
        _inv_body,
        out_shape=jax.ShapeDtypeStruct((_N_PAD, _HP), jnp.float32),
    )(den_parts)

    out_parts = _pass_b(srcm_b, dstm_b, ex_pad, inv_den, xp)

    bias_pad = jnp.concatenate([bias, jnp.zeros((32 - _C,), jnp.float32)])
    out = pl.pallas_call(
        _final_body,
        out_shape=jax.ShapeDtypeStruct((_N_PAD, 32), jnp.float32),
    )(out_parts, bias_pad.reshape(1, 32))
    return out[:_N, :_C]

# --- scband reference (transcript-rebuilt; emitter-appended) ---
"""Pipeline reference for scband-g-gat-84516366451130 (READ-ONLY COPY).

The authoritative reference and input builder live on the scoring server;
editing this copy changes nothing except your own understanding.
"""

import jax, jax.numpy as jnp
import numpy as np

N_NODES = 10000
N_EDGES = 160000
F_IN = 128
HEADS = 33
C_OUT = 16


def setup_inputs(seed: int = 0) -> dict:
    key = jax.random.key(seed)
    k1, k2, k3, k4, k5 = jax.random.split(key, 5)
    sensor_x = jax.random.normal(k1, (N_NODES, F_IN), dtype=jnp.float32)
    sensor_edge_index = jax.random.randint(k2, (2, N_EDGES), 0, N_NODES, dtype=jnp.int32)
    W = (jax.random.normal(k3, (F_IN, HEADS * C_OUT), dtype=jnp.float32) / np.sqrt(F_IN)).astype(jnp.float32)
    att_src = jax.random.normal(k4, (1, HEADS, C_OUT), dtype=jnp.float32) * 0.1
    att_dst = jax.random.normal(k5, (1, HEADS, C_OUT), dtype=jnp.float32) * 0.1
    bias = jnp.zeros((C_OUT,), dtype=jnp.float32)
    return {"sensor_x": sensor_x, "sensor_edge_index": sensor_edge_index, "W": W, "att_src": att_src, "att_dst": att_dst, "bias": bias}


def _gat_forward(x, edge_index, W, att_src, att_dst, bias):
    N = x.shape[0]
    H = HEADS
    C = W.shape[1] // H
    # PyG GATConv adds self loops by default
    loop = jnp.arange(N, dtype=edge_index.dtype)
    ei = jnp.concatenate([edge_index, jnp.stack([loop, loop], axis=0)], axis=1)
    src, dst = ei[0], ei[1]
    # linear projection per head
    xp = (x @ W).reshape(N, H, C)
    # attention logits: a_src . (W x_j) + a_dst . (W x_i)
    a_s = jnp.sum(xp * att_src, axis=-1)  # [N, H]
    a_d = jnp.sum(xp * att_dst, axis=-1)  # [N, H]
    e = a_s[src] + a_d[dst]               # [E, H]
    e = jax.nn.leaky_relu(e, negative_slope=0.2)
    # softmax over incoming edges per destination node (numerically stable)
    m = jax.ops.segment_max(e, dst, num_segments=N)
    m = jax.lax.stop_gradient(m)
    ex = jnp.exp(e - m[dst])
    denom = jax.ops.segment_sum(ex, dst, num_segments=N)
    alpha = ex / (denom[dst] + 1e-16)
    # dropout p=0.2 is inference-disabled (eval mode)
    msg = xp[src] * alpha[:, :, None]      # [E, H, C]
    out = jax.ops.segment_sum(msg, dst, num_segments=N)  # [N, H, C]
    out = out.mean(axis=1) + bias          # concat=False -> head average, bias [C]
    return jnp.tanh(out)


def reference(sensor_x, sensor_edge_index, W, att_src, att_dst, bias):
    return _gat_forward(sensor_x, sensor_edge_index, W, att_src, att_dst, bias)

if __name__ == "__main__":
    import jax
    _d = setup_inputs()
    print(jax.jit(kernel)(*tuple(_d.values())))

</pallas_src>

<mosaic_0001>
#map = affine_map<(d0, d1) -> (0, 0)>
#map1 = affine_map<(d0, d1) -> (0, 0, 0)>
module attributes {stable_mosaic.version = 14 : i64} {
  func.func @gat_edge_pass_b(%arg0: i32, %arg1: i32, %arg2: memref<2688x64xi32, #tpu.memory_space<hbm>>, %arg3: memref<2688x64xi32, #tpu.memory_space<hbm>>, %arg4: memref<172032x48xf32, #tpu.memory_space<hbm>>, %arg5: memref<10240x48xf32, #tpu.memory_space<hbm>>, %arg6: memref<10240x272xi32, #tpu.memory_space<hbm>>, %arg7: memref<2x10240x32xf32, #tpu.memory_space<hbm>>, %arg8: memref<84x64xi32, #tpu.memory_space<vmem>>, %arg9: memref<84x64xi32, #tpu.memory_space<vmem>>, %arg10: memref<64x48xf32, #tpu.memory_space<vmem>>, %arg11: memref<64x48xf32, #tpu.memory_space<vmem>>, %arg12: memref<64x48xf32, #tpu.memory_space<vmem>>, %arg13: memref<64x48xf32, #tpu.memory_space<vmem>>, %arg14: memref<64x272xi32, #tpu.memory_space<vmem>>, %arg15: memref<64x272xi32, #tpu.memory_space<vmem>>, %arg16: memref<64x32xf32, #tpu.memory_space<vmem>>, %arg17: memref<64x32xf32, #tpu.memory_space<vmem>>, %arg18: memref<64x32xf32, #tpu.memory_space<vmem>>, %arg19: memref<10240x32xf32, #tpu.memory_space<vmem_shared>>, %arg20: memref<8x!tpu.dma_semaphore, #tpu.memory_space<semaphore_mem>>) attributes {dimension_semantics = [#tpu.dimension_semantics<core_parallel>, #tpu.dimension_semantics<subcore_parallel>], iteration_bounds = array<i64: 2, 16>, scalar_prefetch = 0 : i64, scratch_operands = 13 : i64, tpu.core_type = #tpu.core_type<sc_vector_subcore>, window_params = [{transform_indices = #map}, {transform_indices = #map}, {transform_indices = #map}, {transform_indices = #map}, {transform_indices = #map}, {transform_indices = #map1}]} {
    %mul3A = arith.constant 16 : i32
    %mul3A_0 = arith.muli %arg0, %mul3A : i32
    %add3A = arith.addi %mul3A_0, %arg1 : i32
    %scan3A = arith.constant 0 : i32
    %scan3A_1 = arith.constant 0 : i32
    %scan3A_2 = arith.constant 64 : i32
    %scan3A_3 = arith.addi %scan3A_1, %scan3A_2 : i32
    %scan3A_4 = arith.constant 1 : i32
    %scan3A_5 = scf.for %scan3A_77 = %scan3A_1 to %scan3A_3 step %scan3A_4 iter_args(%scan3A_78 = %scan3A) -> (i32)  : i32 {
      %broadcast_in_dim3A = arith.constant 0.000000e+00 : f32
      %broadcast_in_dim3A_79 = vector.broadcast %broadcast_in_dim3A : f32 to vector<16xf32>
      %swap3A = arith.index_cast %scan3A_77 : i32 to index
      %swap3A_80 = arith.constant 0 : index
      %swap3A_81 = tpu.vector_load %arg18[%swap3A, %swap3A_80] {strides = array<i32>} : memref<64x32xf32, #tpu.memory_space<vmem>>, vector<1x16xf32>,
      %swap3A_82 = vector.shape_cast %swap3A_81 : vector<1x16xf32> to vector<16xf32>
      %swap3A_83 = vector.shape_cast %broadcast_in_dim3A_79 : vector<16xf32> to vector<1x16xf32>
      tpu.vector_store %arg18[%swap3A, %swap3A_80], %swap3A_83 {strides = array<i32>} : memref<64x32xf32, #tpu.memory_space<vmem>>, vector<1x16xf32>,
      %broadcast_in_dim3A_84 = arith.constant 0.000000e+00 : f32
      %broadcast_in_dim3A_85 = vector.broadcast %broadcast_in_dim3A_84 : f32 to vector<16xf32>
      %swap3A_86 = arith.index_cast %scan3A_77 : i32 to index
      %swap3A_87 = arith.constant 16 : index
      %swap3A_88 = tpu.vector_load %arg18[%swap3A_86, %swap3A_87] {strides = array<i32>} : memref<64x32xf32, #tpu.memory_space<vmem>>, vector<1x16xf32>,
      %swap3A_89 = vector.shape_cast %swap3A_88 : vector<1x16xf32> to vector<16xf32>
      %swap3A_90 = vector.shape_cast %broadcast_in_dim3A_85 : vector<16xf32> to vector<1x16xf32>
      tpu.vector_store %arg18[%swap3A_86, %swap3A_87], %swap3A_90 {strides = array<i32>} : memref<64x32xf32, #tpu.memory_space<vmem>>, vector<1x16xf32>,
      %broadcast_in_dim3A_91 = arith.constant 0.000000e+00 : f32
      %broadcast_in_dim3A_92 = vector.broadcast %broadcast_in_dim3A_91 : f32 to vector<16xf32>
      %swap3A_93 = arith.index_cast %scan3A_77 : i32 to index
      %swap3A_94 = arith.constant 16 : index
      %swap3A_95 = tpu.vector_load %arg16[%swap3A_93, %swap3A_94] {strides = array<i32>} : memref<64x32xf32, #tpu.memory_space<vmem>>, vector<1x16xf32>,
      %swap3A_96 = vector.shape_cast %swap3A_95 : vector<1x16xf32> to vector<16xf32>
      %swap3A_97 = vector.shape_cast %broadcast_in_dim3A_92 : vector<16xf32> to vector<1x16xf32>
      tpu.vector_store %arg16[%swap3A_93, %swap3A_94], %swap3A_97 {strides = array<i32>} : memref<64x32xf32, #tpu.memory_space<vmem>>, vector<1x16xf32>,
      %broadcast_in_dim3A_98 = arith.constant 0.000000e+00 : f32
      %broadcast_in_dim3A_99 = vector.broadcast %broadcast_in_dim3A_98 : f32 to vector<16xf32>
      %swap3A_100 = arith.index_cast %scan3A_77 : i32 to index
      %swap3A_101 = arith.constant 16 : index
      %swap3A_102 = tpu.vector_load %arg17[%swap3A_100, %swap3A_101] {strides = array<i32>} : memref<64x32xf32, #tpu.memory_space<vmem>>, vector<1x16xf32>,
      %swap3A_103 = vector.shape_cast %swap3A_102 : vector<1x16xf32> to vector<16xf32>
      %swap3A_104 = vector.shape_cast %broadcast_in_dim3A_99 : vector<16xf32> to vector<1x16xf32>
      tpu.vector_store %arg17[%swap3A_100, %swap3A_101], %swap3A_104 {strides = array<i32>} : memref<64x32xf32, #tpu.memory_space<vmem>>, vector<1x16xf32>,
      %scan3A_105 = arith.constant 0 : i32
      scf.yield %scan3A_105 : i32
    }
    %scan3A_6 = arith.constant 64 : i32
    %scan3A_7 = arith.constant 0 : i32
    %scan3A_8 = arith.constant 0 : i32
    %scan3A_9 = arith.constant 10 : i32
    %scan3A_10 = arith.addi %scan3A_8, %scan3A_9 : i32
    %scan3A_11 = arith.constant 1 : i32
    %scan3A_12 = scf.for %scan3A_77 = %scan3A_8 to %scan3A_10 step %scan3A_11 iter_args(%scan3A_78 = %scan3A_7) -> (i32)  : i32 {
      %mul3A_79 = arith.constant 640 : i32
      %mul3A_80 = arith.muli %arg1, %mul3A_79 : i32
      %mul3A_81 = arith.constant 64 : i32
      %mul3A_82 = arith.muli %scan3A_77, %mul3A_81 : i32
      %add3A_83 = arith.addi %mul3A_80, %mul3A_82 : i32
      "tpu.region"() ({
        %run_scoped3A = tpu.sem_alloc : memref<!tpu.dma_semaphore, #tpu.memory_space<semaphore_mem>>
        %dma_start3A_85 = arith.constant 0 : i32
        %dma_start3A_86 = tpu.memref_slice %arg19[%add3A_83, %dma_start3A_85] : memref<10240x32xf32, #tpu.memory_space<vmem_shared>> -> memref<64x32xf32, #tpu.memory_space<vmem_shared>>
        %dma_start3A_87 = arith.constant 0 : i32
        %dma_start3A_88 = tpu.memref_slice %arg19[%add3A_83, %dma_start3A_87] : memref<10240x32xf32, #tpu.memory_space<vmem_shared>> -> memref<64x32xf32, #tpu.memory_space<vmem_shared>>
        tpu.enqueue_dma source(%arg18 : memref<64x32xf32, #tpu.memory_space<vmem>>) target(%dma_start3A_88 : memref<64x32xf32, #tpu.memory_space<vmem_shared>>) target_semaphore(%run_scoped3A : memref<!tpu.dma_semaphore, #tpu.memory_space<semaphore_mem>>)
        %dma_wait3A_89 = arith.constant 0 : i32
        %dma_wait3A_90 = tpu.memref_slice %arg19[%add3A_83, %dma_wait3A_89] : memref<10240x32xf32, #tpu.memory_space<vmem_shared>> -> memref<64x32xf32, #tpu.memory_space<vmem_shared>>
        %dma_wait3A_91 = arith.constant 0 : i32
        %dma_wait3A_92 = tpu.memref_slice %arg19[%add3A_83, %dma_wait3A_91] : memref<10240x32xf32, #tpu.memory_space<vmem_shared>> -> memref<64x32xf32, #tpu.memory_space<vmem_shared>>
        tpu.wait_dma2 semaphore(%run_scoped3A : memref<!tpu.dma_semaphore, #tpu.memory_space<semaphore_mem>>) src(%arg18 : memref<64x32xf32, #tpu.memory_space<vmem>>) dst(%dma_wait3A_92 : memref<64x32xf32, #tpu.memory_space<vmem_shared>>)
        tpu.yield
      }) : () -> ()
      %scan3A_84 = arith.constant 0 : i32
      scf.yield %scan3A_84 : i32
    }
    %scan3A_13 = arith.constant 10 : i32
    %mul3A_14 = arith.constant 84 : i32
    %mul3A_15 = arith.muli %add3A, %mul3A_14 : i32
    "tpu.region"() ({
      %run_scoped3A = tpu.sem_alloc : memref<!tpu.dma_semaphore, #tpu.memory_space<semaphore_mem>>
      %dma_start3A_77 = arith.constant 0 : i32
      %dma_start3A_78 = tpu.memref_slice %arg2[%mul3A_15, %dma_start3A_77] : memref<2688x64xi32, #tpu.memory_space<hbm>> -> memref<84x64xi32, #tpu.memory_space<hbm>>
      %dma_start3A_79 = arith.constant 0 : i32
      %dma_start3A_80 = tpu.memref_slice %arg2[%mul3A_15, %dma_start3A_79] : memref<2688x64xi32, #tpu.memory_space<hbm>> -> memref<84x64xi32, #tpu.memory_space<hbm>>
      tpu.enqueue_dma source(%dma_start3A_80 : memref<84x64xi32, #tpu.memory_space<hbm>>) target(%arg8 : memref<84x64xi32, #tpu.memory_space<vmem>>) target_semaphore(%run_scoped3A : memref<!tpu.dma_semaphore, #tpu.memory_space<semaphore_mem>>)
      %dma_wait3A_81 = arith.constant 0 : i32
      %dma_wait3A_82 = tpu.memref_slice %arg2[%mul3A_15, %dma_wait3A_81] : memref<2688x64xi32, #tpu.memory_space<hbm>> -> memref<84x64xi32, #tpu.memory_space<hbm>>
      %dma_wait3A_83 = arith.constant 0 : i32
      %dma_wait3A_84 = tpu.memref_slice %arg2[%mul3A_15, %dma_wait3A_83] : memref<2688x64xi32, #tpu.memory_space<hbm>> -> memref<84x64xi32, #tpu.memory_space<hbm>>
      tpu.wait_dma2 semaphore(%run_scoped3A : memref<!tpu.dma_semaphore, #tpu.memory_space<semaphore_mem>>) src(%dma_wait3A_84 : memref<84x64xi32, #tpu.memory_space<hbm>>) dst(%arg8 : memref<84x64xi32, #tpu.memory_space<vmem>>)
      tpu.yield
    }) : () -> ()
    %mul3A_16 = arith.constant 84 : i32
    %mul3A_17 = arith.muli %add3A, %mul3A_16 : i32
    "tpu.region"() ({
      %run_scoped3A = tpu.sem_alloc : memref<!tpu.dma_semaphore, #tpu.memory_space<semaphore_mem>>
      %dma_start3A_77 = arith.constant 0 : i32
      %dma_start3A_78 = tpu.memref_slice %arg3[%mul3A_17, %dma_start3A_77] : memref<2688x64xi32, #tpu.memory_space<hbm>> -> memref<84x64xi32, #tpu.memory_space<hbm>>
      %dma_start3A_79 = arith.constant 0 : i32
      %dma_start3A_80 = tpu.memref_slice %arg3[%mul3A_17, %dma_start3A_79] : memref<2688x64xi32, #tpu.memory_space<hbm>> -> memref<84x64xi32, #tpu.memory_space<hbm>>
      tpu.enqueue_dma source(%dma_start3A_80 : memref<84x64xi32, #tpu.memory_space<hbm>>) target(%arg9 : memref<84x64xi32, #tpu.memory_space<vmem>>) target_semaphore(%run_scoped3A : memref<!tpu.dma_semaphore, #tpu.memory_space<semaphore_mem>>)
      %dma_wait3A_81 = arith.constant 0 : i32
      %dma_wait3A_82 = tpu.memref_slice %arg3[%mul3A_17, %dma_wait3A_81] : memref<2688x64xi32, #tpu.memory_space<hbm>> -> memref<84x64xi32, #tpu.memory_space<hbm>>
      %dma_wait3A_83 = arith.constant 0 : i32
      %dma_wait3A_84 = tpu.memref_slice %arg3[%mul3A_17, %dma_wait3A_83] : memref<2688x64xi32, #tpu.memory_space<hbm>> -> memref<84x64xi32, #tpu.memory_space<hbm>>
      tpu.wait_dma2 semaphore(%run_scoped3A : memref<!tpu.dma_semaphore, #tpu.memory_space<semaphore_mem>>) src(%dma_wait3A_84 : memref<84x64xi32, #tpu.memory_space<hbm>>) dst(%arg9 : memref<84x64xi32, #tpu.memory_space<vmem>>)
      tpu.yield
    }) : () -> ()
    %barrier3A = arith.constant 0 : index
    tpu.barrier barrier_id(%barrier3A)
    %mul3A_18 = arith.constant 5376 : i32
    %mul3A_19 = arith.muli %add3A, %mul3A_18 : i32
    %add3A_20 = arith.constant 0 : i32
    %add3A_21 = arith.addi %mul3A_19, %add3A_20 : i32
    %dma_start3A = arith.constant 0 : i32
    %dma_start3A_22 = arith.constant 0 : i32
    %dma_start3A_23 = tpu.memref_slice %arg4[%add3A_21, %dma_start3A_22] : memref<172032x48xf32, #tpu.memory_space<hbm>> -> memref<64x48xf32, #tpu.memory_space<hbm>>
    %dma_start3A_24 = tpu.memref_slice %arg20[%dma_start3A] : memref<8x!tpu.dma_semaphore, #tpu.memory_space<semaphore_mem>> -> memref<1x!tpu.dma_semaphore, #tpu.memory_space<semaphore_mem>>
    %dma_start3A_25 = tpu.memref_squeeze %dma_start3A_24 : memref<1x!tpu.dma_semaphore, #tpu.memory_space<semaphore_mem>> -> memref<!tpu.dma_semaphore, #tpu.memory_space<semaphore_mem>>
    %dma_start3A_26 = arith.constant 0 : i32
    %dma_start3A_27 = tpu.memref_slice %arg4[%add3A_21, %dma_start3A_26] : memref<172032x48xf32, #tpu.memory_space<hbm>> -> memref<64x48xf32, #tpu.memory_space<hbm>>
    tpu.enqueue_dma source(%dma_start3A_27 : memref<64x48xf32, #tpu.memory_space<hbm>>) target(%arg10 : memref<64x48xf32, #tpu.memory_space<vmem>>) target_semaphore(%dma_start3A_25 : memref<!tpu.dma_semaphore, #tpu.memory_space<semaphore_mem>>)
    %dma_start3A_28 = arith.constant 0 : i32
    %dma_start3A_29 = arith.constant 2 : i32
    %dma_start3A_30 = arith.constant 0 : i32
    %dma_start3A_31 = tpu.memref_slice %arg9[%dma_start3A_28, %dma_start3A_30] : memref<84x64xi32, #tpu.memory_space<vmem>> -> memref<1x64xi32, #tpu.memory_space<vmem>>
    %dma_start3A_32 = tpu.memref_squeeze %dma_start3A_31 : memref<1x64xi32, #tpu.memory_space<vmem>> -> memref<64xi32, #tpu.memory_space<vmem>>
    %dma_start3A_33 = arith.constant 0 : i32
    %dma_start3A_34 = arith.constant 0 : i32
    %dma_start3A_35 = tpu.memref_slice %arg5[%dma_start3A_33, %dma_start3A_34] : memref<10240x48xf32, #tpu.memory_space<hbm>> -> memref<10240x48xf32, #tpu.memory_space<hbm>>
    %dma_start3A_36 = tpu.memref_slice %arg20[%dma_start3A_29] : memref<8x!tpu.dma_semaphore, #tpu.memory_space<semaphore_mem>> -> memref<1x!tpu.dma_semaphore, #tpu.memory_space<semaphore_mem>>
    %dma_start3A_37 = tpu.memref_squeeze %dma_start3A_36 : memref<1x!tpu.dma_semaphore, #tpu.memory_space<semaphore_mem>> -> memref<!tpu.dma_semaphore, #tpu.memory_space<semaphore_mem>>
    tpu.enqueue_indirect_dma source(%dma_start3A_35 : memref<10240x48xf32, #tpu.memory_space<hbm>>) target(%arg12 : memref<64x48xf32, #tpu.memory_space<vmem>>) offsets(%dma_start3A_32 : memref<64xi32, #tpu.memory_space<vmem>>) semaphore(%dma_start3A_37 : memref<!tpu.dma_semaphore, #tpu.memory_space<semaphore_mem>>)
    %dma_start3A_38 = arith.constant 0 : i32
    %dma_start3A_39 = arith.constant 4 : i32
    %dma_start3A_40 = arith.constant 0 : i32
    %dma_start3A_41 = tpu.memref_slice %arg8[%dma_start3A_38, %dma_start3A_40] : memref<84x64xi32, #tpu.memory_space<vmem>> -> memref<1x64xi32, #tpu.memory_space<vmem>>
    %dma_start3A_42 = tpu.memref_squeeze %dma_start3A_41 : memref<1x64xi32, #tpu.memory_space<vmem>> -> memref<64xi32, #tpu.memory_space<vmem>>
    %dma_start3A_43 = arith.constant 0 : i32
    %dma_start3A_44 = arith.constant 0 : i32
    %dma_start3A_45 = tpu.memref_slice %arg6[%dma_start3A_43, %dma_start3A_44] : memref<10240x272xi32, #tpu.memory_space<hbm>> -> memref<10240x272xi32, #tpu.memory_space<hbm>>
    %dma_start3A_46 = tpu.memref_slice %arg20[%dma_start3A_39] : memref<8x!tpu.dma_semaphore, #tpu.memory_space<semaphore_mem>> -> memref<1x!tpu.dma_semaphore, #tpu.memory_space<semaphore_mem>>
    %dma_start3A_47 = tpu.memref_squeeze %dma_start3A_46 : memref<1x!tpu.dma_semaphore, #tpu.memory_space<semaphore_mem>> -> memref<!tpu.dma_semaphore, #tpu.memory_space<semaphore_mem>>
    tpu.enqueue_indirect_dma source(%dma_start3A_45 : memref<10240x272xi32, #tpu.memory_space<hbm>>) target(%arg14 : memref<64x272xi32, #tpu.memory_space<vmem>>) offsets(%dma_start3A_42 : memref<64xi32, #tpu.memory_space<vmem>>) semaphore(%dma_start3A_47 : memref<!tpu.dma_semaphore, #tpu.memory_space<semaphore_mem>>)
    %scan3A_48 = arith.constant 0 : i32
    %scan3A_49 = arith.constant 42 : i32
    %scan3A_50 = arith.addi %scan3A_48, %scan3A_49 : i32
    %scan3A_51 = arith.constant 1 : i32
    scf.for %scan3A_77 = %scan3A_48 to %scan3A_50 step %scan3A_51  : i32 {
      %mul3A_78 = arith.constant 2 : i32
      %mul3A_79 = arith.muli %scan3A_77, %mul3A_78 : i32
      %add3A_80 = arith.constant 0 : i32
      %add3A_81 = arith.addi %add3A_80, %mul3A_79 : i32
      %add3A_82 = arith.constant 0 : i32
      %add3A_83 = arith.addi %add3A_81, %add3A_82 : i32
      %add3A_84 = arith.constant 1 : i32
      %add3A_85 = arith.addi %add3A_83, %add3A_84 : i32
      %lt3A = arith.constant 84 : i32
      %lt3A_86 = arith.cmpi slt, %add3A_85, %lt3A : i32
      %convert_element_type3A = arith.extui %lt3A_86 : i1 to i32
      %cond3A = arith.constant 0 : i32
      %cond3A_87 = arith.cmpi ne, %convert_element_type3A, %cond3A : i32
      scf.if %cond3A_87 {
        %add3A_189 = arith.constant 1 : i32
        %add3A_190 = arith.addi %add3A_83, %add3A_189 : i32
        %mul3A_191 = arith.constant 5376 : i32
        %mul3A_192 = arith.muli %add3A, %mul3A_191 : i32
        %mul3A_193 = arith.constant 64 : i32
        %mul3A_194 = arith.muli %add3A_190, %mul3A_193 : i32
        %add3A_195 = arith.addi %mul3A_192, %mul3A_194 : i32
        %dma_start3A_196 = arith.constant 1 : i32
        %dma_start3A_197 = arith.constant 0 : i32
        %dma_start3A_198 = tpu.memref_slice %arg4[%add3A_195, %dma_start3A_197] : memref<172032x48xf32, #tpu.memory_space<hbm>> -> memref<64x48xf32, #tpu.memory_space<hbm>>
        %dma_start3A_199 = tpu.memref_slice %arg20[%dma_start3A_196] : memref<8x!tpu.dma_semaphore, #tpu.memory_space<semaphore_mem>> -> memref<1x!tpu.dma_semaphore, #tpu.memory_space<semaphore_mem>>
        %dma_start3A_200 = tpu.memref_squeeze %dma_start3A_199 : memref<1x!tpu.dma_semaphore, #tpu.memory_space<semaphore_mem>> -> memref<!tpu.dma_semaphore, #tpu.memory_space<semaphore_mem>>
        %dma_start3A_201 = arith.constant 0 : i32
        %dma_start3A_202 = tpu.memref_slice %arg4[%add3A_195, %dma_start3A_201] : memref<172032x48xf32, #tpu.memory_space<hbm>> -> memref<64x48xf32, #tpu.memory_space<hbm>>
        tpu.enqueue_dma source(%dma_start3A_202 : memref<64x48xf32, #tpu.memory_space<hbm>>) target(%arg11 : memref<64x48xf32, #tpu.memory_space<vmem>>) target_semaphore(%dma_start3A_200 : memref<!tpu.dma_semaphore, #tpu.memory_space<semaphore_mem>>)
        %dma_start3A_203 = arith.constant 3 : i32
        %dma_start3A_204 = arith.constant 0 : i32
        %dma_start3A_205 = tpu.memref_slice %arg9[%add3A_190, %dma_start3A_204] : memref<84x64xi32, #tpu.memory_space<vmem>> -> memref<1x64xi32, #tpu.memory_space<vmem>>
        %dma_start3A_206 = tpu.memref_squeeze %dma_start3A_205 : memref<1x64xi32, #tpu.memory_space<vmem>> -> memref<64xi32, #tpu.memory_space<vmem>>
        %dma_start3A_207 = arith.constant 0 : i32
        %dma_start3A_208 = arith.constant 0 : i32
        %dma_start3A_209 = tpu.memref_slice %arg5[%dma_start3A_207, %dma_start3A_208] : memref<10240x48xf32, #tpu.memory_space<hbm>> -> memref<10240x48xf32, #tpu.memory_space<hbm>>
        %dma_start3A_210 = tpu.memref_slice %arg20[%dma_start3A_203] : memref<8x!tpu.dma_semaphore, #tpu.memory_space<semaphore_mem>> -> memref<1x!tpu.dma_semaphore, #tpu.memory_space<semaphore_mem>>
        %dma_start3A_211 = tpu.memref_squeeze %dma_start3A_210 : memref<1x!tpu.dma_semaphore, #tpu.memory_space<semaphore_mem>> -> memref<!tpu.dma_semaphore, #tpu.memory_space<semaphore_mem>>
        tpu.enqueue_indirect_dma source(%dma_start3A_209 : memref<10240x48xf32, #tpu.memory_space<hbm>>) target(%arg13 : memref<64x48xf32, #tpu.memory_space<vmem>>) offsets(%dma_start3A_206 : memref<64xi32, #tpu.memory_space<vmem>>) semaphore(%dma_start3A_211 : memref<!tpu.dma_semaphore, #tpu.memory_space<semaphore_mem>>)
        %dma_start3A_212 = arith.constant 5 : i32
        %dma_start3A_213 = arith.constant 0 : i32
        %dma_start3A_214 = tpu.memref_slice %arg8[%add3A_190, %dma_start3A_213] : memref<84x64xi32, #tpu.memory_space<vmem>> -> memref<1x64xi32, #tpu.memory_space<vmem>>
        %dma_start3A_215 = tpu.memref_squeeze %dma_start3A_214 : memref<1x64xi32, #tpu.memory_space<vmem>> -> memref<64xi32, #tpu.memory_space<vmem>>
        %dma_start3A_216 = arith.constant 0 : i32
        %dma_start3A_217 = arith.constant 0 : i32
        %dma_start3A_218 = tpu.memref_slice %arg6[%dma_start3A_216, %dma_start3A_217] : memref<10240x272xi32, #tpu.memory_space<hbm>> -> memref<10240x272xi32, #tpu.memory_space<hbm>>
        %dma_start3A_219 = tpu.memref_slice %arg20[%dma_start3A_212] : memref<8x!tpu.dma_semaphore, #tpu.memory_space<semaphore_mem>> -> memref<1x!tpu.dma_semaphore, #tpu.memory_space<semaphore_mem>>
        %dma_start3A_220 = tpu.memref_squeeze %dma_start3A_219 : memref<1x!tpu.dma_semaphore, #tpu.memory_space<semaphore_mem>> -> memref<!tpu.dma_semaphore, #tpu.memory_space<semaphore_mem>>
        tpu.enqueue_indirect_dma source(%dma_start3A_218 : memref<10240x272xi32, #tpu.memory_space<hbm>>) target(%arg15 : memref<64x272xi32, #tpu.memory_space<vmem>>) offsets(%dma_start3A_215 : memref<64xi32, #tpu.memory_space<vmem>>) semaphore(%dma_start3A_220 : memref<!tpu.dma_semaphore, #tpu.memory_space<semaphore_mem>>)
      } else {
      }
      %mul3A_88 = arith.constant 5376 : i32
      %mul3A_89 = arith.muli %add3A, %mul3A_88 : i32
      %mul3A_90 = arith.constant 64 : i32
      %mul3A_91 = arith.muli %add3A_83, %mul3A_90 : i32
      %add3A_92 = arith.addi %mul3A_89, %mul3A_91 : i32
      %dma_wait3A_93 = arith.constant 0 : i32
      %dma_wait3A_94 = arith.constant 0 : i32
      %dma_wait3A_95 = tpu.memref_slice %arg4[%add3A_92, %dma_wait3A_94] : memref<172032x48xf32, #tpu.memory_space<hbm>> -> memref<64x48xf32, #tpu.memory_space<hbm>>
      %dma_wait3A_96 = tpu.memref_slice %arg20[%dma_wait3A_93] : memref<8x!tpu.dma_semaphore, #tpu.memory_space<semaphore_mem>> -> memref<1x!tpu.dma_semaphore, #tpu.memory_space<semaphore_mem>>
      %dma_wait3A_97 = tpu.memref_squeeze %dma_wait3A_96 : memref<1x!tpu.dma_semaphore, #tpu.memory_space<semaphore_mem>> -> memref<!tpu.dma_semaphore, #tpu.memory_space<semaphore_mem>>
      %dma_wait3A_98 = arith.constant 0 : i32
      %dma_wait3A_99 = tpu.memref_slice %arg4[%add3A_92, %dma_wait3A_98] : memref<172032x48xf32, #tpu.memory_space<hbm>> -> memref<64x48xf32, #tpu.memory_space<hbm>>
      tpu.wait_dma2 semaphore(%dma_wait3A_97 : memref<!tpu.dma_semaphore, #tpu.memory_space<semaphore_mem>>) src(%dma_wait3A_99 : memref<64x48xf32, #tpu.memory_space<hbm>>) dst(%arg10 : memref<64x48xf32, #tpu.memory_space<vmem>>)
      %dma_wait3A_100 = arith.constant 2 : i32
      %dma_wait3A_101 = arith.constant 0 : i32
      %dma_wait3A_102 = tpu.memref_slice %arg9[%add3A_83, %dma_wait3A_101] : memref<84x64xi32, #tpu.memory_space<vmem>> -> memref<1x64xi32, #tpu.memory_space<vmem>>
      %dma_wait3A_103 = tpu.memref_squeeze %dma_wait3A_102 : memref<1x64xi32, #tpu.memory_space<vmem>> -> memref<64xi32, #tpu.memory_space<vmem>>
      %dma_wait3A_104 = arith.constant 0 : i32
      %dma_wait3A_105 = arith.constant 0 : i32
      %dma_wait3A_106 = tpu.memref_slice %arg5[%dma_wait3A_104, %dma_wait3A_105] : memref<10240x48xf32, #tpu.memory_space<hbm>> -> memref<10240x48xf32, #tpu.memory_space<hbm>>
      %dma_wait3A_107 = tpu.memref_slice %arg20[%dma_wait3A_100] : memref<8x!tpu.dma_semaphore, #tpu.memory_space<semaphore_mem>> -> memref<1x!tpu.dma_semaphore, #tpu.memory_space<semaphore_mem>>
      %dma_wait3A_108 = tpu.memref_squeeze %dma_wait3A_107 : memref<1x!tpu.dma_semaphore, #tpu.memory_space<semaphore_mem>> -> memref<!tpu.dma_semaphore, #tpu.memory_space<semaphore_mem>>
      tpu.wait_indirect_dma semaphore(%dma_wait3A_108 : memref<!tpu.dma_semaphore, #tpu.memory_space<semaphore_mem>>) src(%dma_wait3A_106 : memref<10240x48xf32, #tpu.memory_space<hbm>>) dst(%arg12 : memref<64x48xf32, #tpu.memory_space<vmem>>)
      %dma_wait3A_109 = arith.constant 4 : i32
      %dma_wait3A_110 = arith.constant 0 : i32
      %dma_wait3A_111 = tpu.memref_slice %arg8[%add3A_83, %dma_wait3A_110] : memref<84x64xi32, #tpu.memory_space<vmem>> -> memref<1x64xi32, #tpu.memory_space<vmem>>
      %dma_wait3A_112 = tpu.memref_squeeze %dma_wait3A_111 : memref<1x64xi32, #tpu.memory_space<vmem>> -> memref<64xi32, #tpu.memory_space<vmem>>
      %dma_wait3A_113 = arith.constant 0 : i32
      %dma_wait3A_114 = arith.constant 0 : i32
      %dma_wait3A_115 = tpu.memref_slice %arg6[%dma_wait3A_113, %dma_wait3A_114] : memref<10240x272xi32, #tpu.memory_space<hbm>> -> memref<10240x272xi32, #tpu.memory_space<hbm>>
      %dma_wait3A_116 = tpu.memref_slice %arg20[%dma_wait3A_109] : memref<8x!tpu.dma_semaphore, #tpu.memory_space<semaphore_mem>> -> memref<1x!tpu.dma_semaphore, #tpu.memory_space<semaphore_mem>>
      %dma_wait3A_117 = tpu.memref_squeeze %dma_wait3A_116 : memref<1x!tpu.dma_semaphore, #tpu.memory_space<semaphore_mem>> -> memref<!tpu.dma_semaphore, #tpu.memory_space<semaphore_mem>>
      tpu.wait_indirect_dma semaphore(%dma_wait3A_117 : memref<!tpu.dma_semaphore, #tpu.memory_space<semaphore_mem>>) src(%dma_wait3A_115 : memref<10240x272xi32, #tpu.memory_space<hbm>>) dst(%arg14 : memref<64x272xi32, #tpu.memory_space<vmem>>)
      %ge3A = arith.constant 2 : i32
      %ge3A_118 = arith.cmpi sge, %add3A_83, %ge3A : i32
      %convert_element_type3A_119 = arith.extui %ge3A_118 : i1 to i32
      %cond3A_120 = arith.constant 0 : i32
      %cond3A_121 = arith.cmpi ne, %convert_element_type3A_119, %cond3A_120 : i32
      scf.if %cond3A_121 {
        %sub3A = arith.constant 2 : i32
        %sub3A_189 = arith.subi %add3A_83, %sub3A : i32
        %dma_wait3A_190 = arith.constant 6 : i32
        %dma_wait3A_191 = arith.constant 0 : i32
        %dma_wait3A_192 = tpu.memref_slice %arg9[%sub3A_189, %dma_wait3A_191] : memref<84x64xi32, #tpu.memory_space<vmem>> -> memref<1x64xi32, #tpu.memory_space<vmem>>
        %dma_wait3A_193 = tpu.memref_squeeze %dma_wait3A_192 : memref<1x64xi32, #tpu.memory_space<vmem>> -> memref<64xi32, #tpu.memory_space<vmem>>
        %dma_wait3A_194 = arith.constant 0 : i32
        %dma_wait3A_195 = arith.constant 0 : i32
        %dma_wait3A_196 = tpu.memref_slice %arg19[%dma_wait3A_194, %dma_wait3A_195] : memref<10240x32xf32, #tpu.memory_space<vmem_shared>> -> memref<10240x32xf32, #tpu.memory_space<vmem_shared>>
        %dma_wait3A_197 = tpu.memref_slice %arg20[%dma_wait3A_190] : memref<8x!tpu.dma_semaphore, #tpu.memory_space<semaphore_mem>> -> memref<1x!tpu.dma_semaphore, #tpu.memory_space<semaphore_mem>>
        %dma_wait3A_198 = tpu.memref_squeeze %dma_wait3A_197 : memref<1x!tpu.dma_semaphore, #tpu.memory_space<semaphore_mem>> -> memref<!tpu.dma_semaphore, #tpu.memory_space<semaphore_mem>>
        tpu.wait_indirect_dma semaphore(%dma_wait3A_198 : memref<!tpu.dma_semaphore, #tpu.memory_space<semaphore_mem>>) src(%arg16 : memref<64x32xf32, #tpu.memory_space<vmem>>) dst(%dma_wait3A_196 : memref<10240x32xf32, #tpu.memory_space<vmem_shared>>)
      } else {
      }
      %parallel_loop3A = arith.constant 0 : i32
      %parallel_loop3A_122 = arith.constant 64 : i32
      %parallel_loop3A_123 = arith.constant 1 : i32
      scf.for %parallel_loop3A_189 = %parallel_loop3A to %parallel_loop3A_122 step %parallel_loop3A_123  : i32 {
        %parallel_loop3A_190 = arith.constant 0.000000e+00 : f32
        %parallel_loop3A_191 = vector.broadcast %parallel_loop3A_190 : f32 to vector<16xf32>
        %parallel_loop3A_192 = arith.constant 0.000000e+00 : f32
        %parallel_loop3A_193 = vector.broadcast %parallel_loop3A_192 : f32 to vector<16xf32>
        %parallel_loop3A_194 = arith.constant 0.000000e+00 : f32
        %parallel_loop3A_195 = vector.broadcast %parallel_loop3A_194 : f32 to vector<16xf32>
        %parallel_loop3A_196 = arith.constant 0.000000e+00 : f32
        %parallel_loop3A_197 = vector.broadcast %parallel_loop3A_196 : f32 to vector<16xf32>
        %parallel_loop3A_198 = arith.index_cast %parallel_loop3A_189 : i32 to index
        %parallel_loop3A_199 = arith.constant 0 : index
        %parallel_loop3A_200 = tpu.vector_load %arg10[%parallel_loop3A_198, %parallel_loop3A_199] {strides = array<i32>} : memref<64x48xf32, #tpu.memory_space<vmem>>, vector<1x16xf32>,
        %parallel_loop3A_201 = vector.shape_cast %parallel_loop3A_200 : vector<1x16xf32> to vector<16xf32>
        %parallel_loop3A_202 = arith.index_cast %parallel_loop3A_189 : i32 to index
        %parallel_loop3A_203 = arith.constant 0 : index
        %parallel_loop3A_204 = tpu.vector_load %arg12[%parallel_loop3A_202, %parallel_loop3A_203] {strides = array<i32>} : memref<64x48xf32, #tpu.memory_space<vmem>>, vector<1x16xf32>,
        %parallel_loop3A_205 = vector.shape_cast %parallel_loop3A_204 : vector<1x16xf32> to vector<16xf32>
        %parallel_loop3A_206 = arith.mulf %parallel_loop3A_201, %parallel_loop3A_205 : vector<16xf32>
        %parallel_loop3A_207 = arith.index_cast %parallel_loop3A_189 : i32 to index
        %parallel_loop3A_208 = arith.constant 0 : index
        %parallel_loop3A_209 = tpu.vector_load %arg14[%parallel_loop3A_207, %parallel_loop3A_208] {strides = array<i32>} : memref<64x272xi32, #tpu.memory_space<vmem>>, vector<1x16xi32>,
        %parallel_loop3A_210 = vector.shape_cast %parallel_loop3A_209 : vector<1x16xi32> to vector<16xi32>
        %parallel_loop3A_211 = arith.constant 16 : i32
        %parallel_loop3A_212 = vector.broadcast %parallel_loop3A_211 : i32 to vector<16xi32>
        %parallel_loop3A_213 = arith.shli %parallel_loop3A_210, %parallel_loop3A_212 : vector<16xi32>
        %parallel_loop3A_214 = tpu.bitcast %parallel_loop3A_213 : vector<16xi32> -> vector<16xf32>
        %parallel_loop3A_215 = arith.constant -65536 : i32
        %parallel_loop3A_216 = vector.broadcast %parallel_loop3A_215 : i32 to vector<16xi32>
        %parallel_loop3A_217 = arith.andi %parallel_loop3A_210, %parallel_loop3A_216 : vector<16xi32>
        %parallel_loop3A_218 = tpu.bitcast %parallel_loop3A_217 : vector<16xi32> -> vector<16xf32>
        %parallel_loop3A_219 = arith.constant 0 : i32
        %parallel_loop3A_220 = vector.broadcast %parallel_loop3A_219 : i32 to vector<16x1xi32>
        %parallel_loop3A_221 = arith.constant 1 : i32
        %parallel_loop3A_222 = vector.broadcast %parallel_loop3A_221 : i32 to vector<16x1xi32>
        %parallel_loop3A_223 = vector.shape_cast %parallel_loop3A_220 : vector<16x1xi32> to vector<16xi32>
        %parallel_loop3A_224 = tpu.dynamic_gather %parallel_loop3A_206[%parallel_loop3A_223] in [0] : vector<16xf32>, vector<16xi32> -> vector<16xf32>
        %parallel_loop3A_225 = vector.shape_cast %parallel_loop3A_222 : vector<16x1xi32> to vector<16xi32>
        %parallel_loop3A_226 = tpu.dynamic_gather %parallel_loop3A_206[%parallel_loop3A_225] in [0] : vector<16xf32>, vector<16xi32> -> vector<16xf32>
        %parallel_loop3A_227 = arith.mulf %parallel_loop3A_224, %parallel_loop3A_214 : vector<16xf32>
        %parallel_loop3A_228 = arith.addf %parallel_loop3A_191, %parallel_loop3A_227 : vector<16xf32>
        %parallel_loop3A_229 = arith.mulf %parallel_loop3A_226, %parallel_loop3A_218 : vector<16xf32>
        %parallel_loop3A_230 = arith.addf %parallel_loop3A_193, %parallel_loop3A_229 : vector<16xf32>
        %parallel_loop3A_231 = arith.index_cast %parallel_loop3A_189 : i32 to index
        %parallel_loop3A_232 = arith.constant 16 : index
        %parallel_loop3A_233 = tpu.vector_load %arg14[%parallel_loop3A_231, %parallel_loop3A_232] {strides = array<i32>} : memref<64x272xi32, #tpu.memory_space<vmem>>, vector<1x16xi32>,
        %parallel_loop3A_234 = vector.shape_cast %parallel_loop3A_233 : vector<1x16xi32> to vector<16xi32>
        %parallel_loop3A_235 = arith.constant 16 : i32
        %parallel_loop3A_236 = vector.broadcast %parallel_loop3A_235 : i32 to vector<16xi32>
        %parallel_loop3A_237 = arith.shli %parallel_loop3A_234, %parallel_loop3A_236 : vector<16xi32>
        %parallel_loop3A_238 = tpu.bitcast %parallel_loop3A_237 : vector<16xi32> -> vector<16xf32>
        %parallel_loop3A_239 = arith.constant -65536 : i32
        %parallel_loop3A_240 = vector.broadcast %parallel_loop3A_239 : i32 to vector<16xi32>
        %parallel_loop3A_241 = arith.andi %parallel_loop3A_234, %parallel_loop3A_240 : vector<16xi32>
        %parallel_loop3A_242 = tpu.bitcast %parallel_loop3A_241 : vector<16xi32> -> vector<16xf32>
        %parallel_loop3A_243 = arith.constant 2 : i32
        %parallel_loop3A_244 = vector.broadcast %parallel_loop3A_243 : i32 to vector<16x1xi32>
        %parallel_loop3A_245 = arith.constant 3 : i32
        %parallel_loop3A_246 = vector.broadcast %parallel_loop3A_245 : i32 to vector<16x1xi32>
        %parallel_loop3A_247 = vector.shape_cast %parallel_loop3A_244 : vector<16x1xi32> to vector<16xi32>
        %parallel_loop3A_248 = tpu.dynamic_gather %parallel_loop3A_206[%parallel_loop3A_247] in [0] : vector<16xf32>, vector<16xi32> -> vector<16xf32>
        %parallel_loop3A_249 = vector.shape_cast %parallel_loop3A_246 : vector<16x1xi32> to vector<16xi32>
        %parallel_loop3A_250 = tpu.dynamic_gather %parallel_loop3A_206[%parallel_loop3A_249] in [0] : vector<16xf32>, vector<16xi32> -> vector<16xf32>
        %parallel_loop3A_251 = arith.mulf %parallel_loop3A_248, %parallel_loop3A_238 : vector<16xf32>
        %parallel_loop3A_252 = arith.addf %parallel_loop3A_195, %parallel_loop3A_251 : vector<16xf32>
        %parallel_loop3A_253 = arith.mulf %parallel_loop3A_250, %parallel_loop3A_242 : vector<16xf32>
        %parallel_loop3A_254 = arith.addf %parallel_loop3A_197, %parallel_loop3A_253 : vector<16xf32>
        %parallel_loop3A_255 = arith.index_cast %parallel_loop3A_189 : i32 to index
        %parallel_loop3A_256 = arith.constant 32 : index
        %parallel_loop3A_257 = tpu.vector_load %arg14[%parallel_loop3A_255, %parallel_loop3A_256] {strides = array<i32>} : memref<64x272xi32, #tpu.memory_space<vmem>>, vector<1x16xi32>,
        %parallel_loop3A_258 = vector.shape_cast %parallel_loop3A_257 : vector<1x16xi32> to vector<16xi32>
        %parallel_loop3A_259 = arith.constant 16 : i32
        %parallel_loop3A_260 = vector.broadcast %parallel_loop3A_259 : i32 to vector<16xi32>
        %parallel_loop3A_261 = arith.shli %parallel_loop3A_258, %parallel_loop3A_260 : vector<16xi32>
        %parallel_loop3A_262 = tpu.bitcast %parallel_loop3A_261 : vector<16xi32> -> vector<16xf32>
        %parallel_loop3A_263 = arith.constant -65536 : i32
        %parallel_loop3A_264 = vector.broadcast %parallel_loop3A_263 : i32 to vector<16xi32>
        %parallel_loop3A_265 = arith.andi %parallel_loop3A_258, %parallel_loop3A_264 : vector<16xi32>
        %parallel_loop3A_266 = tpu.bitcast %parallel_loop3A_265 : vector<16xi32> -> vector<16xf32>
        %parallel_loop3A_267 = arith.constant 4 : i32
        %parallel_loop3A_268 = vector.broadcast %parallel_loop3A_267 : i32 to vector<16x1xi32>
        %parallel_loop3A_269 = arith.constant 5 : i32
        %parallel_loop3A_270 = vector.broadcast %parallel_loop3A_269 : i32 to vector<16x1xi32>
        %parallel_loop3A_271 = vector.shape_cast %parallel_loop3A_268 : vector<16x1xi32> to vector<16xi32>
        %parallel_loop3A_272 = tpu.dynamic_gather %parallel_loop3A_206[%parallel_loop3A_271] in [0] : vector<16xf32>, vector<16xi32> -> vector<16xf32>
        %parallel_loop3A_273 = vector.shape_cast %parallel_loop3A_270 : vector<16x1xi32> to vector<16xi32>
        %parallel_loop3A_274 = tpu.dynamic_gather %parallel_loop3A_206[%parallel_loop3A_273] in [0] : vector<16xf32>, vector<16xi32> -> vector<16xf32>
        %parallel_loop3A_275 = arith.mulf %parallel_loop3A_272, %parallel_loop3A_262 : vector<16xf32>
        %parallel_loop3A_276 = arith.addf %parallel_loop3A_228, %parallel_loop3A_275 : vector<16xf32>
        %parallel_loop3A_277 = arith.mulf %parallel_loop3A_274, %parallel_loop3A_266 : vector<16xf32>
        %parallel_loop3A_278 = arith.addf %parallel_loop3A_230, %parallel_loop3A_277 : vector<16xf32>
        %parallel_loop3A_279 = arith.index_cast %parallel_loop3A_189 : i32 to index
        %parallel_loop3A_280 = arith.constant 48 : index
        %parallel_loop3A_281 = tpu.vector_load %arg14[%parallel_loop3A_279, %parallel_loop3A_280] {strides = array<i32>} : memref<64x272xi32, #tpu.memory_space<vmem>>, vector<1x16xi32>,
        %parallel_loop3A_282 = vector.shape_cast %parallel_loop3A_281 : vector<1x16xi32> to vector<16xi32>
        %parallel_loop3A_283 = arith.constant 16 : i32
        %parallel_loop3A_284 = vector.broadcast %parallel_loop3A_283 : i32 to vector<16xi32>
        %parallel_loop3A_285 = arith.shli %parallel_loop3A_282, %parallel_loop3A_284 : vector<16xi32>
        %parallel_loop3A_286 = tpu.bitcast %parallel_loop3A_285 : vector<16xi32> -> vector<16xf32>
        %parallel_loop3A_287 = arith.constant -65536 : i32
        %parallel_loop3A_288 = vector.broadcast %parallel_loop3A_287 : i32 to vector<16xi32>
        %parallel_loop3A_289 = arith.andi %parallel_loop3A_282, %parallel_loop3A_288 : vector<16xi32>
        %parallel_loop3A_290 = tpu.bitcast %parallel_loop3A_289 : vector<16xi32> -> vector<16xf32>
        %parallel_loop3A_291 = arith.constant 6 : i32
        %parallel_loop3A_292 = vector.broadcast %parallel_loop3A_291 : i32 to vector<16x1xi32>
        %parallel_loop3A_293 = arith.constant 7 : i32
        %parallel_loop3A_294 = vector.broadcast %parallel_loop3A_293 : i32 to vector<16x1xi32>
        %parallel_loop3A_295 = vector.shape_cast %parallel_loop3A_292 : vector<16x1xi32> to vector<16xi32>
        %parallel_loop3A_296 = tpu.dynamic_gather %parallel_loop3A_206[%parallel_loop3A_295] in [0] : vector<16xf32>, vector<16xi32> -> vector<16xf32>
        %parallel_loop3A_297 = vector.shape_cast %parallel_loop3A_294 : vector<16x1xi32> to vector<16xi32>
        %parallel_loop3A_298 = tpu.dynamic_gather %parallel_loop3A_206[%parallel_loop3A_297] in [0] : vector<16xf32>, vector<16xi32> -> vector<16xf32>
        %parallel_loop3A_299 = arith.mulf %parallel_loop3A_296, %parallel_loop3A_286 : vector<16xf32>
        %parallel_loop3A_300 = arith.addf %parallel_loop3A_252, %parallel_loop3A_299 : vector<16xf32>
        %parallel_loop3A_301 = arith.mulf %parallel_loop3A_298, %parallel_loop3A_290 : vector<16xf32>
        %parallel_loop3A_302 = arith.addf %parallel_loop3A_254, %parallel_loop3A_301 : vector<16xf32>
        %parallel_loop3A_303 = arith.index_cast %parallel_loop3A_189 : i32 to index
        %parallel_loop3A_304 = arith.constant 64 : index
        %parallel_loop3A_305 = tpu.vector_load %arg14[%parallel_loop3A_303, %parallel_loop3A_304] {strides = array<i32>} : memref<64x272xi32, #tpu.memory_space<vmem>>, vector<1x16xi32>,
        %parallel_loop3A_306 = vector.shape_cast %parallel_loop3A_305 : vector<1x16xi32> to vector<16xi32>
        %parallel_loop3A_307 = arith.constant 16 : i32
        %parallel_loop3A_308 = vector.broadcast %parallel_loop3A_307 : i32 to vector<16xi32>
        %parallel_loop3A_309 = arith.shli %parallel_loop3A_306, %parallel_loop3A_308 : vector<16xi32>
        %parallel_loop3A_310 = tpu.bitcast %parallel_loop3A_309 : vector<16xi32> -> vector<16xf32>
        %parallel_loop3A_311 = arith.constant -65536 : i32
        %parallel_loop3A_312 = vector.broadcast %parallel_loop3A_311 : i32 to vector<16xi32>
        %parallel_loop3A_313 = arith.andi %parallel_loop3A_306, %parallel_loop3A_312 : vector<16xi32>
        %parallel_loop3A_314 = tpu.bitcast %parallel_loop3A_313 : vector<16xi32> -> vector<16xf32>
        %parallel_loop3A_315 = arith.constant 8 : i32
        %parallel_loop3A_316 = vector.broadcast %parallel_loop3A_315 : i32 to vector<16x1xi32>
        %parallel_loop3A_317 = arith.constant 9 : i32
        %parallel_loop3A_318 = vector.broadcast %parallel_loop3A_317 : i32 to vector<16x1xi32>
        %parallel_loop3A_319 = vector.shape_cast %parallel_loop3A_316 : vector<16x1xi32> to vector<16xi32>
        %parallel_loop3A_320 = tpu.dynamic_gather %parallel_loop3A_206[%parallel_loop3A_319] in [0] : vector<16xf32>, vector<16xi32> -> vector<16xf32>
        %parallel_loop3A_321 = vector.shape_cast %parallel_loop3A_318 : vector<16x1xi32> to vector<16xi32>
        %parallel_loop3A_322 = tpu.dynamic_gather %parallel_loop3A_206[%parallel_loop3A_321] in [0] : vector<16xf32>, vector<16xi32> -> vector<16xf32>
        %parallel_loop3A_323 = arith.mulf %parallel_loop3A_320, %parallel_loop3A_310 : vector<16xf32>
        %parallel_loop3A_324 = arith.addf %parallel_loop3A_276, %parallel_loop3A_323 : vector<16xf32>
        %parallel_loop3A_325 = arith.mulf %parallel_loop3A_322, %parallel_loop3A_314 : vector<16xf32>
        %parallel_loop3A_326 = arith.addf %parallel_loop3A_278, %parallel_loop3A_325 : vector<16xf32>
        %parallel_loop3A_327 = arith.index_cast %parallel_loop3A_189 : i32 to index
        %parallel_loop3A_328 = arith.constant 80 : index
        %parallel_loop3A_329 = tpu.vector_load %arg14[%parallel_loop3A_327, %parallel_loop3A_328] {strides = array<i32>} : memref<64x272xi32, #tpu.memory_space<vmem>>, vector<1x16xi32>,
        %parallel_loop3A_330 = vector.shape_cast %parallel_loop3A_329 : vector<1x16xi32> to vector<16xi32>
        %parallel_loop3A_331 = arith.constant 16 : i32
        %parallel_loop3A_332 = vector.broadcast %parallel_loop3A_331 : i32 to vector<16xi32>
        %parallel_loop3A_333 = arith.shli %parallel_loop3A_330, %parallel_loop3A_332 : vector<16xi32>
        %parallel_loop3A_334 = tpu.bitcast %parallel_loop3A_333 : vector<16xi32> -> vector<16xf32>
        %parallel_loop3A_335 = arith.constant -65536 : i32
        %parallel_loop3A_336 = vector.broadcast %parallel_loop3A_335 : i32 to vector<16xi32>
        %parallel_loop3A_337 = arith.andi %parallel_loop3A_330, %parallel_loop3A_336 : vector<16xi32>
        %parallel_loop3A_338 = tpu.bitcast %parallel_loop3A_337 : vector<16xi32> -> vector<16xf32>
        %parallel_loop3A_339 = arith.constant 10 : i32
        %parallel_loop3A_340 = vector.broadcast %parallel_loop3A_339 : i32 to vector<16x1xi32>
        %parallel_loop3A_341 = arith.constant 11 : i32
        %parallel_loop3A_342 = vector.broadcast %parallel_loop3A_341 : i32 to vector<16x1xi32>
        %parallel_loop3A_343 = vector.shape_cast %parallel_loop3A_340 : vector<16x1xi32> to vector<16xi32>
        %parallel_loop3A_344 = tpu.dynamic_gather %parallel_loop3A_206[%parallel_loop3A_343] in [0] : vector<16xf32>, vector<16xi32> -> vector<16xf32>
        %parallel_loop3A_345 = vector.shape_cast %parallel_loop3A_342 : vector<16x1xi32> to vector<16xi32>
        %parallel_loop3A_346 = tpu.dynamic_gather %parallel_loop3A_206[%parallel_loop3A_345] in [0] : vector<16xf32>, vector<16xi32> -> vector<16xf32>
        %parallel_loop3A_347 = arith.mulf %parallel_loop3A_344, %parallel_loop3A_334 : vector<16xf32>
        %parallel_loop3A_348 = arith.addf %parallel_loop3A_300, %parallel_loop3A_347 : vector<16xf32>
        %parallel_loop3A_349 = arith.mulf %parallel_loop3A_346, %parallel_loop3A_338 : vector<16xf32>
        %parallel_loop3A_350 = arith.addf %parallel_loop3A_302, %parallel_loop3A_349 : vector<16xf32>
        %parallel_loop3A_351 = arith.index_cast %parallel_loop3A_189 : i32 to index
        %parallel_loop3A_352 = arith.constant 96 : index
        %parallel_loop3A_353 = tpu.vector_load %arg14[%parallel_loop3A_351, %parallel_loop3A_352] {strides = array<i32>} : memref<64x272xi32, #tpu.memory_space<vmem>>, vector<1x16xi32>,
        %parallel_loop3A_354 = vector.shape_cast %parallel_loop3A_353 : vector<1x16xi32> to vector<16xi32>
        %parallel_loop3A_355 = arith.constant 16 : i32
        %parallel_loop3A_356 = vector.broadcast %parallel_loop3A_355 : i32 to vector<16xi32>
        %parallel_loop3A_357 = arith.shli %parallel_loop3A_354, %parallel_loop3A_356 : vector<16xi32>
        %parallel_loop3A_358 = tpu.bitcast %parallel_loop3A_357 : vector<16xi32> -> vector<16xf32>
        %parallel_loop3A_359 = arith.constant -65536 : i32
        %parallel_loop3A_360 = vector.broadcast %parallel_loop3A_359 : i32 to vector<16xi32>
        %parallel_loop3A_361 = arith.andi %parallel_loop3A_354, %parallel_loop3A_360 : vector<16xi32>
        %parallel_loop3A_362 = tpu.bitcast %parallel_loop3A_361 : vector<16xi32> -> vector<16xf32>
        %parallel_loop3A_363 = arith.constant 12 : i32
        %parallel_loop3A_364 = vector.broadcast %parallel_loop3A_363 : i32 to vector<16x1xi32>
        %parallel_loop3A_365 = arith.constant 13 : i32
        %parallel_loop3A_366 = vector.broadcast %parallel_loop3A_365 : i32 to vector<16x1xi32>
        %parallel_loop3A_367 = vector.shape_cast %parallel_loop3A_364 : vector<16x1xi32> to vector<16xi32>
        %parallel_loop3A_368 = tpu.dynamic_gather %parallel_loop3A_206[%parallel_loop3A_367] in [0] : vector<16xf32>, vector<16xi32> -> vector<16xf32>
        %parallel_loop3A_369 = vector.shape_cast %parallel_loop3A_366 : vector<16x1xi32> to vector<16xi32>
        %parallel_loop3A_370 = tpu.dynamic_gather %parallel_loop3A_206[%parallel_loop3A_369] in [0] : vector<16xf32>, vector<16xi32> -> vector<16xf32>
        %parallel_loop3A_371 = arith.mulf %parallel_loop3A_368, %parallel_loop3A_358 : vector<16xf32>
        %parallel_loop3A_372 = arith.addf %parallel_loop3A_324, %parallel_loop3A_371 : vector<16xf32>
        %parallel_loop3A_373 = arith.mulf %parallel_loop3A_370, %parallel_loop3A_362 : vector<16xf32>
        %parallel_loop3A_374 = arith.addf %parallel_loop3A_326, %parallel_loop3A_373 : vector<16xf32>
        %parallel_loop3A_375 = arith.index_cast %parallel_loop3A_189 : i32 to index
        %parallel_loop3A_376 = arith.constant 112 : index
        %parallel_loop3A_377 = tpu.vector_load %arg14[%parallel_loop3A_375, %parallel_loop3A_376] {strides = array<i32>} : memref<64x272xi32, #tpu.memory_space<vmem>>, vector<1x16xi32>,
        %parallel_loop3A_378 = vector.shape_cast %parallel_loop3A_377 : vector<1x16xi32> to vector<16xi32>
        %parallel_loop3A_379 = arith.constant 16 : i32
        %parallel_loop3A_380 = vector.broadcast %parallel_loop3A_379 : i32 to vector<16xi32>
        %parallel_loop3A_381 = arith.shli %parallel_loop3A_378, %parallel_loop3A_380 : vector<16xi32>
        %parallel_loop3A_382 = tpu.bitcast %parallel_loop3A_381 : vector<16xi32> -> vector<16xf32>
        %parallel_loop3A_383 = arith.constant -65536 : i32
        %parallel_loop3A_384 = vector.broadcast %parallel_loop3A_383 : i32 to vector<16xi32>
        %parallel_loop3A_385 = arith.andi %parallel_loop3A_378, %parallel_loop3A_384 : vector<16xi32>
        %parallel_loop3A_386 = tpu.bitcast %parallel_loop3A_385 : vector<16xi32> -> vector<16xf32>
        %parallel_loop3A_387 = arith.constant 14 : i32
        %parallel_loop3A_388 = vector.broadcast %parallel_loop3A_387 : i32 to vector<16x1xi32>
        %parallel_loop3A_389 = arith.constant 15 : i32
        %parallel_loop3A_390 = vector.broadcast %parallel_loop3A_389 : i32 to vector<16x1xi32>
        %parallel_loop3A_391 = vector.shape_cast %parallel_loop3A_388 : vector<16x1xi32> to vector<16xi32>
        %parallel_loop3A_392 = tpu.dynamic_gather %parallel_loop3A_206[%parallel_loop3A_391] in [0] : vector<16xf32>, vector<16xi32> -> vector<16xf32>
        %parallel_loop3A_393 = vector.shape_cast %parallel_loop3A_390 : vector<16x1xi32> to vector<16xi32>
        %parallel_loop3A_394 = tpu.dynamic_gather %parallel_loop3A_206[%parallel_loop3A_393] in [0] : vector<16xf32>, vector<16xi32> -> vector<16xf32>
        %parallel_loop3A_395 = arith.mulf %parallel_loop3A_392, %parallel_loop3A_382 : vector<16xf32>
        %parallel_loop3A_396 = arith.addf %parallel_loop3A_348, %parallel_loop3A_395 : vector<16xf32>
        %parallel_loop3A_397 = arith.mulf %parallel_loop3A_394, %parallel_loop3A_386 : vector<16xf32>
        %parallel_loop3A_398 = arith.addf %parallel_loop3A_350, %parallel_loop3A_397 : vector<16xf32>
        %parallel_loop3A_399 = arith.index_cast %parallel_loop3A_189 : i32 to index
        %parallel_loop3A_400 = arith.constant 16 : index
        %parallel_loop3A_401 = tpu.vector_load %arg10[%parallel_loop3A_399, %parallel_loop3A_400] {strides = array<i32>} : memref<64x48xf32, #tpu.memory_space<vmem>>, vector<1x16xf32>,
        %parallel_loop3A_402 = vector.shape_cast %parallel_loop3A_401 : vector<1x16xf32> to vector<16xf32>
        %parallel_loop3A_403 = arith.index_cast %parallel_loop3A_189 : i32 to index
        %parallel_loop3A_404 = arith.constant 16 : index
        %parallel_loop3A_405 = tpu.vector_load %arg12[%parallel_loop3A_403, %parallel_loop3A_404] {strides = array<i32>} : memref<64x48xf32, #tpu.memory_space<vmem>>, vector<1x16xf32>,
        %parallel_loop3A_406 = vector.shape_cast %parallel_loop3A_405 : vector<1x16xf32> to vector<16xf32>
        %parallel_loop3A_407 = arith.mulf %parallel_loop3A_402, %parallel_loop3A_406 : vector<16xf32>
        %parallel_loop3A_408 = arith.index_cast %parallel_loop3A_189 : i32 to index
        %parallel_loop3A_409 = arith.constant 128 : index
        %parallel_loop3A_410 = tpu.vector_load %arg14[%parallel_loop3A_408, %parallel_loop3A_409] {strides = array<i32>} : memref<64x272xi32, #tpu.memory_space<vmem>>, vector<1x16xi32>,
        %parallel_loop3A_411 = vector.shape_cast %parallel_loop3A_410 : vector<1x16xi32> to vector<16xi32>
        %parallel_loop3A_412 = arith.constant 16 : i32
        %parallel_loop3A_413 = vector.broadcast %parallel_loop3A_412 : i32 to vector<16xi32>
        %parallel_loop3A_414 = arith.shli %parallel_loop3A_411, %parallel_loop3A_413 : vector<16xi32>
        %parallel_loop3A_415 = tpu.bitcast %parallel_loop3A_414 : vector<16xi32> -> vector<16xf32>
        %parallel_loop3A_416 = arith.constant -65536 : i32
        %parallel_loop3A_417 = vector.broadcast %parallel_loop3A_416 : i32 to vector<16xi32>
        %parallel_loop3A_418 = arith.andi %parallel_loop3A_411, %parallel_loop3A_417 : vector<16xi32>
        %parallel_loop3A_419 = tpu.bitcast %parallel_loop3A_418 : vector<16xi32> -> vector<16xf32>
        %parallel_loop3A_420 = arith.constant 0 : i32
        %parallel_loop3A_421 = vector.broadcast %parallel_loop3A_420 : i32 to vector<16x1xi32>
        %parallel_loop3A_422 = arith.constant 1 : i32
        %parallel_loop3A_423 = vector.broadcast %parallel_loop3A_422 : i32 to vector<16x1xi32>
        %parallel_loop3A_424 = vector.shape_cast %parallel_loop3A_421 : vector<16x1xi32> to vector<16xi32>
        %parallel_loop3A_425 = tpu.dynamic_gather %parallel_loop3A_407[%parallel_loop3A_424] in [0] : vector<16xf32>, vector<16xi32> -> vector<16xf32>
        %parallel_loop3A_426 = vector.shape_cast %parallel_loop3A_423 : vector<16x1xi32> to vector<16xi32>
        %parallel_loop3A_427 = tpu.dynamic_gather %parallel_loop3A_407[%parallel_loop3A_426] in [0] : vector<16xf32>, vector<16xi32> -> vector<16xf32>
        %parallel_loop3A_428 = arith.mulf %parallel_loop3A_425, %parallel_loop3A_415 : vector<16xf32>
        %parallel_loop3A_429 = arith.addf %parallel_loop3A_372, %parallel_loop3A_428 : vector<16xf32>
        %parallel_loop3A_430 = arith.mulf %parallel_loop3A_427, %parallel_loop3A_419 : vector<16xf32>
        %parallel_loop3A_431 = arith.addf %parallel_loop3A_374, %parallel_loop3A_430 : vector<16xf32>
        %parallel_loop3A_432 = arith.index_cast %parallel_loop3A_189 : i32 to index
        %parallel_loop3A_433 = arith.constant 144 : index
        %parallel_loop3A_434 = tpu.vector_load %arg14[%parallel_loop3A_432, %parallel_loop3A_433] {strides = array<i32>} : memref<64x272xi32, #tpu.memory_space<vmem>>, vector<1x16xi32>,
        %parallel_loop3A_435 = vector.shape_cast %parallel_loop3A_434 : vector<1x16xi32> to vector<16xi32>
        %parallel_loop3A_436 = arith.constant 16 : i32
        %parallel_loop3A_437 = vector.broadcast %parallel_loop3A_436 : i32 to vector<16xi32>
        %parallel_loop3A_438 = arith.shli %parallel_loop3A_435, %parallel_loop3A_437 : vector<16xi32>
        %parallel_loop3A_439 = tpu.bitcast %parallel_loop3A_438 : vector<16xi32> -> vector<16xf32>
        %parallel_loop3A_440 = arith.constant -65536 : i32
        %parallel_loop3A_441 = vector.broadcast %parallel_loop3A_440 : i32 to vector<16xi32>
        %parallel_loop3A_442 = arith.andi %parallel_loop3A_435, %parallel_loop3A_441 : vector<16xi32>
        %parallel_loop3A_443 = tpu.bitcast %parallel_loop3A_442 : vector<16xi32> -> vector<16xf32>
        %parallel_loop3A_444 = arith.constant 2 : i32
        %parallel_loop3A_445 = vector.broadcast %parallel_loop3A_444 : i32 to vector<16x1xi32>
        %parallel_loop3A_446 = arith.constant 3 : i32
        %parallel_loop3A_447 = vector.broadcast %parallel_loop3A_446 : i32 to vector<16x1xi32>
        %parallel_loop3A_448 = vector.shape_cast %parallel_loop3A_445 : vector<16x1xi32> to vector<16xi32>
        %parallel_loop3A_449 = tpu.dynamic_gather %parallel_loop3A_407[%parallel_loop3A_448] in [0] : vector<16xf32>, vector<16xi32> -> vector<16xf32>
        %parallel_loop3A_450 = vector.shape_cast %parallel_loop3A_447 : vector<16x1xi32> to vector<16xi32>
        %parallel_loop3A_451 = tpu.dynamic_gather %parallel_loop3A_407[%parallel_loop3A_450] in [0] : vector<16xf32>, vector<16xi32> -> vector<16xf32>
        %parallel_loop3A_452 = arith.mulf %parallel_loop3A_449, %parallel_loop3A_439 : vector<16xf32>
        %parallel_loop3A_453 = arith.addf %parallel_loop3A_396, %parallel_loop3A_452 : vector<16xf32>
        %parallel_loop3A_454 = arith.mulf %parallel_loop3A_451, %parallel_loop3A_443 : vector<16xf32>
        %parallel_loop3A_455 = arith.addf %parallel_loop3A_398, %parallel_loop3A_454 : vector<16xf32>
        %parallel_loop3A_456 = arith.index_cast %parallel_loop3A_189 : i32 to index
        %parallel_loop3A_457 = arith.constant 160 : index
        %parallel_loop3A_458 = tpu.vector_load %arg14[%parallel_loop3A_456, %parallel_loop3A_457] {strides = array<i32>} : memref<64x272xi32, #tpu.memory_space<vmem>>, vector<1x16xi32>,
        %parallel_loop3A_459 = vector.shape_cast %parallel_loop3A_458 : vector<1x16xi32> to vector<16xi32>
        %parallel_loop3A_460 = arith.constant 16 : i32
        %parallel_loop3A_461 = vector.broadcast %parallel_loop3A_460 : i32 to vector<16xi32>
        %parallel_loop3A_462 = arith.shli %parallel_loop3A_459, %parallel_loop3A_461 : vector<16xi32>
        %parallel_loop3A_463 = tpu.bitcast %parallel_loop3A_462 : vector<16xi32> -> vector<16xf32>
        %parallel_loop3A_464 = arith.constant -65536 : i32
        %parallel_loop3A_465 = vector.broadcast %parallel_loop3A_464 : i32 to vector<16xi32>
        %parallel_loop3A_466 = arith.andi %parallel_loop3A_459, %parallel_loop3A_465 : vector<16xi32>
        %parallel_loop3A_467 = tpu.bitcast %parallel_loop3A_466 : vector<16xi32> -> vector<16xf32>
        %parallel_loop3A_468 = arith.constant 4 : i32
        %parallel_loop3A_469 = vector.broadcast %parallel_loop3A_468 : i32 to vector<16x1xi32>
        %parallel_loop3A_470 = arith.constant 5 : i32
        %parallel_loop3A_471 = vector.broadcast %parallel_loop3A_470 : i32 to vector<16x1xi32>
        %parallel_loop3A_472 = vector.shape_cast %parallel_loop3A_469 : vector<16x1xi32> to vector<16xi32>
        %parallel_loop3A_473 = tpu.dynamic_gather %parallel_loop3A_407[%parallel_loop3A_472] in [0] : vector<16xf32>, vector<16xi32> -> vector<16xf32>
        %parallel_loop3A_474 = vector.shape_cast %parallel_loop3A_471 : vector<16x1xi32> to vector<16xi32>
        %parallel_loop3A_475 = tpu.dynamic_gather %parallel_loop3A_407[%parallel_loop3A_474] in [0] : vector<16xf32>, vector<16xi32> -> vector<16xf32>
        %parallel_loop3A_476 = arith.mulf %parallel_loop3A_473, %parallel_loop3A_463 : vector<16xf32>
        %parallel_loop3A_477 = arith.addf %parallel_loop3A_429, %parallel_loop3A_476 : vector<16xf32>
        %parallel_loop3A_478 = arith.mulf %parallel_loop3A_475, %parallel_loop3A_467 : vector<16xf32>
        %parallel_loop3A_479 = arith.addf %parallel_loop3A_431, %parallel_loop3A_478 : vector<16xf32>
        %parallel_loop3A_480 = arith.index_cast %parallel_loop3A_189 : i32 to index
        %parallel_loop3A_481 = arith.constant 176 : index
        %parallel_loop3A_482 = tpu.vector_load %arg14[%parallel_loop3A_480, %parallel_loop3A_481] {strides = array<i32>} : memref<64x272xi32, #tpu.memory_space<vmem>>, vector<1x16xi32>,
        %parallel_loop3A_483 = vector.shape_cast %parallel_loop3A_482 : vector<1x16xi32> to vector<16xi32>
        %parallel_loop3A_484 = arith.constant 16 : i32
        %parallel_loop3A_485 = vector.broadcast %parallel_loop3A_484 : i32 to vector<16xi32>
        %parallel_loop3A_486 = arith.shli %parallel_loop3A_483, %parallel_loop3A_485 : vector<16xi32>
        %parallel_loop3A_487 = tpu.bitcast %parallel_loop3A_486 : vector<16xi32> -> vector<16xf32>
        %parallel_loop3A_488 = arith.constant -65536 : i32
        %parallel_loop3A_489 = vector.broadcast %parallel_loop3A_488 : i32 to vector<16xi32>
        %parallel_loop3A_490 = arith.andi %parallel_loop3A_483, %parallel_loop3A_489 : vector<16xi32>
        %parallel_loop3A_491 = tpu.bitcast %parallel_loop3A_490 : vector<16xi32> -> vector<16xf32>
        %parallel_loop3A_492 = arith.constant 6 : i32
        %parallel_loop3A_493 = vector.broadcast %parallel_loop3A_492 : i32 to vector<16x1xi32>
        %parallel_loop3A_494 = arith.constant 7 : i32
        %parallel_loop3A_495 = vector.broadcast %parallel_loop3A_494 : i32 to vector<16x1xi32>
        %parallel_loop3A_496 = vector.shape_cast %parallel_loop3A_493 : vector<16x1xi32> to vector<16xi32>
        %parallel_loop3A_497 = tpu.dynamic_gather %parallel_loop3A_407[%parallel_loop3A_496] in [0] : vector<16xf32>, vector<16xi32> -> vector<16xf32>
        %parallel_loop3A_498 = vector.shape_cast %parallel_loop3A_495 : vector<16x1xi32> to vector<16xi32>
        %parallel_loop3A_499 = tpu.dynamic_gather %parallel_loop3A_407[%parallel_loop3A_498] in [0] : vector<16xf32>, vector<16xi32> -> vector<16xf32>
        %parallel_loop3A_500 = arith.mulf %parallel_loop3A_497, %parallel_loop3A_487 : vector<16xf32>
        %parallel_loop3A_501 = arith.addf %parallel_loop3A_453, %parallel_loop3A_500 : vector<16xf32>
        %parallel_loop3A_502 = arith.mulf %parallel_loop3A_499, %parallel_loop3A_491 : vector<16xf32>
        %parallel_loop3A_503 = arith.addf %parallel_loop3A_455, %parallel_loop3A_502 : vector<16xf32>
        %parallel_loop3A_504 = arith.index_cast %parallel_loop3A_189 : i32 to index
        %parallel_loop3A_505 = arith.constant 192 : index
        %parallel_loop3A_506 = tpu.vector_load %arg14[%parallel_loop3A_504, %parallel_loop3A_505] {strides = array<i32>} : memref<64x272xi32, #tpu.memory_space<vmem>>, vector<1x16xi32>,
        %parallel_loop3A_507 = vector.shape_cast %parallel_loop3A_506 : vector<1x16xi32> to vector<16xi32>
        %parallel_loop3A_508 = arith.constant 16 : i32
        %parallel_loop3A_509 = vector.broadcast %parallel_loop3A_508 : i32 to vector<16xi32>
        %parallel_loop3A_510 = arith.shli %parallel_loop3A_507, %parallel_loop3A_509 : vector<16xi32>
        %parallel_loop3A_511 = tpu.bitcast %parallel_loop3A_510 : vector<16xi32> -> vector<16xf32>
        %parallel_loop3A_512 = arith.constant -65536 : i32
        %parallel_loop3A_513 = vector.broadcast %parallel_loop3A_512 : i32 to vector<16xi32>
        %parallel_loop3A_514 = arith.andi %parallel_loop3A_507, %parallel_loop3A_513 : vector<16xi32>
        %parallel_loop3A_515 = tpu.bitcast %parallel_loop3A_514 : vector<16xi32> -> vector<16xf32>
        %parallel_loop3A_516 = arith.constant 8 : i32
        %parallel_loop3A_517 = vector.broadcast %parallel_loop3A_516 : i32 to vector<16x1xi32>
        %parallel_loop3A_518 = arith.constant 9 : i32
        %parallel_loop3A_519 = vector.broadcast %parallel_loop3A_518 : i32 to vector<16x1xi32>
        %parallel_loop3A_520 = vector.shape_cast %parallel_loop3A_517 : vector<16x1xi32> to vector<16xi32>
        %parallel_loop3A_521 = tpu.dynamic_gather %parallel_loop3A_407[%parallel_loop3A_520] in [0] : vector<16xf32>, vector<16xi32> -> vector<16xf32>
        %parallel_loop3A_522 = vector.shape_cast %parallel_loop3A_519 : vector<16x1xi32> to vector<16xi32>
        %parallel_loop3A_523 = tpu.dynamic_gather %parallel_loop3A_407[%parallel_loop3A_522] in [0] : vector<16xf32>, vector<16xi32> -> vector<16xf32>
        %parallel_loop3A_524 = arith.mulf %parallel_loop3A_521, %parallel_loop3A_511 : vector<16xf32>
        %parallel_loop3A_525 = arith.addf %parallel_loop3A_477, %parallel_loop3A_524 : vector<16xf32>
        %parallel_loop3A_526 = arith.mulf %parallel_loop3A_523, %parallel_loop3A_515 : vector<16xf32>
        %parallel_loop3A_527 = arith.addf %parallel_loop3A_479, %parallel_loop3A_526 : vector<16xf32>
        %parallel_loop3A_528 = arith.index_cast %parallel_loop3A_189 : i32 to index
        %parallel_loop3A_529 = arith.constant 208 : index
        %parallel_loop3A_530 = tpu.vector_load %arg14[%parallel_loop3A_528, %parallel_loop3A_529] {strides = array<i32>} : memref<64x272xi32, #tpu.memory_space<vmem>>, vector<1x16xi32>,
        %parallel_loop3A_531 = vector.shape_cast %parallel_loop3A_530 : vector<1x16xi32> to vector<16xi32>
        %parallel_loop3A_532 = arith.constant 16 : i32
        %parallel_loop3A_533 = vector.broadcast %parallel_loop3A_532 : i32 to vector<16xi32>
        %parallel_loop3A_534 = arith.shli %parallel_loop3A_531, %parallel_loop3A_533 : vector<16xi32>
        %parallel_loop3A_535 = tpu.bitcast %parallel_loop3A_534 : vector<16xi32> -> vector<16xf32>
        %parallel_loop3A_536 = arith.constant -65536 : i32
        %parallel_loop3A_537 = vector.broadcast %parallel_loop3A_536 : i32 to vector<16xi32>
        %parallel_loop3A_538 = arith.andi %parallel_loop3A_531, %parallel_loop3A_537 : vector<16xi32>
        %parallel_loop3A_539 = tpu.bitcast %parallel_loop3A_538 : vector<16xi32> -> vector<16xf32>
        %parallel_loop3A_540 = arith.constant 10 : i32
        %parallel_loop3A_541 = vector.broadcast %parallel_loop3A_540 : i32 to vector<16x1xi32>
        %parallel_loop3A_542 = arith.constant 11 : i32
        %parallel_loop3A_543 = vector.broadcast %parallel_loop3A_542 : i32 to vector<16x1xi32>
        %parallel_loop3A_544 = vector.shape_cast %parallel_loop3A_541 : vector<16x1xi32> to vector<16xi32>
        %parallel_loop3A_545 = tpu.dynamic_gather %parallel_loop3A_407[%parallel_loop3A_544] in [0] : vector<16xf32>, vector<16xi32> -> vector<16xf32>
        %parallel_loop3A_546 = vector.shape_cast %parallel_loop3A_543 : vector<16x1xi32> to vector<16xi32>
        %parallel_loop3A_547 = tpu.dynamic_gather %parallel_loop3A_407[%parallel_loop3A_546] in [0] : vector<16xf32>, vector<16xi32> -> vector<16xf32>
        %parallel_loop3A_548 = arith.mulf %parallel_loop3A_545, %parallel_loop3A_535 : vector<16xf32>
        %parallel_loop3A_549 = arith.addf %parallel_loop3A_501, %parallel_loop3A_548 : vector<16xf32>
        %parallel_loop3A_550 = arith.mulf %parallel_loop3A_547, %parallel_loop3A_539 : vector<16xf32>
        %parallel_loop3A_551 = arith.addf %parallel_loop3A_503, %parallel_loop3A_550 : vector<16xf32>
        %parallel_loop3A_552 = arith.index_cast %parallel_loop3A_189 : i32 to index
        %parallel_loop3A_553 = arith.constant 224 : index
        %parallel_loop3A_554 = tpu.vector_load %arg14[%parallel_loop3A_552, %parallel_loop3A_553] {strides = array<i32>} : memref<64x272xi32, #tpu.memory_space<vmem>>, vector<1x16xi32>,
        %parallel_loop3A_555 = vector.shape_cast %parallel_loop3A_554 : vector<1x16xi32> to vector<16xi32>
        %parallel_loop3A_556 = arith.constant 16 : i32
        %parallel_loop3A_557 = vector.broadcast %parallel_loop3A_556 : i32 to vector<16xi32>
        %parallel_loop3A_558 = arith.shli %parallel_loop3A_555, %parallel_loop3A_557 : vector<16xi32>
        %parallel_loop3A_559 = tpu.bitcast %parallel_loop3A_558 : vector<16xi32> -> vector<16xf32>
        %parallel_loop3A_560 = arith.constant -65536 : i32
        %parallel_loop3A_561 = vector.broadcast %parallel_loop3A_560 : i32 to vector<16xi32>
        %parallel_loop3A_562 = arith.andi %parallel_loop3A_555, %parallel_loop3A_561 : vector<16xi32>
        %parallel_loop3A_563 = tpu.bitcast %parallel_loop3A_562 : vector<16xi32> -> vector<16xf32>
        %parallel_loop3A_564 = arith.constant 12 : i32
        %parallel_loop3A_565 = vector.broadcast %parallel_loop3A_564 : i32 to vector<16x1xi32>
        %parallel_loop3A_566 = arith.constant 13 : i32
        %parallel_loop3A_567 = vector.broadcast %parallel_loop3A_566 : i32 to vector<16x1xi32>
        %parallel_loop3A_568 = vector.shape_cast %parallel_loop3A_565 : vector<16x1xi32> to vector<16xi32>
        %parallel_loop3A_569 = tpu.dynamic_gather %parallel_loop3A_407[%parallel_loop3A_568] in [0] : vector<16xf32>, vector<16xi32> -> vector<16xf32>
        %parallel_loop3A_570 = vector.shape_cast %parallel_loop3A_567 : vector<16x1xi32> to vector<16xi32>
        %parallel_loop3A_571 = tpu.dynamic_gather %parallel_loop3A_407[%parallel_loop3A_570] in [0] : vector<16xf32>, vector<16xi32> -> vector<16xf32>
        %parallel_loop3A_572 = arith.mulf %parallel_loop3A_569, %parallel_loop3A_559 : vector<16xf32>
        %parallel_loop3A_573 = arith.addf %parallel_loop3A_525, %parallel_loop3A_572 : vector<16xf32>
        %parallel_loop3A_574 = arith.mulf %parallel_loop3A_571, %parallel_loop3A_563 : vector<16xf32>
        %parallel_loop3A_575 = arith.addf %parallel_loop3A_527, %parallel_loop3A_574 : vector<16xf32>
        %parallel_loop3A_576 = arith.index_cast %parallel_loop3A_189 : i32 to index
        %parallel_loop3A_577 = arith.constant 240 : index
        %parallel_loop3A_578 = tpu.vector_load %arg14[%parallel_loop3A_576, %parallel_loop3A_577] {strides = array<i32>} : memref<64x272xi32, #tpu.memory_space<vmem>>, vector<1x16xi32>,
        %parallel_loop3A_579 = vector.shape_cast %parallel_loop3A_578 : vector<1x16xi32> to vector<16xi32>
        %parallel_loop3A_580 = arith.constant 16 : i32
        %parallel_loop3A_581 = vector.broadcast %parallel_loop3A_580 : i32 to vector<16xi32>
        %parallel_loop3A_582 = arith.shli %parallel_loop3A_579, %parallel_loop3A_581 : vector<16xi32>
        %parallel_loop3A_583 = tpu.bitcast %parallel_loop3A_582 : vector<16xi32> -> vector<16xf32>
        %parallel_loop3A_584 = arith.constant -65536 : i32
        %parallel_loop3A_585 = vector.broadcast %parallel_loop3A_584 : i32 to vector<16xi32>
        %parallel_loop3A_586 = arith.andi %parallel_loop3A_579, %parallel_loop3A_585 : vector<16xi32>
        %parallel_loop3A_587 = tpu.bitcast %parallel_loop3A_586 : vector<16xi32> -> vector<16xf32>
        %parallel_loop3A_588 = arith.constant 14 : i32
        %parallel_loop3A_589 = vector.broadcast %parallel_loop3A_588 : i32 to vector<16x1xi32>
        %parallel_loop3A_590 = arith.constant 15 : i32
        %parallel_loop3A_591 = vector.broadcast %parallel_loop3A_590 : i32 to vector<16x1xi32>
        %parallel_loop3A_592 = vector.shape_cast %parallel_loop3A_589 : vector<16x1xi32> to vector<16xi32>
        %parallel_loop3A_593 = tpu.dynamic_gather %parallel_loop3A_407[%parallel_loop3A_592] in [0] : vector<16xf32>, vector<16xi32> -> vector<16xf32>
        %parallel_loop3A_594 = vector.shape_cast %parallel_loop3A_591 : vector<16x1xi32> to vector<16xi32>
        %parallel_loop3A_595 = tpu.dynamic_gather %parallel_loop3A_407[%parallel_loop3A_594] in [0] : vector<16xf32>, vector<16xi32> -> vector<16xf32>
        %parallel_loop3A_596 = arith.mulf %parallel_loop3A_593, %parallel_loop3A_583 : vector<16xf32>
        %parallel_loop3A_597 = arith.addf %parallel_loop3A_549, %parallel_loop3A_596 : vector<16xf32>
        %parallel_loop3A_598 = arith.mulf %parallel_loop3A_595, %parallel_loop3A_587 : vector<16xf32>
        %parallel_loop3A_599 = arith.addf %parallel_loop3A_551, %parallel_loop3A_598 : vector<16xf32>
        %parallel_loop3A_600 = arith.index_cast %parallel_loop3A_189 : i32 to index
        %parallel_loop3A_601 = arith.constant 32 : index
        %parallel_loop3A_602 = tpu.vector_load %arg10[%parallel_loop3A_600, %parallel_loop3A_601] {strides = array<i32>} : memref<64x48xf32, #tpu.memory_space<vmem>>, vector<1x16xf32>,
        %parallel_loop3A_603 = vector.shape_cast %parallel_loop3A_602 : vector<1x16xf32> to vector<16xf32>
        %parallel_loop3A_604 = arith.index_cast %parallel_loop3A_189 : i32 to index
        %parallel_loop3A_605 = arith.constant 32 : index
        %parallel_loop3A_606 = tpu.vector_load %arg12[%parallel_loop3A_604, %parallel_loop3A_605] {strides = array<i32>} : memref<64x48xf32, #tpu.memory_space<vmem>>, vector<1x16xf32>,
        %parallel_loop3A_607 = vector.shape_cast %parallel_loop3A_606 : vector<1x16xf32> to vector<16xf32>
        %parallel_loop3A_608 = arith.mulf %parallel_loop3A_603, %parallel_loop3A_607 : vector<16xf32>
        %parallel_loop3A_609 = arith.index_cast %parallel_loop3A_189 : i32 to index
        %parallel_loop3A_610 = arith.constant 256 : index
        %parallel_loop3A_611 = tpu.vector_load %arg14[%parallel_loop3A_609, %parallel_loop3A_610] {strides = array<i32>} : memref<64x272xi32, #tpu.memory_space<vmem>>, vector<1x16xi32>,
        %parallel_loop3A_612 = vector.shape_cast %parallel_loop3A_611 : vector<1x16xi32> to vector<16xi32>
        %parallel_loop3A_613 = arith.constant 16 : i32
        %parallel_loop3A_614 = vector.broadcast %parallel_loop3A_613 : i32 to vector<16xi32>
        %parallel_loop3A_615 = arith.shli %parallel_loop3A_612, %parallel_loop3A_614 : vector<16xi32>
        %parallel_loop3A_616 = tpu.bitcast %parallel_loop3A_615 : vector<16xi32> -> vector<16xf32>
        %parallel_loop3A_617 = arith.constant -65536 : i32
        %parallel_loop3A_618 = vector.broadcast %parallel_loop3A_617 : i32 to vector<16xi32>
        %parallel_loop3A_619 = arith.andi %parallel_loop3A_612, %parallel_loop3A_618 : vector<16xi32>
        %parallel_loop3A_620 = tpu.bitcast %parallel_loop3A_619 : vector<16xi32> -> vector<16xf32>
        %parallel_loop3A_621 = arith.constant 0 : i32
        %parallel_loop3A_622 = vector.broadcast %parallel_loop3A_621 : i32 to vector<16x1xi32>
        %parallel_loop3A_623 = arith.constant 1 : i32
        %parallel_loop3A_624 = vector.broadcast %parallel_loop3A_623 : i32 to vector<16x1xi32>
        %parallel_loop3A_625 = vector.shape_cast %parallel_loop3A_622 : vector<16x1xi32> to vector<16xi32>
        %parallel_loop3A_626 = tpu.dynamic_gather %parallel_loop3A_608[%parallel_loop3A_625] in [0] : vector<16xf32>, vector<16xi32> -> vector<16xf32>
        %parallel_loop3A_627 = vector.shape_cast %parallel_loop3A_624 : vector<16x1xi32> to vector<16xi32>
        %parallel_loop3A_628 = tpu.dynamic_gather %parallel_loop3A_608[%parallel_loop3A_627] in [0] : vector<16xf32>, vector<16xi32> -> vector<16xf32>
        %parallel_loop3A_629 = arith.mulf %parallel_loop3A_626, %parallel_loop3A_616 : vector<16xf32>
        %parallel_loop3A_630 = arith.addf %parallel_loop3A_573, %parallel_loop3A_629 : vector<16xf32>
        %parallel_loop3A_631 = arith.mulf %parallel_loop3A_628, %parallel_loop3A_620 : vector<16xf32>
        %parallel_loop3A_632 = arith.addf %parallel_loop3A_575, %parallel_loop3A_631 : vector<16xf32>
        %parallel_loop3A_633 = arith.addf %parallel_loop3A_630, %parallel_loop3A_632 : vector<16xf32>
        %parallel_loop3A_634 = arith.addf %parallel_loop3A_597, %parallel_loop3A_599 : vector<16xf32>
        %parallel_loop3A_635 = arith.addf %parallel_loop3A_633, %parallel_loop3A_634 : vector<16xf32>
        %parallel_loop3A_636 = arith.index_cast %parallel_loop3A_189 : i32 to index
        %parallel_loop3A_637 = arith.constant 0 : index
        %parallel_loop3A_638 = tpu.vector_load %arg16[%parallel_loop3A_636, %parallel_loop3A_637] {strides = array<i32>} : memref<64x32xf32, #tpu.memory_space<vmem>>, vector<1x16xf32>,
        %parallel_loop3A_639 = vector.shape_cast %parallel_loop3A_638 : vector<1x16xf32> to vector<16xf32>
        %parallel_loop3A_640 = vector.shape_cast %parallel_loop3A_635 : vector<16xf32> to vector<1x16xf32>
        tpu.vector_store %arg16[%parallel_loop3A_636, %parallel_loop3A_637], %parallel_loop3A_640 {strides = array<i32>} : memref<64x32xf32, #tpu.memory_space<vmem>>, vector<1x16xf32>,
      } {sc.loop_unroll_factor = 4 : i64, sc.parallel_access}
      %dma_start3A_124 = arith.constant 6 : i32
      %dma_start3A_125 = arith.constant 0 : i32
      %dma_start3A_126 = tpu.memref_slice %arg9[%add3A_83, %dma_start3A_125] : memref<84x64xi32, #tpu.memory_space<vmem>> -> memref<1x64xi32, #tpu.memory_space<vmem>>
      %dma_start3A_127 = tpu.memref_squeeze %dma_start3A_126 : memref<1x64xi32, #tpu.memory_space<vmem>> -> memref<64xi32, #tpu.memory_space<vmem>>
      %dma_start3A_128 = arith.constant 0 : i32
      %dma_start3A_129 = arith.constant 0 : i32
      %dma_start3A_130 = tpu.memref_slice %arg19[%dma_start3A_128, %dma_start3A_129] : memref<10240x32xf32, #tpu.memory_space<vmem_shared>> -> memref<10240x32xf32, #tpu.memory_space<vmem_shared>>
      %dma_start3A_131 = tpu.memref_slice %arg20[%dma_start3A_124] : memref<8x!tpu.dma_semaphore, #tpu.memory_space<semaphore_mem>> -> memref<1x!tpu.dma_semaphore, #tpu.memory_space<semaphore_mem>>
      %dma_start3A_132 = tpu.memref_squeeze %dma_start3A_131 : memref<1x!tpu.dma_semaphore, #tpu.memory_space<semaphore_mem>> -> memref<!tpu.dma_semaphore, #tpu.memory_space<semaphore_mem>>
      tpu.enqueue_indirect_dma source(%arg16 : memref<64x32xf32, #tpu.memory_space<vmem>>) target(%dma_start3A_130 : memref<10240x32xf32, #tpu.memory_space<vmem_shared>>) offsets(%dma_start3A_127 : memref<64xi32, #tpu.memory_space<vmem>>) semaphore(%dma_start3A_132 : memref<!tpu.dma_semaphore, #tpu.memory_space<semaphore_mem>>) {add = true}
      %add3A_133 = arith.constant 1 : i32
      %add3A_134 = arith.addi %add3A_81, %add3A_133 : i32
      %add3A_135 = arith.constant 1 : i32
      %add3A_136 = arith.addi %add3A_134, %add3A_135 : i32
      %lt3A_137 = arith.constant 84 : i32
      %lt3A_138 = arith.cmpi slt, %add3A_136, %lt3A_137 : i32
      %convert_element_type3A_139 = arith.extui %lt3A_138 : i1 to i32
      %cond3A_140 = arith.constant 0 : i32
      %cond3A_141 = arith.cmpi ne, %convert_element_type3A_139, %cond3A_140 : i32
      scf.if %cond3A_141 {
        %add3A_189 = arith.constant 1 : i32
        %add3A_190 = arith.addi %add3A_134, %add3A_189 : i32
        %mul3A_191 = arith.constant 5376 : i32
        %mul3A_192 = arith.muli %add3A, %mul3A_191 : i32
        %mul3A_193 = arith.constant 64 : i32
        %mul3A_194 = arith.muli %add3A_190, %mul3A_193 : i32
        %add3A_195 = arith.addi %mul3A_192, %mul3A_194 : i32
        %dma_start3A_196 = arith.constant 0 : i32
        %dma_start3A_197 = arith.constant 0 : i32
        %dma_start3A_198 = tpu.memref_slice %arg4[%add3A_195, %dma_start3A_197] : memref<172032x48xf32, #tpu.memory_space<hbm>> -> memref<64x48xf32, #tpu.memory_space<hbm>>
        %dma_start3A_199 = tpu.memref_slice %arg20[%dma_start3A_196] : memref<8x!tpu.dma_semaphore, #tpu.memory_space<semaphore_mem>> -> memref<1x!tpu.dma_semaphore, #tpu.memory_space<semaphore_mem>>
        %dma_start3A_200 = tpu.memref_squeeze %dma_start3A_199 : memref<1x!tpu.dma_semaphore, #tpu.memory_space<semaphore_mem>> -> memref<!tpu.dma_semaphore, #tpu.memory_space<semaphore_mem>>
        %dma_start3A_201 = arith.constant 0 : i32
        %dma_start3A_202 = tpu.memref_slice %arg4[%add3A_195, %dma_start3A_201] : memref<172032x48xf32, #tpu.memory_space<hbm>> -> memref<64x48xf32, #tpu.memory_space<hbm>>
        tpu.enqueue_dma source(%dma_start3A_202 : memref<64x48xf32, #tpu.memory_space<hbm>>) target(%arg10 : memref<64x48xf32, #tpu.memory_space<vmem>>) target_semaphore(%dma_start3A_200 : memref<!tpu.dma_semaphore, #tpu.memory_space<semaphore_mem>>)
        %dma_start3A_203 = arith.constant 2 : i32
        %dma_start3A_204 = arith.constant 0 : i32
        %dma_start3A_205 = tpu.memref_slice %arg9[%add3A_190, %dma_start3A_204] : memref<84x64xi32, #tpu.memory_space<vmem>> -> memref<1x64xi32, #tpu.memory_space<vmem>>
        %dma_start3A_206 = tpu.memref_squeeze %dma_start3A_205 : memref<1x64xi32, #tpu.memory_space<vmem>> -> memref<64xi32, #tpu.memory_space<vmem>>
        %dma_start3A_207 = arith.constant 0 : i32
        %dma_start3A_208 = arith.constant 0 : i32
        %dma_start3A_209 = tpu.memref_slice %arg5[%dma_start3A_207, %dma_start3A_208] : memref<10240x48xf32, #tpu.memory_space<hbm>> -> memref<10240x48xf32, #tpu.memory_space<hbm>>
        %dma_start3A_210 = tpu.memref_slice %arg20[%dma_start3A_203] : memref<8x!tpu.dma_semaphore, #tpu.memory_space<semaphore_mem>> -> memref<1x!tpu.dma_semaphore, #tpu.memory_space<semaphore_mem>>
        %dma_start3A_211 = tpu.memref_squeeze %dma_start3A_210 : memref<1x!tpu.dma_semaphore, #tpu.memory_space<semaphore_mem>> -> memref<!tpu.dma_semaphore, #tpu.memory_space<semaphore_mem>>
        tpu.enqueue_indirect_dma source(%dma_start3A_209 : memref<10240x48xf32, #tpu.memory_space<hbm>>) target(%arg12 : memref<64x48xf32, #tpu.memory_space<vmem>>) offsets(%dma_start3A_206 : memref<64xi32, #tpu.memory_space<vmem>>) semaphore(%dma_start3A_211 : memref<!tpu.dma_semaphore, #tpu.memory_space<semaphore_mem>>)
        %dma_start3A_212 = arith.constant 4 : i32
        %dma_start3A_213 = arith.constant 0 : i32
        %dma_start3A_214 = tpu.memref_slice %arg8[%add3A_190, %dma_start3A_213] : memref<84x64xi32, #tpu.memory_space<vmem>> -> memref<1x64xi32, #tpu.memory_space<vmem>>
        %dma_start3A_215 = tpu.memref_squeeze %dma_start3A_214 : memref<1x64xi32, #tpu.memory_space<vmem>> -> memref<64xi32, #tpu.memory_space<vmem>>
        %dma_start3A_216 = arith.constant 0 : i32
        %dma_start3A_217 = arith.constant 0 : i32
        %dma_start3A_218 = tpu.memref_slice %arg6[%dma_start3A_216, %dma_start3A_217] : memref<10240x272xi32, #tpu.memory_space<hbm>> -> memref<10240x272xi32, #tpu.memory_space<hbm>>
        %dma_start3A_219 = tpu.memref_slice %arg20[%dma_start3A_212] : memref<8x!tpu.dma_semaphore, #tpu.memory_space<semaphore_mem>> -> memref<1x!tpu.dma_semaphore, #tpu.memory_space<semaphore_mem>>
        %dma_start3A_220 = tpu.memref_squeeze %dma_start3A_219 : memref<1x!tpu.dma_semaphore, #tpu.memory_space<semaphore_mem>> -> memref<!tpu.dma_semaphore, #tpu.memory_space<semaphore_mem>>
        tpu.enqueue_indirect_dma source(%dma_start3A_218 : memref<10240x272xi32, #tpu.memory_space<hbm>>) target(%arg14 : memref<64x272xi32, #tpu.memory_space<vmem>>) offsets(%dma_start3A_215 : memref<64xi32, #tpu.memory_space<vmem>>) semaphore(%dma_start3A_220 : memref<!tpu.dma_semaphore, #tpu.memory_space<semaphore_mem>>)
      } else {
      }
      %mul3A_142 = arith.constant 5376 : i32
      %mul3A_143 = arith.muli %add3A, %mul3A_142 : i32
      %mul3A_144 = arith.constant 64 : i32
      %mul3A_145 = arith.muli %add3A_134, %mul3A_144 : i32
      %add3A_146 = arith.addi %mul3A_143, %mul3A_145 : i32
      %dma_wait3A_147 = arith.constant 1 : i32
      %dma_wait3A_148 = arith.constant 0 : i32
      %dma_wait3A_149 = tpu.memref_slice %arg4[%add3A_146, %dma_wait3A_148] : memref<172032x48xf32, #tpu.memory_space<hbm>> -> memref<64x48xf32, #tpu.memory_space<hbm>>
      %dma_wait3A_150 = tpu.memref_slice %arg20[%dma_wait3A_147] : memref<8x!tpu.dma_semaphore, #tpu.memory_space<semaphore_mem>> -> memref<1x!tpu.dma_semaphore, #tpu.memory_space<semaphore_mem>>
      %dma_wait3A_151 = tpu.memref_squeeze %dma_wait3A_150 : memref<1x!tpu.dma_semaphore, #tpu.memory_space<semaphore_mem>> -> memref<!tpu.dma_semaphore, #tpu.memory_space<semaphore_mem>>
      %dma_wait3A_152 = arith.constant 0 : i32
      %dma_wait3A_153 = tpu.memref_slice %arg4[%add3A_146, %dma_wait3A_152] : memref<172032x48xf32, #tpu.memory_space<hbm>> -> memref<64x48xf32, #tpu.memory_space<hbm>>
      tpu.wait_dma2 semaphore(%dma_wait3A_151 : memref<!tpu.dma_semaphore, #tpu.memory_space<semaphore_mem>>) src(%dma_wait3A_153 : memref<64x48xf32, #tpu.memory_space<hbm>>) dst(%arg11 : memref<64x48xf32, #tpu.memory_space<vmem>>)
      %dma_wait3A_154 = arith.constant 3 : i32
      %dma_wait3A_155 = arith.constant 0 : i32
      %dma_wait3A_156 = tpu.memref_slice %arg9[%add3A_134, %dma_wait3A_155] : memref<84x64xi32, #tpu.memory_space<vmem>> -> memref<1x64xi32, #tpu.memory_space<vmem>>
      %dma_wait3A_157 = tpu.memref_squeeze %dma_wait3A_156 : memref<1x64xi32, #tpu.memory_space<vmem>> -> memref<64xi32, #tpu.memory_space<vmem>>
      %dma_wait3A_158 = arith.constant 0 : i32
      %dma_wait3A_159 = arith.constant 0 : i32
      %dma_wait3A_160 = tpu.memref_slice %arg5[%dma_wait3A_158, %dma_wait3A_159] : memref<10240x48xf32, #tpu.memory_space<hbm>> -> memref<10240x48xf32, #tpu.memory_space<hbm>>
      %dma_wait3A_161 = tpu.memref_slice %arg20[%dma_wait3A_154] : memref<8x!tpu.dma_semaphore, #tpu.memory_space<semaphore_mem>> -> memref<1x!tpu.dma_semaphore, #tpu.memory_space<semaphore_mem>>
      %dma_wait3A_162 = tpu.memref_squeeze %dma_wait3A_161 : memref<1x!tpu.dma_semaphore, #tpu.memory_space<semaphore_mem>> -> memref<!tpu.dma_semaphore, #tpu.memory_space<semaphore_mem>>
      tpu.wait_indirect_dma semaphore(%dma_wait3A_162 : memref<!tpu.dma_semaphore, #tpu.memory_space<semaphore_mem>>) src(%dma_wait3A_160 : memref<10240x48xf32, #tpu.memory_space<hbm>>) dst(%arg13 : memref<64x48xf32, #tpu.memory_space<vmem>>)
      %dma_wait3A_163 = arith.constant 5 : i32
      %dma_wait3A_164 = arith.constant 0 : i32
      %dma_wait3A_165 = tpu.memref_slice %arg8[%add3A_134, %dma_wait3A_164] : memref<84x64xi32, #tpu.memory_space<vmem>> -> memref<1x64xi32, #tpu.memory_space<vmem>>
      %dma_wait3A_166 = tpu.memref_squeeze %dma_wait3A_165 : memref<1x64xi32, #tpu.memory_space<vmem>> -> memref<64xi32, #tpu.memory_space<vmem>>
      %dma_wait3A_167 = arith.constant 0 : i32
      %dma_wait3A_168 = arith.constant 0 : i32
      %dma_wait3A_169 = tpu.memref_slice %arg6[%dma_wait3A_167, %dma_wait3A_168] : memref<10240x272xi32, #tpu.memory_space<hbm>> -> memref<10240x272xi32, #tpu.memory_space<hbm>>
      %dma_wait3A_170 = tpu.memref_slice %arg20[%dma_wait3A_163] : memref<8x!tpu.dma_semaphore, #tpu.memory_space<semaphore_mem>> -> memref<1x!tpu.dma_semaphore, #tpu.memory_space<semaphore_mem>>
      %dma_wait3A_171 = tpu.memref_squeeze %dma_wait3A_170 : memref<1x!tpu.dma_semaphore, #tpu.memory_space<semaphore_mem>> -> memref<!tpu.dma_semaphore, #tpu.memory_space<semaphore_mem>>
      tpu.wait_indirect_dma semaphore(%dma_wait3A_171 : memref<!tpu.dma_semaphore, #tpu.memory_space<semaphore_mem>>) src(%dma_wait3A_169 : memref<10240x272xi32, #tpu.memory_space<hbm>>) dst(%arg15 : memref<64x272xi32, #tpu.memory_space<vmem>>)
      %ge3A_172 = arith.constant 2 : i32
      %ge3A_173 = arith.cmpi sge, %add3A_134, %ge3A_172 : i32
      %convert_element_type3A_174 = arith.extui %ge3A_173 : i1 to i32
      %cond3A_175 = arith.constant 0 : i32
      %cond3A_176 = arith.cmpi ne, %convert_element_type3A_174, %cond3A_175 : i32
      scf.if %cond3A_176 {
        %sub3A = arith.constant 2 : i32
        %sub3A_189 = arith.subi %add3A_134, %sub3A : i32
        %dma_wait3A_190 = arith.constant 7 : i32
        %dma_wait3A_191 = arith.constant 0 : i32
        %dma_wait3A_192 = tpu.memref_slice %arg9[%sub3A_189, %dma_wait3A_191] : memref<84x64xi32, #tpu.memory_space<vmem>> -> memref<1x64xi32, #tpu.memory_space<vmem>>
        %dma_wait3A_193 = tpu.memref_squeeze %dma_wait3A_192 : memref<1x64xi32, #tpu.memory_space<vmem>> -> memref<64xi32, #tpu.memory_space<vmem>>
        %dma_wait3A_194 = arith.constant 0 : i32
        %dma_wait3A_195 = arith.constant 0 : i32
        %dma_wait3A_196 = tpu.memref_slice %arg19[%dma_wait3A_194, %dma_wait3A_195] : memref<10240x32xf32, #tpu.memory_space<vmem_shared>> -> memref<10240x32xf32, #tpu.memory_space<vmem_shared>>
        %dma_wait3A_197 = tpu.memref_slice %arg20[%dma_wait3A_190] : memref<8x!tpu.dma_semaphore, #tpu.memory_space<semaphore_mem>> -> memref<1x!tpu.dma_semaphore, #tpu.memory_space<semaphore_mem>>
        %dma_wait3A_198 = tpu.memref_squeeze %dma_wait3A_197 : memref<1x!tpu.dma_semaphore, #tpu.memory_space<semaphore_mem>> -> memref<!tpu.dma_semaphore, #tpu.memory_space<semaphore_mem>>
        tpu.wait_indirect_dma semaphore(%dma_wait3A_198 : memref<!tpu.dma_semaphore, #tpu.memory_space<semaphore_mem>>) src(%arg17 : memref<64x32xf32, #tpu.memory_space<vmem>>) dst(%dma_wait3A_196 : memref<10240x32xf32, #tpu.memory_space<vmem_shared>>)
      } else {
      }
      %parallel_loop3A_177 = arith.constant 0 : i32
      %parallel_loop3A_178 = arith.constant 64 : i32
      %parallel_loop3A_179 = arith.constant 1 : i32
      scf.for %parallel_loop3A_189 = %parallel_loop3A_177 to %parallel_loop3A_178 step %parallel_loop3A_179  : i32 {
        %parallel_loop3A_190 = arith.constant 0.000000e+00 : f32
        %parallel_loop3A_191 = vector.broadcast %parallel_loop3A_190 : f32 to vector<16xf32>
        %parallel_loop3A_192 = arith.constant 0.000000e+00 : f32
        %parallel_loop3A_193 = vector.broadcast %parallel_loop3A_192 : f32 to vector<16xf32>
        %parallel_loop3A_194 = arith.constant 0.000000e+00 : f32
        %parallel_loop3A_195 = vector.broadcast %parallel_loop3A_194 : f32 to vector<16xf32>
        %parallel_loop3A_196 = arith.constant 0.000000e+00 : f32
        %parallel_loop3A_197 = vector.broadcast %parallel_loop3A_196 : f32 to vector<16xf32>
        %parallel_loop3A_198 = arith.index_cast %parallel_loop3A_189 : i32 to index
        %parallel_loop3A_199 = arith.constant 0 : index
        %parallel_loop3A_200 = tpu.vector_load %arg11[%parallel_loop3A_198, %parallel_loop3A_199] {strides = array<i32>} : memref<64x48xf32, #tpu.memory_space<vmem>>, vector<1x16xf32>,
        %parallel_loop3A_201 = vector.shape_cast %parallel_loop3A_200 : vector<1x16xf32> to vector<16xf32>
        %parallel_loop3A_202 = arith.index_cast %parallel_loop3A_189 : i32 to index
        %parallel_loop3A_203 = arith.constant 0 : index
        %parallel_loop3A_204 = tpu.vector_load %arg13[%parallel_loop3A_202, %parallel_loop3A_203] {strides = array<i32>} : memref<64x48xf32, #tpu.memory_space<vmem>>, vector<1x16xf32>,
        %parallel_loop3A_205 = vector.shape_cast %parallel_loop3A_204 : vector<1x16xf32> to vector<16xf32>
        %parallel_loop3A_206 = arith.mulf %parallel_loop3A_201, %parallel_loop3A_205 : vector<16xf32>
        %parallel_loop3A_207 = arith.index_cast %parallel_loop3A_189 : i32 to index
        %parallel_loop3A_208 = arith.constant 0 : index
        %parallel_loop3A_209 = tpu.vector_load %arg15[%parallel_loop3A_207, %parallel_loop3A_208] {strides = array<i32>} : memref<64x272xi32, #tpu.memory_space<vmem>>, vector<1x16xi32>,
        %parallel_loop3A_210 = vector.shape_cast %parallel_loop3A_209 : vector<1x16xi32> to vector<16xi32>
        %parallel_loop3A_211 = arith.constant 16 : i32
        %parallel_loop3A_212 = vector.broadcast %parallel_loop3A_211 : i32 to vector<16xi32>
        %parallel_loop3A_213 = arith.shli %parallel_loop3A_210, %parallel_loop3A_212 : vector<16xi32>
        %parallel_loop3A_214 = tpu.bitcast %parallel_loop3A_213 : vector<16xi32> -> vector<16xf32>
        %parallel_loop3A_215 = arith.constant -65536 : i32
        %parallel_loop3A_216 = vector.broadcast %parallel_loop3A_215 : i32 to vector<16xi32>
        %parallel_loop3A_217 = arith.andi %parallel_loop3A_210, %parallel_loop3A_216 : vector<16xi32>
        %parallel_loop3A_218 = tpu.bitcast %parallel_loop3A_217 : vector<16xi32> -> vector<16xf32>
        %parallel_loop3A_219 = arith.constant 0 : i32
        %parallel_loop3A_220 = vector.broadcast %parallel_loop3A_219 : i32 to vector<16x1xi32>
        %parallel_loop3A_221 = arith.constant 1 : i32
        %parallel_loop3A_222 = vector.broadcast %parallel_loop3A_221 : i32 to vector<16x1xi32>
        %parallel_loop3A_223 = vector.shape_cast %parallel_loop3A_220 : vector<16x1xi32> to vector<16xi32>
        %parallel_loop3A_224 = tpu.dynamic_gather %parallel_loop3A_206[%parallel_loop3A_223] in [0] : vector<16xf32>, vector<16xi32> -> vector<16xf32>
        %parallel_loop3A_225 = vector.shape_cast %parallel_loop3A_222 : vector<16x1xi32> to vector<16xi32>
        %parallel_loop3A_226 = tpu.dynamic_gather %parallel_loop3A_206[%parallel_loop3A_225] in [0] : vector<16xf32>, vector<16xi32> -> vector<16xf32>
        %parallel_loop3A_227 = arith.mulf %parallel_loop3A_224, %parallel_loop3A_214 : vector<16xf32>
        %parallel_loop3A_228 = arith.addf %parallel_loop3A_191, %parallel_loop3A_227 : vector<16xf32>
        %parallel_loop3A_229 = arith.mulf %parallel_loop3A_226, %parallel_loop3A_218 : vector<16xf32>
        %parallel_loop3A_230 = arith.addf %parallel_loop3A_193, %parallel_loop3A_229 : vector<16xf32>
        %parallel_loop3A_231 = arith.index_cast %parallel_loop3A_189 : i32 to index
        %parallel_loop3A_232 = arith.constant 16 : index
        %parallel_loop3A_233 = tpu.vector_load %arg15[%parallel_loop3A_231, %parallel_loop3A_232] {strides = array<i32>} : memref<64x272xi32, #tpu.memory_space<vmem>>, vector<1x16xi32>,
        %parallel_loop3A_234 = vector.shape_cast %parallel_loop3A_233 : vector<1x16xi32> to vector<16xi32>
        %parallel_loop3A_235 = arith.constant 16 : i32
        %parallel_loop3A_236 = vector.broadcast %parallel_loop3A_235 : i32 to vector<16xi32>
        %parallel_loop3A_237 = arith.shli %parallel_loop3A_234, %parallel_loop3A_236 : vector<16xi32>
        %parallel_loop3A_238 = tpu.bitcast %parallel_loop3A_237 : vector<16xi32> -> vector<16xf32>
        %parallel_loop3A_239 = arith.constant -65536 : i32
        %parallel_loop3A_240 = vector.broadcast %parallel_loop3A_239 : i32 to vector<16xi32>
        %parallel_loop3A_241 = arith.andi %parallel_loop3A_234, %parallel_loop3A_240 : vector<16xi32>
        %parallel_loop3A_242 = tpu.bitcast %parallel_loop3A_241 : vector<16xi32> -> vector<16xf32>
        %parallel_loop3A_243 = arith.constant 2 : i32
        %parallel_loop3A_244 = vector.broadcast %parallel_loop3A_243 : i32 to vector<16x1xi32>
        %parallel_loop3A_245 = arith.constant 3 : i32
        %parallel_loop3A_246 = vector.broadcast %parallel_loop3A_245 : i32 to vector<16x1xi32>
        %parallel_loop3A_247 = vector.shape_cast %parallel_loop3A_244 : vector<16x1xi32> to vector<16xi32>
        %parallel_loop3A_248 = tpu.dynamic_gather %parallel_loop3A_206[%parallel_loop3A_247] in [0] : vector<16xf32>, vector<16xi32> -> vector<16xf32>
        %parallel_loop3A_249 = vector.shape_cast %parallel_loop3A_246 : vector<16x1xi32> to vector<16xi32>
        %parallel_loop3A_250 = tpu.dynamic_gather %parallel_loop3A_206[%parallel_loop3A_249] in [0] : vector<16xf32>, vector<16xi32> -> vector<16xf32>
        %parallel_loop3A_251 = arith.mulf %parallel_loop3A_248, %parallel_loop3A_238 : vector<16xf32>
        %parallel_loop3A_252 = arith.addf %parallel_loop3A_195, %parallel_loop3A_251 : vector<16xf32>
        %parallel_loop3A_253 = arith.mulf %parallel_loop3A_250, %parallel_loop3A_242 : vector<16xf32>
        %parallel_loop3A_254 = arith.addf %parallel_loop3A_197, %parallel_loop3A_253 : vector<16xf32>
        %parallel_loop3A_255 = arith.index_cast %parallel_loop3A_189 : i32 to index
        %parallel_loop3A_256 = arith.constant 32 : index
        %parallel_loop3A_257 = tpu.vector_load %arg15[%parallel_loop3A_255, %parallel_loop3A_256] {strides = array<i32>} : memref<64x272xi32, #tpu.memory_space<vmem>>, vector<1x16xi32>,
        %parallel_loop3A_258 = vector.shape_cast %parallel_loop3A_257 : vector<1x16xi32> to vector<16xi32>
        %parallel_loop3A_259 = arith.constant 16 : i32
        %parallel_loop3A_260 = vector.broadcast %parallel_loop3A_259 : i32 to vector<16xi32>
        %parallel_loop3A_261 = arith.shli %parallel_loop3A_258, %parallel_loop3A_260 : vector<16xi32>
        %parallel_loop3A_262 = tpu.bitcast %parallel_loop3A_261 : vector<16xi32> -> vector<16xf32>
        %parallel_loop3A_263 = arith.constant -65536 : i32
        %parallel_loop3A_264 = vector.broadcast %parallel_loop3A_263 : i32 to vector<16xi32>
        %parallel_loop3A_265 = arith.andi %parallel_loop3A_258, %parallel_loop3A_264 : vector<16xi32>
        %parallel_loop3A_266 = tpu.bitcast %parallel_loop3A_265 : vector<16xi32> -> vector<16xf32>
        %parallel_loop3A_267 = arith.constant 4 : i32
        %parallel_loop3A_268 = vector.broadcast %parallel_loop3A_267 : i32 to vector<16x1xi32>
        %parallel_loop3A_269 = arith.constant 5 : i32
        %parallel_loop3A_270 = vector.broadcast %parallel_loop3A_269 : i32 to vector<16x1xi32>
        %parallel_loop3A_271 = vector.shape_cast %parallel_loop3A_268 : vector<16x1xi32> to vector<16xi32>
        %parallel_loop3A_272 = tpu.dynamic_gather %parallel_loop3A_206[%parallel_loop3A_271] in [0] : vector<16xf32>, vector<16xi32> -> vector<16xf32>
        %parallel_loop3A_273 = vector.shape_cast %parallel_loop3A_270 : vector<16x1xi32> to vector<16xi32>
        %parallel_loop3A_274 = tpu.dynamic_gather %parallel_loop3A_206[%parallel_loop3A_273] in [0] : vector<16xf32>, vector<16xi32> -> vector<16xf32>
        %parallel_loop3A_275 = arith.mulf %parallel_loop3A_272, %parallel_loop3A_262 : vector<16xf32>
        %parallel_loop3A_276 = arith.addf %parallel_loop3A_228, %parallel_loop3A_275 : vector<16xf32>
        %parallel_loop3A_277 = arith.mulf %parallel_loop3A_274, %parallel_loop3A_266 : vector<16xf32>
        %parallel_loop3A_278 = arith.addf %parallel_loop3A_230, %parallel_loop3A_277 : vector<16xf32>
        %parallel_loop3A_279 = arith.index_cast %parallel_loop3A_189 : i32 to index
        %parallel_loop3A_280 = arith.constant 48 : index
        %parallel_loop3A_281 = tpu.vector_load %arg15[%parallel_loop3A_279, %parallel_loop3A_280] {strides = array<i32>} : memref<64x272xi32, #tpu.memory_space<vmem>>, vector<1x16xi32>,
        %parallel_loop3A_282 = vector.shape_cast %parallel_loop3A_281 : vector<1x16xi32> to vector<16xi32>
        %parallel_loop3A_283 = arith.constant 16 : i32
        %parallel_loop3A_284 = vector.broadcast %parallel_loop3A_283 : i32 to vector<16xi32>
        %parallel_loop3A_285 = arith.shli %parallel_loop3A_282, %parallel_loop3A_284 : vector<16xi32>
        %parallel_loop3A_286 = tpu.bitcast %parallel_loop3A_285 : vector<16xi32> -> vector<16xf32>
        %parallel_loop3A_287 = arith.constant -65536 : i32
        %parallel_loop3A_288 = vector.broadcast %parallel_loop3A_287 : i32 to vector<16xi32>
        %parallel_loop3A_289 = arith.andi %parallel_loop3A_282, %parallel_loop3A_288 : vector<16xi32>
        %parallel_loop3A_290 = tpu.bitcast %parallel_loop3A_289 : vector<16xi32> -> vector<16xf32>
        %parallel_loop3A_291 = arith.constant 6 : i32
        %parallel_loop3A_292 = vector.broadcast %parallel_loop3A_291 : i32 to vector<16x1xi32>
        %parallel_loop3A_293 = arith.constant 7 : i32
        %parallel_loop3A_294 = vector.broadcast %parallel_loop3A_293 : i32 to vector<16x1xi32>
        %parallel_loop3A_295 = vector.shape_cast %parallel_loop3A_292 : vector<16x1xi32> to vector<16xi32>
        %parallel_loop3A_296 = tpu.dynamic_gather %parallel_loop3A_206[%parallel_loop3A_295] in [0] : vector<16xf32>, vector<16xi32> -> vector<16xf32>
        %parallel_loop3A_297 = vector.shape_cast %parallel_loop3A_294 : vector<16x1xi32> to vector<16xi32>
        %parallel_loop3A_298 = tpu.dynamic_gather %parallel_loop3A_206[%parallel_loop3A_297] in [0] : vector<16xf32>, vector<16xi32> -> vector<16xf32>
        %parallel_loop3A_299 = arith.mulf %parallel_loop3A_296, %parallel_loop3A_286 : vector<16xf32>
        %parallel_loop3A_300 = arith.addf %parallel_loop3A_252, %parallel_loop3A_299 : vector<16xf32>
        %parallel_loop3A_301 = arith.mulf %parallel_loop3A_298, %parallel_loop3A_290 : vector<16xf32>
        %parallel_loop3A_302 = arith.addf %parallel_loop3A_254, %parallel_loop3A_301 : vector<16xf32>
        %parallel_loop3A_303 = arith.index_cast %parallel_loop3A_189 : i32 to index
        %parallel_loop3A_304 = arith.constant 64 : index
        %parallel_loop3A_305 = tpu.vector_load %arg15[%parallel_loop3A_303, %parallel_loop3A_304] {strides = array<i32>} : memref<64x272xi32, #tpu.memory_space<vmem>>, vector<1x16xi32>,
        %parallel_loop3A_306 = vector.shape_cast %parallel_loop3A_305 : vector<1x16xi32> to vector<16xi32>
        %parallel_loop3A_307 = arith.constant 16 : i32
        %parallel_loop3A_308 = vector.broadcast %parallel_loop3A_307 : i32 to vector<16xi32>
        %parallel_loop3A_309 = arith.shli %parallel_loop3A_306, %parallel_loop3A_308 : vector<16xi32>
        %parallel_loop3A_310 = tpu.bitcast %parallel_loop3A_309 : vector<16xi32> -> vector<16xf32>
        %parallel_loop3A_311 = arith.constant -65536 : i32
        %parallel_loop3A_312 = vector.broadcast %parallel_loop3A_311 : i32 to vector<16xi32>
        %parallel_loop3A_313 = arith.andi %parallel_loop3A_306, %parallel_loop3A_312 : vector<16xi32>
        %parallel_loop3A_314 = tpu.bitcast %parallel_loop3A_313 : vector<16xi32> -> vector<16xf32>
        %parallel_loop3A_315 = arith.constant 8 : i32
        %parallel_loop3A_316 = vector.broadcast %parallel_loop3A_315 : i32 to vector<16x1xi32>
        %parallel_loop3A_317 = arith.constant 9 : i32
        %parallel_loop3A_318 = vector.broadcast %parallel_loop3A_317 : i32 to vector<16x1xi32>
        %parallel_loop3A_319 = vector.shape_cast %parallel_loop3A_316 : vector<16x1xi32> to vector<16xi32>
        %parallel_loop3A_320 = tpu.dynamic_gather %parallel_loop3A_206[%parallel_loop3A_319] in [0] : vector<16xf32>, vector<16xi32> -> vector<16xf32>
        %parallel_loop3A_321 = vector.shape_cast %parallel_loop3A_318 : vector<16x1xi32> to vector<16xi32>
        %parallel_loop3A_322 = tpu.dynamic_gather %parallel_loop3A_206[%parallel_loop3A_321] in [0] : vector<16xf32>, vector<16xi32> -> vector<16xf32>
        %parallel_loop3A_323 = arith.mulf %parallel_loop3A_320, %parallel_loop3A_310 : vector<16xf32>
        %parallel_loop3A_324 = arith.addf %parallel_loop3A_276, %parallel_loop3A_323 : vector<16xf32>
        %parallel_loop3A_325 = arith.mulf %parallel_loop3A_322, %parallel_loop3A_314 : vector<16xf32>
        %parallel_loop3A_326 = arith.addf %parallel_loop3A_278, %parallel_loop3A_325 : vector<16xf32>
        %parallel_loop3A_327 = arith.index_cast %parallel_loop3A_189 : i32 to index
        %parallel_loop3A_328 = arith.constant 80 : index
        %parallel_loop3A_329 = tpu.vector_load %arg15[%parallel_loop3A_327, %parallel_loop3A_328] {strides = array<i32>} : memref<64x272xi32, #tpu.memory_space<vmem>>, vector<1x16xi32>,
        %parallel_loop3A_330 = vector.shape_cast %parallel_loop3A_329 : vector<1x16xi32> to vector<16xi32>
        %parallel_loop3A_331 = arith.constant 16 : i32
        %parallel_loop3A_332 = vector.broadcast %parallel_loop3A_331 : i32 to vector<16xi32>
        %parallel_loop3A_333 = arith.shli %parallel_loop3A_330, %parallel_loop3A_332 : vector<16xi32>
        %parallel_loop3A_334 = tpu.bitcast %parallel_loop3A_333 : vector<16xi32> -> vector<16xf32>
        %parallel_loop3A_335 = arith.constant -65536 : i32
        %parallel_loop3A_336 = vector.broadcast %parallel_loop3A_335 : i32 to vector<16xi32>
        %parallel_loop3A_337 = arith.andi %parallel_loop3A_330, %parallel_loop3A_336 : vector<16xi32>
        %parallel_loop3A_338 = tpu.bitcast %parallel_loop3A_337 : vector<16xi32> -> vector<16xf32>
        %parallel_loop3A_339 = arith.constant 10 : i32
        %parallel_loop3A_340 = vector.broadcast %parallel_loop3A_339 : i32 to vector<16x1xi32>
        %parallel_loop3A_341 = arith.constant 11 : i32
        %parallel_loop3A_342 = vector.broadcast %parallel_loop3A_341 : i32 to vector<16x1xi32>
        %parallel_loop3A_343 = vector.shape_cast %parallel_loop3A_340 : vector<16x1xi32> to vector<16xi32>
        %parallel_loop3A_344 = tpu.dynamic_gather %parallel_loop3A_206[%parallel_loop3A_343] in [0] : vector<16xf32>, vector<16xi32> -> vector<16xf32>
        %parallel_loop3A_345 = vector.shape_cast %parallel_loop3A_342 : vector<16x1xi32> to vector<16xi32>
        %parallel_loop3A_346 = tpu.dynamic_gather %parallel_loop3A_206[%parallel_loop3A_345] in [0] : vector<16xf32>, vector<16xi32> -> vector<16xf32>
        %parallel_loop3A_347 = arith.mulf %parallel_loop3A_344, %parallel_loop3A_334 : vector<16xf32>
        %parallel_loop3A_348 = arith.addf %parallel_loop3A_300, %parallel_loop3A_347 : vector<16xf32>
        %parallel_loop3A_349 = arith.mulf %parallel_loop3A_346, %parallel_loop3A_338 : vector<16xf32>
        %parallel_loop3A_350 = arith.addf %parallel_loop3A_302, %parallel_loop3A_349 : vector<16xf32>
        %parallel_loop3A_351 = arith.index_cast %parallel_loop3A_189 : i32 to index
        %parallel_loop3A_352 = arith.constant 96 : index
        %parallel_loop3A_353 = tpu.vector_load %arg15[%parallel_loop3A_351, %parallel_loop3A_352] {strides = array<i32>} : memref<64x272xi32, #tpu.memory_space<vmem>>, vector<1x16xi32>,
        %parallel_loop3A_354 = vector.shape_cast %parallel_loop3A_353 : vector<1x16xi32> to vector<16xi32>
        %parallel_loop3A_355 = arith.constant 16 : i32
        %parallel_loop3A_356 = vector.broadcast %parallel_loop3A_355 : i32 to vector<16xi32>
        %parallel_loop3A_357 = arith.shli %parallel_loop3A_354, %parallel_loop3A_356 : vector<16xi32>
        %parallel_loop3A_358 = tpu.bitcast %parallel_loop3A_357 : vector<16xi32> -> vector<16xf32>
        %parallel_loop3A_359 = arith.constant -65536 : i32
        %parallel_loop3A_360 = vector.broadcast %parallel_loop3A_359 : i32 to vector<16xi32>
        %parallel_loop3A_361 = arith.andi %parallel_loop3A_354, %parallel_loop3A_360 : vector<16xi32>
        %parallel_loop3A_362 = tpu.bitcast %parallel_loop3A_361 : vector<16xi32> -> vector<16xf32>
        %parallel_loop3A_363 = arith.constant 12 : i32
        %parallel_loop3A_364 = vector.broadcast %parallel_loop3A_363 : i32 to vector<16x1xi32>
        %parallel_loop3A_365 = arith.constant 13 : i32
        %parallel_loop3A_366 = vector.broadcast %parallel_loop3A_365 : i32 to vector<16x1xi32>
        %parallel_loop3A_367 = vector.shape_cast %parallel_loop3A_364 : vector<16x1xi32> to vector<16xi32>
        %parallel_loop3A_368 = tpu.dynamic_gather %parallel_loop3A_206[%parallel_loop3A_367] in [0] : vector<16xf32>, vector<16xi32> -> vector<16xf32>
        %parallel_loop3A_369 = vector.shape_cast %parallel_loop3A_366 : vector<16x1xi32> to vector<16xi32>
        %parallel_loop3A_370 = tpu.dynamic_gather %parallel_loop3A_206[%parallel_loop3A_369] in [0] : vector<16xf32>, vector<16xi32> -> vector<16xf32>
        %parallel_loop3A_371 = arith.mulf %parallel_loop3A_368, %parallel_loop3A_358 : vector<16xf32>
        %parallel_loop3A_372 = arith.addf %parallel_loop3A_324, %parallel_loop3A_371 : vector<16xf32>
        %parallel_loop3A_373 = arith.mulf %parallel_loop3A_370, %parallel_loop3A_362 : vector<16xf32>
        %parallel_loop3A_374 = arith.addf %parallel_loop3A_326, %parallel_loop3A_373 : vector<16xf32>
        %parallel_loop3A_375 = arith.index_cast %parallel_loop3A_189 : i32 to index
        %parallel_loop3A_376 = arith.constant 112 : index
        %parallel_loop3A_377 = tpu.vector_load %arg15[%parallel_loop3A_375, %parallel_loop3A_376] {strides = array<i32>} : memref<64x272xi32, #tpu.memory_space<vmem>>, vector<1x16xi32>,
        %parallel_loop3A_378 = vector.shape_cast %parallel_loop3A_377 : vector<1x16xi32> to vector<16xi32>
        %parallel_loop3A_379 = arith.constant 16 : i32
        %parallel_loop3A_380 = vector.broadcast %parallel_loop3A_379 : i32 to vector<16xi32>
        %parallel_loop3A_381 = arith.shli %parallel_loop3A_378, %parallel_loop3A_380 : vector<16xi32>
        %parallel_loop3A_382 = tpu.bitcast %parallel_loop3A_381 : vector<16xi32> -> vector<16xf32>
        %parallel_loop3A_383 = arith.constant -65536 : i32
        %parallel_loop3A_384 = vector.broadcast %parallel_loop3A_383 : i32 to vector<16xi32>
        %parallel_loop3A_385 = arith.andi %parallel_loop3A_378, %parallel_loop3A_384 : vector<16xi32>
        %parallel_loop3A_386 = tpu.bitcast %parallel_loop3A_385 : vector<16xi32> -> vector<16xf32>
        %parallel_loop3A_387 = arith.constant 14 : i32
        %parallel_loop3A_388 = vector.broadcast %parallel_loop3A_387 : i32 to vector<16x1xi32>
        %parallel_loop3A_389 = arith.constant 15 : i32
        %parallel_loop3A_390 = vector.broadcast %parallel_loop3A_389 : i32 to vector<16x1xi32>
        %parallel_loop3A_391 = vector.shape_cast %parallel_loop3A_388 : vector<16x1xi32> to vector<16xi32>
        %parallel_loop3A_392 = tpu.dynamic_gather %parallel_loop3A_206[%parallel_loop3A_391] in [0] : vector<16xf32>, vector<16xi32> -> vector<16xf32>
        %parallel_loop3A_393 = vector.shape_cast %parallel_loop3A_390 : vector<16x1xi32> to vector<16xi32>
        %parallel_loop3A_394 = tpu.dynamic_gather %parallel_loop3A_206[%parallel_loop3A_393] in [0] : vector<16xf32>, vector<16xi32> -> vector<16xf32>
        %parallel_loop3A_395 = arith.mulf %parallel_loop3A_392, %parallel_loop3A_382 : vector<16xf32>
        %parallel_loop3A_396 = arith.addf %parallel_loop3A_348, %parallel_loop3A_395 : vector<16xf32>
        %parallel_loop3A_397 = arith.mulf %parallel_loop3A_394, %parallel_loop3A_386 : vector<16xf32>
        %parallel_loop3A_398 = arith.addf %parallel_loop3A_350, %parallel_loop3A_397 : vector<16xf32>
        %parallel_loop3A_399 = arith.index_cast %parallel_loop3A_189 : i32 to index
        %parallel_loop3A_400 = arith.constant 16 : index
        %parallel_loop3A_401 = tpu.vector_load %arg11[%parallel_loop3A_399, %parallel_loop3A_400] {strides = array<i32>} : memref<64x48xf32, #tpu.memory_space<vmem>>, vector<1x16xf32>,
        %parallel_loop3A_402 = vector.shape_cast %parallel_loop3A_401 : vector<1x16xf32> to vector<16xf32>
        %parallel_loop3A_403 = arith.index_cast %parallel_loop3A_189 : i32 to index
        %parallel_loop3A_404 = arith.constant 16 : index
        %parallel_loop3A_405 = tpu.vector_load %arg13[%parallel_loop3A_403, %parallel_loop3A_404] {strides = array<i32>} : memref<64x48xf32, #tpu.memory_space<vmem>>, vector<1x16xf32>,
        %parallel_loop3A_406 = vector.shape_cast %parallel_loop3A_405 : vector<1x16xf32> to vector<16xf32>
        %parallel_loop3A_407 = arith.mulf %parallel_loop3A_402, %parallel_loop3A_406 : vector<16xf32>
        %parallel_loop3A_408 = arith.index_cast %parallel_loop3A_189 : i32 to index
        %parallel_loop3A_409 = arith.constant 128 : index
        %parallel_loop3A_410 = tpu.vector_load %arg15[%parallel_loop3A_408, %parallel_loop3A_409] {strides = array<i32>} : memref<64x272xi32, #tpu.memory_space<vmem>>, vector<1x16xi32>,
        %parallel_loop3A_411 = vector.shape_cast %parallel_loop3A_410 : vector<1x16xi32> to vector<16xi32>
        %parallel_loop3A_412 = arith.constant 16 : i32
        %parallel_loop3A_413 = vector.broadcast %parallel_loop3A_412 : i32 to vector<16xi32>
        %parallel_loop3A_414 = arith.shli %parallel_loop3A_411, %parallel_loop3A_413 : vector<16xi32>
        %parallel_loop3A_415 = tpu.bitcast %parallel_loop3A_414 : vector<16xi32> -> vector<16xf32>
        %parallel_loop3A_416 = arith.constant -65536 : i32
        %parallel_loop3A_417 = vector.broadcast %parallel_loop3A_416 : i32 to vector<16xi32>
        %parallel_loop3A_418 = arith.andi %parallel_loop3A_411, %parallel_loop3A_417 : vector<16xi32>
        %parallel_loop3A_419 = tpu.bitcast %parallel_loop3A_418 : vector<16xi32> -> vector<16xf32>
        %parallel_loop3A_420 = arith.constant 0 : i32
        %parallel_loop3A_421 = vector.broadcast %parallel_loop3A_420 : i32 to vector<16x1xi32>
        %parallel_loop3A_422 = arith.constant 1 : i32
        %parallel_loop3A_423 = vector.broadcast %parallel_loop3A_422 : i32 to vector<16x1xi32>
        %parallel_loop3A_424 = vector.shape_cast %parallel_loop3A_421 : vector<16x1xi32> to vector<16xi32>
        %parallel_loop3A_425 = tpu.dynamic_gather %parallel_loop3A_407[%parallel_loop3A_424] in [0] : vector<16xf32>, vector<16xi32> -> vector<16xf32>
        %parallel_loop3A_426 = vector.shape_cast %parallel_loop3A_423 : vector<16x1xi32> to vector<16xi32>
        %parallel_loop3A_427 = tpu.dynamic_gather %parallel_loop3A_407[%parallel_loop3A_426] in [0] : vector<16xf32>, vector<16xi32> -> vector<16xf32>
        %parallel_loop3A_428 = arith.mulf %parallel_loop3A_425, %parallel_loop3A_415 : vector<16xf32>
        %parallel_loop3A_429 = arith.addf %parallel_loop3A_372, %parallel_loop3A_428 : vector<16xf32>
        %parallel_loop3A_430 = arith.mulf %parallel_loop3A_427, %parallel_loop3A_419 : vector<16xf32>
        %parallel_loop3A_431 = arith.addf %parallel_loop3A_374, %parallel_loop3A_430 : vector<16xf32>
        %parallel_loop3A_432 = arith.index_cast %parallel_loop3A_189 : i32 to index
        %parallel_loop3A_433 = arith.constant 144 : index
        %parallel_loop3A_434 = tpu.vector_load %arg15[%parallel_loop3A_432, %parallel_loop3A_433] {strides = array<i32>} : memref<64x272xi32, #tpu.memory_space<vmem>>, vector<1x16xi32>,
        %parallel_loop3A_435 = vector.shape_cast %parallel_loop3A_434 : vector<1x16xi32> to vector<16xi32>
        %parallel_loop3A_436 = arith.constant 16 : i32
        %parallel_loop3A_437 = vector.broadcast %parallel_loop3A_436 : i32 to vector<16xi32>
        %parallel_loop3A_438 = arith.shli %parallel_loop3A_435, %parallel_loop3A_437 : vector<16xi32>
        %parallel_loop3A_439 = tpu.bitcast %parallel_loop3A_438 : vector<16xi32> -> vector<16xf32>
        %parallel_loop3A_440 = arith.constant -65536 : i32
        %parallel_loop3A_441 = vector.broadcast %parallel_loop3A_440 : i32 to vector<16xi32>
        %parallel_loop3A_442 = arith.andi %parallel_loop3A_435, %parallel_loop3A_441 : vector<16xi32>
        %parallel_loop3A_443 = tpu.bitcast %parallel_loop3A_442 : vector<16xi32> -> vector<16xf32>
        %parallel_loop3A_444 = arith.constant 2 : i32
        %parallel_loop3A_445 = vector.broadcast %parallel_loop3A_444 : i32 to vector<16x1xi32>
        %parallel_loop3A_446 = arith.constant 3 : i32
        %parallel_loop3A_447 = vector.broadcast %parallel_loop3A_446 : i32 to vector<16x1xi32>
        %parallel_loop3A_448 = vector.shape_cast %parallel_loop3A_445 : vector<16x1xi32> to vector<16xi32>
        %parallel_loop3A_449 = tpu.dynamic_gather %parallel_loop3A_407[%parallel_loop3A_448] in [0] : vector<16xf32>, vector<16xi32> -> vector<16xf32>
        %parallel_loop3A_450 = vector.shape_cast %parallel_loop3A_447 : vector<16x1xi32> to vector<16xi32>
        %parallel_loop3A_451 = tpu.dynamic_gather %parallel_loop3A_407[%parallel_loop3A_450] in [0] : vector<16xf32>, vector<16xi32> -> vector<16xf32>
        %parallel_loop3A_452 = arith.mulf %parallel_loop3A_449, %parallel_loop3A_439 : vector<16xf32>
        %parallel_loop3A_453 = arith.addf %parallel_loop3A_396, %parallel_loop3A_452 : vector<16xf32>
        %parallel_loop3A_454 = arith.mulf %parallel_loop3A_451, %parallel_loop3A_443 : vector<16xf32>
        %parallel_loop3A_455 = arith.addf %parallel_loop3A_398, %parallel_loop3A_454 : vector<16xf32>
        %parallel_loop3A_456 = arith.index_cast %parallel_loop3A_189 : i32 to index
        %parallel_loop3A_457 = arith.constant 160 : index
        %parallel_loop3A_458 = tpu.vector_load %arg15[%parallel_loop3A_456, %parallel_loop3A_457] {strides = array<i32>} : memref<64x272xi32, #tpu.memory_space<vmem>>, vector<1x16xi32>,
        %parallel_loop3A_459 = vector.shape_cast %parallel_loop3A_458 : vector<1x16xi32> to vector<16xi32>
        %parallel_loop3A_460 = arith.constant 16 : i32
        %parallel_loop3A_461 = vector.broadcast %parallel_loop3A_460 : i32 to vector<16xi32>
        %parallel_loop3A_462 = arith.shli %parallel_loop3A_459, %parallel_loop3A_461 : vector<16xi32>
        %parallel_loop3A_463 = tpu.bitcast %parallel_loop3A_462 : vector<16xi32> -> vector<16xf32>
        %parallel_loop3A_464 = arith.constant -65536 : i32
        %parallel_loop3A_465 = vector.broadcast %parallel_loop3A_464 : i32 to vector<16xi32>
        %parallel_loop3A_466 = arith.andi %parallel_loop3A_459, %parallel_loop3A_465 : vector<16xi32>
        %parallel_loop3A_467 = tpu.bitcast %parallel_loop3A_466 : vector<16xi32> -> vector<16xf32>
        %parallel_loop3A_468 = arith.constant 4 : i32
        %parallel_loop3A_469 = vector.broadcast %parallel_loop3A_468 : i32 to vector<16x1xi32>
        %parallel_loop3A_470 = arith.constant 5 : i32
        %parallel_loop3A_471 = vector.broadcast %parallel_loop3A_470 : i32 to vector<16x1xi32>
        %parallel_loop3A_472 = vector.shape_cast %parallel_loop3A_469 : vector<16x1xi32> to vector<16xi32>
        %parallel_loop3A_473 = tpu.dynamic_gather %parallel_loop3A_407[%parallel_loop3A_472] in [0] : vector<16xf32>, vector<16xi32> -> vector<16xf32>
        %parallel_loop3A_474 = vector.shape_cast %parallel_loop3A_471 : vector<16x1xi32> to vector<16xi32>
        %parallel_loop3A_475 = tpu.dynamic_gather %parallel_loop3A_407[%parallel_loop3A_474] in [0] : vector<16xf32>, vector<16xi32> -> vector<16xf32>
        %parallel_loop3A_476 = arith.mulf %parallel_loop3A_473, %parallel_loop3A_463 : vector<16xf32>
        %parallel_loop3A_477 = arith.addf %parallel_loop3A_429, %parallel_loop3A_476 : vector<16xf32>
        %parallel_loop3A_478 = arith.mulf %parallel_loop3A_475, %parallel_loop3A_467 : vector<16xf32>
        %parallel_loop3A_479 = arith.addf %parallel_loop3A_431, %parallel_loop3A_478 : vector<16xf32>
        %parallel_loop3A_480 = arith.index_cast %parallel_loop3A_189 : i32 to index
        %parallel_loop3A_481 = arith.constant 176 : index
        %parallel_loop3A_482 = tpu.vector_load %arg15[%parallel_loop3A_480, %parallel_loop3A_481] {strides = array<i32>} : memref<64x272xi32, #tpu.memory_space<vmem>>, vector<1x16xi32>,
        %parallel_loop3A_483 = vector.shape_cast %parallel_loop3A_482 : vector<1x16xi32> to vector<16xi32>
        %parallel_loop3A_484 = arith.constant 16 : i32
        %parallel_loop3A_485 = vector.broadcast %parallel_loop3A_484 : i32 to vector<16xi32>
        %parallel_loop3A_486 = arith.shli %parallel_loop3A_483, %parallel_loop3A_485 : vector<16xi32>
        %parallel_loop3A_487 = tpu.bitcast %parallel_loop3A_486 : vector<16xi32> -> vector<16xf32>
        %parallel_loop3A_488 = arith.constant -65536 : i32
        %parallel_loop3A_489 = vector.broadcast %parallel_loop3A_488 : i32 to vector<16xi32>
        %parallel_loop3A_490 = arith.andi %parallel_loop3A_483, %parallel_loop3A_489 : vector<16xi32>
        %parallel_loop3A_491 = tpu.bitcast %parallel_loop3A_490 : vector<16xi32> -> vector<16xf32>
        %parallel_loop3A_492 = arith.constant 6 : i32
        %parallel_loop3A_493 = vector.broadcast %parallel_loop3A_492 : i32 to vector<16x1xi32>
        %parallel_loop3A_494 = arith.constant 7 : i32
        %parallel_loop3A_495 = vector.broadcast %parallel_loop3A_494 : i32 to vector<16x1xi32>
        %parallel_loop3A_496 = vector.shape_cast %parallel_loop3A_493 : vector<16x1xi32> to vector<16xi32>
        %parallel_loop3A_497 = tpu.dynamic_gather %parallel_loop3A_407[%parallel_loop3A_496] in [0] : vector<16xf32>, vector<16xi32> -> vector<16xf32>
        %parallel_loop3A_498 = vector.shape_cast %parallel_loop3A_495 : vector<16x1xi32> to vector<16xi32>
        %parallel_loop3A_499 = tpu.dynamic_gather %parallel_loop3A_407[%parallel_loop3A_498] in [0] : vector<16xf32>, vector<16xi32> -> vector<16xf32>
        %parallel_loop3A_500 = arith.mulf %parallel_loop3A_497, %parallel_loop3A_487 : vector<16xf32>
        %parallel_loop3A_501 = arith.addf %parallel_loop3A_453, %parallel_loop3A_500 : vector<16xf32>
        %parallel_loop3A_502 = arith.mulf %parallel_loop3A_499, %parallel_loop3A_491 : vector<16xf32>
        %parallel_loop3A_503 = arith.addf %parallel_loop3A_455, %parallel_loop3A_502 : vector<16xf32>
        %parallel_loop3A_504 = arith.index_cast %parallel_loop3A_189 : i32 to index
        %parallel_loop3A_505 = arith.constant 192 : index
        %parallel_loop3A_506 = tpu.vector_load %arg15[%parallel_loop3A_504, %parallel_loop3A_505] {strides = array<i32>} : memref<64x272xi32, #tpu.memory_space<vmem>>, vector<1x16xi32>,
        %parallel_loop3A_507 = vector.shape_cast %parallel_loop3A_506 : vector<1x16xi32> to vector<16xi32>
        %parallel_loop3A_508 = arith.constant 16 : i32
        %parallel_loop3A_509 = vector.broadcast %parallel_loop3A_508 : i32 to vector<16xi32>
        %parallel_loop3A_510 = arith.shli %parallel_loop3A_507, %parallel_loop3A_509 : vector<16xi32>
        %parallel_loop3A_511 = tpu.bitcast %parallel_loop3A_510 : vector<16xi32> -> vector<16xf32>
        %parallel_loop3A_512 = arith.constant -65536 : i32
        %parallel_loop3A_513 = vector.broadcast %parallel_loop3A_512 : i32 to vector<16xi32>
        %parallel_loop3A_514 = arith.andi %parallel_loop3A_507, %parallel_loop3A_513 : vector<16xi32>
        %parallel_loop3A_515 = tpu.bitcast %parallel_loop3A_514 : vector<16xi32> -> vector<16xf32>
        %parallel_loop3A_516 = arith.constant 8 : i32
        %parallel_loop3A_517 = vector.broadcast %parallel_loop3A_516 : i32 to vector<16x1xi32>
        %parallel_loop3A_518 = arith.constant 9 : i32
        %parallel_loop3A_519 = vector.broadcast %parallel_loop3A_518 : i32 to vector<16x1xi32>
        %parallel_loop3A_520 = vector.shape_cast %parallel_loop3A_517 : vector<16x1xi32> to vector<16xi32>
        %parallel_loop3A_521 = tpu.dynamic_gather %parallel_loop3A_407[%parallel_loop3A_520] in [0] : vector<16xf32>, vector<16xi32> -> vector<16xf32>
        %parallel_loop3A_522 = vector.shape_cast %parallel_loop3A_519 : vector<16x1xi32> to vector<16xi32>
        %parallel_loop3A_523 = tpu.dynamic_gather %parallel_loop3A_407[%parallel_loop3A_522] in [0] : vector<16xf32>, vector<16xi32> -> vector<16xf32>
        %parallel_loop3A_524 = arith.mulf %parallel_loop3A_521, %parallel_loop3A_511 : vector<16xf32>
        %parallel_loop3A_525 = arith.addf %parallel_loop3A_477, %parallel_loop3A_524 : vector<16xf32>
        %parallel_loop3A_526 = arith.mulf %parallel_loop3A_523, %parallel_loop3A_515 : vector<16xf32>
        %parallel_loop3A_527 = arith.addf %parallel_loop3A_479, %parallel_loop3A_526 : vector<16xf32>
        %parallel_loop3A_528 = arith.index_cast %parallel_loop3A_189 : i32 to index
        %parallel_loop3A_529 = arith.constant 208 : index
        %parallel_loop3A_530 = tpu.vector_load %arg15[%parallel_loop3A_528, %parallel_loop3A_529] {strides = array<i32>} : memref<64x272xi32, #tpu.memory_space<vmem>>, vector<1x16xi32>,
        %parallel_loop3A_531 = vector.shape_cast %parallel_loop3A_530 : vector<1x16xi32> to vector<16xi32>
        %parallel_loop3A_532 = arith.constant 16 : i32
        %parallel_loop3A_533 = vector.broadcast %parallel_loop3A_532 : i32 to vector<16xi32>
        %parallel_loop3A_534 = arith.shli %parallel_loop3A_531, %parallel_loop3A_533 : vector<16xi32>
        %parallel_loop3A_535 = tpu.bitcast %parallel_loop3A_534 : vector<16xi32> -> vector<16xf32>
        %parallel_loop3A_536 = arith.constant -65536 : i32
        %parallel_loop3A_537 = vector.broadcast %parallel_loop3A_536 : i32 to vector<16xi32>
        %parallel_loop3A_538 = arith.andi %parallel_loop3A_531, %parallel_loop3A_537 : vector<16xi32>
        %parallel_loop3A_539 = tpu.bitcast %parallel_loop3A_538 : vector<16xi32> -> vector<16xf32>
        %parallel_loop3A_540 = arith.constant 10 : i32
        %parallel_loop3A_541 = vector.broadcast %parallel_loop3A_540 : i32 to vector<16x1xi32>
        %parallel_loop3A_542 = arith.constant 11 : i32
        %parallel_loop3A_543 = vector.broadcast %parallel_loop3A_542 : i32 to vector<16x1xi32>
        %parallel_loop3A_544 = vector.shape_cast %parallel_loop3A_541 : vector<16x1xi32> to vector<16xi32>
        %parallel_loop3A_545 = tpu.dynamic_gather %parallel_loop3A_407[%parallel_loop3A_544] in [0] : vector<16xf32>, vector<16xi32> -> vector<16xf32>
        %parallel_loop3A_546 = vector.shape_cast %parallel_loop3A_543 : vector<16x1xi32> to vector<16xi32>
        %parallel_loop3A_547 = tpu.dynamic_gather %parallel_loop3A_407[%parallel_loop3A_546] in [0] : vector<16xf32>, vector<16xi32> -> vector<16xf32>
        %parallel_loop3A_548 = arith.mulf %parallel_loop3A_545, %parallel_loop3A_535 : vector<16xf32>
        %parallel_loop3A_549 = arith.addf %parallel_loop3A_501, %parallel_loop3A_548 : vector<16xf32>
        %parallel_loop3A_550 = arith.mulf %parallel_loop3A_547, %parallel_loop3A_539 : vector<16xf32>
        %parallel_loop3A_551 = arith.addf %parallel_loop3A_503, %parallel_loop3A_550 : vector<16xf32>
        %parallel_loop3A_552 = arith.index_cast %parallel_loop3A_189 : i32 to index
        %parallel_loop3A_553 = arith.constant 224 : index
        %parallel_loop3A_554 = tpu.vector_load %arg15[%parallel_loop3A_552, %parallel_loop3A_553] {strides = array<i32>} : memref<64x272xi32, #tpu.memory_space<vmem>>, vector<1x16xi32>,
        %parallel_loop3A_555 = vector.shape_cast %parallel_loop3A_554 : vector<1x16xi32> to vector<16xi32>
        %parallel_loop3A_556 = arith.constant 16 : i32
        %parallel_loop3A_557 = vector.broadcast %parallel_loop3A_556 : i32 to vector<16xi32>
        %parallel_loop3A_558 = arith.shli %parallel_loop3A_555, %parallel_loop3A_557 : vector<16xi32>
        %parallel_loop3A_559 = tpu.bitcast %parallel_loop3A_558 : vector<16xi32> -> vector<16xf32>
        %parallel_loop3A_560 = arith.constant -65536 : i32
        %parallel_loop3A_561 = vector.broadcast %parallel_loop3A_560 : i32 to vector<16xi32>
        %parallel_loop3A_562 = arith.andi %parallel_loop3A_555, %parallel_loop3A_561 : vector<16xi32>
        %parallel_loop3A_563 = tpu.bitcast %parallel_loop3A_562 : vector<16xi32> -> vector<16xf32>
        %parallel_loop3A_564 = arith.constant 12 : i32
        %parallel_loop3A_565 = vector.broadcast %parallel_loop3A_564 : i32 to vector<16x1xi32>
        %parallel_loop3A_566 = arith.constant 13 : i32
        %parallel_loop3A_567 = vector.broadcast %parallel_loop3A_566 : i32 to vector<16x1xi32>
        %parallel_loop3A_568 = vector.shape_cast %parallel_loop3A_565 : vector<16x1xi32> to vector<16xi32>
        %parallel_loop3A_569 = tpu.dynamic_gather %parallel_loop3A_407[%parallel_loop3A_568] in [0] : vector<16xf32>, vector<16xi32> -> vector<16xf32>
        %parallel_loop3A_570 = vector.shape_cast %parallel_loop3A_567 : vector<16x1xi32> to vector<16xi32>
        %parallel_loop3A_571 = tpu.dynamic_gather %parallel_loop3A_407[%parallel_loop3A_570] in [0] : vector<16xf32>, vector<16xi32> -> vector<16xf32>
        %parallel_loop3A_572 = arith.mulf %parallel_loop3A_569, %parallel_loop3A_559 : vector<16xf32>
        %parallel_loop3A_573 = arith.addf %parallel_loop3A_525, %parallel_loop3A_572 : vector<16xf32>
        %parallel_loop3A_574 = arith.mulf %parallel_loop3A_571, %parallel_loop3A_563 : vector<16xf32>
        %parallel_loop3A_575 = arith.addf %parallel_loop3A_527, %parallel_loop3A_574 : vector<16xf32>
        %parallel_loop3A_576 = arith.index_cast %parallel_loop3A_189 : i32 to index
        %parallel_loop3A_577 = arith.constant 240 : index
        %parallel_loop3A_578 = tpu.vector_load %arg15[%parallel_loop3A_576, %parallel_loop3A_577] {strides = array<i32>} : memref<64x272xi32, #tpu.memory_space<vmem>>, vector<1x16xi32>,
        %parallel_loop3A_579 = vector.shape_cast %parallel_loop3A_578 : vector<1x16xi32> to vector<16xi32>
        %parallel_loop3A_580 = arith.constant 16 : i32
        %parallel_loop3A_581 = vector.broadcast %parallel_loop3A_580 : i32 to vector<16xi32>
        %parallel_loop3A_582 = arith.shli %parallel_loop3A_579, %parallel_loop3A_581 : vector<16xi32>
        %parallel_loop3A_583 = tpu.bitcast %parallel_loop3A_582 : vector<16xi32> -> vector<16xf32>
        %parallel_loop3A_584 = arith.constant -65536 : i32
        %parallel_loop3A_585 = vector.broadcast %parallel_loop3A_584 : i32 to vector<16xi32>
        %parallel_loop3A_586 = arith.andi %parallel_loop3A_579, %parallel_loop3A_585 : vector<16xi32>
        %parallel_loop3A_587 = tpu.bitcast %parallel_loop3A_586 : vector<16xi32> -> vector<16xf32>
        %parallel_loop3A_588 = arith.constant 14 : i32
        %parallel_loop3A_589 = vector.broadcast %parallel_loop3A_588 : i32 to vector<16x1xi32>
        %parallel_loop3A_590 = arith.constant 15 : i32
        %parallel_loop3A_591 = vector.broadcast %parallel_loop3A_590 : i32 to vector<16x1xi32>
        %parallel_loop3A_592 = vector.shape_cast %parallel_loop3A_589 : vector<16x1xi32> to vector<16xi32>
        %parallel_loop3A_593 = tpu.dynamic_gather %parallel_loop3A_407[%parallel_loop3A_592] in [0] : vector<16xf32>, vector<16xi32> -> vector<16xf32>
        %parallel_loop3A_594 = vector.shape_cast %parallel_loop3A_591 : vector<16x1xi32> to vector<16xi32>
        %parallel_loop3A_595 = tpu.dynamic_gather %parallel_loop3A_407[%parallel_loop3A_594] in [0] : vector<16xf32>, vector<16xi32> -> vector<16xf32>
        %parallel_loop3A_596 = arith.mulf %parallel_loop3A_593, %parallel_loop3A_583 : vector<16xf32>
        %parallel_loop3A_597 = arith.addf %parallel_loop3A_549, %parallel_loop3A_596 : vector<16xf32>
        %parallel_loop3A_598 = arith.mulf %parallel_loop3A_595, %parallel_loop3A_587 : vector<16xf32>
        %parallel_loop3A_599 = arith.addf %parallel_loop3A_551, %parallel_loop3A_598 : vector<16xf32>
        %parallel_loop3A_600 = arith.index_cast %parallel_loop3A_189 : i32 to index
        %parallel_loop3A_601 = arith.constant 32 : index
        %parallel_loop3A_602 = tpu.vector_load %arg11[%parallel_loop3A_600, %parallel_loop3A_601] {strides = array<i32>} : memref<64x48xf32, #tpu.memory_space<vmem>>, vector<1x16xf32>,
        %parallel_loop3A_603 = vector.shape_cast %parallel_loop3A_602 : vector<1x16xf32> to vector<16xf32>
        %parallel_loop3A_604 = arith.index_cast %parallel_loop3A_189 : i32 to index
        %parallel_loop3A_605 = arith.constant 32 : index
        %parallel_loop3A_606 = tpu.vector_load %arg13[%parallel_loop3A_604, %parallel_loop3A_605] {strides = array<i32>} : memref<64x48xf32, #tpu.memory_space<vmem>>, vector<1x16xf32>,
        %parallel_loop3A_607 = vector.shape_cast %parallel_loop3A_606 : vector<1x16xf32> to vector<16xf32>
        %parallel_loop3A_608 = arith.mulf %parallel_loop3A_603, %parallel_loop3A_607 : vector<16xf32>
        %parallel_loop3A_609 = arith.index_cast %parallel_loop3A_189 : i32 to index
        %parallel_loop3A_610 = arith.constant 256 : index
        %parallel_loop3A_611 = tpu.vector_load %arg15[%parallel_loop3A_609, %parallel_loop3A_610] {strides = array<i32>} : memref<64x272xi32, #tpu.memory_space<vmem>>, vector<1x16xi32>,
        %parallel_loop3A_612 = vector.shape_cast %parallel_loop3A_611 : vector<1x16xi32> to vector<16xi32>
        %parallel_loop3A_613 = arith.constant 16 : i32
        %parallel_loop3A_614 = vector.broadcast %parallel_loop3A_613 : i32 to vector<16xi32>
        %parallel_loop3A_615 = arith.shli %parallel_loop3A_612, %parallel_loop3A_614 : vector<16xi32>
        %parallel_loop3A_616 = tpu.bitcast %parallel_loop3A_615 : vector<16xi32> -> vector<16xf32>
        %parallel_loop3A_617 = arith.constant -65536 : i32
        %parallel_loop3A_618 = vector.broadcast %parallel_loop3A_617 : i32 to vector<16xi32>
        %parallel_loop3A_619 = arith.andi %parallel_loop3A_612, %parallel_loop3A_618 : vector<16xi32>
        %parallel_loop3A_620 = tpu.bitcast %parallel_loop3A_619 : vector<16xi32> -> vector<16xf32>
        %parallel_loop3A_621 = arith.constant 0 : i32
        %parallel_loop3A_622 = vector.broadcast %parallel_loop3A_621 : i32 to vector<16x1xi32>
        %parallel_loop3A_623 = arith.constant 1 : i32
        %parallel_loop3A_624 = vector.broadcast %parallel_loop3A_623 : i32 to vector<16x1xi32>
        %parallel_loop3A_625 = vector.shape_cast %parallel_loop3A_622 : vector<16x1xi32> to vector<16xi32>
        %parallel_loop3A_626 = tpu.dynamic_gather %parallel_loop3A_608[%parallel_loop3A_625] in [0] : vector<16xf32>, vector<16xi32> -> vector<16xf32>
        %parallel_loop3A_627 = vector.shape_cast %parallel_loop3A_624 : vector<16x1xi32> to vector<16xi32>
        %parallel_loop3A_628 = tpu.dynamic_gather %parallel_loop3A_608[%parallel_loop3A_627] in [0] : vector<16xf32>, vector<16xi32> -> vector<16xf32>
        %parallel_loop3A_629 = arith.mulf %parallel_loop3A_626, %parallel_loop3A_616 : vector<16xf32>
        %parallel_loop3A_630 = arith.addf %parallel_loop3A_573, %parallel_loop3A_629 : vector<16xf32>
        %parallel_loop3A_631 = arith.mulf %parallel_loop3A_628, %parallel_loop3A_620 : vector<16xf32>
        %parallel_loop3A_632 = arith.addf %parallel_loop3A_575, %parallel_loop3A_631 : vector<16xf32>
        %parallel_loop3A_633 = arith.addf %parallel_loop3A_630, %parallel_loop3A_632 : vector<16xf32>
        %parallel_loop3A_634 = arith.addf %parallel_loop3A_597, %parallel_loop3A_599 : vector<16xf32>
        %parallel_loop3A_635 = arith.addf %parallel_loop3A_633, %parallel_loop3A_634 : vector<16xf32>
        %parallel_loop3A_636 = arith.index_cast %parallel_loop3A_189 : i32 to index
        %parallel_loop3A_637 = arith.constant 0 : index
        %parallel_loop3A_638 = tpu.vector_load %arg17[%parallel_loop3A_636, %parallel_loop3A_637] {strides = array<i32>} : memref<64x32xf32, #tpu.memory_space<vmem>>, vector<1x16xf32>,
        %parallel_loop3A_639 = vector.shape_cast %parallel_loop3A_638 : vector<1x16xf32> to vector<16xf32>
        %parallel_loop3A_640 = vector.shape_cast %parallel_loop3A_635 : vector<16xf32> to vector<1x16xf32>
        tpu.vector_store %arg17[%parallel_loop3A_636, %parallel_loop3A_637], %parallel_loop3A_640 {strides = array<i32>} : memref<64x32xf32, #tpu.memory_space<vmem>>, vector<1x16xf32>,
      } {sc.loop_unroll_factor = 4 : i64, sc.parallel_access}
      %dma_start3A_180 = arith.constant 7 : i32
      %dma_start3A_181 = arith.constant 0 : i32
      %dma_start3A_182 = tpu.memref_slice %arg9[%add3A_134, %dma_start3A_181] : memref<84x64xi32, #tpu.memory_space<vmem>> -> memref<1x64xi32, #tpu.memory_space<vmem>>
      %dma_start3A_183 = tpu.memref_squeeze %dma_start3A_182 : memref<1x64xi32, #tpu.memory_space<vmem>> -> memref<64xi32, #tpu.memory_space<vmem>>
      %dma_start3A_184 = arith.constant 0 : i32
      %dma_start3A_185 = arith.constant 0 : i32
      %dma_start3A_186 = tpu.memref_slice %arg19[%dma_start3A_184, %dma_start3A_185] : memref<10240x32xf32, #tpu.memory_space<vmem_shared>> -> memref<10240x32xf32, #tpu.memory_space<vmem_shared>>
      %dma_start3A_187 = tpu.memref_slice %arg20[%dma_start3A_180] : memref<8x!tpu.dma_semaphore, #tpu.memory_space<semaphore_mem>> -> memref<1x!tpu.dma_semaphore, #tpu.memory_space<semaphore_mem>>
      %dma_start3A_188 = tpu.memref_squeeze %dma_start3A_187 : memref<1x!tpu.dma_semaphore, #tpu.memory_space<semaphore_mem>> -> memref<!tpu.dma_semaphore, #tpu.memory_space<semaphore_mem>>
      tpu.enqueue_indirect_dma source(%arg17 : memref<64x32xf32, #tpu.memory_space<vmem>>) target(%dma_start3A_186 : memref<10240x32xf32, #tpu.memory_space<vmem_shared>>) offsets(%dma_start3A_183 : memref<64xi32, #tpu.memory_space<vmem>>) semaphore(%dma_start3A_188 : memref<!tpu.dma_semaphore, #tpu.memory_space<semaphore_mem>>) {add = true}
    }
    %scan3A_52 = arith.constant 42 : i32
    %dma_wait3A = arith.constant 82 : i32
    %dma_wait3A_53 = arith.constant 6 : i32
    %dma_wait3A_54 = arith.constant 0 : i32
    %dma_wait3A_55 = tpu.memref_slice %arg9[%dma_wait3A, %dma_wait3A_54] : memref<84x64xi32, #tpu.memory_space<vmem>> -> memref<1x64xi32, #tpu.memory_space<vmem>>
    %dma_wait3A_56 = tpu.memref_squeeze %dma_wait3A_55 : memref<1x64xi32, #tpu.memory_space<vmem>> -> memref<64xi32, #tpu.memory_space<vmem>>
    %dma_wait3A_57 = arith.constant 0 : i32
    %dma_wait3A_58 = arith.constant 0 : i32
    %dma_wait3A_59 = tpu.memref_slice %arg19[%dma_wait3A_57, %dma_wait3A_58] : memref<10240x32xf32, #tpu.memory_space<vmem_shared>> -> memref<10240x32xf32, #tpu.memory_space<vmem_shared>>
    %dma_wait3A_60 = tpu.memref_slice %arg20[%dma_wait3A_53] : memref<8x!tpu.dma_semaphore, #tpu.memory_space<semaphore_mem>> -> memref<1x!tpu.dma_semaphore, #tpu.memory_space<semaphore_mem>>
    %dma_wait3A_61 = tpu.memref_squeeze %dma_wait3A_60 : memref<1x!tpu.dma_semaphore, #tpu.memory_space<semaphore_mem>> -> memref<!tpu.dma_semaphore, #tpu.memory_space<semaphore_mem>>
    tpu.wait_indirect_dma semaphore(%dma_wait3A_61 : memref<!tpu.dma_semaphore, #tpu.memory_space<semaphore_mem>>) src(%arg16 : memref<64x32xf32, #tpu.memory_space<vmem>>) dst(%dma_wait3A_59 : memref<10240x32xf32, #tpu.memory_space<vmem_shared>>)
    %dma_wait3A_62 = arith.constant 83 : i32
    %dma_wait3A_63 = arith.constant 7 : i32
    %dma_wait3A_64 = arith.constant 0 : i32
    %dma_wait3A_65 = tpu.memref_slice %arg9[%dma_wait3A_62, %dma_wait3A_64] : memref<84x64xi32, #tpu.memory_space<vmem>> -> memref<1x64xi32, #tpu.memory_space<vmem>>
    %dma_wait3A_66 = tpu.memref_squeeze %dma_wait3A_65 : memref<1x64xi32, #tpu.memory_space<vmem>> -> memref<64xi32, #tpu.memory_space<vmem>>
    %dma_wait3A_67 = arith.constant 0 : i32
    %dma_wait3A_68 = arith.constant 0 : i32
    %dma_wait3A_69 = tpu.memref_slice %arg19[%dma_wait3A_67, %dma_wait3A_68] : memref<10240x32xf32, #tpu.memory_space<vmem_shared>> -> memref<10240x32xf32, #tpu.memory_space<vmem_shared>>
    %dma_wait3A_70 = tpu.memref_slice %arg20[%dma_wait3A_63] : memref<8x!tpu.dma_semaphore, #tpu.memory_space<semaphore_mem>> -> memref<1x!tpu.dma_semaphore, #tpu.memory_space<semaphore_mem>>
    %dma_wait3A_71 = tpu.memref_squeeze %dma_wait3A_70 : memref<1x!tpu.dma_semaphore, #tpu.memory_space<semaphore_mem>> -> memref<!tpu.dma_semaphore, #tpu.memory_space<semaphore_mem>>
    tpu.wait_indirect_dma semaphore(%dma_wait3A_71 : memref<!tpu.dma_semaphore, #tpu.memory_space<semaphore_mem>>) src(%arg17 : memref<64x32xf32, #tpu.memory_space<vmem>>) dst(%dma_wait3A_69 : memref<10240x32xf32, #tpu.memory_space<vmem_shared>>)
    %barrier3A_72 = arith.constant 0 : index
    tpu.barrier barrier_id(%barrier3A_72)
    %mul3A_73 = arith.constant 640 : i32
    %mul3A_74 = arith.muli %arg1, %mul3A_73 : i32
    %mul3A_75 = arith.constant 640 : i32
    %mul3A_76 = arith.muli %arg1, %mul3A_75 : i32
    "tpu.region"() ({
      %run_scoped3A = tpu.sem_alloc : memref<!tpu.dma_semaphore, #tpu.memory_space<semaphore_mem>>
      %dma_start3A_77 = arith.constant 0 : i32
      %dma_start3A_78 = tpu.memref_slice %arg7[%arg0, %mul3A_76, %dma_start3A_77] : memref<2x10240x32xf32, #tpu.memory_space<hbm>> -> memref<1x640x32xf32, #tpu.memory_space<hbm>>
      %dma_start3A_79 = tpu.memref_squeeze %dma_start3A_78 : memref<1x640x32xf32, #tpu.memory_space<hbm>> -> memref<640x32xf32, #tpu.memory_space<hbm>>
      %dma_start3A_80 = arith.constant 0 : i32
      %dma_start3A_81 = tpu.memref_slice %arg19[%mul3A_74, %dma_start3A_80] : memref<10240x32xf32, #tpu.memory_space<vmem_shared>> -> memref<640x32xf32, #tpu.memory_space<vmem_shared>>
      tpu.enqueue_dma source(%dma_start3A_81 : memref<640x32xf32, #tpu.memory_space<vmem_shared>>) target(%dma_start3A_79 : memref<640x32xf32, #tpu.memory_space<hbm>>) target_semaphore(%run_scoped3A : memref<!tpu.dma_semaphore, #tpu.memory_space<semaphore_mem>>)
      %dma_wait3A_82 = arith.constant 0 : i32
      %dma_wait3A_83 = tpu.memref_slice %arg7[%arg0, %mul3A_76, %dma_wait3A_82] : memref<2x10240x32xf32, #tpu.memory_space<hbm>> -> memref<1x640x32xf32, #tpu.memory_space<hbm>>
      %dma_wait3A_84 = tpu.memref_squeeze %dma_wait3A_83 : memref<1x640x32xf32, #tpu.memory_space<hbm>> -> memref<640x32xf32, #tpu.memory_space<hbm>>
      %dma_wait3A_85 = arith.constant 0 : i32
      %dma_wait3A_86 = tpu.memref_slice %arg19[%mul3A_74, %dma_wait3A_85] : memref<10240x32xf32, #tpu.memory_space<vmem_shared>> -> memref<640x32xf32, #tpu.memory_space<vmem_shared>>
      tpu.wait_dma2 semaphore(%run_scoped3A : memref<!tpu.dma_semaphore, #tpu.memory_space<semaphore_mem>>) src(%dma_wait3A_86 : memref<640x32xf32, #tpu.memory_space<vmem_shared>>) dst(%dma_wait3A_84 : memref<640x32xf32, #tpu.memory_space<hbm>>)
      tpu.yield
    }) : () -> ()
    return
  }
}

#map = affine_map<(d0, d1) -> (0, 0)>
#map1 = affine_map<(d0, d1) -> (0)>
#map2 = affine_map<(d0, d1) -> (0, 0, 0)>
module attributes {stable_mosaic.version = 14 : i64} {
  func.func @gat_edge_pass_a(%arg0: i32, %arg1: i32, %arg2: memref<1344x128xi32, #tpu.memory_space<hbm>>, %arg3: memref<1344x128xi32, #tpu.memory_space<hbm>>, %arg4: memref<10240x48xf32, #tpu.memory_space<hbm>>, %arg5: memref<10240x48xf32, #tpu.memory_space<hbm>>, %arg6: memref<48xf32, #tpu.memory_space<hbm>>, %arg7: memref<172032x48xf32, #tpu.memory_space<hbm>>, %arg8: memref<2x10240x48xf32, #tpu.memory_space<hbm>>, %arg9: memref<42x128xi32, #tpu.memory_space<vmem>>, %arg10: memref<42x128xi32, #tpu.memory_space<vmem>>, %arg11: memref<128x48xf32, #tpu.memory_space<vmem>>, %arg12: memref<128x48xf32, #tpu.memory_space<vmem>>, %arg13: memref<128x48xf32, #tpu.memory_space<vmem>>, %arg14: memref<128x48xf32, #tpu.memory_space<vmem>>, %arg15: memref<128x48xf32, #tpu.memory_space<vmem>>, %arg16: memref<128x48xf32, #tpu.memory_space<vmem>>, %arg17: memref<48xf32, #tpu.memory_space<vmem>>, %arg18: memref<64x48xf32, #tpu.memory_space<vmem>>, %arg19: memref<10240x48xf32, #tpu.memory_space<vmem_shared>>, %arg20: memref<8x!tpu.dma_semaphore, #tpu.memory_space<semaphore_mem>>) attributes {dimension_semantics = [#tpu.dimension_semantics<core_parallel>, #tpu.dimension_semantics<subcore_parallel>], iteration_bounds = array<i64: 2, 16>, scalar_prefetch = 0 : i64, scratch_operands = 12 : i64, tpu.core_type = #tpu.core_type<sc_vector_subcore>, window_params = [{transform_indices = #map}, {transform_indices = #map}, {transform_indices = #map}, {transform_indices = #map}, {transform_indices = #map1}, {transform_indices = #map}, {transform_indices = #map2}]} {
    %mul3A = arith.constant 16 : i32
    %mul3A_0 = arith.muli %arg0, %mul3A : i32
    %add3A = arith.addi %mul3A_0, %arg1 : i32
    %scan3A = arith.constant 0 : i32
    %scan3A_1 = arith.constant 0 : i32
    %scan3A_2 = arith.constant 64 : i32
    %scan3A_3 = arith.addi %scan3A_1, %scan3A_2 : i32
    %scan3A_4 = arith.constant 1 : i32
    %scan3A_5 = scf.for %scan3A_96 = %scan3A_1 to %scan3A_3 step %scan3A_4 iter_args(%scan3A_97 = %scan3A) -> (i32)  : i32 {
      %broadcast_in_dim3A = arith.constant 0.000000e+00 : f32
      %broadcast_in_dim3A_98 = vector.broadcast %broadcast_in_dim3A : f32 to vector<16xf32>
      %swap3A = arith.index_cast %scan3A_96 : i32 to index
      %swap3A_99 = arith.constant 0 : index
      %swap3A_100 = tpu.vector_load %arg18[%swap3A, %swap3A_99] {strides = array<i32>} : memref<64x48xf32, #tpu.memory_space<vmem>>, vector<1x16xf32>,
      %swap3A_101 = vector.shape_cast %swap3A_100 : vector<1x16xf32> to vector<16xf32>
      %swap3A_102 = vector.shape_cast %broadcast_in_dim3A_98 : vector<16xf32> to vector<1x16xf32>
      tpu.vector_store %arg18[%swap3A, %swap3A_99], %swap3A_102 {strides = array<i32>} : memref<64x48xf32, #tpu.memory_space<vmem>>, vector<1x16xf32>,
      %broadcast_in_dim3A_103 = arith.constant 0.000000e+00 : f32
      %broadcast_in_dim3A_104 = vector.broadcast %broadcast_in_dim3A_103 : f32 to vector<16xf32>
      %swap3A_105 = arith.index_cast %scan3A_96 : i32 to index
      %swap3A_106 = arith.constant 16 : index
      %swap3A_107 = tpu.vector_load %arg18[%swap3A_105, %swap3A_106] {strides = array<i32>} : memref<64x48xf32, #tpu.memory_space<vmem>>, vector<1x16xf32>,
      %swap3A_108 = vector.shape_cast %swap3A_107 : vector<1x16xf32> to vector<16xf32>
      %swap3A_109 = vector.shape_cast %broadcast_in_dim3A_104 : vector<16xf32> to vector<1x16xf32>
      tpu.vector_store %arg18[%swap3A_105, %swap3A_106], %swap3A_109 {strides = array<i32>} : memref<64x48xf32, #tpu.memory_space<vmem>>, vector<1x16xf32>,
      %broadcast_in_dim3A_110 = arith.constant 0.000000e+00 : f32
      %broadcast_in_dim3A_111 = vector.broadcast %broadcast_in_dim3A_110 : f32 to vector<16xf32>
      %swap3A_112 = arith.index_cast %scan3A_96 : i32 to index
      %swap3A_113 = arith.constant 32 : index
      %swap3A_114 = tpu.vector_load %arg18[%swap3A_112, %swap3A_113] {strides = array<i32>} : memref<64x48xf32, #tpu.memory_space<vmem>>, vector<1x16xf32>,
      %swap3A_115 = vector.shape_cast %swap3A_114 : vector<1x16xf32> to vector<16xf32>
      %swap3A_116 = vector.shape_cast %broadcast_in_dim3A_111 : vector<16xf32> to vector<1x16xf32>
      tpu.vector_store %arg18[%swap3A_112, %swap3A_113], %swap3A_116 {strides = array<i32>} : memref<64x48xf32, #tpu.memory_space<vmem>>, vector<1x16xf32>,
      %scan3A_117 = arith.constant 0 : i32
      scf.yield %scan3A_117 : i32
    }
    %scan3A_6 = arith.constant 64 : i32
    %scan3A_7 = arith.constant 0 : i32
    %scan3A_8 = arith.constant 0 : i32
    %scan3A_9 = arith.constant 10 : i32
    %scan3A_10 = arith.addi %scan3A_8, %scan3A_9 : i32
    %scan3A_11 = arith.constant 1 : i32
    %scan3A_12 = scf.for %scan3A_96 = %scan3A_8 to %scan3A_10 step %scan3A_11 iter_args(%scan3A_97 = %scan3A_7) -> (i32)  : i32 {
      %mul3A_98 = arith.constant 640 : i32
      %mul3A_99 = arith.muli %arg1, %mul3A_98 : i32
      %mul3A_100 = arith.constant 64 : i32
      %mul3A_101 = arith.muli %scan3A_96, %mul3A_100 : i32
      %add3A_102 = arith.addi %mul3A_99, %mul3A_101 : i32
      "tpu.region"() ({
        %run_scoped3A = tpu.sem_alloc : memref<!tpu.dma_semaphore, #tpu.memory_space<semaphore_mem>>
        %dma_start3A_104 = arith.constant 0 : i32
        %dma_start3A_105 = tpu.memref_slice %arg19[%add3A_102, %dma_start3A_104] : memref<10240x48xf32, #tpu.memory_space<vmem_shared>> -> memref<64x48xf32, #tpu.memory_space<vmem_shared>>
        %dma_start3A_106 = arith.constant 0 : i32
        %dma_start3A_107 = tpu.memref_slice %arg19[%add3A_102, %dma_start3A_106] : memref<10240x48xf32, #tpu.memory_space<vmem_shared>> -> memref<64x48xf32, #tpu.memory_space<vmem_shared>>
        tpu.enqueue_dma source(%arg18 : memref<64x48xf32, #tpu.memory_space<vmem>>) target(%dma_start3A_107 : memref<64x48xf32, #tpu.memory_space<vmem_shared>>) target_semaphore(%run_scoped3A : memref<!tpu.dma_semaphore, #tpu.memory_space<semaphore_mem>>)
        %dma_wait3A_108 = arith.constant 0 : i32
        %dma_wait3A_109 = tpu.memref_slice %arg19[%add3A_102, %dma_wait3A_108] : memref<10240x48xf32, #tpu.memory_space<vmem_shared>> -> memref<64x48xf32, #tpu.memory_space<vmem_shared>>
        %dma_wait3A_110 = arith.constant 0 : i32
        %dma_wait3A_111 = tpu.memref_slice %arg19[%add3A_102, %dma_wait3A_110] : memref<10240x48xf32, #tpu.memory_space<vmem_shared>> -> memref<64x48xf32, #tpu.memory_space<vmem_shared>>
        tpu.wait_dma2 semaphore(%run_scoped3A : memref<!tpu.dma_semaphore, #tpu.memory_space<semaphore_mem>>) src(%arg18 : memref<64x48xf32, #tpu.memory_space<vmem>>) dst(%dma_wait3A_111 : memref<64x48xf32, #tpu.memory_space<vmem_shared>>)
        tpu.yield
      }) : () -> ()
      %scan3A_103 = arith.constant 0 : i32
      scf.yield %scan3A_103 : i32
    }
    %scan3A_13 = arith.constant 10 : i32
    "tpu.region"() ({
      %run_scoped3A = tpu.sem_alloc : memref<!tpu.dma_semaphore, #tpu.memory_space<semaphore_mem>>
      tpu.enqueue_dma source(%arg6 : memref<48xf32, #tpu.memory_space<hbm>>) target(%arg17 : memref<48xf32, #tpu.memory_space<vmem>>) target_semaphore(%run_scoped3A : memref<!tpu.dma_semaphore, #tpu.memory_space<semaphore_mem>>)
      tpu.wait_dma2 semaphore(%run_scoped3A : memref<!tpu.dma_semaphore, #tpu.memory_space<semaphore_mem>>) src(%arg6 : memref<48xf32, #tpu.memory_space<hbm>>) dst(%arg17 : memref<48xf32, #tpu.memory_space<vmem>>)
      tpu.yield
    }) : () -> ()
    %get3A = arith.constant 0 : index
    %get3A_14 = tpu.vector_load %arg17[%get3A] {strides = array<i32>} : memref<48xf32, #tpu.memory_space<vmem>>, vector<16xf32>,
    %get3A_15 = vector.shape_cast %get3A_14 : vector<16xf32> to vector<16xf32>
    %get3A_16 = arith.constant 16 : index
    %get3A_17 = tpu.vector_load %arg17[%get3A_16] {strides = array<i32>} : memref<48xf32, #tpu.memory_space<vmem>>, vector<16xf32>,
    %get3A_18 = vector.shape_cast %get3A_17 : vector<16xf32> to vector<16xf32>
    %get3A_19 = arith.constant 32 : index
    %get3A_20 = tpu.vector_load %arg17[%get3A_19] {strides = array<i32>} : memref<48xf32, #tpu.memory_space<vmem>>, vector<16xf32>,
    %get3A_21 = vector.shape_cast %get3A_20 : vector<16xf32> to vector<16xf32>
    %mul3A_22 = arith.constant 42 : i32
    %mul3A_23 = arith.muli %add3A, %mul3A_22 : i32
    "tpu.region"() ({
      %run_scoped3A = tpu.sem_alloc : memref<!tpu.dma_semaphore, #tpu.memory_space<semaphore_mem>>
      %dma_start3A_96 = arith.constant 0 : i32
      %dma_start3A_97 = tpu.memref_slice %arg2[%mul3A_23, %dma_start3A_96] : memref<1344x128xi32, #tpu.memory_space<hbm>> -> memref<42x128xi32, #tpu.memory_space<hbm>>
      %dma_start3A_98 = arith.constant 0 : i32
      %dma_start3A_99 = tpu.memref_slice %arg2[%mul3A_23, %dma_start3A_98] : memref<1344x128xi32, #tpu.memory_space<hbm>> -> memref<42x128xi32, #tpu.memory_space<hbm>>
      tpu.enqueue_dma source(%dma_start3A_99 : memref<42x128xi32, #tpu.memory_space<hbm>>) target(%arg9 : memref<42x128xi32, #tpu.memory_space<vmem>>) target_semaphore(%run_scoped3A : memref<!tpu.dma_semaphore, #tpu.memory_space<semaphore_mem>>)
      %dma_wait3A_100 = arith.constant 0 : i32
      %dma_wait3A_101 = tpu.memref_slice %arg2[%mul3A_23, %dma_wait3A_100] : memref<1344x128xi32, #tpu.memory_space<hbm>> -> memref<42x128xi32, #tpu.memory_space<hbm>>
      %dma_wait3A_102 = arith.constant 0 : i32
      %dma_wait3A_103 = tpu.memref_slice %arg2[%mul3A_23, %dma_wait3A_102] : memref<1344x128xi32, #tpu.memory_space<hbm>> -> memref<42x128xi32, #tpu.memory_space<hbm>>
      tpu.wait_dma2 semaphore(%run_scoped3A : memref<!tpu.dma_semaphore, #tpu.memory_space<semaphore_mem>>) src(%dma_wait3A_103 : memref<42x128xi32, #tpu.memory_space<hbm>>) dst(%arg9 : memref<42x128xi32, #tpu.memory_space<vmem>>)
      tpu.yield
    }) : () -> ()
    %mul3A_24 = arith.constant 42 : i32
    %mul3A_25 = arith.muli %add3A, %mul3A_24 : i32
    "tpu.region"() ({
      %run_scoped3A = tpu.sem_alloc : memref<!tpu.dma_semaphore, #tpu.memory_space<semaphore_mem>>
      %dma_start3A_96 = arith.constant 0 : i32
      %dma_start3A_97 = tpu.memref_slice %arg3[%mul3A_25, %dma_start3A_96] : memref<1344x128xi32, #tpu.memory_space<hbm>> -> memref<42x128xi32, #tpu.memory_space<hbm>>
      %dma_start3A_98 = arith.constant 0 : i32
      %dma_start3A_99 = tpu.memref_slice %arg3[%mul3A_25, %dma_start3A_98] : memref<1344x128xi32, #tpu.memory_space<hbm>> -> memref<42x128xi32, #tpu.memory_space<hbm>>
      tpu.enqueue_dma source(%dma_start3A_99 : memref<42x128xi32, #tpu.memory_space<hbm>>) target(%arg10 : memref<42x128xi32, #tpu.memory_space<vmem>>) target_semaphore(%run_scoped3A : memref<!tpu.dma_semaphore, #tpu.memory_space<semaphore_mem>>)
      %dma_wait3A_100 = arith.constant 0 : i32
      %dma_wait3A_101 = tpu.memref_slice %arg3[%mul3A_25, %dma_wait3A_100] : memref<1344x128xi32, #tpu.memory_space<hbm>> -> memref<42x128xi32, #tpu.memory_space<hbm>>
      %dma_wait3A_102 = arith.constant 0 : i32
      %dma_wait3A_103 = tpu.memref_slice %arg3[%mul3A_25, %dma_wait3A_102] : memref<1344x128xi32, #tpu.memory_space<hbm>> -> memref<42x128xi32, #tpu.memory_space<hbm>>
      tpu.wait_dma2 semaphore(%run_scoped3A : memref<!tpu.dma_semaphore, #tpu.memory_space<semaphore_mem>>) src(%dma_wait3A_103 : memref<42x128xi32, #tpu.memory_space<hbm>>) dst(%arg10 : memref<42x128xi32, #tpu.memory_space<vmem>>)
      tpu.yield
    }) : () -> ()
    %barrier3A = arith.constant 0 : index
    tpu.barrier barrier_id(%barrier3A)
    %dma_start3A = arith.constant 0 : i32
    %dma_start3A_26 = arith.constant 0 : i32
    %dma_start3A_27 = arith.constant 0 : i32
    %dma_start3A_28 = tpu.memref_slice %arg9[%dma_start3A, %dma_start3A_27] : memref<42x128xi32, #tpu.memory_space<vmem>> -> memref<1x128xi32, #tpu.memory_space<vmem>>
    %dma_start3A_29 = tpu.memref_squeeze %dma_start3A_28 : memref<1x128xi32, #tpu.memory_space<vmem>> -> memref<128xi32, #tpu.memory_space<vmem>>
    %dma_start3A_30 = arith.constant 0 : i32
    %dma_start3A_31 = arith.constant 0 : i32
    %dma_start3A_32 = tpu.memref_slice %arg4[%dma_start3A_30, %dma_start3A_31] : memref<10240x48xf32, #tpu.memory_space<hbm>> -> memref<10240x48xf32, #tpu.memory_space<hbm>>
    %dma_start3A_33 = tpu.memref_slice %arg20[%dma_start3A_26] : memref<8x!tpu.dma_semaphore, #tpu.memory_space<semaphore_mem>> -> memref<1x!tpu.dma_semaphore, #tpu.memory_space<semaphore_mem>>
    %dma_start3A_34 = tpu.memref_squeeze %dma_start3A_33 : memref<1x!tpu.dma_semaphore, #tpu.memory_space<semaphore_mem>> -> memref<!tpu.dma_semaphore, #tpu.memory_space<semaphore_mem>>
    tpu.enqueue_indirect_dma source(%dma_start3A_32 : memref<10240x48xf32, #tpu.memory_space<hbm>>) target(%arg11 : memref<128x48xf32, #tpu.memory_space<vmem>>) offsets(%dma_start3A_29 : memref<128xi32, #tpu.memory_space<vmem>>) semaphore(%dma_start3A_34 : memref<!tpu.dma_semaphore, #tpu.memory_space<semaphore_mem>>)
    %dma_start3A_35 = arith.constant 0 : i32
    %dma_start3A_36 = arith.constant 2 : i32
    %dma_start3A_37 = arith.constant 0 : i32
    %dma_start3A_38 = tpu.memref_slice %arg10[%dma_start3A_35, %dma_start3A_37] : memref<42x128xi32, #tpu.memory_space<vmem>> -> memref<1x128xi32, #tpu.memory_space<vmem>>
    %dma_start3A_39 = tpu.memref_squeeze %dma_start3A_38 : memref<1x128xi32, #tpu.memory_space<vmem>> -> memref<128xi32, #tpu.memory_space<vmem>>
    %dma_start3A_40 = arith.constant 0 : i32
    %dma_start3A_41 = arith.constant 0 : i32
    %dma_start3A_42 = tpu.memref_slice %arg5[%dma_start3A_40, %dma_start3A_41] : memref<10240x48xf32, #tpu.memory_space<hbm>> -> memref<10240x48xf32, #tpu.memory_space<hbm>>
    %dma_start3A_43 = tpu.memref_slice %arg20[%dma_start3A_36] : memref<8x!tpu.dma_semaphore, #tpu.memory_space<semaphore_mem>> -> memref<1x!tpu.dma_semaphore, #tpu.memory_space<semaphore_mem>>
    %dma_start3A_44 = tpu.memref_squeeze %dma_start3A_43 : memref<1x!tpu.dma_semaphore, #tpu.memory_space<semaphore_mem>> -> memref<!tpu.dma_semaphore, #tpu.memory_space<semaphore_mem>>
    tpu.enqueue_indirect_dma source(%dma_start3A_42 : memref<10240x48xf32, #tpu.memory_space<hbm>>) target(%arg13 : memref<128x48xf32, #tpu.memory_space<vmem>>) offsets(%dma_start3A_39 : memref<128xi32, #tpu.memory_space<vmem>>) semaphore(%dma_start3A_44 : memref<!tpu.dma_semaphore, #tpu.memory_space<semaphore_mem>>)
    %scan3A_45 = arith.constant 0 : i32
    %scan3A_46 = arith.constant 21 : i32
    %scan3A_47 = arith.addi %scan3A_45, %scan3A_46 : i32
    %scan3A_48 = arith.constant 1 : i32
    scf.for %scan3A_96 = %scan3A_45 to %scan3A_47 step %scan3A_48  : i32 {
      %mul3A_97 = arith.constant 2 : i32
      %mul3A_98 = arith.muli %scan3A_96, %mul3A_97 : i32
      %add3A_99 = arith.constant 0 : i32
      %add3A_100 = arith.addi %add3A_99, %mul3A_98 : i32
      %add3A_101 = arith.constant 0 : i32
      %add3A_102 = arith.addi %add3A_100, %add3A_101 : i32
      %add3A_103 = arith.constant 1 : i32
      %add3A_104 = arith.addi %add3A_102, %add3A_103 : i32
      %lt3A = arith.constant 42 : i32
      %lt3A_105 = arith.cmpi slt, %add3A_104, %lt3A : i32
      %convert_element_type3A = arith.extui %lt3A_105 : i1 to i32
      %cond3A = arith.constant 0 : i32
      %cond3A_106 = arith.cmpi ne, %convert_element_type3A, %cond3A : i32
      scf.if %cond3A_106 {
        %add3A_208 = arith.constant 1 : i32
        %add3A_209 = arith.addi %add3A_102, %add3A_208 : i32
        %dma_start3A_210 = arith.constant 1 : i32
        %dma_start3A_211 = arith.constant 0 : i32
        %dma_start3A_212 = tpu.memref_slice %arg9[%add3A_209, %dma_start3A_211] : memref<42x128xi32, #tpu.memory_space<vmem>> -> memref<1x128xi32, #tpu.memory_space<vmem>>
        %dma_start3A_213 = tpu.memref_squeeze %dma_start3A_212 : memref<1x128xi32, #tpu.memory_space<vmem>> -> memref<128xi32, #tpu.memory_space<vmem>>
        %dma_start3A_214 = arith.constant 0 : i32
        %dma_start3A_215 = arith.constant 0 : i32
        %dma_start3A_216 = tpu.memref_slice %arg4[%dma_start3A_214, %dma_start3A_215] : memref<10240x48xf32, #tpu.memory_space<hbm>> -> memref<10240x48xf32, #tpu.memory_space<hbm>>
        %dma_start3A_217 = tpu.memref_slice %arg20[%dma_start3A_210] : memref<8x!tpu.dma_semaphore, #tpu.memory_space<semaphore_mem>> -> memref<1x!tpu.dma_semaphore, #tpu.memory_space<semaphore_mem>>
        %dma_start3A_218 = tpu.memref_squeeze %dma_start3A_217 : memref<1x!tpu.dma_semaphore, #tpu.memory_space<semaphore_mem>> -> memref<!tpu.dma_semaphore, #tpu.memory_space<semaphore_mem>>
        tpu.enqueue_indirect_dma source(%dma_start3A_216 : memref<10240x48xf32, #tpu.memory_space<hbm>>) target(%arg12 : memref<128x48xf32, #tpu.memory_space<vmem>>) offsets(%dma_start3A_213 : memref<128xi32, #tpu.memory_space<vmem>>) semaphore(%dma_start3A_218 : memref<!tpu.dma_semaphore, #tpu.memory_space<semaphore_mem>>)
        %dma_start3A_219 = arith.constant 3 : i32
        %dma_start3A_220 = arith.constant 0 : i32
        %dma_start3A_221 = tpu.memref_slice %arg10[%add3A_209, %dma_start3A_220] : memref<42x128xi32, #tpu.memory_space<vmem>> -> memref<1x128xi32, #tpu.memory_space<vmem>>
        %dma_start3A_222 = tpu.memref_squeeze %dma_start3A_221 : memref<1x128xi32, #tpu.memory_space<vmem>> -> memref<128xi32, #tpu.memory_space<vmem>>
        %dma_start3A_223 = arith.constant 0 : i32
        %dma_start3A_224 = arith.constant 0 : i32
        %dma_start3A_225 = tpu.memref_slice %arg5[%dma_start3A_223, %dma_start3A_224] : memref<10240x48xf32, #tpu.memory_space<hbm>> -> memref<10240x48xf32, #tpu.memory_space<hbm>>
        %dma_start3A_226 = tpu.memref_slice %arg20[%dma_start3A_219] : memref<8x!tpu.dma_semaphore, #tpu.memory_space<semaphore_mem>> -> memref<1x!tpu.dma_semaphore, #tpu.memory_space<semaphore_mem>>
        %dma_start3A_227 = tpu.memref_squeeze %dma_start3A_226 : memref<1x!tpu.dma_semaphore, #tpu.memory_space<semaphore_mem>> -> memref<!tpu.dma_semaphore, #tpu.memory_space<semaphore_mem>>
        tpu.enqueue_indirect_dma source(%dma_start3A_225 : memref<10240x48xf32, #tpu.memory_space<hbm>>) target(%arg14 : memref<128x48xf32, #tpu.memory_space<vmem>>) offsets(%dma_start3A_222 : memref<128xi32, #tpu.memory_space<vmem>>) semaphore(%dma_start3A_227 : memref<!tpu.dma_semaphore, #tpu.memory_space<semaphore_mem>>)
      } else {
      }
      %dma_wait3A_107 = arith.constant 0 : i32
      %dma_wait3A_108 = arith.constant 0 : i32
      %dma_wait3A_109 = tpu.memref_slice %arg9[%add3A_102, %dma_wait3A_108] : memref<42x128xi32, #tpu.memory_space<vmem>> -> memref<1x128xi32, #tpu.memory_space<vmem>>
      %dma_wait3A_110 = tpu.memref_squeeze %dma_wait3A_109 : memref<1x128xi32, #tpu.memory_space<vmem>> -> memref<128xi32, #tpu.memory_space<vmem>>
      %dma_wait3A_111 = arith.constant 0 : i32
      %dma_wait3A_112 = arith.constant 0 : i32
      %dma_wait3A_113 = tpu.memref_slice %arg4[%dma_wait3A_111, %dma_wait3A_112] : memref<10240x48xf32, #tpu.memory_space<hbm>> -> memref<10240x48xf32, #tpu.memory_space<hbm>>
      %dma_wait3A_114 = tpu.memref_slice %arg20[%dma_wait3A_107] : memref<8x!tpu.dma_semaphore, #tpu.memory_space<semaphore_mem>> -> memref<1x!tpu.dma_semaphore, #tpu.memory_space<semaphore_mem>>
      %dma_wait3A_115 = tpu.memref_squeeze %dma_wait3A_114 : memref<1x!tpu.dma_semaphore, #tpu.memory_space<semaphore_mem>> -> memref<!tpu.dma_semaphore, #tpu.memory_space<semaphore_mem>>
      tpu.wait_indirect_dma semaphore(%dma_wait3A_115 : memref<!tpu.dma_semaphore, #tpu.memory_space<semaphore_mem>>) src(%dma_wait3A_113 : memref<10240x48xf32, #tpu.memory_space<hbm>>) dst(%arg11 : memref<128x48xf32, #tpu.memory_space<vmem>>)
      %dma_wait3A_116 = arith.constant 2 : i32
      %dma_wait3A_117 = arith.constant 0 : i32
      %dma_wait3A_118 = tpu.memref_slice %arg10[%add3A_102, %dma_wait3A_117] : memref<42x128xi32, #tpu.memory_space<vmem>> -> memref<1x128xi32, #tpu.memory_space<vmem>>
      %dma_wait3A_119 = tpu.memref_squeeze %dma_wait3A_118 : memref<1x128xi32, #tpu.memory_space<vmem>> -> memref<128xi32, #tpu.memory_space<vmem>>
      %dma_wait3A_120 = arith.constant 0 : i32
      %dma_wait3A_121 = arith.constant 0 : i32
      %dma_wait3A_122 = tpu.memref_slice %arg5[%dma_wait3A_120, %dma_wait3A_121] : memref<10240x48xf32, #tpu.memory_space<hbm>> -> memref<10240x48xf32, #tpu.memory_space<hbm>>
      %dma_wait3A_123 = tpu.memref_slice %arg20[%dma_wait3A_116] : memref<8x!tpu.dma_semaphore, #tpu.memory_space<semaphore_mem>> -> memref<1x!tpu.dma_semaphore, #tpu.memory_space<semaphore_mem>>
      %dma_wait3A_124 = tpu.memref_squeeze %dma_wait3A_123 : memref<1x!tpu.dma_semaphore, #tpu.memory_space<semaphore_mem>> -> memref<!tpu.dma_semaphore, #tpu.memory_space<semaphore_mem>>
      tpu.wait_indirect_dma semaphore(%dma_wait3A_124 : memref<!tpu.dma_semaphore, #tpu.memory_space<semaphore_mem>>) src(%dma_wait3A_122 : memref<10240x48xf32, #tpu.memory_space<hbm>>) dst(%arg13 : memref<128x48xf32, #tpu.memory_space<vmem>>)
      %ge3A = arith.constant 2 : i32
      %ge3A_125 = arith.cmpi sge, %add3A_102, %ge3A : i32
      %convert_element_type3A_126 = arith.extui %ge3A_125 : i1 to i32
      %cond3A_127 = arith.constant 0 : i32
      %cond3A_128 = arith.cmpi ne, %convert_element_type3A_126, %cond3A_127 : i32
      scf.if %cond3A_128 {
        %sub3A = arith.constant 2 : i32
        %sub3A_208 = arith.subi %add3A_102, %sub3A : i32
        %mul3A_209 = arith.constant 5376 : i32
        %mul3A_210 = arith.muli %add3A, %mul3A_209 : i32
        %mul3A_211 = arith.constant 128 : i32
        %mul3A_212 = arith.muli %sub3A_208, %mul3A_211 : i32
        %add3A_213 = arith.addi %mul3A_210, %mul3A_212 : i32
        %dma_wait3A_214 = arith.constant 4 : i32
        %dma_wait3A_215 = arith.constant 0 : i32
        %dma_wait3A_216 = tpu.memref_slice %arg7[%add3A_213, %dma_wait3A_215] : memref<172032x48xf32, #tpu.memory_space<hbm>> -> memref<128x48xf32, #tpu.memory_space<hbm>>
        %dma_wait3A_217 = tpu.memref_slice %arg20[%dma_wait3A_214] : memref<8x!tpu.dma_semaphore, #tpu.memory_space<semaphore_mem>> -> memref<1x!tpu.dma_semaphore, #tpu.memory_space<semaphore_mem>>
        %dma_wait3A_218 = tpu.memref_squeeze %dma_wait3A_217 : memref<1x!tpu.dma_semaphore, #tpu.memory_space<semaphore_mem>> -> memref<!tpu.dma_semaphore, #tpu.memory_space<semaphore_mem>>
        %dma_wait3A_219 = arith.constant 0 : i32
        %dma_wait3A_220 = tpu.memref_slice %arg7[%add3A_213, %dma_wait3A_219] : memref<172032x48xf32, #tpu.memory_space<hbm>> -> memref<128x48xf32, #tpu.memory_space<hbm>>
        tpu.wait_dma2 semaphore(%dma_wait3A_218 : memref<!tpu.dma_semaphore, #tpu.memory_space<semaphore_mem>>) src(%arg15 : memref<128x48xf32, #tpu.memory_space<vmem>>) dst(%dma_wait3A_220 : memref<128x48xf32, #tpu.memory_space<hbm>>)
        %dma_wait3A_221 = arith.constant 6 : i32
        %dma_wait3A_222 = arith.constant 0 : i32
        %dma_wait3A_223 = tpu.memref_slice %arg10[%sub3A_208, %dma_wait3A_222] : memref<42x128xi32, #tpu.memory_space<vmem>> -> memref<1x128xi32, #tpu.memory_space<vmem>>
        %dma_wait3A_224 = tpu.memref_squeeze %dma_wait3A_223 : memref<1x128xi32, #tpu.memory_space<vmem>> -> memref<128xi32, #tpu.memory_space<vmem>>
        %dma_wait3A_225 = arith.constant 0 : i32
        %dma_wait3A_226 = arith.constant 0 : i32
        %dma_wait3A_227 = tpu.memref_slice %arg19[%dma_wait3A_225, %dma_wait3A_226] : memref<10240x48xf32, #tpu.memory_space<vmem_shared>> -> memref<10240x48xf32, #tpu.memory_space<vmem_shared>>
        %dma_wait3A_228 = tpu.memref_slice %arg20[%dma_wait3A_221] : memref<8x!tpu.dma_semaphore, #tpu.memory_space<semaphore_mem>> -> memref<1x!tpu.dma_semaphore, #tpu.memory_space<semaphore_mem>>
        %dma_wait3A_229 = tpu.memref_squeeze %dma_wait3A_228 : memref<1x!tpu.dma_semaphore, #tpu.memory_space<semaphore_mem>> -> memref<!tpu.dma_semaphore, #tpu.memory_space<semaphore_mem>>
        tpu.wait_indirect_dma semaphore(%dma_wait3A_229 : memref<!tpu.dma_semaphore, #tpu.memory_space<semaphore_mem>>) src(%arg15 : memref<128x48xf32, #tpu.memory_space<vmem>>) dst(%dma_wait3A_227 : memref<10240x48xf32, #tpu.memory_space<vmem_shared>>)
      } else {
      }
      %parallel_loop3A = arith.constant 0 : i32
      %parallel_loop3A_129 = arith.constant 128 : i32
      %parallel_loop3A_130 = arith.constant 1 : i32
      scf.for %parallel_loop3A_208 = %parallel_loop3A to %parallel_loop3A_129 step %parallel_loop3A_130  : i32 {
        %parallel_loop3A_209 = arith.index_cast %parallel_loop3A_208 : i32 to index
        %parallel_loop3A_210 = arith.constant 0 : index
        %parallel_loop3A_211 = tpu.vector_load %arg11[%parallel_loop3A_209, %parallel_loop3A_210] {strides = array<i32>} : memref<128x48xf32, #tpu.memory_space<vmem>>, vector<1x16xf32>,
        %parallel_loop3A_212 = vector.shape_cast %parallel_loop3A_211 : vector<1x16xf32> to vector<16xf32>
        %parallel_loop3A_213 = arith.index_cast %parallel_loop3A_208 : i32 to index
        %parallel_loop3A_214 = arith.constant 0 : index
        %parallel_loop3A_215 = tpu.vector_load %arg13[%parallel_loop3A_213, %parallel_loop3A_214] {strides = array<i32>} : memref<128x48xf32, #tpu.memory_space<vmem>>, vector<1x16xf32>,
        %parallel_loop3A_216 = vector.shape_cast %parallel_loop3A_215 : vector<1x16xf32> to vector<16xf32>
        %parallel_loop3A_217 = arith.addf %parallel_loop3A_212, %parallel_loop3A_216 : vector<16xf32>
        %parallel_loop3A_218 = arith.constant 2.000000e-01 : f32
        %parallel_loop3A_219 = vector.broadcast %parallel_loop3A_218 : f32 to vector<16xf32>
        %parallel_loop3A_220 = arith.mulf %parallel_loop3A_219, %parallel_loop3A_217 : vector<16xf32>
        %parallel_loop3A_221 = arith.maximumf %parallel_loop3A_217, %parallel_loop3A_220 : vector<16xf32>
        %parallel_loop3A_222 = arith.index_cast %parallel_loop3A_208 : i32 to index
        %parallel_loop3A_223 = arith.constant 0 : index
        %parallel_loop3A_224 = tpu.vector_load %arg13[%parallel_loop3A_222, %parallel_loop3A_223] {strides = array<i32>} : memref<128x48xf32, #tpu.memory_space<vmem>>, vector<1x16xf32>,
        %parallel_loop3A_225 = vector.shape_cast %parallel_loop3A_224 : vector<1x16xf32> to vector<16xf32>
        %parallel_loop3A_226 = arith.addf %get3A_15, %parallel_loop3A_225 : vector<16xf32>
        %parallel_loop3A_227 = arith.constant 2.000000e-01 : f32
        %parallel_loop3A_228 = vector.broadcast %parallel_loop3A_227 : f32 to vector<16xf32>
        %parallel_loop3A_229 = arith.mulf %parallel_loop3A_228, %parallel_loop3A_226 : vector<16xf32>
        %parallel_loop3A_230 = arith.maximumf %parallel_loop3A_226, %parallel_loop3A_229 : vector<16xf32>
        %parallel_loop3A_231 = arith.subf %parallel_loop3A_221, %parallel_loop3A_230 : vector<16xf32>
        %parallel_loop3A_232 = math.exp %parallel_loop3A_231 : vector<16xf32>
        %parallel_loop3A_233 = arith.index_cast %parallel_loop3A_208 : i32 to index
        %parallel_loop3A_234 = arith.constant 0 : index
        %parallel_loop3A_235 = tpu.vector_load %arg15[%parallel_loop3A_233, %parallel_loop3A_234] {strides = array<i32>} : memref<128x48xf32, #tpu.memory_space<vmem>>, vector<1x16xf32>,
        %parallel_loop3A_236 = vector.shape_cast %parallel_loop3A_235 : vector<1x16xf32> to vector<16xf32>
        %parallel_loop3A_237 = vector.shape_cast %parallel_loop3A_232 : vector<16xf32> to vector<1x16xf32>
        tpu.vector_store %arg15[%parallel_loop3A_233, %parallel_loop3A_234], %parallel_loop3A_237 {strides = array<i32>} : memref<128x48xf32, #tpu.memory_space<vmem>>, vector<1x16xf32>,
        %parallel_loop3A_238 = arith.index_cast %parallel_loop3A_208 : i32 to index
        %parallel_loop3A_239 = arith.constant 16 : index
        %parallel_loop3A_240 = tpu.vector_load %arg11[%parallel_loop3A_238, %parallel_loop3A_239] {strides = array<i32>} : memref<128x48xf32, #tpu.memory_space<vmem>>, vector<1x16xf32>,
        %parallel_loop3A_241 = vector.shape_cast %parallel_loop3A_240 : vector<1x16xf32> to vector<16xf32>
        %parallel_loop3A_242 = arith.index_cast %parallel_loop3A_208 : i32 to index
        %parallel_loop3A_243 = arith.constant 16 : index
        %parallel_loop3A_244 = tpu.vector_load %arg13[%parallel_loop3A_242, %parallel_loop3A_243] {strides = array<i32>} : memref<128x48xf32, #tpu.memory_space<vmem>>, vector<1x16xf32>,
        %parallel_loop3A_245 = vector.shape_cast %parallel_loop3A_244 : vector<1x16xf32> to vector<16xf32>
        %parallel_loop3A_246 = arith.addf %parallel_loop3A_241, %parallel_loop3A_245 : vector<16xf32>
        %parallel_loop3A_247 = arith.constant 2.000000e-01 : f32
        %parallel_loop3A_248 = vector.broadcast %parallel_loop3A_247 : f32 to vector<16xf32>
        %parallel_loop3A_249 = arith.mulf %parallel_loop3A_248, %parallel_loop3A_246 : vector<16xf32>
        %parallel_loop3A_250 = arith.maximumf %parallel_loop3A_246, %parallel_loop3A_249 : vector<16xf32>
        %parallel_loop3A_251 = arith.index_cast %parallel_loop3A_208 : i32 to index
        %parallel_loop3A_252 = arith.constant 16 : index
        %parallel_loop3A_253 = tpu.vector_load %arg13[%parallel_loop3A_251, %parallel_loop3A_252] {strides = array<i32>} : memref<128x48xf32, #tpu.memory_space<vmem>>, vector<1x16xf32>,
        %parallel_loop3A_254 = vector.shape_cast %parallel_loop3A_253 : vector<1x16xf32> to vector<16xf32>
        %parallel_loop3A_255 = arith.addf %get3A_18, %parallel_loop3A_254 : vector<16xf32>
        %parallel_loop3A_256 = arith.constant 2.000000e-01 : f32
        %parallel_loop3A_257 = vector.broadcast %parallel_loop3A_256 : f32 to vector<16xf32>
        %parallel_loop3A_258 = arith.mulf %parallel_loop3A_257, %parallel_loop3A_255 : vector<16xf32>
        %parallel_loop3A_259 = arith.maximumf %parallel_loop3A_255, %parallel_loop3A_258 : vector<16xf32>
        %parallel_loop3A_260 = arith.subf %parallel_loop3A_250, %parallel_loop3A_259 : vector<16xf32>
        %parallel_loop3A_261 = math.exp %parallel_loop3A_260 : vector<16xf32>
        %parallel_loop3A_262 = arith.index_cast %parallel_loop3A_208 : i32 to index
        %parallel_loop3A_263 = arith.constant 16 : index
        %parallel_loop3A_264 = tpu.vector_load %arg15[%parallel_loop3A_262, %parallel_loop3A_263] {strides = array<i32>} : memref<128x48xf32, #tpu.memory_space<vmem>>, vector<1x16xf32>,
        %parallel_loop3A_265 = vector.shape_cast %parallel_loop3A_264 : vector<1x16xf32> to vector<16xf32>
        %parallel_loop3A_266 = vector.shape_cast %parallel_loop3A_261 : vector<16xf32> to vector<1x16xf32>
        tpu.vector_store %arg15[%parallel_loop3A_262, %parallel_loop3A_263], %parallel_loop3A_266 {strides = array<i32>} : memref<128x48xf32, #tpu.memory_space<vmem>>, vector<1x16xf32>,
        %parallel_loop3A_267 = arith.index_cast %parallel_loop3A_208 : i32 to index
        %parallel_loop3A_268 = arith.constant 32 : index
        %parallel_loop3A_269 = tpu.vector_load %arg11[%parallel_loop3A_267, %parallel_loop3A_268] {strides = array<i32>} : memref<128x48xf32, #tpu.memory_space<vmem>>, vector<1x16xf32>,
        %parallel_loop3A_270 = vector.shape_cast %parallel_loop3A_269 : vector<1x16xf32> to vector<16xf32>
        %parallel_loop3A_271 = arith.index_cast %parallel_loop3A_208 : i32 to index
        %parallel_loop3A_272 = arith.constant 32 : index
        %parallel_loop3A_273 = tpu.vector_load %arg13[%parallel_loop3A_271, %parallel_loop3A_272] {strides = array<i32>} : memref<128x48xf32, #tpu.memory_space<vmem>>, vector<1x16xf32>,
        %parallel_loop3A_274 = vector.shape_cast %parallel_loop3A_273 : vector<1x16xf32> to vector<16xf32>
        %parallel_loop3A_275 = arith.addf %parallel_loop3A_270, %parallel_loop3A_274 : vector<16xf32>
        %parallel_loop3A_276 = arith.constant 2.000000e-01 : f32
        %parallel_loop3A_277 = vector.broadcast %parallel_loop3A_276 : f32 to vector<16xf32>
        %parallel_loop3A_278 = arith.mulf %parallel_loop3A_277, %parallel_loop3A_275 : vector<16xf32>
        %parallel_loop3A_279 = arith.maximumf %parallel_loop3A_275, %parallel_loop3A_278 : vector<16xf32>
        %parallel_loop3A_280 = arith.index_cast %parallel_loop3A_208 : i32 to index
        %parallel_loop3A_281 = arith.constant 32 : index
        %parallel_loop3A_282 = tpu.vector_load %arg13[%parallel_loop3A_280, %parallel_loop3A_281] {strides = array<i32>} : memref<128x48xf32, #tpu.memory_space<vmem>>, vector<1x16xf32>,
        %parallel_loop3A_283 = vector.shape_cast %parallel_loop3A_282 : vector<1x16xf32> to vector<16xf32>
        %parallel_loop3A_284 = arith.addf %get3A_21, %parallel_loop3A_283 : vector<16xf32>
        %parallel_loop3A_285 = arith.constant 2.000000e-01 : f32
        %parallel_loop3A_286 = vector.broadcast %parallel_loop3A_285 : f32 to vector<16xf32>
        %parallel_loop3A_287 = arith.mulf %parallel_loop3A_286, %parallel_loop3A_284 : vector<16xf32>
        %parallel_loop3A_288 = arith.maximumf %parallel_loop3A_284, %parallel_loop3A_287 : vector<16xf32>
        %parallel_loop3A_289 = arith.subf %parallel_loop3A_279, %parallel_loop3A_288 : vector<16xf32>
        %parallel_loop3A_290 = math.exp %parallel_loop3A_289 : vector<16xf32>
        %parallel_loop3A_291 = arith.index_cast %parallel_loop3A_208 : i32 to index
        %parallel_loop3A_292 = arith.constant 32 : index
        %parallel_loop3A_293 = tpu.vector_load %arg15[%parallel_loop3A_291, %parallel_loop3A_292] {strides = array<i32>} : memref<128x48xf32, #tpu.memory_space<vmem>>, vector<1x16xf32>,
        %parallel_loop3A_294 = vector.shape_cast %parallel_loop3A_293 : vector<1x16xf32> to vector<16xf32>
        %parallel_loop3A_295 = vector.shape_cast %parallel_loop3A_290 : vector<16xf32> to vector<1x16xf32>
        tpu.vector_store %arg15[%parallel_loop3A_291, %parallel_loop3A_292], %parallel_loop3A_295 {strides = array<i32>} : memref<128x48xf32, #tpu.memory_space<vmem>>, vector<1x16xf32>,
      } {sc.loop_unroll_factor = 2 : i64, sc.parallel_access}
      %mul3A_131 = arith.constant 5376 : i32
      %mul3A_132 = arith.muli %add3A, %mul3A_131 : i32
      %mul3A_133 = arith.constant 128 : i32
      %mul3A_134 = arith.muli %add3A_102, %mul3A_133 : i32
      %add3A_135 = arith.addi %mul3A_132, %mul3A_134 : i32
      %dma_start3A_136 = arith.constant 4 : i32
      %dma_start3A_137 = arith.constant 0 : i32
      %dma_start3A_138 = tpu.memref_slice %arg7[%add3A_135, %dma_start3A_137] : memref<172032x48xf32, #tpu.memory_space<hbm>> -> memref<128x48xf32, #tpu.memory_space<hbm>>
      %dma_start3A_139 = tpu.memref_slice %arg20[%dma_start3A_136] : memref<8x!tpu.dma_semaphore, #tpu.memory_space<semaphore_mem>> -> memref<1x!tpu.dma_semaphore, #tpu.memory_space<semaphore_mem>>
      %dma_start3A_140 = tpu.memref_squeeze %dma_start3A_139 : memref<1x!tpu.dma_semaphore, #tpu.memory_space<semaphore_mem>> -> memref<!tpu.dma_semaphore, #tpu.memory_space<semaphore_mem>>
      %dma_start3A_141 = arith.constant 0 : i32
      %dma_start3A_142 = tpu.memref_slice %arg7[%add3A_135, %dma_start3A_141] : memref<172032x48xf32, #tpu.memory_space<hbm>> -> memref<128x48xf32, #tpu.memory_space<hbm>>
      tpu.enqueue_dma source(%arg15 : memref<128x48xf32, #tpu.memory_space<vmem>>) target(%dma_start3A_142 : memref<128x48xf32, #tpu.memory_space<hbm>>) target_semaphore(%dma_start3A_140 : memref<!tpu.dma_semaphore, #tpu.memory_space<semaphore_mem>>)
      %dma_start3A_143 = arith.constant 6 : i32
      %dma_start3A_144 = arith.constant 0 : i32
      %dma_start3A_145 = tpu.memref_slice %arg10[%add3A_102, %dma_start3A_144] : memref<42x128xi32, #tpu.memory_space<vmem>> -> memref<1x128xi32, #tpu.memory_space<vmem>>
      %dma_start3A_146 = tpu.memref_squeeze %dma_start3A_145 : memref<1x128xi32, #tpu.memory_space<vmem>> -> memref<128xi32, #tpu.memory_space<vmem>>
      %dma_start3A_147 = arith.constant 0 : i32
      %dma_start3A_148 = arith.constant 0 : i32
      %dma_start3A_149 = tpu.memref_slice %arg19[%dma_start3A_147, %dma_start3A_148] : memref<10240x48xf32, #tpu.memory_space<vmem_shared>> -> memref<10240x48xf32, #tpu.memory_space<vmem_shared>>
      %dma_start3A_150 = tpu.memref_slice %arg20[%dma_start3A_143] : memref<8x!tpu.dma_semaphore, #tpu.memory_space<semaphore_mem>> -> memref<1x!tpu.dma_semaphore, #tpu.memory_space<semaphore_mem>>
      %dma_start3A_151 = tpu.memref_squeeze %dma_start3A_150 : memref<1x!tpu.dma_semaphore, #tpu.memory_space<semaphore_mem>> -> memref<!tpu.dma_semaphore, #tpu.memory_space<semaphore_mem>>
      tpu.enqueue_indirect_dma source(%arg15 : memref<128x48xf32, #tpu.memory_space<vmem>>) target(%dma_start3A_149 : memref<10240x48xf32, #tpu.memory_space<vmem_shared>>) offsets(%dma_start3A_146 : memref<128xi32, #tpu.memory_space<vmem>>) semaphore(%dma_start3A_151 : memref<!tpu.dma_semaphore, #tpu.memory_space<semaphore_mem>>) {add = true}
      %add3A_152 = arith.constant 1 : i32
      %add3A_153 = arith.addi %add3A_100, %add3A_152 : i32
      %add3A_154 = arith.constant 1 : i32
      %add3A_155 = arith.addi %add3A_153, %add3A_154 : i32
      %lt3A_156 = arith.constant 42 : i32
      %lt3A_157 = arith.cmpi slt, %add3A_155, %lt3A_156 : i32
      %convert_element_type3A_158 = arith.extui %lt3A_157 : i1 to i32
      %cond3A_159 = arith.constant 0 : i32
      %cond3A_160 = arith.cmpi ne, %convert_element_type3A_158, %cond3A_159 : i32
      scf.if %cond3A_160 {
        %add3A_208 = arith.constant 1 : i32
        %add3A_209 = arith.addi %add3A_153, %add3A_208 : i32
        %dma_start3A_210 = arith.constant 0 : i32
        %dma_start3A_211 = arith.constant 0 : i32
        %dma_start3A_212 = tpu.memref_slice %arg9[%add3A_209, %dma_start3A_211] : memref<42x128xi32, #tpu.memory_space<vmem>> -> memref<1x128xi32, #tpu.memory_space<vmem>>
        %dma_start3A_213 = tpu.memref_squeeze %dma_start3A_212 : memref<1x128xi32, #tpu.memory_space<vmem>> -> memref<128xi32, #tpu.memory_space<vmem>>
        %dma_start3A_214 = arith.constant 0 : i32
        %dma_start3A_215 = arith.constant 0 : i32
        %dma_start3A_216 = tpu.memref_slice %arg4[%dma_start3A_214, %dma_start3A_215] : memref<10240x48xf32, #tpu.memory_space<hbm>> -> memref<10240x48xf32, #tpu.memory_space<hbm>>
        %dma_start3A_217 = tpu.memref_slice %arg20[%dma_start3A_210] : memref<8x!tpu.dma_semaphore, #tpu.memory_space<semaphore_mem>> -> memref<1x!tpu.dma_semaphore, #tpu.memory_space<semaphore_mem>>
        %dma_start3A_218 = tpu.memref_squeeze %dma_start3A_217 : memref<1x!tpu.dma_semaphore, #tpu.memory_space<semaphore_mem>> -> memref<!tpu.dma_semaphore, #tpu.memory_space<semaphore_mem>>
        tpu.enqueue_indirect_dma source(%dma_start3A_216 : memref<10240x48xf32, #tpu.memory_space<hbm>>) target(%arg11 : memref<128x48xf32, #tpu.memory_space<vmem>>) offsets(%dma_start3A_213 : memref<128xi32, #tpu.memory_space<vmem>>) semaphore(%dma_start3A_218 : memref<!tpu.dma_semaphore, #tpu.memory_space<semaphore_mem>>)
        %dma_start3A_219 = arith.constant 2 : i32
        %dma_start3A_220 = arith.constant 0 : i32
        %dma_start3A_221 = tpu.memref_slice %arg10[%add3A_209, %dma_start3A_220] : memref<42x128xi32, #tpu.memory_space<vmem>> -> memref<1x128xi32, #tpu.memory_space<vmem>>
        %dma_start3A_222 = tpu.memref_squeeze %dma_start3A_221 : memref<1x128xi32, #tpu.memory_space<vmem>> -> memref<128xi32, #tpu.memory_space<vmem>>
        %dma_start3A_223 = arith.constant 0 : i32
        %dma_start3A_224 = arith.constant 0 : i32
        %dma_start3A_225 = tpu.memref_slice %arg5[%dma_start3A_223, %dma_start3A_224] : memref<10240x48xf32, #tpu.memory_space<hbm>> -> memref<10240x48xf32, #tpu.memory_space<hbm>>
        %dma_start3A_226 = tpu.memref_slice %arg20[%dma_start3A_219] : memref<8x!tpu.dma_semaphore, #tpu.memory_space<semaphore_mem>> -> memref<1x!tpu.dma_semaphore, #tpu.memory_space<semaphore_mem>>
        %dma_start3A_227 = tpu.memref_squeeze %dma_start3A_226 : memref<1x!tpu.dma_semaphore, #tpu.memory_space<semaphore_mem>> -> memref<!tpu.dma_semaphore, #tpu.memory_space<semaphore_mem>>
        tpu.enqueue_indirect_dma source(%dma_start3A_225 : memref<10240x48xf32, #tpu.memory_space<hbm>>) target(%arg13 : memref<128x48xf32, #tpu.memory_space<vmem>>) offsets(%dma_start3A_222 : memref<128xi32, #tpu.memory_space<vmem>>) semaphore(%dma_start3A_227 : memref<!tpu.dma_semaphore, #tpu.memory_space<semaphore_mem>>)
      } else {
      }
      %dma_wait3A_161 = arith.constant 1 : i32
      %dma_wait3A_162 = arith.constant 0 : i32
      %dma_wait3A_163 = tpu.memref_slice %arg9[%add3A_153, %dma_wait3A_162] : memref<42x128xi32, #tpu.memory_space<vmem>> -> memref<1x128xi32, #tpu.memory_space<vmem>>
      %dma_wait3A_164 = tpu.memref_squeeze %dma_wait3A_163 : memref<1x128xi32, #tpu.memory_space<vmem>> -> memref<128xi32, #tpu.memory_space<vmem>>
      %dma_wait3A_165 = arith.constant 0 : i32
      %dma_wait3A_166 = arith.constant 0 : i32
      %dma_wait3A_167 = tpu.memref_slice %arg4[%dma_wait3A_165, %dma_wait3A_166] : memref<10240x48xf32, #tpu.memory_space<hbm>> -> memref<10240x48xf32, #tpu.memory_space<hbm>>
      %dma_wait3A_168 = tpu.memref_slice %arg20[%dma_wait3A_161] : memref<8x!tpu.dma_semaphore, #tpu.memory_space<semaphore_mem>> -> memref<1x!tpu.dma_semaphore, #tpu.memory_space<semaphore_mem>>
      %dma_wait3A_169 = tpu.memref_squeeze %dma_wait3A_168 : memref<1x!tpu.dma_semaphore, #tpu.memory_space<semaphore_mem>> -> memref<!tpu.dma_semaphore, #tpu.memory_space<semaphore_mem>>
      tpu.wait_indirect_dma semaphore(%dma_wait3A_169 : memref<!tpu.dma_semaphore, #tpu.memory_space<semaphore_mem>>) src(%dma_wait3A_167 : memref<10240x48xf32, #tpu.memory_space<hbm>>) dst(%arg12 : memref<128x48xf32, #tpu.memory_space<vmem>>)
      %dma_wait3A_170 = arith.constant 3 : i32
      %dma_wait3A_171 = arith.constant 0 : i32
      %dma_wait3A_172 = tpu.memref_slice %arg10[%add3A_153, %dma_wait3A_171] : memref<42x128xi32, #tpu.memory_space<vmem>> -> memref<1x128xi32, #tpu.memory_space<vmem>>
      %dma_wait3A_173 = tpu.memref_squeeze %dma_wait3A_172 : memref<1x128xi32, #tpu.memory_space<vmem>> -> memref<128xi32, #tpu.memory_space<vmem>>
      %dma_wait3A_174 = arith.constant 0 : i32
      %dma_wait3A_175 = arith.constant 0 : i32
      %dma_wait3A_176 = tpu.memref_slice %arg5[%dma_wait3A_174, %dma_wait3A_175] : memref<10240x48xf32, #tpu.memory_space<hbm>> -> memref<10240x48xf32, #tpu.memory_space<hbm>>
      %dma_wait3A_177 = tpu.memref_slice %arg20[%dma_wait3A_170] : memref<8x!tpu.dma_semaphore, #tpu.memory_space<semaphore_mem>> -> memref<1x!tpu.dma_semaphore, #tpu.memory_space<semaphore_mem>>
      %dma_wait3A_178 = tpu.memref_squeeze %dma_wait3A_177 : memref<1x!tpu.dma_semaphore, #tpu.memory_space<semaphore_mem>> -> memref<!tpu.dma_semaphore, #tpu.memory_space<semaphore_mem>>
      tpu.wait_indirect_dma semaphore(%dma_wait3A_178 : memref<!tpu.dma_semaphore, #tpu.memory_space<semaphore_mem>>) src(%dma_wait3A_176 : memref<10240x48xf32, #tpu.memory_space<hbm>>) dst(%arg14 : memref<128x48xf32, #tpu.memory_space<vmem>>)
      %ge3A_179 = arith.constant 2 : i32
      %ge3A_180 = arith.cmpi sge, %add3A_153, %ge3A_179 : i32
      %convert_element_type3A_181 = arith.extui %ge3A_180 : i1 to i32
      %cond3A_182 = arith.constant 0 : i32
      %cond3A_183 = arith.cmpi ne, %convert_element_type3A_181, %cond3A_182 : i32
      scf.if %cond3A_183 {
        %sub3A = arith.constant 2 : i32
        %sub3A_208 = arith.subi %add3A_153, %sub3A : i32
        %mul3A_209 = arith.constant 5376 : i32
        %mul3A_210 = arith.muli %add3A, %mul3A_209 : i32
        %mul3A_211 = arith.constant 128 : i32
        %mul3A_212 = arith.muli %sub3A_208, %mul3A_211 : i32
        %add3A_213 = arith.addi %mul3A_210, %mul3A_212 : i32
        %dma_wait3A_214 = arith.constant 5 : i32
        %dma_wait3A_215 = arith.constant 0 : i32
        %dma_wait3A_216 = tpu.memref_slice %arg7[%add3A_213, %dma_wait3A_215] : memref<172032x48xf32, #tpu.memory_space<hbm>> -> memref<128x48xf32, #tpu.memory_space<hbm>>
        %dma_wait3A_217 = tpu.memref_slice %arg20[%dma_wait3A_214] : memref<8x!tpu.dma_semaphore, #tpu.memory_space<semaphore_mem>> -> memref<1x!tpu.dma_semaphore, #tpu.memory_space<semaphore_mem>>
        %dma_wait3A_218 = tpu.memref_squeeze %dma_wait3A_217 : memref<1x!tpu.dma_semaphore, #tpu.memory_space<semaphore_mem>> -> memref<!tpu.dma_semaphore, #tpu.memory_space<semaphore_mem>>
        %dma_wait3A_219 = arith.constant 0 : i32
        %dma_wait3A_220 = tpu.memref_slice %arg7[%add3A_213, %dma_wait3A_219] : memref<172032x48xf32, #tpu.memory_space<hbm>> -> memref<128x48xf32, #tpu.memory_space<hbm>>
        tpu.wait_dma2 semaphore(%dma_wait3A_218 : memref<!tpu.dma_semaphore, #tpu.memory_space<semaphore_mem>>) src(%arg16 : memref<128x48xf32, #tpu.memory_space<vmem>>) dst(%dma_wait3A_220 : memref<128x48xf32, #tpu.memory_space<hbm>>)
        %dma_wait3A_221 = arith.constant 7 : i32
        %dma_wait3A_222 = arith.constant 0 : i32
        %dma_wait3A_223 = tpu.memref_slice %arg10[%sub3A_208, %dma_wait3A_222] : memref<42x128xi32, #tpu.memory_space<vmem>> -> memref<1x128xi32, #tpu.memory_space<vmem>>
        %dma_wait3A_224 = tpu.memref_squeeze %dma_wait3A_223 : memref<1x128xi32, #tpu.memory_space<vmem>> -> memref<128xi32, #tpu.memory_space<vmem>>
        %dma_wait3A_225 = arith.constant 0 : i32
        %dma_wait3A_226 = arith.constant 0 : i32
        %dma_wait3A_227 = tpu.memref_slice %arg19[%dma_wait3A_225, %dma_wait3A_226] : memref<10240x48xf32, #tpu.memory_space<vmem_shared>> -> memref<10240x48xf32, #tpu.memory_space<vmem_shared>>
        %dma_wait3A_228 = tpu.memref_slice %arg20[%dma_wait3A_221] : memref<8x!tpu.dma_semaphore, #tpu.memory_space<semaphore_mem>> -> memref<1x!tpu.dma_semaphore, #tpu.memory_space<semaphore_mem>>
        %dma_wait3A_229 = tpu.memref_squeeze %dma_wait3A_228 : memref<1x!tpu.dma_semaphore, #tpu.memory_space<semaphore_mem>> -> memref<!tpu.dma_semaphore, #tpu.memory_space<semaphore_mem>>
        tpu.wait_indirect_dma semaphore(%dma_wait3A_229 : memref<!tpu.dma_semaphore, #tpu.memory_space<semaphore_mem>>) src(%arg16 : memref<128x48xf32, #tpu.memory_space<vmem>>) dst(%dma_wait3A_227 : memref<10240x48xf32, #tpu.memory_space<vmem_shared>>)
      } else {
      }
      %parallel_loop3A_184 = arith.constant 0 : i32
      %parallel_loop3A_185 = arith.constant 128 : i32
      %parallel_loop3A_186 = arith.constant 1 : i32
      scf.for %parallel_loop3A_208 = %parallel_loop3A_184 to %parallel_loop3A_185 step %parallel_loop3A_186  : i32 {
        %parallel_loop3A_209 = arith.index_cast %parallel_loop3A_208 : i32 to index
        %parallel_loop3A_210 = arith.constant 0 : index
        %parallel_loop3A_211 = tpu.vector_load %arg12[%parallel_loop3A_209, %parallel_loop3A_210] {strides = array<i32>} : memref<128x48xf32, #tpu.memory_space<vmem>>, vector<1x16xf32>,
        %parallel_loop3A_212 = vector.shape_cast %parallel_loop3A_211 : vector<1x16xf32> to vector<16xf32>
        %parallel_loop3A_213 = arith.index_cast %parallel_loop3A_208 : i32 to index
        %parallel_loop3A_214 = arith.constant 0 : index
        %parallel_loop3A_215 = tpu.vector_load %arg14[%parallel_loop3A_213, %parallel_loop3A_214] {strides = array<i32>} : memref<128x48xf32, #tpu.memory_space<vmem>>, vector<1x16xf32>,
        %parallel_loop3A_216 = vector.shape_cast %parallel_loop3A_215 : vector<1x16xf32> to vector<16xf32>
        %parallel_loop3A_217 = arith.addf %parallel_loop3A_212, %parallel_loop3A_216 : vector<16xf32>
        %parallel_loop3A_218 = arith.constant 2.000000e-01 : f32
        %parallel_loop3A_219 = vector.broadcast %parallel_loop3A_218 : f32 to vector<16xf32>
        %parallel_loop3A_220 = arith.mulf %parallel_loop3A_219, %parallel_loop3A_217 : vector<16xf32>
        %parallel_loop3A_221 = arith.maximumf %parallel_loop3A_217, %parallel_loop3A_220 : vector<16xf32>
        %parallel_loop3A_222 = arith.index_cast %parallel_loop3A_208 : i32 to index
        %parallel_loop3A_223 = arith.constant 0 : index
        %parallel_loop3A_224 = tpu.vector_load %arg14[%parallel_loop3A_222, %parallel_loop3A_223] {strides = array<i32>} : memref<128x48xf32, #tpu.memory_space<vmem>>, vector<1x16xf32>,
        %parallel_loop3A_225 = vector.shape_cast %parallel_loop3A_224 : vector<1x16xf32> to vector<16xf32>
        %parallel_loop3A_226 = arith.addf %get3A_15, %parallel_loop3A_225 : vector<16xf32>
        %parallel_loop3A_227 = arith.constant 2.000000e-01 : f32
        %parallel_loop3A_228 = vector.broadcast %parallel_loop3A_227 : f32 to vector<16xf32>
        %parallel_loop3A_229 = arith.mulf %parallel_loop3A_228, %parallel_loop3A_226 : vector<16xf32>
        %parallel_loop3A_230 = arith.maximumf %parallel_loop3A_226, %parallel_loop3A_229 : vector<16xf32>
        %parallel_loop3A_231 = arith.subf %parallel_loop3A_221, %parallel_loop3A_230 : vector<16xf32>
        %parallel_loop3A_232 = math.exp %parallel_loop3A_231 : vector<16xf32>
        %parallel_loop3A_233 = arith.index_cast %parallel_loop3A_208 : i32 to index
        %parallel_loop3A_234 = arith.constant 0 : index
        %parallel_loop3A_235 = tpu.vector_load %arg16[%parallel_loop3A_233, %parallel_loop3A_234] {strides = array<i32>} : memref<128x48xf32, #tpu.memory_space<vmem>>, vector<1x16xf32>,
        %parallel_loop3A_236 = vector.shape_cast %parallel_loop3A_235 : vector<1x16xf32> to vector<16xf32>
        %parallel_loop3A_237 = vector.shape_cast %parallel_loop3A_232 : vector<16xf32> to vector<1x16xf32>
        tpu.vector_store %arg16[%parallel_loop3A_233, %parallel_loop3A_234], %parallel_loop3A_237 {strides = array<i32>} : memref<128x48xf32, #tpu.memory_space<vmem>>, vector<1x16xf32>,
        %parallel_loop3A_238 = arith.index_cast %parallel_loop3A_208 : i32 to index
        %parallel_loop3A_239 = arith.constant 16 : index
        %parallel_loop3A_240 = tpu.vector_load %arg12[%parallel_loop3A_238, %parallel_loop3A_239] {strides = array<i32>} : memref<128x48xf32, #tpu.memory_space<vmem>>, vector<1x16xf32>,
        %parallel_loop3A_241 = vector.shape_cast %parallel_loop3A_240 : vector<1x16xf32> to vector<16xf32>
        %parallel_loop3A_242 = arith.index_cast %parallel_loop3A_208 : i32 to index
        %parallel_loop3A_243 = arith.constant 16 : index
        %parallel_loop3A_244 = tpu.vector_load %arg14[%parallel_loop3A_242, %parallel_loop3A_243] {strides = array<i32>} : memref<128x48xf32, #tpu.memory_space<vmem>>, vector<1x16xf32>,
        %parallel_loop3A_245 = vector.shape_cast %parallel_loop3A_244 : vector<1x16xf32> to vector<16xf32>
        %parallel_loop3A_246 = arith.addf %parallel_loop3A_241, %parallel_loop3A_245 : vector<16xf32>
        %parallel_loop3A_247 = arith.constant 2.000000e-01 : f32
        %parallel_loop3A_248 = vector.broadcast %parallel_loop3A_247 : f32 to vector<16xf32>
        %parallel_loop3A_249 = arith.mulf %parallel_loop3A_248, %parallel_loop3A_246 : vector<16xf32>
        %parallel_loop3A_250 = arith.maximumf %parallel_loop3A_246, %parallel_loop3A_249 : vector<16xf32>
        %parallel_loop3A_251 = arith.index_cast %parallel_loop3A_208 : i32 to index
        %parallel_loop3A_252 = arith.constant 16 : index
        %parallel_loop3A_253 = tpu.vector_load %arg14[%parallel_loop3A_251, %parallel_loop3A_252] {strides = array<i32>} : memref<128x48xf32, #tpu.memory_space<vmem>>, vector<1x16xf32>,
        %parallel_loop3A_254 = vector.shape_cast %parallel_loop3A_253 : vector<1x16xf32> to vector<16xf32>
        %parallel_loop3A_255 = arith.addf %get3A_18, %parallel_loop3A_254 : vector<16xf32>
        %parallel_loop3A_256 = arith.constant 2.000000e-01 : f32
        %parallel_loop3A_257 = vector.broadcast %parallel_loop3A_256 : f32 to vector<16xf32>
        %parallel_loop3A_258 = arith.mulf %parallel_loop3A_257, %parallel_loop3A_255 : vector<16xf32>
        %parallel_loop3A_259 = arith.maximumf %parallel_loop3A_255, %parallel_loop3A_258 : vector<16xf32>
        %parallel_loop3A_260 = arith.subf %parallel_loop3A_250, %parallel_loop3A_259 : vector<16xf32>
        %parallel_loop3A_261 = math.exp %parallel_loop3A_260 : vector<16xf32>
        %parallel_loop3A_262 = arith.index_cast %parallel_loop3A_208 : i32 to index
        %parallel_loop3A_263 = arith.constant 16 : index
        %parallel_loop3A_264 = tpu.vector_load %arg16[%parallel_loop3A_262, %parallel_loop3A_263] {strides = array<i32>} : memref<128x48xf32, #tpu.memory_space<vmem>>, vector<1x16xf32>,
        %parallel_loop3A_265 = vector.shape_cast %parallel_loop3A_264 : vector<1x16xf32> to vector<16xf32>
        %parallel_loop3A_266 = vector.shape_cast %parallel_loop3A_261 : vector<16xf32> to vector<1x16xf32>
        tpu.vector_store %arg16[%parallel_loop3A_262, %parallel_loop3A_263], %parallel_loop3A_266 {strides = array<i32>} : memref<128x48xf32, #tpu.memory_space<vmem>>, vector<1x16xf32>,
        %parallel_loop3A_267 = arith.index_cast %parallel_loop3A_208 : i32 to index
        %parallel_loop3A_268 = arith.constant 32 : index
        %parallel_loop3A_269 = tpu.vector_load %arg12[%parallel_loop3A_267, %parallel_loop3A_268] {strides = array<i32>} : memref<128x48xf32, #tpu.memory_space<vmem>>, vector<1x16xf32>,
        %parallel_loop3A_270 = vector.shape_cast %parallel_loop3A_269 : vector<1x16xf32> to vector<16xf32>
        %parallel_loop3A_271 = arith.index_cast %parallel_loop3A_208 : i32 to index
        %parallel_loop3A_272 = arith.constant 32 : index
        %parallel_loop3A_273 = tpu.vector_load %arg14[%parallel_loop3A_271, %parallel_loop3A_272] {strides = array<i32>} : memref<128x48xf32, #tpu.memory_space<vmem>>, vector<1x16xf32>,
        %parallel_loop3A_274 = vector.shape_cast %parallel_loop3A_273 : vector<1x16xf32> to vector<16xf32>
        %parallel_loop3A_275 = arith.addf %parallel_loop3A_270, %parallel_loop3A_274 : vector<16xf32>
        %parallel_loop3A_276 = arith.constant 2.000000e-01 : f32
        %parallel_loop3A_277 = vector.broadcast %parallel_loop3A_276 : f32 to vector<16xf32>
        %parallel_loop3A_278 = arith.mulf %parallel_loop3A_277, %parallel_loop3A_275 : vector<16xf32>
        %parallel_loop3A_279 = arith.maximumf %parallel_loop3A_275, %parallel_loop3A_278 : vector<16xf32>
        %parallel_loop3A_280 = arith.index_cast %parallel_loop3A_208 : i32 to index
        %parallel_loop3A_281 = arith.constant 32 : index
        %parallel_loop3A_282 = tpu.vector_load %arg14[%parallel_loop3A_280, %parallel_loop3A_281] {strides = array<i32>} : memref<128x48xf32, #tpu.memory_space<vmem>>, vector<1x16xf32>,
        %parallel_loop3A_283 = vector.shape_cast %parallel_loop3A_282 : vector<1x16xf32> to vector<16xf32>
        %parallel_loop3A_284 = arith.addf %get3A_21, %parallel_loop3A_283 : vector<16xf32>
        %parallel_loop3A_285 = arith.constant 2.000000e-01 : f32
        %parallel_loop3A_286 = vector.broadcast %parallel_loop3A_285 : f32 to vector<16xf32>
        %parallel_loop3A_287 = arith.mulf %parallel_loop3A_286, %parallel_loop3A_284 : vector<16xf32>
        %parallel_loop3A_288 = arith.maximumf %parallel_loop3A_284, %parallel_loop3A_287 : vector<16xf32>
        %parallel_loop3A_289 = arith.subf %parallel_loop3A_279, %parallel_loop3A_288 : vector<16xf32>
        %parallel_loop3A_290 = math.exp %parallel_loop3A_289 : vector<16xf32>
        %parallel_loop3A_291 = arith.index_cast %parallel_loop3A_208 : i32 to index
        %parallel_loop3A_292 = arith.constant 32 : index
        %parallel_loop3A_293 = tpu.vector_load %arg16[%parallel_loop3A_291, %parallel_loop3A_292] {strides = array<i32>} : memref<128x48xf32, #tpu.memory_space<vmem>>, vector<1x16xf32>,
        %parallel_loop3A_294 = vector.shape_cast %parallel_loop3A_293 : vector<1x16xf32> to vector<16xf32>
        %parallel_loop3A_295 = vector.shape_cast %parallel_loop3A_290 : vector<16xf32> to vector<1x16xf32>
        tpu.vector_store %arg16[%parallel_loop3A_291, %parallel_loop3A_292], %parallel_loop3A_295 {strides = array<i32>} : memref<128x48xf32, #tpu.memory_space<vmem>>, vector<1x16xf32>,
      } {sc.loop_unroll_factor = 2 : i64, sc.parallel_access}
      %mul3A_187 = arith.constant 5376 : i32
      %mul3A_188 = arith.muli %add3A, %mul3A_187 : i32
      %mul3A_189 = arith.constant 128 : i32
      %mul3A_190 = arith.muli %add3A_153, %mul3A_189 : i32
      %add3A_191 = arith.addi %mul3A_188, %mul3A_190 : i32
      %dma_start3A_192 = arith.constant 5 : i32
      %dma_start3A_193 = arith.constant 0 : i32
      %dma_start3A_194 = tpu.memref_slice %arg7[%add3A_191, %dma_start3A_193] : memref<172032x48xf32, #tpu.memory_space<hbm>> -> memref<128x48xf32, #tpu.memory_space<hbm>>
      %dma_start3A_195 = tpu.memref_slice %arg20[%dma_start3A_192] : memref<8x!tpu.dma_semaphore, #tpu.memory_space<semaphore_mem>> -> memref<1x!tpu.dma_semaphore, #tpu.memory_space<semaphore_mem>>
      %dma_start3A_196 = tpu.memref_squeeze %dma_start3A_195 : memref<1x!tpu.dma_semaphore, #tpu.memory_space<semaphore_mem>> -> memref<!tpu.dma_semaphore, #tpu.memory_space<semaphore_mem>>
      %dma_start3A_197 = arith.constant 0 : i32
      %dma_start3A_198 = tpu.memref_slice %arg7[%add3A_191, %dma_start3A_197] : memref<172032x48xf32, #tpu.memory_space<hbm>> -> memref<128x48xf32, #tpu.memory_space<hbm>>
      tpu.enqueue_dma source(%arg16 : memref<128x48xf32, #tpu.memory_space<vmem>>) target(%dma_start3A_198 : memref<128x48xf32, #tpu.memory_space<hbm>>) target_semaphore(%dma_start3A_196 : memref<!tpu.dma_semaphore, #tpu.memory_space<semaphore_mem>>)
      %dma_start3A_199 = arith.constant 7 : i32
      %dma_start3A_200 = arith.constant 0 : i32
      %dma_start3A_201 = tpu.memref_slice %arg10[%add3A_153, %dma_start3A_200] : memref<42x128xi32, #tpu.memory_space<vmem>> -> memref<1x128xi32, #tpu.memory_space<vmem>>
      %dma_start3A_202 = tpu.memref_squeeze %dma_start3A_201 : memref<1x128xi32, #tpu.memory_space<vmem>> -> memref<128xi32, #tpu.memory_space<vmem>>
      %dma_start3A_203 = arith.constant 0 : i32
      %dma_start3A_204 = arith.constant 0 : i32
      %dma_start3A_205 = tpu.memref_slice %arg19[%dma_start3A_203, %dma_start3A_204] : memref<10240x48xf32, #tpu.memory_space<vmem_shared>> -> memref<10240x48xf32, #tpu.memory_space<vmem_shared>>
      %dma_start3A_206 = tpu.memref_slice %arg20[%dma_start3A_199] : memref<8x!tpu.dma_semaphore, #tpu.memory_space<semaphore_mem>> -> memref<1x!tpu.dma_semaphore, #tpu.memory_space<semaphore_mem>>
      %dma_start3A_207 = tpu.memref_squeeze %dma_start3A_206 : memref<1x!tpu.dma_semaphore, #tpu.memory_space<semaphore_mem>> -> memref<!tpu.dma_semaphore, #tpu.memory_space<semaphore_mem>>
      tpu.enqueue_indirect_dma source(%arg16 : memref<128x48xf32, #tpu.memory_space<vmem>>) target(%dma_start3A_205 : memref<10240x48xf32, #tpu.memory_space<vmem_shared>>) offsets(%dma_start3A_202 : memref<128xi32, #tpu.memory_space<vmem>>) semaphore(%dma_start3A_207 : memref<!tpu.dma_semaphore, #tpu.memory_space<semaphore_mem>>) {add = true}
    }
    %scan3A_49 = arith.constant 21 : i32
    %mul3A_50 = arith.constant 5376 : i32
    %mul3A_51 = arith.muli %add3A, %mul3A_50 : i32
    %add3A_52 = arith.constant 5120 : i32
    %add3A_53 = arith.addi %mul3A_51, %add3A_52 : i32
    %dma_wait3A = arith.constant 4 : i32
    %dma_wait3A_54 = arith.constant 0 : i32
    %dma_wait3A_55 = tpu.memref_slice %arg7[%add3A_53, %dma_wait3A_54] : memref<172032x48xf32, #tpu.memory_space<hbm>> -> memref<128x48xf32, #tpu.memory_space<hbm>>
    %dma_wait3A_56 = tpu.memref_slice %arg20[%dma_wait3A] : memref<8x!tpu.dma_semaphore, #tpu.memory_space<semaphore_mem>> -> memref<1x!tpu.dma_semaphore, #tpu.memory_space<semaphore_mem>>
    %dma_wait3A_57 = tpu.memref_squeeze %dma_wait3A_56 : memref<1x!tpu.dma_semaphore, #tpu.memory_space<semaphore_mem>> -> memref<!tpu.dma_semaphore, #tpu.memory_space<semaphore_mem>>
    %dma_wait3A_58 = arith.constant 0 : i32
    %dma_wait3A_59 = tpu.memref_slice %arg7[%add3A_53, %dma_wait3A_58] : memref<172032x48xf32, #tpu.memory_space<hbm>> -> memref<128x48xf32, #tpu.memory_space<hbm>>
    tpu.wait_dma2 semaphore(%dma_wait3A_57 : memref<!tpu.dma_semaphore, #tpu.memory_space<semaphore_mem>>) src(%arg15 : memref<128x48xf32, #tpu.memory_space<vmem>>) dst(%dma_wait3A_59 : memref<128x48xf32, #tpu.memory_space<hbm>>)
    %dma_wait3A_60 = arith.constant 40 : i32
    %dma_wait3A_61 = arith.constant 6 : i32
    %dma_wait3A_62 = arith.constant 0 : i32
    %dma_wait3A_63 = tpu.memref_slice %arg10[%dma_wait3A_60, %dma_wait3A_62] : memref<42x128xi32, #tpu.memory_space<vmem>> -> memref<1x128xi32, #tpu.memory_space<vmem>>
    %dma_wait3A_64 = tpu.memref_squeeze %dma_wait3A_63 : memref<1x128xi32, #tpu.memory_space<vmem>> -> memref<128xi32, #tpu.memory_space<vmem>>
    %dma_wait3A_65 = arith.constant 0 : i32
    %dma_wait3A_66 = arith.constant 0 : i32
    %dma_wait3A_67 = tpu.memref_slice %arg19[%dma_wait3A_65, %dma_wait3A_66] : memref<10240x48xf32, #tpu.memory_space<vmem_shared>> -> memref<10240x48xf32, #tpu.memory_space<vmem_shared>>
    %dma_wait3A_68 = tpu.memref_slice %arg20[%dma_wait3A_61] : memref<8x!tpu.dma_semaphore, #tpu.memory_space<semaphore_mem>> -> memref<1x!tpu.dma_semaphore, #tpu.memory_space<semaphore_mem>>
    %dma_wait3A_69 = tpu.memref_squeeze %dma_wait3A_68 : memref<1x!tpu.dma_semaphore, #tpu.memory_space<semaphore_mem>> -> memref<!tpu.dma_semaphore, #tpu.memory_space<semaphore_mem>>
    tpu.wait_indirect_dma semaphore(%dma_wait3A_69 : memref<!tpu.dma_semaphore, #tpu.memory_space<semaphore_mem>>) src(%arg15 : memref<128x48xf32, #tpu.memory_space<vmem>>) dst(%dma_wait3A_67 : memref<10240x48xf32, #tpu.memory_space<vmem_shared>>)
    %mul3A_70 = arith.constant 5376 : i32
    %mul3A_71 = arith.muli %add3A, %mul3A_70 : i32
    %add3A_72 = arith.constant 5248 : i32
    %add3A_73 = arith.addi %mul3A_71, %add3A_72 : i32
    %dma_wait3A_74 = arith.constant 5 : i32
    %dma_wait3A_75 = arith.constant 0 : i32
    %dma_wait3A_76 = tpu.memref_slice %arg7[%add3A_73, %dma_wait3A_75] : memref<172032x48xf32, #tpu.memory_space<hbm>> -> memref<128x48xf32, #tpu.memory_space<hbm>>
    %dma_wait3A_77 = tpu.memref_slice %arg20[%dma_wait3A_74] : memref<8x!tpu.dma_semaphore, #tpu.memory_space<semaphore_mem>> -> memref<1x!tpu.dma_semaphore, #tpu.memory_space<semaphore_mem>>
    %dma_wait3A_78 = tpu.memref_squeeze %dma_wait3A_77 : memref<1x!tpu.dma_semaphore, #tpu.memory_space<semaphore_mem>> -> memref<!tpu.dma_semaphore, #tpu.memory_space<semaphore_mem>>
    %dma_wait3A_79 = arith.constant 0 : i32
    %dma_wait3A_80 = tpu.memref_slice %arg7[%add3A_73, %dma_wait3A_79] : memref<172032x48xf32, #tpu.memory_space<hbm>> -> memref<128x48xf32, #tpu.memory_space<hbm>>
    tpu.wait_dma2 semaphore(%dma_wait3A_78 : memref<!tpu.dma_semaphore, #tpu.memory_space<semaphore_mem>>) src(%arg16 : memref<128x48xf32, #tpu.memory_space<vmem>>) dst(%dma_wait3A_80 : memref<128x48xf32, #tpu.memory_space<hbm>>)
    %dma_wait3A_81 = arith.constant 41 : i32
    %dma_wait3A_82 = arith.constant 7 : i32
    %dma_wait3A_83 = arith.constant 0 : i32
    %dma_wait3A_84 = tpu.memref_slice %arg10[%dma_wait3A_81, %dma_wait3A_83] : memref<42x128xi32, #tpu.memory_space<vmem>> -> memref<1x128xi32, #tpu.memory_space<vmem>>
    %dma_wait3A_85 = tpu.memref_squeeze %dma_wait3A_84 : memref<1x128xi32, #tpu.memory_space<vmem>> -> memref<128xi32, #tpu.memory_space<vmem>>
    %dma_wait3A_86 = arith.constant 0 : i32
    %dma_wait3A_87 = arith.constant 0 : i32
    %dma_wait3A_88 = tpu.memref_slice %arg19[%dma_wait3A_86, %dma_wait3A_87] : memref<10240x48xf32, #tpu.memory_space<vmem_shared>> -> memref<10240x48xf32, #tpu.memory_space<vmem_shared>>
    %dma_wait3A_89 = tpu.memref_slice %arg20[%dma_wait3A_82] : memref<8x!tpu.dma_semaphore, #tpu.memory_space<semaphore_mem>> -> memref<1x!tpu.dma_semaphore, #tpu.memory_space<semaphore_mem>>
    %dma_wait3A_90 = tpu.memref_squeeze %dma_wait3A_89 : memref<1x!tpu.dma_semaphore, #tpu.memory_space<semaphore_mem>> -> memref<!tpu.dma_semaphore, #tpu.memory_space<semaphore_mem>>
    tpu.wait_indirect_dma semaphore(%dma_wait3A_90 : memref<!tpu.dma_semaphore, #tpu.memory_space<semaphore_mem>>) src(%arg16 : memref<128x48xf32, #tpu.memory_space<vmem>>) dst(%dma_wait3A_88 : memref<10240x48xf32, #tpu.memory_space<vmem_shared>>)
    %barrier3A_91 = arith.constant 0 : index
    tpu.barrier barrier_id(%barrier3A_91)
    %mul3A_92 = arith.constant 640 : i32
    %mul3A_93 = arith.muli %arg1, %mul3A_92 : i32
    %mul3A_94 = arith.constant 640 : i32
    %mul3A_95 = arith.muli %arg1, %mul3A_94 : i32
    "tpu.region"() ({
      %run_scoped3A = tpu.sem_alloc : memref<!tpu.dma_semaphore, #tpu.memory_space<semaphore_mem>>
      %dma_start3A_96 = arith.constant 0 : i32
      %dma_start3A_97 = tpu.memref_slice %arg8[%arg0, %mul3A_95, %dma_start3A_96] : memref<2x10240x48xf32, #tpu.memory_space<hbm>> -> memref<1x640x48xf32, #tpu.memory_space<hbm>>
      %dma_start3A_98 = tpu.memref_squeeze %dma_start3A_97 : memref<1x640x48xf32, #tpu.memory_space<hbm>> -> memref<640x48xf32, #tpu.memory_space<hbm>>
      %dma_start3A_99 = arith.constant 0 : i32
      %dma_start3A_100 = tpu.memref_slice %arg19[%mul3A_93, %dma_start3A_99] : memref<10240x48xf32, #tpu.memory_space<vmem_shared>> -> memref<640x48xf32, #tpu.memory_space<vmem_shared>>
      tpu.enqueue_dma source(%dma_start3A_100 : memref<640x48xf32, #tpu.memory_space<vmem_shared>>) target(%dma_start3A_98 : memref<640x48xf32, #tpu.memory_space<hbm>>) target_semaphore(%run_scoped3A : memref<!tpu.dma_semaphore, #tpu.memory_space<semaphore_mem>>)
      %dma_wait3A_101 = arith.constant 0 : i32
      %dma_wait3A_102 = tpu.memref_slice %arg8[%arg0, %mul3A_95, %dma_wait3A_101] : memref<2x10240x48xf32, #tpu.memory_space<hbm>> -> memref<1x640x48xf32, #tpu.memory_space<hbm>>
      %dma_wait3A_103 = tpu.memref_squeeze %dma_wait3A_102 : memref<1x640x48xf32, #tpu.memory_space<hbm>> -> memref<640x48xf32, #tpu.memory_space<hbm>>
      %dma_wait3A_104 = arith.constant 0 : i32
      %dma_wait3A_105 = tpu.memref_slice %arg19[%mul3A_93, %dma_wait3A_104] : memref<10240x48xf32, #tpu.memory_space<vmem_shared>> -> memref<640x48xf32, #tpu.memory_space<vmem_shared>>
      tpu.wait_dma2 semaphore(%run_scoped3A : memref<!tpu.dma_semaphore, #tpu.memory_space<semaphore_mem>>) src(%dma_wait3A_105 : memref<640x48xf32, #tpu.memory_space<vmem_shared>>) dst(%dma_wait3A_103 : memref<640x48xf32, #tpu.memory_space<hbm>>)
      tpu.yield
    }) : () -> ()
    return
  }
}

module attributes {stable_mosaic.version = 14 : i64} {
  func.func @_wsd_body(%arg0: memref<128x528xf32, #tpu.memory_space<vmem>>, %arg1: memref<528x48xf32, #tpu.memory_space<vmem>>, %arg2: memref<528x48xf32, #tpu.memory_space<vmem>>, %arg3: memref<128x48xf32, #tpu.memory_space<vmem>>, %arg4: memref<128x48xf32, #tpu.memory_space<vmem>>) attributes {dimension_semantics = [], scalar_prefetch = 0 : i64, scratch_operands = 0 : i64, tpu.core_type = #tpu.core_type<tc>} {
    %get3A = arith.constant 0 : index
    %get3A_0 = arith.constant 0 : index
    %get3A_1 = vector.load %arg0[%get3A, %get3A_0] : memref<128x528xf32, #tpu.memory_space<vmem>>, vector<128x528xf32>
    %get3A_2 = arith.constant 0 : index
    %get3A_3 = arith.constant 0 : index
    %get3A_4 = vector.load %arg1[%get3A_2, %get3A_3] : memref<528x48xf32, #tpu.memory_space<vmem>>, vector<528x48xf32>
    %dot_general3A = arith.constant dense<0.000000e+00> : vector<128x48xf32>
    %dot_general3A_5 = tpu.matmul %get3A_1, %get3A_4, %dot_general3A {dimension_numbers = #tpu.dot_dimension_numbers<[1], [0], [0], [1], [0, 0, 1, 1], [], []>, transpose_lhs_hint = false} : vector<128x528xf32>, vector<528x48xf32>, vector<128x48xf32> -> vector<128x48xf32>
    %swap3A = arith.constant 0 : index
    %swap3A_6 = arith.constant 0 : index
    %swap3A_7 = vector.load %arg3[%swap3A, %swap3A_6] : memref<128x48xf32, #tpu.memory_space<vmem>>, vector<128x48xf32>
    tpu.vector_store %arg3[%swap3A, %swap3A_6], %dot_general3A_5 {strides = array<i32>} : memref<128x48xf32, #tpu.memory_space<vmem>>, vector<128x48xf32>,
    %get3A_8 = arith.constant 0 : index
    %get3A_9 = arith.constant 0 : index
    %get3A_10 = vector.load %arg0[%get3A_8, %get3A_9] : memref<128x528xf32, #tpu.memory_space<vmem>>, vector<128x528xf32>
    %get3A_11 = arith.constant 0 : index
    %get3A_12 = arith.constant 0 : index
    %get3A_13 = vector.load %arg2[%get3A_11, %get3A_12] : memref<528x48xf32, #tpu.memory_space<vmem>>, vector<528x48xf32>
    %dot_general3A_14 = arith.constant dense<0.000000e+00> : vector<128x48xf32>
    %dot_general3A_15 = tpu.matmul %get3A_10, %get3A_13, %dot_general3A_14 {dimension_numbers = #tpu.dot_dimension_numbers<[1], [0], [0], [1], [0, 0, 1, 1], [], []>, transpose_lhs_hint = false} : vector<128x528xf32>, vector<528x48xf32>, vector<128x48xf32> -> vector<128x48xf32>
    %swap3A_16 = arith.constant 0 : index
    %swap3A_17 = arith.constant 0 : index
    %swap3A_18 = vector.load %arg4[%swap3A_16, %swap3A_17] : memref<128x48xf32, #tpu.memory_space<vmem>>, vector<128x48xf32>
    tpu.vector_store %arg4[%swap3A_16, %swap3A_17], %dot_general3A_15 {strides = array<i32>} : memref<128x48xf32, #tpu.memory_space<vmem>>, vector<128x48xf32>,
    return
  }
}

module attributes {stable_mosaic.version = 14 : i64} {
  func.func @_attn_body(%arg0: i32, %arg1: memref<512x128xf32, #tpu.memory_space<vmem>>, %arg2: memref<128x48xf32, #tpu.memory_space<vmem>>, %arg3: memref<128x48xf32, #tpu.memory_space<vmem>>, %arg4: memref<512x48xf32, #tpu.memory_space<vmem>>, %arg5: memref<512x48xf32, #tpu.memory_space<vmem>>, %arg6: memref<1x48xf32, #tpu.memory_space<vmem>>) attributes {dimension_semantics = [#tpu.dimension_semantics<arbitrary>], iteration_bounds = array<i64: 20>, scalar_prefetch = 0 : i64, scratch_operands = 0 : i64, tpu.core_type = #tpu.core_type<tc>, window_params = [{transform_indices = @transform_0, window_bounds = array<i64: 512, 128>}, {pipeline_mode = #tpu.pipeline_mode<synchronous>, transform_indices = @transform_1, window_bounds = array<i64: 128, 48>}, {pipeline_mode = #tpu.pipeline_mode<synchronous>, transform_indices = @transform_2, window_bounds = array<i64: 128, 48>}, {transform_indices = @transform_3, window_bounds = array<i64: 512, 48>}, {transform_indices = @transform_4, window_bounds = array<i64: 512, 48>}, {pipeline_mode = #tpu.pipeline_mode<synchronous>, transform_indices = @transform_5, window_bounds = array<i64: 1, 48>}]} {
    %get3A = arith.constant 0 : index
    %get3A_0 = arith.constant 0 : index
    %get3A_1 = vector.load %arg1[%get3A, %get3A_0] : memref<512x128xf32, #tpu.memory_space<vmem>>, vector<512x128xf32>
    %get3A_2 = arith.constant 0 : index
    %get3A_3 = arith.constant 0 : index
    %get3A_4 = vector.load %arg2[%get3A_2, %get3A_3] : memref<128x48xf32, #tpu.memory_space<vmem>>, vector<128x48xf32>
    %dot_general3A = arith.constant dense<0.000000e+00> : vector<512x48xf32>
    %dot_general3A_5 = tpu.matmul %get3A_1, %get3A_4, %dot_general3A {dimension_numbers = #tpu.dot_dimension_numbers<[1], [0], [0], [1], [0, 0, 1, 1], [], []>, transpose_lhs_hint = false} : vector<512x128xf32>, vector<128x48xf32>, vector<512x48xf32> -> vector<512x48xf32>
    %get3A_6 = arith.constant 0 : index
    %get3A_7 = arith.constant 0 : index
    %get3A_8 = vector.load %arg1[%get3A_6, %get3A_7] : memref<512x128xf32, #tpu.memory_space<vmem>>, vector<512x128xf32>
    %get3A_9 = arith.constant 0 : index
    %get3A_10 = arith.constant 0 : index
    %get3A_11 = vector.load %arg3[%get3A_9, %get3A_10] : memref<128x48xf32, #tpu.memory_space<vmem>>, vector<128x48xf32>
    %dot_general3A_12 = arith.constant dense<0.000000e+00> : vector<512x48xf32>
    %dot_general3A_13 = tpu.matmul %get3A_8, %get3A_11, %dot_general3A_12 {dimension_numbers = #tpu.dot_dimension_numbers<[1], [0], [0], [1], [0, 0, 1, 1], [], []>, transpose_lhs_hint = false} : vector<512x128xf32>, vector<128x48xf32>, vector<512x48xf32> -> vector<512x48xf32>
    %swap3A = arith.constant 0 : index
    %swap3A_14 = arith.constant 0 : index
    %swap3A_15 = vector.load %arg4[%swap3A, %swap3A_14] : memref<512x48xf32, #tpu.memory_space<vmem>>, vector<512x48xf32>
    tpu.vector_store %arg4[%swap3A, %swap3A_14], %dot_general3A_5 {strides = array<i32>} : memref<512x48xf32, #tpu.memory_space<vmem>>, vector<512x48xf32>,
    %swap3A_16 = arith.constant 0 : index
    %swap3A_17 = arith.constant 0 : index
    %swap3A_18 = vector.load %arg5[%swap3A_16, %swap3A_17] : memref<512x48xf32, #tpu.memory_space<vmem>>, vector<512x48xf32>
    tpu.vector_store %arg5[%swap3A_16, %swap3A_17], %dot_general3A_13 {strides = array<i32>} : memref<512x48xf32, #tpu.memory_space<vmem>>, vector<512x48xf32>,
    %reduce_max3A = arith.constant dense<0xFF800000> : vector<48xf32>
    %reduce_max3A_19 = vector.multi_reduction <maximumf>, %dot_general3A_5, %reduce_max3A [0] : vector<512x48xf32> to vector<48xf32>
    %broadcast_in_dim3A = vector.shape_cast %reduce_max3A_19 : vector<48xf32> to vector<1x48xf32>
    %eq3A = arith.constant 0 : i32
    %eq3A_20 = arith.cmpi eq, %arg0, %eq3A : i32
    %convert_element_type3A = arith.extui %eq3A_20 : i1 to i32
    %cond3A = arith.constant 0 : i32
    %cond3A_21 = arith.cmpi ne, %convert_element_type3A, %cond3A : i32
    scf.if %cond3A_21 {
      %swap3A_26 = arith.constant 0 : index
      %swap3A_27 = arith.constant 0 : index
      %swap3A_28 = vector.load %arg6[%swap3A_26, %swap3A_27] : memref<1x48xf32, #tpu.memory_space<vmem>>, vector<1x48xf32>
      tpu.vector_store %arg6[%swap3A_26, %swap3A_27], %broadcast_in_dim3A {strides = array<i32>} : memref<1x48xf32, #tpu.memory_space<vmem>>, vector<1x48xf32>,
    } else {
    }
    %gt3A = arith.constant 0 : i32
    %gt3A_22 = arith.cmpi sgt, %arg0, %gt3A : i32
    %convert_element_type3A_23 = arith.extui %gt3A_22 : i1 to i32
    %cond3A_24 = arith.constant 0 : i32
    %cond3A_25 = arith.cmpi ne, %convert_element_type3A_23, %cond3A_24 : i32
    scf.if %cond3A_25 {
      %get3A_26 = arith.constant 0 : index
      %get3A_27 = arith.constant 0 : index
      %get3A_28 = vector.load %arg6[%get3A_26, %get3A_27] : memref<1x48xf32, #tpu.memory_space<vmem>>, vector<1x48xf32>
      %max3A = arith.maximumf %get3A_28, %broadcast_in_dim3A : vector<1x48xf32>
      %swap3A_29 = arith.constant 0 : index
      %swap3A_30 = arith.constant 0 : index
      %swap3A_31 = vector.load %arg6[%swap3A_29, %swap3A_30] : memref<1x48xf32, #tpu.memory_space<vmem>>, vector<1x48xf32>
      tpu.vector_store %arg6[%swap3A_29, %swap3A_30], %max3A {strides = array<i32>} : memref<1x48xf32, #tpu.memory_space<vmem>>, vector<1x48xf32>,
    } else {
    }
    return
  }
  func.func @transform_0(%arg0: i32) -> (i32, i32) {
    %c0_i32 = arith.constant 0 : i32
    %c0_i32_0 = arith.constant 0 : i32
    return %arg0, %c0_i32 : i32, i32
  }
  func.func @transform_1(%arg0: i32) -> (i32, i32) {
    %c0_i32 = arith.constant 0 : i32
    %c0_i32_0 = arith.constant 0 : i32
    %c0_i32_1 = arith.constant 0 : i32
    return %c0_i32, %c0_i32_0 : i32, i32
  }
  func.func @transform_2(%arg0: i32) -> (i32, i32) {
    %c0_i32 = arith.constant 0 : i32
    %c0_i32_0 = arith.constant 0 : i32
    %c0_i32_1 = arith.constant 0 : i32
    return %c0_i32, %c0_i32_0 : i32, i32
  }
  func.func @transform_3(%arg0: i32) -> (i32, i32) {
    %c0_i32 = arith.constant 0 : i32
    %c0_i32_0 = arith.constant 0 : i32
    return %arg0, %c0_i32 : i32, i32
  }
  func.func @transform_4(%arg0: i32) -> (i32, i32) {
    %c0_i32 = arith.constant 0 : i32
    %c0_i32_0 = arith.constant 0 : i32
    return %arg0, %c0_i32 : i32, i32
  }
  func.func @transform_5(%arg0: i32) -> (i32, i32) {
    %c0_i32 = arith.constant 0 : i32
    %c0_i32_0 = arith.constant 0 : i32
    %c0_i32_1 = arith.constant 0 : i32
    return %c0_i32, %c0_i32_0 : i32, i32
  }
}

module attributes {stable_mosaic.version = 14 : i64} {
  func.func @_xp_body(%arg0: i32, %arg1: memref<512x128xf32, #tpu.memory_space<vmem>>, %arg2: memref<128x272xf32, #tpu.memory_space<vmem>>, %arg3: memref<128x272xf32, #tpu.memory_space<vmem>>, %arg4: memref<512x272xi32, #tpu.memory_space<vmem>>) attributes {dimension_semantics = [#tpu.dimension_semantics<arbitrary>], iteration_bounds = array<i64: 20>, scalar_prefetch = 0 : i64, scratch_operands = 0 : i64, tpu.core_type = #tpu.core_type<tc>, window_params = [{transform_indices = @transform_0, window_bounds = array<i64: 512, 128>}, {pipeline_mode = #tpu.pipeline_mode<synchronous>, transform_indices = @transform_1, window_bounds = array<i64: 128, 272>}, {pipeline_mode = #tpu.pipeline_mode<synchronous>, transform_indices = @transform_2, window_bounds = array<i64: 128, 272>}, {transform_indices = @transform_3, window_bounds = array<i64: 512, 272>}]} {
    %get3A = arith.constant 0 : index
    %get3A_0 = arith.constant 0 : index
    %get3A_1 = vector.load %arg1[%get3A, %get3A_0] : memref<512x128xf32, #tpu.memory_space<vmem>>, vector<512x128xf32>
    %get3A_2 = arith.constant 0 : index
    %get3A_3 = arith.constant 0 : index
    %get3A_4 = vector.load %arg2[%get3A_2, %get3A_3] : memref<128x272xf32, #tpu.memory_space<vmem>>, vector<128x272xf32>
    %dot_general3A = arith.constant dense<0.000000e+00> : vector<512x272xf32>
    %dot_general3A_5 = tpu.matmul %get3A_1, %get3A_4, %dot_general3A {dimension_numbers = #tpu.dot_dimension_numbers<[1], [0], [0], [1], [0, 0, 1, 1], [], []>, transpose_lhs_hint = false} : vector<512x128xf32>, vector<128x272xf32>, vector<512x272xf32> -> vector<512x272xf32>
    %convert_element_type3A = arith.truncf %dot_general3A_5 : vector<512x272xf32> to vector<512x272xbf16>
    %get3A_6 = arith.constant 0 : index
    %get3A_7 = arith.constant 0 : index
    %get3A_8 = vector.load %arg1[%get3A_6, %get3A_7] : memref<512x128xf32, #tpu.memory_space<vmem>>, vector<512x128xf32>
    %get3A_9 = arith.constant 0 : index
    %get3A_10 = arith.constant 0 : index
    %get3A_11 = vector.load %arg3[%get3A_9, %get3A_10] : memref<128x272xf32, #tpu.memory_space<vmem>>, vector<128x272xf32>
    %dot_general3A_12 = arith.constant dense<0.000000e+00> : vector<512x272xf32>
    %dot_general3A_13 = tpu.matmul %get3A_8, %get3A_11, %dot_general3A_12 {dimension_numbers = #tpu.dot_dimension_numbers<[1], [0], [0], [1], [0, 0, 1, 1], [], []>, transpose_lhs_hint = false} : vector<512x128xf32>, vector<128x272xf32>, vector<512x272xf32> -> vector<512x272xf32>
    %convert_element_type3A_14 = arith.truncf %dot_general3A_13 : vector<512x272xf32> to vector<512x272xbf16>
    %bitcast_convert_type3A = tpu.bitcast %convert_element_type3A : vector<512x272xbf16> -> vector<512x272xi16>
    %convert_element_type3A_15 = arith.extui %bitcast_convert_type3A : vector<512x272xi16> to vector<512x272xi32>
    %bitcast_convert_type3A_16 = tpu.bitcast %convert_element_type3A_14 : vector<512x272xbf16> -> vector<512x272xi16>
    %convert_element_type3A_17 = arith.extui %bitcast_convert_type3A_16 : vector<512x272xi16> to vector<512x272xi32>
    %shift_left3A = arith.constant 16 : i32
    %shift_left3A_18 = vector.broadcast %shift_left3A : i32 to vector<512x272xi32>
    %shift_left3A_19 = arith.shli %convert_element_type3A_17, %shift_left3A_18 : vector<512x272xi32>
    %or3A = arith.ori %shift_left3A_19, %convert_element_type3A_15 : vector<512x272xi32>
    %swap3A = arith.constant 0 : index
    %swap3A_20 = arith.constant 0 : index
    %swap3A_21 = vector.load %arg4[%swap3A, %swap3A_20] : memref<512x272xi32, #tpu.memory_space<vmem>>, vector<512x272xi32>
    tpu.vector_store %arg4[%swap3A, %swap3A_20], %or3A {strides = array<i32>} : memref<512x272xi32, #tpu.memory_space<vmem>>, vector<512x272xi32>,
    return
  }
  func.func @transform_0(%arg0: i32) -> (i32, i32) {
    %c0_i32 = arith.constant 0 : i32
    %c0_i32_0 = arith.constant 0 : i32
    return %arg0, %c0_i32 : i32, i32
  }
  func.func @transform_1(%arg0: i32) -> (i32, i32) {
    %c0_i32 = arith.constant 0 : i32
    %c0_i32_0 = arith.constant 0 : i32
    %c0_i32_1 = arith.constant 0 : i32
    return %c0_i32, %c0_i32_0 : i32, i32
  }
  func.func @transform_2(%arg0: i32) -> (i32, i32) {
    %c0_i32 = arith.constant 0 : i32
    %c0_i32_0 = arith.constant 0 : i32
    %c0_i32_1 = arith.constant 0 : i32
    return %c0_i32, %c0_i32_0 : i32, i32
  }
  func.func @transform_3(%arg0: i32) -> (i32, i32) {
    %c0_i32 = arith.constant 0 : i32
    %c0_i32_0 = arith.constant 0 : i32
    return %arg0, %c0_i32 : i32, i32
  }
}

module attributes {stable_mosaic.version = 14 : i64} {
  func.func @_inv_body(%arg0: memref<2x10240x48xf32, #tpu.memory_space<vmem>>, %arg1: memref<10240x48xf32, #tpu.memory_space<vmem>>) attributes {dimension_semantics = [], scalar_prefetch = 0 : i64, scratch_operands = 0 : i64, tpu.core_type = #tpu.core_type<tc>} {
    %get3A = arith.constant 0 : index
    %get3A_0 = arith.constant 0 : index
    %get3A_1 = arith.constant 0 : index
    %get3A_2 = vector.load %arg0[%get3A, %get3A_0, %get3A_1] : memref<2x10240x48xf32, #tpu.memory_space<vmem>>, vector<1x10240x48xf32>
    %get3A_3 = vector.shape_cast %get3A_2 : vector<1x10240x48xf32> to vector<10240x48xf32>
    %get3A_4 = arith.constant 1 : index
    %get3A_5 = arith.constant 0 : index
    %get3A_6 = arith.constant 0 : index
    %get3A_7 = vector.load %arg0[%get3A_4, %get3A_5, %get3A_6] : memref<2x10240x48xf32, #tpu.memory_space<vmem>>, vector<1x10240x48xf32>
    %get3A_8 = vector.shape_cast %get3A_7 : vector<1x10240x48xf32> to vector<10240x48xf32>
    %add3A = arith.addf %get3A_3, %get3A_8 : vector<10240x48xf32>
    %add3A_9 = arith.constant 1.000000e-16 : f32
    %add3A_10 = vector.broadcast %add3A_9 : f32 to vector<10240x48xf32>
    %add3A_11 = arith.addf %add3A, %add3A_10 : vector<10240x48xf32>
    %div3A = arith.constant 1.000000e+00 : f32
    %div3A_12 = vector.broadcast %div3A : f32 to vector<10240x48xf32>
    %div3A_13 = arith.divf %div3A_12, %add3A_11 : vector<10240x48xf32>
    %swap3A = arith.constant 0 : index
    %swap3A_14 = arith.constant 0 : index
    %swap3A_15 = vector.load %arg1[%swap3A, %swap3A_14] : memref<10240x48xf32, #tpu.memory_space<vmem>>, vector<10240x48xf32>
    tpu.vector_store %arg1[%swap3A, %swap3A_14], %div3A_13 {strides = array<i32>} : memref<10240x48xf32, #tpu.memory_space<vmem>>, vector<10240x48xf32>,
    return
  }
}

module attributes {stable_mosaic.version = 14 : i64} {
  func.func @_final_body(%arg0: memref<2x10240x32xf32, #tpu.memory_space<vmem>>, %arg1: memref<1x32xf32, #tpu.memory_space<vmem>>, %arg2: memref<10240x32xf32, #tpu.memory_space<vmem>>) attributes {dimension_semantics = [], scalar_prefetch = 0 : i64, scratch_operands = 0 : i64, tpu.core_type = #tpu.core_type<tc>} {
    %get3A = arith.constant 0 : index
    %get3A_0 = arith.constant 0 : index
    %get3A_1 = arith.constant 0 : index
    %get3A_2 = vector.load %arg0[%get3A, %get3A_0, %get3A_1] : memref<2x10240x32xf32, #tpu.memory_space<vmem>>, vector<1x10240x32xf32>
    %get3A_3 = vector.shape_cast %get3A_2 : vector<1x10240x32xf32> to vector<10240x32xf32>
    %get3A_4 = arith.constant 1 : index
    %get3A_5 = arith.constant 0 : index
    %get3A_6 = arith.constant 0 : index
    %get3A_7 = vector.load %arg0[%get3A_4, %get3A_5, %get3A_6] : memref<2x10240x32xf32, #tpu.memory_space<vmem>>, vector<1x10240x32xf32>
    %get3A_8 = vector.shape_cast %get3A_7 : vector<1x10240x32xf32> to vector<10240x32xf32>
    %add3A = arith.addf %get3A_3, %get3A_8 : vector<10240x32xf32>
    %mul3A = arith.constant 0.0303030312 : f32
    %mul3A_9 = vector.broadcast %mul3A : f32 to vector<10240x32xf32>
    %mul3A_10 = arith.mulf %add3A, %mul3A_9 : vector<10240x32xf32>
    %get3A_11 = arith.constant 0 : index
    %get3A_12 = arith.constant 0 : index
    %get3A_13 = vector.load %arg1[%get3A_11, %get3A_12] : memref<1x32xf32, #tpu.memory_space<vmem>>, vector<1x32xf32>
    %add3A_14 = vector.broadcast %get3A_13 : vector<1x32xf32> to vector<10240x32xf32>
    %add3A_15 = arith.addf %mul3A_10, %add3A_14 : vector<10240x32xf32>
    %tanh3A = math.tanh %add3A_15 : vector<10240x32xf32>
    %swap3A = arith.constant 0 : index
    %swap3A_16 = arith.constant 0 : index
    %swap3A_17 = vector.load %arg2[%swap3A, %swap3A_16] : memref<10240x32xf32, #tpu.memory_space<vmem>>, vector<10240x32xf32>
    tpu.vector_store %arg2[%swap3A, %swap3A_16], %tanh3A {strides = array<i32>} : memref<10240x32xf32, #tpu.memory_space<vmem>>, vector<10240x32xf32>,
    return
  }
}

</mosaic_0001>

<sc_bundles>
// kernel: gat_edge_pass_a.3.cloned.1.call-start
scs
__scs_entry_jumppad:
0x0: {  	(pc) =	sbr.rel $0x88, $3  }
0x1: {  	(tag) =	ssettag $0x0;
	lr =	simm.s32 $0x1  }
0x2: {  	[smem:$0x3F9B] =	sst lr;
	_ =	strace $0xD0000000  }
0x3: {  	_ = 	snop  }
0x4: {  	_ = 	snop  }
0x5: {  	_ = 	snop  }
0x6: {  	_ = 	snop  }
0x7: {  	_ = 	snop  }
__scs_overlays_trampoline_lowered:
0x8: {  	[smem:$0x3FAA] =	sst s0  }
0x9: {  	[smem:$0x3FAB] =	sst s1  }
0xa: {  	[smem:$0x3FAC] =	sst s2  }
0xb: {  	[smem:$0x3FAD] =	sst s3  }
0xc: {  	[smem:$0x3FAE] =	sst s4  }
0xd: {  	[smem:$0x3FAF] =	sst s5  }
0xe: {  	[smem:$0x3FB0] =	sst s6  }
0xf: {  	[smem:$0x3FB1] =	sst s7  }
0x10: {  	[smem:$0x3FB2] =	sst s8  }
0x11: {  	[smem:$0x3FB3] =	sst s9;
	s0 =	simm.s32 @!p0 $0x0  }
0x12: {  	s1 =	sld [smem:$0x3F99];
	s0 =	simm.s32 @p0 $0x1  }
0x13: {  	[smem:$0x3FB4] =	sst s0;
	s0 =	simm.s32 @!p1 $0x0  }
0x14: {  	s2 =	sld [smem:$0x3F98];
	s0 =	simm.s32 @p1 $0x1  }
0x15: {  	[smem:$0x3FB5] =	sst s0;
	s0 =	simm.s32 @!p2 $0x0  }
0x16: {  	s3 =	sld [smem:$0x3FDB];
	s0 =	simm.s32 @p2 $0x1  }
0x17: {  	s4 =	simm.s32 $0x1BF5;
	[smem:$0x3FB7] =	sst s0  }
0x18: {  	s0 =	sld [smem:$0x3F9A];
	_ =	swait.ge [sflag:s4], $0x0  }
0x19: {  	s7 =	sld [smem:$0x3F9B]  }
0x1a: {  	s8 =	sadd.s32 $0xFFFFE003, lr  }
0x1b: {  	s9 =	sadd.s32 $0xFFFFFEF7, lr;
	s5 =	simm.s32 $0xFFFFFFFF;
	p2 =	slt.u32 s8, $0xFFFFF086  }
0x1c: {  	p1 =	slt.u32 s9, $0xF7A;
	s5 =	simm.s32 @!p2 $0x0  }
0x1d: {  	s5 =	simm.s32 @p1 $0x1;
	p0 =	seq.s32 s7, s2  }
0x1e: {  	s7 =	smul.u32 @!p0 $0xF7A, s2;
	p2 =	seq.s32 @!p0 s5, $0x0  }
0x1f: {  	s9 =	smul.u32 $0xF7A, s1;
	s8 =	simm.s32 @!p0 $0x1BF5;
	p2 =	por !p2, p0  }
0x20: {  	[sflag:s8] =	ssyncset.s32 @!p0 $0xFFFFF086;
	s6 =	sadd.s32 @!p0 s3, s7;
	s7 =	simm.s32 @!p0 $0x108  }
0x21: {  	s3 =	sadd.s32 s3, s9;
	s6 =	sadd.s32 @!p0 $0x88, s6;
	s7 =	simm.s32 @p2 $0x1082  }
0x22: {  	[simem:s7], [sflag:s8] =	dma.local @!p0 [hbm:s6], $0xF7A  }
0x23: {  	s9 =	sor.u32 $0xD0000000, s2;
	s6 =	simm.s32 $0x108;
	_ =	swait.ge @!p0 [sflag:s8], $0x0  }
0x24: {  	s3 =	sadd.s32 $0x88, s3;
	s6 =	simm.s32 @!p1 $0x1082;
	[sflag:s4] =	ssyncset.s32 $0xFFFFF086  }
0x25: {  	[simem:s6], [sflag:s4] =	dma.local [hbm:s3], $0xF7A  }
0x26: {  	[smem:$0x3F9B] =	sst s1;
	(tag) =	ssettag s2;
	_ =	strace s9  }
0x27: {  	s1 =	sld [smem:$0x3FAB]  }
0x28: {  	s2 =	sld [smem:$0x3FAC]  }
0x29: {  	s4 =	sld [smem:$0x3FAE]  }
0x2a: {  	p0 =	seq.s32 s5, $0x0;
	s5 =	sld [smem:$0x3FAF]  }
0x2b: {  	s6 =	sld [smem:$0x3FB0]  }
0x2c: {  	s7 =	sld [smem:$0x3FB1]  }
0x2d: {  	s3 =	simm.s32 $0x108;
	s8 =	sld [smem:$0x3FB2]  }
0x2e: {  	s3 =	simm.s32 @!p0 $0x1082;
	s9 =	sld [smem:$0x3FB3]  }
0x2f: {  	lr =	sadd.s32 s0, s3;
	s0 =	sld [smem:$0x3FAA]  }
0x30: {  	s3 =	sld [smem:$0x3FAD]  }
0x31: {  	[smem:$0x3FB6] =	sst s10  }
0x32: {  	s10 =	sld [smem:$0x3FB4];
	_ =	sdelay $0x3  }
0x33: {  	p0 =	seq.s32 s10, $0x1;
	s10 =	sld [smem:$0x3FB6];
	_ =	sdelay $0x3  }
0x34: {  	[smem:$0x3FB6] =	sst s10  }
0x35: {  	s10 =	sld [smem:$0x3FB5];
	_ =	sdelay $0x3  }
0x36: {  	p1 =	seq.s32 s10, $0x1;
	s10 =	sld [smem:$0x3FB6];
	_ =	sdelay $0x3  }
0x37: {  	[smem:$0x3FB6] =	sst s10  }
0x38: {  	s10 =	sld [smem:$0x3FB7]  }
0x39: {  	_ = 	snop;
	(pc) =	sbr.ind lr, $3  }
0x3a: {  	_ = 	snop  }
0x3b: {  	_ = 	snop  }
0x3c: {  	p2 =	seq.s32 s10, $0x1;
	s10 =	sld [smem:$0x3FB6]  }
0x3d: {  	_ =	shalt  }
0x3e: {  	_ =	shalt  }
0x3f: {  	_ =	shalt  }
0x40: {  	_ =	shalt  }
0x41: {  	_ =	shalt  }
0x42: {  	_ =	shalt  }
0x43: {  	_ =	shalt  }
0x44: {  	_ =	shalt  }
0x45: {  	_ =	shalt  }
0x46: {  	_ =	shalt  }
0x47: {  	_ =	shalt  }
0x48: {  	_ =	shalt  }
0x49: {  	_ =	shalt  }
0x4a: {  	_ =	shalt  }
0x4b: {  	_ =	shalt  }
0x4c: {  	_ =	shalt  }
0x4d: {  	_ =	shalt  }
0x4e: {  	_ =	shalt  }
0x4f: {  	_ =	shalt  }
0x50: {  	_ =	shalt  }
0x51: {  	_ =	shalt  }
0x52: {  	_ =	shalt  }
0x53: {  	_ =	shalt  }
0x54: {  	_ =	shalt  }
0x55: {  	_ =	shalt  }
0x56: {  	_ =	shalt  }
0x57: {  	_ =	shalt  }
0x58: {  	_ =	shalt  }
0x59: {  	_ =	shalt  }
0x5a: {  	_ =	shalt  }
0x5b: {  	_ =	shalt  }
0x5c: {  	_ =	shalt  }
0x5d: {  	_ =	shalt  }
0x5e: {  	_ =	shalt  }
0x5f: {  	_ =	shalt  }
0x60: {  	_ =	shalt  }
0x61: {  	_ =	shalt  }
0x62: {  	_ =	shalt  }
0x63: {  	_ =	shalt  }
0x64: {  	_ =	shalt  }
0x65: {  	_ =	shalt  }
0x66: {  	_ =	shalt  }
0x67: {  	_ =	shalt  }
0x68: {  	_ =	shalt  }
0x69: {  	_ =	shalt  }
0x6a: {  	_ =	shalt  }
0x6b: {  	_ =	shalt  }
0x6c: {  	_ =	shalt  }
0x6d: {  	_ =	shalt  }
0x6e: {  	_ =	shalt  }
0x6f: {  	_ =	shalt  }
0x70: {  	_ =	shalt  }
0x71: {  	_ =	shalt  }
0x72: {  	_ =	shalt  }
0x73: {  	_ =	shalt  }
0x74: {  	_ =	shalt  }
0x75: {  	_ =	shalt  }
0x76: {  	_ =	shalt  }
0x77: {  	_ =	shalt  }
0x78: {  	_ =	shalt  }
0x79: {  	_ =	shalt  }
0x7a: {  	_ =	shalt  }
0x7b: {  	_ =	shalt  }
0x7c: {  	_ =	shalt  }
0x7d: {  	_ =	shalt  }
0x7e: {  	_ =	shalt  }
0x7f: {  	_ =	shalt  }
0x80: {  	_ =	shalt  }
0x81: {  	_ =	shalt  }
0x82: {  	_ =	shalt  }
0x83: {  	_ =	shalt  }
0x84: {  	_ =	shalt  }
0x85: {  	_ =	shalt  }
0x86: {  	_ =	shalt  }
0x87: {  	_ =	shalt  }
.Lfunc_end0:
.L_simem_size_0:
called_computation_lowered:
.L_overlay_start_0:
0x88: {  	s2 =	sld [smem:$0x3FD9]  }
0x89: {  	s3 =	sld [smem:$0x3FFE];
	_ =	sdelay $0x1  }
0x8a: {  	s1 =	srdreg.scid  }
0x8b: {  	s0 =	sand.u32 $0x1, s1  }
0x8c: {  	s17 =	sshll.u32 s0, $0xA;
	s2 =	sadd.s32 s3, s2  }
0x8d: {  	s2 =	sadd.s32 s2, s17  }
0x8e: {  	[smem:$0x3FC2] =	sst s2  }
0x8f: {  	_ = 	snop  }
0x90: {  	s2 =	sld [smem:$0x3FD0];
	(tm) =	ssettm $0x1  }
0x91: {  	s18 =	sld [smem:$0x3FFB];
	_ =	sdelay $0x3  }
0x92: {  	_ =	strace s18  }
0x93: {  	s3 =	sld [smem:$0x3FFC];
	_ =	sdelay $0x3  }
0x94: {  	_ =	strace s3  }
0x95: {  	s3 =	sld [smem:$0x3FFD];
	_ =	sdelay $0x3  }
0x96: {  	_ =	strace s3  }
0x97: {  	_ =	strace $0x8FFFFFFF  }
0x98: {  	s19 =	sld [smem:$0x3FDB];
	_ =	sdelay $0x1  }
0x99: {  	s4 =	simm.s32 $_scs_section_size  }
0x9a: {  	s5 =	simm.s32 $_size__tile_overlayer_lowered;
	s6 =	simm.s32 $_tile_overlayer_lowered  }
0x9b: {  	s22 =	simm.s32 $0x1BFF;
	s21 =	sshll.u32 s6, $0x1;
	s3 =	sadd.s32 s4, s19  }
0x9c: {  	s7 =	simm.s32 $0x0;
	s20 =	sshll.u32 s5, $0x1;
	s5 =	sadd.s32 s21, s3  }
0x9d: {  	[timem:s7], [sflag:s22] =	dma.local [hbm:s5], s20  }
0x9e: {  	_ =	swait.ge [sflag:s22], s20  }
0x9f: {  	s4 =	ssub.s32 $0x0, s20;
	[sflag:s22] =	ssyncset.done $0x0  }
0xa0: {  	[sflag:s22] =	ssyncadd.s32 s4;
	_ =	sdelay $0x1  }
0xa1: {  	s23 =	simm.s32 $0x1B8B  }
0xa2: {  	_ =	swait.ge [sflag:s23], $0x1  }
0xa3: {  	[sflag:s23] =	ssyncset.done $0x0  }
0xa4: {  	s25 =	simm.s32 $0x1B8E;
	s24 =	sld [smem:$0x3FFE];
	[sflag:s23] =	ssyncadd.s32 $0xFFFFFFFF  }
0xa5: {  	s26 =	simm.s32 $execute0_lowered;
	[smem:$0x3FD2] =	sst s25  }
0xa6: {  	s5 =	sshll.u32 s26, $0x1;
	_ =	strace $0x80000046;
	[dreg:$0x1] =	wrdreg $0xFFFFFFFF  }
0xa7: {  	s28 =	simm.s32 $_size_execute0_lowered;
	s3 =	sadd.s32 s3, s5;
	[dreg:$0x0] =	wrdreg $0x0  }
0xa8: {  	s5 =	sshll.u32 s28, $0x1;
	[dreg:$0x2] =	wrdreg s3  }
0xa9: {  	[dreg:$0x3] =	wrdreg s5  }
0xaa: {  	[dreg:$0x4] =	wrdreg $0xC0  }
0xab: {  	_ =	task [dreg:s7], $0x5FFFF  }
0xac: {  	[dreg:$0x1] =	wrdreg $0xFFFFFFFF  }
0xad: {  	[dreg:$0x0] =	wrdreg $0x60  }
0xae: {  	[dreg:$0x2] =	wrdreg s24  }
0xaf: {  	[dreg:$0x3] =	wrdreg s2  }
0xb0: {  	[dreg:$0x4] =	wrdreg $0xC6300  }
0xb1: {  	[dreg:$0x5] =	wrdreg $0x9  }
0xb2: {  	_ =	task.clear_ibuf [dreg:s7], $0x6FFFF;
	_ =	strace $0x90000046  }
0xb3: {  	s29 =	simm.s32 $0x9;
	_ =	strace $0x80000048  }
0xb4: {  	_ =	swait.ge [sflag:s29], $0x1  }
0xb5: {  	[sflag:s29] =	ssyncadd.s32 $0xFFFFFFFF  }
0xb6: {  	_ =	strace $0x90000048  }
0xb7: {  	_ =	sfence  }
0xb8: {  	s30 =	sld [smem:$0x0];
	_ =	sdelay $0x2  }
0xb9: {  	s31 =	sshll.u32 s1, $0xD;
	s1 =	sshrl.u32 s1, $0x2  }
0xba: {  	s3 =	sand.u32 $0x4000, s31;
	s1 =	sadd.s32 s1, s30  }
0xbb: {  	s0 =	sor.u32 s3, s0;
	s1 =	sshll.u32 s1, $0x11  }
0xbc: {  	s0 =	sor.u32 s1, s0  }
0xbd: {  	s0 =	sadd.s32 $0x8F2B, s0  }
0xbe: {  	[sflag:s0] =	ssyncadd.remote.s32 $0x1  }
0xbf: {  	_ =	sfence.sel $0xFFFF  }
0xc0: {  	[dreg:$0x0] =	wrdreg $0xFFFFFFFF;
	(pc) =	sbr.abs _section_cstart, $3  }
0xc1: {  	[dreg:$0x1] =	wrdreg $0xFFFFFFFF  }
0xc2: {  	_ =	task.clear_ibuf [dreg:s7], $0x2FFFF;
	_ =	strace $0x9FFFFFFF  }
0xc3: {  	(tm) =	ssettm $0x7FFFFFFF  }
tec
execute0_lowered:
.L_overlay_start_1:
0x0: {  	(tag) =	ssettag $0x1  }
0x1: {  	s0 =	srdreg.scid;
	s1 =	rddreg [dreg:$0x0]  }
0x2: {  	s11 =	stileid.u32;
	s3 =	rddreg [dreg:$0x2];
	s4 =	simm.s32 $0x0  }
0x3: {  	s0 =	sand.u32 $0x1, s0;
	[smem:$0x7FF] =	sst s4;
	s8 =	smul.u32 $0x7800, s11  }
0x4: {  	s6 =	sadd.s32 $0x1AC00, s1;
	s2 =	sshll.u32 s0, $0x4;
	s7 =	smul.u32 $0x78000, s0  }
0x5: {  	_ =	strace $0x80000047;
	s0 =	ssub.s32 $0x2, s0;
	s2 =	sor.u32 s11, s2  }
0x6: {  	s15 =	sshrl.u32 s0, $0x1;
	s11 =	smul.u32 $0x1E000, s11;
	s18 =	sadd.s32 s8, s3  }
0x7: {  	s5 =	smul.u32 $0x2A0, s2;
	s10 =	sadd.s32 s8, s7;
	s7 =	sadd.s32 $0x47C00, s1  }
0x8: {  	s0 =	ssub.s32 s0, s15;
	s28 =	sshrl.u32 s18, $0x3;
	s10 =	sshrl.u32 s10, $0x3  }
0x9: {  	s17 =	sshrl.u32 s11, $0x2;
	s0 =	smax.u32 s0, $0x1;
	[dreg:$0x12] =	wrdreg s28  }
0xa: {  	s9 =	sadd.s32 s5, s1;
	[dreg:$0x7] =	wrdreg s0;
	s19 =	sadd.s32 s17, s3  }
0xb: {  	s5 =	sadd.s32 $0xBC00, s1;
	s16 =	sadd.s32 $0x6800, s9;
	[dreg:$0x8] =	wrdreg s19  }
0xc: {  	s1 =	sadd.s32 s10, s1;
	s9 =	sadd.s32 $0x1400, s9;
	[dreg:$0x4] =	wrdreg s16  }
0xd: {  	s1 =	sadd.s32 $0x29C00, s1;
	[dreg:$0x5] =	wrdreg s9  }
0xe: {  	s20 =	sadd.s32 $0x1800, s19;
	[dreg:$0x6] =	wrdreg s1  }
0xf: {  	s12 =	simm.s32 $0x9;
	s21 =	sadd.s32 $0x2400, s19;
	[dreg:$0xa] =	wrdreg s20  }
0x10: {  	s29 =	simm.s32 $0x80;
	s22 =	sadd.s32 $0x3000, s19;
	[dreg:$0xb] =	wrdreg s21  }
0x11: {  	s30 =	simm.s32 $0x3;
	s23 =	sadd.s32 $0x3C00, s19;
	[dreg:$0xc] =	wrdreg s22  }
0x12: {  	s31 =	simm.s32 $0x8A00;
	s24 =	sadd.s32 $0x4800, s19;
	[dreg:$0xd] =	wrdreg s23  }
0x13: {  	s8 =	simm.s32 $0x4;
	s25 =	sadd.s32 $0x5400, s19;
	[dreg:$0xe] =	wrdreg s24  }
0x14: {  	s10 =	smul.u32 $0x1500, s2;
	s26 =	sadd.s32 $0x6000, s19;
	[dreg:$0xf] =	wrdreg s25  }
0x15: {  	s2 =	simm.s32 $0x0;
	s0 =	sadd.s32 $0x6C00, s19;
	[dreg:$0x10] =	wrdreg s26  }
0x16: {  	s1 =	sadd.s32 $0xC00, s19;
	[dreg:$0x11] =	wrdreg s0;
	s26 =	simm.s32 $0x1  }
0x17: {  	v0 =	vimm.f32 $0.0e+00;
	s0 =	simm.s32 $0x2;
	s9 =	simm.s32 $0xA200;
	[dreg:$0x9] =	wrdreg s1  }
.LBB2_1:
0x18: {  	[dreg:$0x13] =	wrdreg s2;
	s1 =	simm.s32 $0xC0;
	s2 =	simm.s32 $0x0  }
.LBB2_2:
0x19: {  	p0 =	sne.s32 s1, $0x2F40;
	[tilespmem:s2+$0xBA50] =	vst v0;
	s11 =	smov.u32 s1;
	s1 =	sadd.s32 $0xC0, s1  }
.Ltmp0:
0x1a: {  	[tilespmem:s2+$0xBA30] =	vst v0;
	(pc) =	sbr.rel @p0 .LBB2_2-.Ltmp0, $2  }
0x1b: {  	[tilespmem:s2+$0xBA40] =	vst v0;
	_ =	sdelay $0x2  }
0x1c: {  	s2 =	sshra.s32 s11, $0x2  }
0x1d: {  	[tilespmem:s2+$0xBA50] =	vst v0  }
0x1e: {  	[tilespmem:s2+$0xBA30] =	vst v0  }
0x1f: {  	[tilespmem:s2+$0xBA40] =	vst v0;
	s1 =	rddreg [dreg:$0x8];
	s25 =	simm.s32 $0xBA30  }
0x20: {  	[spmem:s1] =	stream.linear.scatter [tilespmem:s25], [sflag:$0x9], $0xC00, $0x38;
	[tilespmem:$0x13E30] =	vst v63  }
0x21: {  	_ =	swait.ge [sflag:s12], $0xC00  }
0x22: {  	[sflag:s12] =	ssyncset.done $0x0  }
0x23: {  	s28 =	rddreg [dreg:$0x9];
	[sflag:s12] =	ssyncadd.s32 $0xFFFFF400  }
0x24: {  	[spmem:s28] =	stream.linear.scatter [tilespmem:s25], [sflag:$0x9], $0xC00, $0x38;
	[tilespmem:$0x13E30] =	vst v63  }
0x25: {  	_ =	swait.ge [sflag:s12], $0xC00  }
0x26: {  	[sflag:s12] =	ssyncset.done $0x0  }
0x27: {  	s11 =	rddreg [dreg:$0xa];
	[sflag:s12] =	ssyncadd.s32 $0xFFFFF400  }
0x28: {  	[spmem:s11] =	stream.linear.scatter [tilespmem:s25], [sflag:$0x9], $0xC00, $0x38;
	[tilespmem:$0x13E30] =	vst v63  }
0x29: {  	_ =	swait.ge [sflag:s12], $0xC00  }
0x2a: {  	[sflag:s12] =	ssyncset.done $0x0  }
0x2b: {  	s13 =	rddreg [dreg:$0xb];
	[sflag:s12] =	ssyncadd.s32 $0xFFFFF400  }
0x2c: {  	[spmem:s13] =	stream.linear.scatter [tilespmem:s25], [sflag:$0x9], $0xC00, $0x38;
	[tilespmem:$0x13E30] =	vst v63  }
0x2d: {  	_ =	swait.ge [sflag:s12], $0xC00  }
0x2e: {  	[sflag:s12] =	ssyncset.done $0x0  }
0x2f: {  	s14 =	rddreg [dreg:$0xc];
	[sflag:s12] =	ssyncadd.s32 $0xFFFFF400  }
0x30: {  	[spmem:s14] =	stream.linear.scatter [tilespmem:s25], [sflag:$0x9], $0xC00, $0x38;
	[tilespmem:$0x13E30] =	vst v63  }
0x31: {  	_ =	swait.ge [sflag:s12], $0xC00  }
0x32: {  	[sflag:s12] =	ssyncset.done $0x0  }
0x33: {  	s15 =	rddreg [dreg:$0xd];
	[sflag:s12] =	ssyncadd.s32 $0xFFFFF400  }
0x34: {  	[spmem:s15] =	stream.linear.scatter [tilespmem:s25], [sflag:$0x9], $0xC00, $0x38;
	[tilespmem:$0x13E30] =	vst v63  }
0x35: {  	_ =	swait.ge [sflag:s12], $0xC00  }
0x36: {  	[sflag:s12] =	ssyncset.done $0x0  }
0x37: {  	s16 =	rddreg [dreg:$0xe];
	[sflag:s12] =	ssyncadd.s32 $0xFFFFF400  }
0x38: {  	[spmem:s16] =	stream.linear.scatter [tilespmem:s25], [sflag:$0x9], $0xC00, $0x38;
	[tilespmem:$0x13E30] =	vst v63  }
0x39: {  	_ =	swait.ge [sflag:s12], $0xC00  }
0x3a: {  	[sflag:s12] =	ssyncset.done $0x0  }
0x3b: {  	s17 =	rddreg [dreg:$0xf];
	[sflag:s12] =	ssyncadd.s32 $0xFFFFF400  }
0x3c: {  	[spmem:s17] =	stream.linear.scatter [tilespmem:s25], [sflag:$0x9], $0xC00, $0x38;
	[tilespmem:$0x13E30] =	vst v63  }
0x3d: {  	_ =	swait.ge [sflag:s12], $0xC00  }
0x3e: {  	[sflag:s12] =	ssyncset.done $0x0  }
0x3f: {  	s18 =	rddreg [dreg:$0x10];
	[sflag:s12] =	ssyncadd.s32 $0xFFFFF400  }
0x40: {  	[spmem:s18] =	stream.linear.scatter [tilespmem:s25], [sflag:$0x9], $0xC00, $0x38;
	[tilespmem:$0x13E30] =	vst v63  }
0x41: {  	_ =	swait.ge [sflag:s12], $0xC00  }
0x42: {  	[sflag:s12] =	ssyncset.done $0x0  }
0x43: {  	s19 =	rddreg [dreg:$0x11];
	[sflag:s12] =	ssyncadd.s32 $0xFFFFF400  }
0x44: {  	[spmem:s19] =	stream.linear.scatter [tilespmem:s25], [sflag:$0x9], $0xC00, $0x38;
	[tilespmem:$0x13E30] =	vst v63  }
0x45: {  	_ =	swait.ge [sflag:s12], $0xC00  }
0x46: {  	[sflag:s12] =	ssyncset.done $0x0  }
0x47: {  	[sflag:s12] =	ssyncadd.s32 $0xFFFFF400  }
0x48: {  	s21 =	simm.s32 $0xBA00;
	s16 =	simm.s32 $0x0;
	s20 =	rddreg [dreg:$0x1]  }
0x49: {  	[tilespmem:s21], [sflag:$0x9] =	stream.linear.gather [hbm4b:s20+s16], $0x30, $0x38;
	[tilespmem:$0x13E30] =	vst v63  }
0x4a: {  	_ =	swait.ge [sflag:s12], $0x30  }
0x4b: {  	[sflag:s12] =	ssyncset.done $0x0  }
0x4c: {  	[sflag:s12] =	ssyncadd.s32 $0xFFFFFFD0  }
0x4d: {  	v1 =	vld [tilespmem:$0xBA00]  }
0x4e: {  	s22 =	rddreg [dreg:$0x4];
	v2 =	vld [tilespmem:$0xBA10]  }
0x4f: {  	v3 =	vld [tilespmem:$0xBA20];
	[tilespmem:s16], [sflag:$0x9] =	stream.linear.gather [hbm4b:s22+s16], $0x1500, $0x38  }
0x50: {  	_ =	swait.ge [sflag:s12], $0x1500  }
0x51: {  	[sflag:s12] =	ssyncset.done $0x0  }
0x52: {  	s24 =	simm.s32 $0x1500;
	s23 =	rddreg [dreg:$0x5];
	[sflag:s12] =	ssyncadd.s32 $0xFFFFEB00  }
0x53: {  	[tilespmem:s24], [sflag:$0x9] =	stream.linear.gather [hbm4b:s23+s16], $0x1500, $0x38;
	[tilespmem:$0x13E30] =	vst v63  }
0x54: {  	_ =	swait.ge [sflag:s12], $0x1500  }
0x55: {  	[sflag:s12] =	ssyncset.done $0x0  }
0x56: {  	[sflag:s12] =	ssyncadd.s32 $0xFFFFEB00  }
0x57: {  	s25 =	simm.s32 $0x2A00;
	[bflag:$0x0] =	sbarrier.arrive $0xFFFF  }
0x58: {  	[tilespmem:s25], [sflag:$0x1] =	stream.indirect.gather [hbm4b:s5+s29], $0x30, s16, s29, $0xb8;
	[tilespmem:$0x13E30] =	vst v63  }
0x59: {  	s28 =	simm.s32 $0x5A00  }
0x5a: {  	[tilespmem:s28], [sflag:$0x3] =	stream.indirect.gather [hbm4b:s6+s29], $0x30, s24, s29, $0xb8;
	[tilespmem:$0x13E30] =	vst v63  }
.LBB2_4:
0x5b: {  	s19 =	sshll.u32 s16, $0x8  }
0x5c: {  	s1 =	simm.s32 $0x4200;
	s18 =	sor.u32 $0x80, s19  }
0x5d: {  	[tilespmem:s1], [sflag:$0x2] =	stream.indirect.gather [hbm4b:s5+s29], $0x30, s18, s29, $0xb8;
	[tilespmem:$0x13E30] =	vst v63  }
0x5e: {  	s25 =	simm.s32 $0x7200;
	s17 =	sadd.s32 $0x1580, s19  }
0x5f: {  	[tilespmem:s25], [sflag:$0x4] =	stream.indirect.gather [hbm4b:s6+s29], $0x30, s17, s29, $0xb8;
	[tilespmem:$0x13E30] =	vst v63  }
0x60: {  	_ =	swait.ge [sflag:s26], $0x1800  }
0x61: {  	[sflag:s26] =	ssyncset.done $0x0  }
0x62: {  	[sflag:s26] =	ssyncadd.s32 $0xFFFFE800  }
0x63: {  	_ =	swait.ge [sflag:s30], $0x1800  }
0x64: {  	p0 =	seq.s32 s16, $0x0;
	[sflag:s30] =	ssyncset.done $0x0  }
0x65: {  	s1 =	simm.s32 @!p0 $0x5;
	[sflag:s30] =	ssyncadd.s32 $0xFFFFE800  }
0x66: {  	_ =	swait.ge @!p0 [sflag:s1], $0x1800  }
0x67: {  	[sflag:s1] =	ssyncset.done @!p0 $0x0  }
0x68: {  	[sflag:s1] =	ssyncadd.s32 @!p0 $0xFFFFE800;
	s1 =	simm.s32 @!p0 $0x7  }
0x69: {  	_ =	swait.ge @!p0 [sflag:s1], $0x1800  }
0x6a: {  	[sflag:s1] =	ssyncset.done @!p0 $0x0  }
0x6b: {  	s13 =	simm.s32 $0x2A30;
	[sflag:s1] =	ssyncadd.s32 @!p0 $0xFFFFE800  }
0x6c: {  	s14 =	simm.s32 $0x5A30;
	v4 =	vld [tilespmem:s13+$0x0]  }
0x6d: {  	v5 =	vld [tilespmem:s14+$0x0];
	_ =	sdelay $0x4  }
0x6e: {  	v6 =	vld [tilespmem:s14+$0xFFFFFFD0];
	v4 =	vadd.f32 v5, v4;
	v5 =	vadd.f32 v5, v1  }
0x6f: {  	v7 =	vld [tilespmem:s13+$0xFFFFFFD0]  }
0x70: {  	v8 =	vmul.f32 $2.000000030e-01, v4;
	v9 =	vmul.f32 $2.000000030e-01, v5;
	_ =	sdelay $0x1  }
0x71: {  	v4 =	vmax.f32 v4, v8;
	v5 =	vmax.f32 v5, v9  }
0x72: {  	v4 =	vsub.f32 v4, v5  }
0x73: {  	v5 =	vadd.f32 v6, v7;
	v6 =	vadd.f32 v6, v1  }
0x74: {  	v4 =	vmul.f32 $1.442695020e+00, v4  }
0x75: {  	v7 =	vmul.f32 $2.000000030e-01, v5;
	v8 =	vmul.f32 $2.000000030e-01, v6  }
0x76: {  	(erf) = vpow2.f32 v4  }
0x77: {  	s23 =	simm.s32 $0x5A90;
	v4 =	vmax.f32 v5, v7;
	v5 =	vmax.f32 v6, v8  }
0x78: {  	s12 =	simm.s32 $0x2A90;
	v6 =	vld [tilespmem:s23+$0x0];
	v4 =	vsub.f32 v4, v5  }
0x79: {  	v5 =	vld [tilespmem:s12+$0x0]  }
0x7a: {  	v4 =	vmul.f32 $1.442695020e+00, v4  }
0x7b: {  	v7 =	vld [tilespmem:s23+$0xFFFFFFD0]  }
0x7c: {  	v8 =	vld [tilespmem:s12+$0xFFFFFFD0];
	(erf) = vpow2.f32 v4;
	_ =	sdelay $0x1  }
0x7d: {  	v4 =	vadd.f32 v6, v5;
	v5 =	vadd.f32 v6, v1  }
0x7e: {  	s20 =	simm.s32 $0x8A30;
	v6 =	vpop (erf)  }
0x7f: {  	v9 =	vmul.f32 $2.000000030e-01, v5;
	[tilespmem:s20+$0x0] =	vst v6  }
0x80: {  	v8 =	vadd.f32 v7, v8;
	v6 =	vadd.f32 v7, v1;
	v7 =	vmul.f32 $2.000000030e-01, v4;
	v10 =	vld [tilespmem:s13+$0x10]  }
0x81: {  	v5 =	vmax.f32 v5, v9;
	v12 =	vld [tilespmem:s14+$0x10]  }
0x82: {  	v11 =	vmul.f32 $2.000000030e-01, v8;
	v13 =	vmul.f32 $2.000000030e-01, v6;
	v4 =	vmax.f32 v4, v7  }
0x83: {  	v4 =	vsub.f32 v4, v5  }
0x84: {  	v7 =	vmax.f32 v8, v11;
	v5 =	vpop (erf);
	v6 =	vmax.f32 v6, v13  }
0x85: {  	[tilespmem:s20+$0xFFFFFFD0] =	vst v5;
	v5 =	vsub.f32 v7, v6;
	v4 =	vmul.f32 $1.442695020e+00, v4  }
0x86: {  	v6 =	vld [tilespmem:s13+$0xFFFFFFE0];
	v7 =	vadd.f32 v12, v10;
	v8 =	vadd.f32 v12, v2  }
0x87: {  	v9 =	vld [tilespmem:s14+$0xFFFFFFE0];
	v5 =	vmul.f32 $1.442695020e+00, v5;
	(erf) = vpow2.f32 v4  }
0x88: {  	s22 =	simm.s32 $0x2AF0;
	v4 =	vmul.f32 $2.000000030e-01, v7;
	v10 =	vmul.f32 $2.000000030e-01, v8  }
0x89: {  	s25 =	simm.s32 $0x5AF0;
	v11 =	vld [tilespmem:s22+$0x0]  }
0x8a: {  	(erf) = vpow2.f32 v5;
	v5 =	vld [tilespmem:s25+$0x0];
	v4 =	vmax.f32 v7, v4;
	v7 =	vmax.f32 v8, v10  }
0x8b: {  	v8 =	vld [tilespmem:s25+$0xFFFFFFD0];
	v4 =	vsub.f32 v4, v7  }
0x8c: {  	v6 =	vadd.f32 v9, v6;
	v7 =	vld [tilespmem:s22+$0xFFFFFFD0];
	v9 =	vadd.f32 v9, v2  }
0x8d: {  	v4 =	vmul.f32 $1.442695020e+00, v4  }
0x8e: {  	v12 =	vmul.f32 $2.000000030e-01, v9  }
0x8f: {  	v10 =	vmul.f32 $2.000000030e-01, v6;
	(erf) = vpow2.f32 v4  }
0x90: {  	s21 =	simm.s32 $0x8A90;
	v4 =	vadd.f32 v5, v11;
	v5 =	vadd.f32 v5, v1;
	v9 =	vmax.f32 v9, v12;
	v11 =	vpop (erf)  }
0x91: {  	v6 =	vmax.f32 v6, v10;
	v7 =	vadd.f32 v8, v7;
	[tilespmem:s21+$0x0] =	vst v11  }
0x92: {  	v8 =	vadd.f32 v8, v1;
	v10 =	vmul.f32 $2.000000030e-01, v4;
	v11 =	vmul.f32 $2.000000030e-01, v5;
	v12 =	vld [tilespmem:s12+$0x10]  }
0x93: {  	v6 =	vsub.f32 v6, v9;
	v9 =	vpop (erf);
	v13 =	vmul.f32 $2.000000030e-01, v7;
	v14 =	vld [tilespmem:s23+$0x10]  }
0x94: {  	v15 =	vmul.f32 $2.000000030e-01, v8;
	[tilespmem:s21+$0xFFFFFFD0] =	vst v9;
	v4 =	vmax.f32 v4, v10;
	v5 =	vmax.f32 v5, v11  }
0x95: {  	v6 =	vmul.f32 $1.442695020e+00, v6;
	v9 =	vld [tilespmem:s12+$0xFFFFFFE0];
	v4 =	vsub.f32 v4, v5  }
0x96: {  	v5 =	vmax.f32 v7, v13;
	v7 =	vld [tilespmem:s23+$0xFFFFFFE0];
	v8 =	vmax.f32 v8, v15  }
0x97: {  	(erf) = vpow2.f32 v6;
	v5 =	vsub.f32 v5, v8;
	v4 =	vmul.f32 $1.442695020e+00, v4  }
0x98: {  	s28 =	simm.s32 $0x2B50;
	v6 =	vadd.f32 v14, v12;
	v8 =	vadd.f32 v14, v2;
	v10 =	vpop (erf)  }
0x99: {  	v11 =	vld [tilespmem:s28+$0x0];
	v5 =	vmul.f32 $1.442695020e+00, v5;
	(erf) = vpow2.f32 v4;
	[tilespmem:s20+$0x10] =	vst v10  }
0x9a: {  	v4 =	vmul.f32 $2.000000030e-01, v6;
	v10 =	vmul.f32 $2.000000030e-01, v8;
	v12 =	vld [tilespmem:s13+$0x20]  }
0x9b: {  	s11 =	simm.s32 $0x5B50;
	v9 =	vadd.f32 v7, v9;
	(erf) = vpow2.f32 v5;
	v5 =	vld [tilespmem:s14+$0x20]  }
0x9c: {  	v13 =	vld [tilespmem:s11+$0x0];
	v7 =	vadd.f32 v7, v2;
	v4 =	vmax.f32 v6, v4;
	v6 =	vmax.f32 v8, v10  }
0x9d: {  	v14 =	vld [tilespmem:s28+$0xFFFFFFD0];
	v4 =	vsub.f32 v4, v6  }
0x9e: {  	v8 =	vld [tilespmem:s11+$0xFFFFFFD0];
	v10 =	vmul.f32 $2.000000030e-01, v7;
	v6 =	vmul.f32 $2.000000030e-01, v9  }
0x9f: {  	v4 =	vmul.f32 $1.442695020e+00, v4  }
0xa0: {  	v7 =	vmax.f32 v7, v10;
	v6 =	vmax.f32 v9, v6;
	v9 =	vpop (erf);
	v10 =	vadd.f32 v5, v12  }
0xa1: {  	[tilespmem:s20+$0xFFFFFFE0] =	vst v9;
	v5 =	vadd.f32 v5, v3;
	v9 =	vadd.f32 v13, v11;
	(erf) = vpow2.f32 v4  }
0xa2: {  	v4 =	vsub.f32 v6, v7;
	v7 =	vadd.f32 v13, v1;
	v12 =	vmul.f32 $2.000000030e-01, v10  }
0xa3: {  	v6 =	vld [tilespmem:s13+$0xFFFFFFF0];
	s13 =	simm.s32 $0x8AF0;
	v14 =	vadd.f32 v8, v14;
	v8 =	vadd.f32 v8, v1;
	v11 =	vpop (erf)  }
0xa4: {  	v13 =	vld [tilespmem:s14+$0xFFFFFFF0];
	v15 =	vmul.f32 $2.000000030e-01, v5;
	[tilespmem:s13+$0x0] =	vst v11;
	v11 =	vmul.f32 $2.000000030e-01, v9  }
0xa5: {  	v16 =	vmul.f32 $2.000000030e-01, v7;
	v18 =	vmul.f32 $2.000000030e-01, v8;
	v17 =	vld [tilespmem:s22+$0x10]  }
0xa6: {  	v4 =	vmul.f32 $1.442695020e+00, v4;
	v10 =	vmax.f32 v10, v12;
	v5 =	vmax.f32 v5, v15;
	v19 =	vld [tilespmem:s25+$0x10];
	v12 =	vpop (erf)  }
0xa7: {  	v5 =	vsub.f32 v10, v5;
	v9 =	vmax.f32 v9, v11;
	v7 =	vmax.f32 v7, v16;
	[tilespmem:s13+$0xFFFFFFD0] =	vst v12  }
0xa8: {  	v15 =	vmul.f32 $2.000000030e-01, v14;
	v7 =	vsub.f32 v9, v7;
	v10 =	vld [tilespmem:s22+$0xFFFFFFE0]  }
0xa9: {  	v8 =	vmax.f32 v8, v18;
	(erf) = vpow2.f32 v4;
	v5 =	vmul.f32 $1.442695020e+00, v5;
	v11 =	vld [tilespmem:s25+$0xFFFFFFE0]  }
0xaa: {  	v9 =	vmax.f32 v14, v15;
	v4 =	vadd.f32 v13, v6;
	v6 =	vmul.f32 $1.442695020e+00, v7  }
0xab: {  	(erf) = vpow2.f32 v5;
	v5 =	vadd.f32 v19, v17;
	v7 =	vadd.f32 v19, v2  }
0xac: {  	v8 =	vsub.f32 v9, v8;
	v12 =	vpop (erf);
	(erf) = vpow2.f32 v6  }
0xad: {  	s15 =	simm.s32 $0x5BB0;
	v6 =	vadd.f32 v13, v3;
	[tilespmem:s21+$0x10] =	vst v12;
	v12 =	vmul.f32 $2.000000030e-01, v5;
	v13 =	vmul.f32 $2.000000030e-01, v7  }
0xae: {  	v57 =	vld [tilespmem:s15+$0x0];
	s14 =	simm.s32 $0x2BB0;
	v10 =	vadd.f32 v11, v10;
	v11 =	vadd.f32 v11, v2  }
0xaf: {  	v14 =	vld [tilespmem:s14+$0x0];
	v5 =	vmax.f32 v5, v12;
	v7 =	vmax.f32 v7, v13  }
0xb0: {  	v8 =	vmul.f32 $1.442695020e+00, v8;
	v15 =	vld [tilespmem:s12+$0x20];
	v5 =	vsub.f32 v5, v7;
	v7 =	vmul.f32 $2.000000030e-01, v11  }
0xb1: {  	v9 =	vmul.f32 $2.000000030e-01, v4;
	v55 =	vld [tilespmem:s23+$0x20];
	v56 =	vmul.f32 $2.000000030e-01, v6  }
0xb2: {  	(erf) = vpow2.f32 v8  }
0xb3: {  	v4 =	vmax.f32 v4, v9;
	v6 =	vmax.f32 v6, v56;
	v8 =	vmul.f32 $2.000000030e-01, v10  }
0xb4: {  	v9 =	vld [tilespmem:s14+$0xFFFFFFD0];
	v4 =	vsub.f32 v4, v6;
	v6 =	vmax.f32 v11, v7;
	v7 =	vpop (erf)  }
0xb5: {  	v12 =	vld [tilespmem:s15+$0xFFFFFFD0];
	v13 =	vadd.f32 v57, v14;
	v14 =	vadd.f32 v57, v1;
	v8 =	vmax.f32 v10, v8;
	[tilespmem:s21+$0xFFFFFFE0] =	vst v7;
	v7 =	vpop (erf)  }
0xb6: {  	v5 =	vmul.f32 $1.442695020e+00, v5;
	v10 =	vadd.f32 v55, v15;
	v6 =	vsub.f32 v8, v6;
	v8 =	vld [tilespmem:s12+$0xFFFFFFF0];
	v15 =	vpop (erf);
	s12 =	simm.s32 $0x8B50  }
0xb7: {  	v11 =	vadd.f32 v55, v3;
	[tilespmem:s12+$0x0] =	vst v15;
	v15 =	vmul.f32 $2.000000030e-01, v14  }
0xb8: {  	v60 =	vmul.f32 $2.000000030e-01, v13;
	(erf) = vpow2.f32 v5;
	v5 =	vld [tilespmem:s23+$0xFFFFFFF0]  }
0xb9: {  	v58 =	vmul.f32 $2.000000030e-01, v10;
	v59 =	vmul.f32 $2.000000030e-01, v11  }
0xba: {  	v9 =	vadd.f32 v12, v9;
	v12 =	vadd.f32 v12, v1;
	v6 =	vmul.f32 $1.442695020e+00, v6  }
0xbb: {  	v10 =	vmax.f32 v10, v58;
	v11 =	vmax.f32 v11, v59;
	v61 =	vld [tilespmem:s28+$0x10];
	v14 =	vmax.f32 v14, v15;
	v15 =	vpop (erf)  }
0xbc: {  	v13 =	vmax.f32 v13, v60;
	v62 =	vmul.f32 $2.000000030e-01, v9;
	v10 =	vsub.f32 v10, v11;
	v11 =	vld [tilespmem:s11+$0x10];
	[tilespmem:s12+$0xFFFFFFD0] =	vst v15  }
0xbd: {  	v63 =	vmul.f32 $2.000000030e-01, v12;
	(erf) = vpow2.f32 v6;
	v6 =	vadd.f32 v5, v8;
	v8 =	vld [tilespmem:s28+$0xFFFFFFE0]  }
0xbe: {  	[tilespmem:s20+$0x20] =	vst v7;
	v10 =	vmul.f32 $1.442695020e+00, v10;
	v13 =	vsub.f32 v13, v14;
	v7 =	vld [tilespmem:s11+$0xFFFFFFE0]  }
0xbf: {  	v9 =	vmax.f32 v9, v62;
	v12 =	vmax.f32 v12, v63  }
0xc0: {  	v12 =	vsub.f32 v9, v12;
	(erf) = vpow2.f32 v10;
	v13 =	vmul.f32 $1.442695020e+00, v13  }
0xc1: {  	s2 =	simm.s32 $0x2C10;
	s1 =	simm.s32 $0x8;
	s23 =	simm.s32 $0x5BB0;
	v10 =	vadd.f32 v11, v61;
	v11 =	vadd.f32 v11, v2;
	v9 =	vmul.f32 $2.000000030e-01, v6;
	v14 =	vpop (erf)  }
.LBB2_5:
0xc2: {  	v15 =	vld [tilespmem:s2+$0x0];
	v12 =	vmul.f32 $1.442695020e+00, v12;
	(erf) = vpow2.f32 v13;
	[tilespmem:s13+$0x10] =	vst v14;
	v5 =	vadd.f32 v5, v3;
	s24 =	smov.u32 s13;
	s13 =	smov.u32 s12  }
0xc3: {  	v8 =	vadd.f32 v7, v8;
	v13 =	vmul.f32 $2.000000030e-01, v10;
	v14 =	vmul.f32 $2.000000030e-01, v11;
	v16 =	vld [tilespmem:s22+$0x20]  }
0xc4: {  	s15 =	sadd.s32 $0x60, s15;
	v7 =	vadd.f32 v7, v2;
	(erf) = vpow2.f32 v12;
	v12 =	vld [tilespmem:s25+$0x20];
	v17 =	vmul.f32 $2.000000030e-01, v5  }
0xc5: {  	v18 =	vld [tilespmem:s15+$0x0];
	v19 =	vmul.f32 $2.000000030e-01, v8;
	v10 =	vmax.f32 v10, v13;
	v11 =	vmax.f32 v11, v14  }
0xc6: {  	v6 =	vmax.f32 v6, v9;
	v20 =	vmul.f32 $2.000000030e-01, v7;
	v13 =	vld [tilespmem:s15+$0xFFFFFFD0];
	v10 =	vsub.f32 v10, v11  }
0xc7: {  	v17 =	vmax.f32 v5, v17;
	v11 =	vmul.f32 $1.442695020e+00, v4;
	v9 =	vld [tilespmem:s2+$0xFFFFFFD0];
	v8 =	vmax.f32 v8, v19  }
0xc8: {  	s1 =	sadd.s32 $0x2, s1;
	v7 =	vmax.f32 v7, v20;
	v4 =	vsub.f32 v6, v17;
	v10 =	vmul.f32 $1.442695020e+00, v10;
	v14 =	vpop (erf)  }
0xc9: {  	p1 =	slt.u32 s1, $0x7E;
	[tilespmem:s24+$0xFFFFFFE0] =	vst v14;
	v6 =	vadd.f32 v12, v16;
	v12 =	vadd.f32 v12, v3;
	v5 =	vpop (erf);
	(erf) = vpow2.f32 v11  }
0xca: {  	v7 =	vsub.f32 v8, v7;
	v11 =	vadd.f32 v18, v15;
	(erf) = vpow2.f32 v10;
	v10 =	vld [tilespmem:s22+$0xFFFFFFF0];
	[tilespmem:s21+$0x20] =	vst v5;
	s22 =	smov.u32 s28;
	s28 =	smov.u32 s14;
	s14 =	smov.u32 s2  }
0xcb: {  	s12 =	sadd.s32 $0x60, s12;
	v8 =	vadd.f32 v18, v1;
	v14 =	vpop (erf);
	v5 =	vld [tilespmem:s25+$0xFFFFFFF0];
	v15 =	vmul.f32 $2.000000030e-01, v6;
	v16 =	vmul.f32 $2.000000030e-01, v12;
	s25 =	smov.u32 s11;
	s11 =	smov.u32 s23  }
0xcc: {  	s23 =	smov.u32 s15;
	v9 =	vadd.f32 v13, v9;
	v13 =	vadd.f32 v13, v1;
	v17 =	vmul.f32 $2.000000030e-01, v11;
	[tilespmem:s12+$0x0] =	vst v14  }
0xcd: {  	v14 =	vmul.f32 $2.000000030e-01, v8;
	v18 =	vld [tilespmem:s28+$0x10];
	v19 =	vpop (erf);
	v6 =	vmax.f32 v6, v15;
	v12 =	vmax.f32 v12, v16  }
0xce: {  	v15 =	vmul.f32 $2.000000030e-01, v9;
	v16 =	vmul.f32 $2.000000030e-01, v13;
	[tilespmem:s12+$0xFFFFFFD0] =	vst v19;
	v19 =	vld [tilespmem:s11+$0x10];
	v6 =	vsub.f32 v6, v12  }
.Ltmp1:
0xcf: {  	v11 =	vmax.f32 v11, v17;
	v12 =	vmax.f32 v8, v14;
	v14 =	vmul.f32 $1.442695020e+00, v7;
	v8 =	vld [tilespmem:s28+$0xFFFFFFE0];
	(pc) =	sbr.rel @p1 .LBB2_5-.Ltmp1, $4  }
0xd0: {  	v11 =	vsub.f32 v11, v12;
	v9 =	vmax.f32 v9, v15;
	v7 =	vld [tilespmem:s11+$0xFFFFFFE0];
	v17 =	vmul.f32 $1.442695020e+00, v6  }
0xd1: {  	v12 =	vmax.f32 v13, v16;
	v6 =	vadd.f32 v5, v10;
	(erf) = vpow2.f32 v14  }
0xd2: {  	v12 =	vsub.f32 v9, v12;
	v13 =	vmul.f32 $1.442695020e+00, v11;
	(erf) = vpow2.f32 v17;
	v15 =	vpop (erf)  }
0xd3: {  	s2 =	sadd.s32 $0x60, s2;
	v9 =	vmul.f32 $2.000000030e-01, v6;
	v10 =	vadd.f32 v19, v18;
	v11 =	vadd.f32 v19, v2;
	v14 =	vpop (erf);
	[tilespmem:s20+$0xFFFFFFF0] =	vst v15;
	s20 =	smov.u32 s21;
	s21 =	smov.u32 s24  }
0xd4: {  	(erf) = vpow2.f32 v13  }
0xd5: {  	v12 =	vmul.f32 $1.442695020e+00, v12;
	_ =	sdelay $0x1  }
0xd6: {  	(erf) = vpow2.f32 v12;
	_ =	sdelay $0x1  }
0xd7: {  	[tilespmem:s13+$0x10] =	vst v14  }
0xd8: {  	v13 =	vld [tilespmem:s25+$0x20]  }
0xd9: {  	v17 =	vmul.f32 $2.000000030e-01, v11;
	v12 =	vld [tilespmem:s22+$0x20];
	v14 =	vpop (erf)  }
0xda: {  	v15 =	vpop (erf)  }
0xdb: {  	v5 =	vadd.f32 v5, v3;
	s15 =	sadd.s32 $0x60, s12;
	v16 =	vmul.f32 $2.000000030e-01, v10;
	v11 =	vmax.f32 v11, v17;
	v18 =	vpop (erf)  }
0xdc: {  	v8 =	vadd.f32 v7, v8;
	v7 =	vadd.f32 v7, v2;
	[tilespmem:s15+$0x0] =	vst v18  }
0xdd: {  	v6 =	vmax.f32 v6, v9;
	v19 =	vmul.f32 $2.000000030e-01, v5;
	v10 =	vmax.f32 v10, v16;
	v36 =	vld [tilespmem:s14+$0x10]  }
0xde: {  	v35 =	vmul.f32 $2.000000030e-01, v8;
	v10 =	vsub.f32 v10, v11;
	v9 =	vadd.f32 v13, v12;
	v11 =	vpop (erf);
	v12 =	vld [tilespmem:s23+$0x10]  }
0xdf: {  	v4 =	vmul.f32 $1.442695020e+00, v4;
	v37 =	vmul.f32 $2.000000030e-01, v7;
	[tilespmem:s15+$0xFFFFFFD0] =	vst v11  }
0xe0: {  	v5 =	vmax.f32 v5, v19;
	v8 =	vmax.f32 v8, v35;
	v13 =	vadd.f32 v13, v3;
	v38 =	vld [tilespmem:s14+$0xFFFFFFE0]  }
0xe1: {  	v7 =	vmax.f32 v7, v37;
	v10 =	vmul.f32 $1.442695020e+00, v10;
	v11 =	vmul.f32 $2.000000030e-01, v9;
	v40 =	vld [tilespmem:s23+$0xFFFFFFE0]  }
0xe2: {  	v5 =	vsub.f32 v6, v5;
	(erf) = vpow2.f32 v4;
	v39 =	vmul.f32 $2.000000030e-01, v13  }
0xe3: {  	v4 =	vsub.f32 v8, v7;
	v7 =	vmax.f32 v9, v11;
	v9 =	vadd.f32 v12, v36  }
0xe4: {  	(erf) = vpow2.f32 v10;
	v8 =	vmax.f32 v13, v39;
	v11 =	vadd.f32 v12, v2  }
0xe5: {  	v4 =	vmul.f32 $1.442695020e+00, v4;
	v7 =	vsub.f32 v7, v8;
	v6 =	vmul.f32 $2.000000030e-01, v9  }
0xe6: {  	v8 =	vmul.f32 $2.000000030e-01, v11;
	v10 =	vadd.f32 v40, v38;
	v12 =	vadd.f32 v40, v2  }
0xe7: {  	(erf) = vpow2.f32 v4;
	v7 =	vmul.f32 $1.442695020e+00, v7;
	v4 =	vmax.f32 v9, v6  }
0xe8: {  	v6 =	vmax.f32 v11, v8;
	v8 =	vmul.f32 $2.000000030e-01, v10;
	v9 =	vmul.f32 $2.000000030e-01, v12  }
0xe9: {  	v5 =	vmul.f32 $1.442695020e+00, v5;
	v4 =	vsub.f32 v4, v6  }
0xea: {  	(erf) = vpow2.f32 v7;
	v6 =	vmax.f32 v10, v8;
	v7 =	vmax.f32 v12, v9  }
0xeb: {  	(erf) = vpow2.f32 v5;
	v4 =	vmul.f32 $1.442695020e+00, v4;
	v5 =	vsub.f32 v6, v7;
	_ =	sdelay $0x1  }
0xec: {  	(erf) = vpow2.f32 v4  }
0xed: {  	v4 =	vmul.f32 $1.442695020e+00, v5  }
0xee: {  	v5 =	vpop (erf)  }
0xef: {  	[tilespmem:s13+$0xFFFFFFE0] =	vst v14;
	v6 =	vpop (erf);
	(erf) = vpow2.f32 v4  }
0xf0: {  	v9 =	vld [tilespmem:s25+$0xFFFFFFF0];
	[tilespmem:s12+$0x10] =	vst v6  }
0xf1: {  	v6 =	vld [tilespmem:s28+$0x20]  }
0xf2: {  	v8 =	vpop (erf);
	v7 =	vld [tilespmem:s11+$0x20]  }
0xf3: {  	v4 =	vld [tilespmem:s22+$0xFFFFFFF0];
	v10 =	vpop (erf)  }
0xf4: {  	[tilespmem:s12+$0xFFFFFFE0] =	vst v8;
	v8 =	vpop (erf)  }
0xf5: {  	v11 =	vld [tilespmem:s28+$0xFFFFFFF0];
	v12 =	vpop (erf)  }
0xf6: {  	v13 =	vld [tilespmem:s11+$0xFFFFFFF0];
	[tilespmem:s15+$0x10] =	vst v12  }
0xf7: {  	v6 =	vadd.f32 v7, v6;
	v7 =	vadd.f32 v7, v3;
	v12 =	vld [tilespmem:s14+$0x20]  }
0xf8: {  	v4 =	vadd.f32 v9, v4;
	v14 =	vld [tilespmem:s23+$0x20];
	v41 =	vpop (erf)  }
0xf9: {  	v9 =	vadd.f32 v9, v3;
	v42 =	vmul.f32 $2.000000030e-01, v6;
	v43 =	vmul.f32 $2.000000030e-01, v7;
	[tilespmem:s15+$0xFFFFFFE0] =	vst v41  }
0xfa: {  	v44 =	vmul.f32 $2.000000030e-01, v4;
	v45 =	vld [tilespmem:s14+$0xFFFFFFF0]  }
0xfb: {  	v46 =	vmul.f32 $2.000000030e-01, v9;
	v6 =	vmax.f32 v6, v42;
	v7 =	vmax.f32 v7, v43;
	v47 =	vld [tilespmem:s23+$0xFFFFFFF0]  }
0xfc: {  	v4 =	vmax.f32 v4, v44;
	v6 =	vsub.f32 v6, v7  }
0xfd: {  	v7 =	vmax.f32 v9, v46;
	v9 =	vadd.f32 v13, v11;
	v11 =	vadd.f32 v14, v12  }
0xfe: {  	v4 =	vsub.f32 v4, v7;
	v7 =	vadd.f32 v14, v3;
	v6 =	vmul.f32 $1.442695020e+00, v6  }
0xff: {  	v13 =	vadd.f32 v13, v3;
	v12 =	vmul.f32 $2.000000030e-01, v9;
	v14 =	vmul.f32 $2.000000030e-01, v11  }
0x100: {  	v48 =	vmul.f32 $2.000000030e-01, v7;
	v49 =	vadd.f32 v47, v45;
	v18 =	vadd.f32 v47, v3  }
0x101: {  	v50 =	vmul.f32 $2.000000030e-01, v13;
	v9 =	vmax.f32 v9, v12;
	v11 =	vmax.f32 v11, v14  }
0x102: {  	v7 =	vmax.f32 v7, v48;
	v12 =	vmul.f32 $2.000000030e-01, v49;
	v14 =	vmul.f32 $2.000000030e-01, v18  }
0x103: {  	v4 =	vmul.f32 $1.442695020e+00, v4;
	v13 =	vmax.f32 v13, v50;
	v7 =	vsub.f32 v11, v7  }
0x104: {  	v9 =	vsub.f32 v9, v13;
	v11 =	vmax.f32 v49, v12;
	v12 =	vmax.f32 v18, v14  }
0x105: {  	(erf) = vpow2.f32 v6;
	v6 =	vmul.f32 $1.442695020e+00, v7;
	v7 =	vsub.f32 v11, v12  }
0x106: {  	(erf) = vpow2.f32 v4;
	v4 =	vmul.f32 $1.442695020e+00, v9  }
0x107: {  	(erf) = vpow2.f32 v6;
	v6 =	vmul.f32 $1.442695020e+00, v7  }
0x108: {  	(erf) = vpow2.f32 v4  }
0x109: {  	(erf) = vpow2.f32 v6;
	_ =	sdelay $0x1  }
0x10a: {  	[tilespmem:s21+$0x20] =	vst v15  }
0x10b: {  	[tilespmem:s20+$0xFFFFFFF0] =	vst v5  }
0x10c: {  	[tilespmem:s13+$0x20] =	vst v10  }
0x10d: {  	[tilespmem:s21+$0xFFFFFFF0] =	vst v8;
	v4 =	vpop (erf)  }
0x10e: {  	[tilespmem:s12+$0x20] =	vst v4;
	v4 =	vpop (erf)  }
0x10f: {  	s1 =	sadd.s32 s10, s19;
	[tilespmem:s13+$0xFFFFFFF0] =	vst v4;
	v4 =	vpop (erf)  }
0x110: {  	s1 =	smul.u32 $0x6, s1;
	[tilespmem:s15+$0x20] =	vst v4;
	v4 =	vpop (erf)  }
0x111: {  	[tilespmem:s12+$0xFFFFFFF0] =	vst v4;
	v4 =	vpop (erf)  }
0x112: {  	s1 =	sadd.s32 s7, s1;
	s14 =	sand.u32 $0x3FFFFF00, s19;
	[tilespmem:s15+$0xFFFFFFF0] =	vst v4  }
0x113: {  	[hbm4b:s1+s4] =	stream.linear.scatter [tilespmem:s31], [sflag:$0x5], $0x1800, $0x38;
	[tilespmem:$0x13E30] =	vst v63  }
0x114: {  	p1 =	seq.s32 s16, $0x14;
	s1 =	sadd.s32 $0x1500, s14  }
0x115: {  	[spmem:s3] =	stream.indirect.scatter.add.f32 [tilespmem:s31], [sflag:$0x7], $0x30, s1, s29, $0xb8;
	[tilespmem:$0x13E30] =	vst v63  }
0x116: {  	s2 =	simm.s32 @!p1 $0x80;
	s11 =	simm.s32 @!p1 $0x2A00;
	s1 =	sadd.s32 @!p1 $0x100, s19  }
0x117: {  	[tilespmem:s11], [sflag:$0x1] =	stream.indirect.gather @!p1 [hbm4b:s5+s2], $0x30, s1, s2, $0xb8;
	[tilespmem:$0x13E30] =	vst v63  }
0x118: {  	s1 =	sadd.s32 @!p1 $0x1600, s19;
	s11 =	simm.s32 @!p1 $0x5A00  }
0x119: {  	[tilespmem:s11], [sflag:$0x3] =	stream.indirect.gather @!p1 [hbm4b:s6+s2], $0x30, s1, s2, $0xb8;
	[tilespmem:$0x13E30] =	vst v63  }
0x11a: {  	_ =	swait.ge [sflag:s0], $0x1800  }
0x11b: {  	[sflag:s0] =	ssyncset.done $0x0  }
0x11c: {  	[sflag:s0] =	ssyncadd.s32 $0xFFFFE800  }
0x11d: {  	_ =	swait.ge [sflag:s8], $0x1800  }
0x11e: {  	[sflag:s8] =	ssyncset.done $0x0  }
0x11f: {  	s1 =	simm.s32 @!p0 $0x6;
	[sflag:s8] =	ssyncadd.s32 $0xFFFFE800  }
0x120: {  	_ =	swait.ge @!p0 [sflag:s1], $0x1800  }
0x121: {  	[sflag:s1] =	ssyncset.done @!p0 $0x0  }
0x122: {  	[sflag:s1] =	ssyncadd.s32 @!p0 $0xFFFFE800;
	s1 =	simm.s32 @!p0 $0x8  }
0x123: {  	_ =	swait.ge @!p0 [sflag:s1], $0x1800  }
0x124: {  	[sflag:s1] =	ssyncset.done @!p0 $0x0  }
0x125: {  	s15 =	simm.s32 $0x4230;
	[sflag:s1] =	ssyncadd.s32 @!p0 $0xFFFFE800  }
0x126: {  	s23 =	simm.s32 $0x7230;
	v4 =	vld [tilespmem:s15+$0x0]  }
0x127: {  	v5 =	vld [tilespmem:s23+$0x0];
	_ =	sdelay $0x4  }
0x128: {  	v6 =	vld [tilespmem:s23+$0xFFFFFFD0];
	v4 =	vadd.f32 v5, v4;
	v5 =	vadd.f32 v5, v1  }
0x129: {  	v7 =	vld [tilespmem:s15+$0xFFFFFFD0]  }
0x12a: {  	v8 =	vmul.f32 $2.000000030e-01, v4;
	v9 =	vmul.f32 $2.000000030e-01, v5;
	_ =	sdelay $0x1  }
0x12b: {  	v4 =	vmax.f32 v4, v8;
	v5 =	vmax.f32 v5, v9  }
0x12c: {  	v4 =	vsub.f32 v4, v5  }
0x12d: {  	v5 =	vadd.f32 v6, v7;
	v6 =	vadd.f32 v6, v1  }
0x12e: {  	v4 =	vmul.f32 $1.442695020e+00, v4  }
0x12f: {  	v7 =	vmul.f32 $2.000000030e-01, v5;
	v8 =	vmul.f32 $2.000000030e-01, v6  }
0x130: {  	(erf) = vpow2.f32 v4  }
0x131: {  	s28 =	simm.s32 $0x7290;
	v4 =	vmax.f32 v5, v7;
	v5 =	vmax.f32 v6, v8  }
0x132: {  	s24 =	simm.s32 $0x4290;
	v6 =	vld [tilespmem:s28+$0x0];
	v4 =	vsub.f32 v4, v5  }
0x133: {  	v5 =	vld [tilespmem:s24+$0x0]  }
0x134: {  	v4 =	vmul.f32 $1.442695020e+00, v4  }
0x135: {  	v7 =	vld [tilespmem:s28+$0xFFFFFFD0]  }
0x136: {  	v8 =	vld [tilespmem:s24+$0xFFFFFFD0];
	(erf) = vpow2.f32 v4;
	_ =	sdelay $0x1  }
0x137: {  	v4 =	vadd.f32 v6, v5;
	v5 =	vadd.f32 v6, v1  }
0x138: {  	s19 =	simm.s32 $0xA230;
	v6 =	vpop (erf)  }
0x139: {  	v9 =	vmul.f32 $2.000000030e-01, v5;
	[tilespmem:s19+$0x0] =	vst v6  }
0x13a: {  	v8 =	vadd.f32 v7, v8;
	v6 =	vadd.f32 v7, v1;
	v7 =	vmul.f32 $2.000000030e-01, v4;
	v10 =	vld [tilespmem:s15+$0x10]  }
0x13b: {  	v5 =	vmax.f32 v5, v9;
	v12 =	vld [tilespmem:s23+$0x10]  }
0x13c: {  	v11 =	vmul.f32 $2.000000030e-01, v8;
	v13 =	vmul.f32 $2.000000030e-01, v6;
	v4 =	vmax.f32 v4, v7  }
0x13d: {  	v4 =	vsub.f32 v4, v5  }
0x13e: {  	v7 =	vmax.f32 v8, v11;
	v5 =	vpop (erf);
	v6 =	vmax.f32 v6, v13  }
0x13f: {  	[tilespmem:s19+$0xFFFFFFD0] =	vst v5;
	v5 =	vsub.f32 v7, v6;
	v4 =	vmul.f32 $1.442695020e+00, v4  }
0x140: {  	v6 =	vld [tilespmem:s15+$0xFFFFFFE0];
	v7 =	vadd.f32 v12, v10;
	v8 =	vadd.f32 v12, v2  }
0x141: {  	v9 =	vld [tilespmem:s23+$0xFFFFFFE0];
	v5 =	vmul.f32 $1.442695020e+00, v5;
	(erf) = vpow2.f32 v4  }
0x142: {  	s21 =	simm.s32 $0x42F0;
	v4 =	vmul.f32 $2.000000030e-01, v7;
	v10 =	vmul.f32 $2.000000030e-01, v8  }
0x143: {  	s22 =	simm.s32 $0x72F0;
	v11 =	vld [tilespmem:s21+$0x0]  }
0x144: {  	(erf) = vpow2.f32 v5;
	v5 =	vld [tilespmem:s22+$0x0];
	v4 =	vmax.f32 v7, v4;
	v7 =	vmax.f32 v8, v10  }
0x145: {  	v8 =	vld [tilespmem:s22+$0xFFFFFFD0];
	v4 =	vsub.f32 v4, v7  }
0x146: {  	v6 =	vadd.f32 v9, v6;
	v7 =	vld [tilespmem:s21+$0xFFFFFFD0];
	v9 =	vadd.f32 v9, v2  }
0x147: {  	v4 =	vmul.f32 $1.442695020e+00, v4  }
0x148: {  	v12 =	vmul.f32 $2.000000030e-01, v9  }
0x149: {  	v10 =	vmul.f32 $2.000000030e-01, v6;
	(erf) = vpow2.f32 v4  }
0x14a: {  	s20 =	simm.s32 $0xA290;
	v4 =	vadd.f32 v5, v11;
	v5 =	vadd.f32 v5, v1;
	v9 =	vmax.f32 v9, v12;
	v11 =	vpop (erf)  }
0x14b: {  	v6 =	vmax.f32 v6, v10;
	v7 =	vadd.f32 v8, v7;
	[tilespmem:s20+$0x0] =	vst v11  }
0x14c: {  	v8 =	vadd.f32 v8, v1;
	v10 =	vmul.f32 $2.000000030e-01, v4;
	v11 =	vmul.f32 $2.000000030e-01, v5;
	v12 =	vld [tilespmem:s24+$0x10]  }
0x14d: {  	v6 =	vsub.f32 v6, v9;
	v9 =	vpop (erf);
	v13 =	vmul.f32 $2.000000030e-01, v7;
	v14 =	vld [tilespmem:s28+$0x10]  }
0x14e: {  	v15 =	vmul.f32 $2.000000030e-01, v8;
	[tilespmem:s20+$0xFFFFFFD0] =	vst v9;
	v4 =	vmax.f32 v4, v10;
	v5 =	vmax.f32 v5, v11  }
0x14f: {  	v6 =	vmul.f32 $1.442695020e+00, v6;
	v9 =	vld [tilespmem:s24+$0xFFFFFFE0];
	v4 =	vsub.f32 v4, v5  }
0x150: {  	v5 =	vmax.f32 v7, v13;
	v7 =	vld [tilespmem:s28+$0xFFFFFFE0];
	v8 =	vmax.f32 v8, v15  }
0x151: {  	(erf) = vpow2.f32 v6;
	v5 =	vsub.f32 v5, v8;
	v4 =	vmul.f32 $1.442695020e+00, v4  }
0x152: {  	s25 =	simm.s32 $0x4350;
	v6 =	vadd.f32 v14, v12;
	v8 =	vadd.f32 v14, v2;
	v10 =	vpop (erf)  }
0x153: {  	v11 =	vld [tilespmem:s25+$0x0];
	v5 =	vmul.f32 $1.442695020e+00, v5;
	(erf) = vpow2.f32 v4;
	[tilespmem:s19+$0x10] =	vst v10  }
0x154: {  	v4 =	vmul.f32 $2.000000030e-01, v6;
	v10 =	vmul.f32 $2.000000030e-01, v8;
	v12 =	vld [tilespmem:s15+$0x20]  }
0x155: {  	s11 =	simm.s32 $0x7350;
	v9 =	vadd.f32 v7, v9;
	(erf) = vpow2.f32 v5;
	v5 =	vld [tilespmem:s23+$0x20]  }
0x156: {  	v13 =	vld [tilespmem:s11+$0x0];
	v7 =	vadd.f32 v7, v2;
	v4 =	vmax.f32 v6, v4;
	v6 =	vmax.f32 v8, v10  }
0x157: {  	v14 =	vld [tilespmem:s25+$0xFFFFFFD0];
	v4 =	vsub.f32 v4, v6  }
0x158: {  	v8 =	vld [tilespmem:s11+$0xFFFFFFD0];
	v10 =	vmul.f32 $2.000000030e-01, v7;
	v6 =	vmul.f32 $2.000000030e-01, v9  }
0x159: {  	v4 =	vmul.f32 $1.442695020e+00, v4  }
0x15a: {  	v7 =	vmax.f32 v7, v10;
	v6 =	vmax.f32 v9, v6;
	v9 =	vpop (erf);
	v10 =	vadd.f32 v5, v12  }
0x15b: {  	[tilespmem:s19+$0xFFFFFFE0] =	vst v9;
	v5 =	vadd.f32 v5, v3;
	v9 =	vadd.f32 v13, v11;
	(erf) = vpow2.f32 v4  }
0x15c: {  	v4 =	vsub.f32 v6, v7;
	v7 =	vadd.f32 v13, v1;
	v12 =	vmul.f32 $2.000000030e-01, v10  }
0x15d: {  	s13 =	simm.s32 $0xA2F0;
	v6 =	vld [tilespmem:s15+$0xFFFFFFF0];
	v14 =	vadd.f32 v8, v14;
	v8 =	vadd.f32 v8, v1;
	v11 =	vpop (erf)  }
0x15e: {  	v13 =	vld [tilespmem:s23+$0xFFFFFFF0];
	v15 =	vmul.f32 $2.000000030e-01, v5;
	[tilespmem:s13+$0x0] =	vst v11;
	v11 =	vmul.f32 $2.000000030e-01, v9  }
0x15f: {  	v51 =	vmul.f32 $2.000000030e-01, v7;
	v53 =	vmul.f32 $2.000000030e-01, v8;
	v52 =	vld [tilespmem:s21+$0x10]  }
0x160: {  	v4 =	vmul.f32 $1.442695020e+00, v4;
	v10 =	vmax.f32 v10, v12;
	v5 =	vmax.f32 v5, v15;
	v54 =	vld [tilespmem:s22+$0x10];
	v12 =	vpop (erf)  }
0x161: {  	v5 =	vsub.f32 v10, v5;
	v9 =	vmax.f32 v9, v11;
	v7 =	vmax.f32 v7, v51;
	[tilespmem:s13+$0xFFFFFFD0] =	vst v12  }
0x162: {  	v15 =	vmul.f32 $2.000000030e-01, v14;
	v7 =	vsub.f32 v9, v7;
	v10 =	vld [tilespmem:s21+$0xFFFFFFE0]  }
0x163: {  	v8 =	vmax.f32 v8, v53;
	(erf) = vpow2.f32 v4;
	v5 =	vmul.f32 $1.442695020e+00, v5;
	v11 =	vld [tilespmem:s22+$0xFFFFFFE0]  }
0x164: {  	v9 =	vmax.f32 v14, v15;
	v4 =	vadd.f32 v13, v6;
	v6 =	vmul.f32 $1.442695020e+00, v7  }
0x165: {  	(erf) = vpow2.f32 v5;
	v5 =	vadd.f32 v54, v52;
	v7 =	vadd.f32 v54, v2  }
0x166: {  	v8 =	vsub.f32 v9, v8;
	v12 =	vpop (erf);
	(erf) = vpow2.f32 v6  }
0x167: {  	s15 =	simm.s32 $0x73B0;
	v6 =	vadd.f32 v13, v3;
	[tilespmem:s20+$0x10] =	vst v12;
	v12 =	vmul.f32 $2.000000030e-01, v5;
	v13 =	vmul.f32 $2.000000030e-01, v7  }
0x168: {  	s14 =	simm.s32 $0x43B0;
	v57 =	vld [tilespmem:s15+$0x0];
	v10 =	vadd.f32 v11, v10;
	v11 =	vadd.f32 v11, v2  }
0x169: {  	v14 =	vld [tilespmem:s14+$0x0];
	v5 =	vmax.f32 v5, v12;
	v7 =	vmax.f32 v7, v13  }
0x16a: {  	v8 =	vmul.f32 $1.442695020e+00, v8;
	v15 =	vld [tilespmem:s24+$0x20];
	v5 =	vsub.f32 v5, v7;
	v7 =	vmul.f32 $2.000000030e-01, v11  }
0x16b: {  	v9 =	vmul.f32 $2.000000030e-01, v4;
	v55 =	vld [tilespmem:s28+$0x20];
	v56 =	vmul.f32 $2.000000030e-01, v6  }
0x16c: {  	(erf) = vpow2.f32 v8  }
0x16d: {  	v4 =	vmax.f32 v4, v9;
	v6 =	vmax.f32 v6, v56  }
0x16e: {  	v9 =	vld [tilespmem:s14+$0xFFFFFFD0];
	v8 =	vmul.f32 $2.000000030e-01, v10;
	v4 =	vsub.f32 v4, v6;
	v6 =	vmax.f32 v11, v7;
	v7 =	vpop (erf)  }
0x16f: {  	v12 =	vld [tilespmem:s15+$0xFFFFFFD0];
	v13 =	vadd.f32 v57, v14;
	v14 =	vadd.f32 v57, v1;
	[tilespmem:s20+$0xFFFFFFE0] =	vst v7;
	v7 =	vpop (erf)  }
0x170: {  	s12 =	simm.s32 $0xA350;
	v5 =	vmul.f32 $1.442695020e+00, v5;
	v8 =	vmax.f32 v10, v8;
	v10 =	vadd.f32 v55, v15;
	v15 =	vpop (erf)  }
0x171: {  	v11 =	vadd.f32 v55, v3;
	v6 =	vsub.f32 v8, v6;
	v8 =	vld [tilespmem:s24+$0xFFFFFFF0];
	[tilespmem:s12+$0x0] =	vst v15;
	v15 =	vmul.f32 $2.000000030e-01, v14  }
0x172: {  	v60 =	vmul.f32 $2.000000030e-01, v13;
	(erf) = vpow2.f32 v5;
	v5 =	vld [tilespmem:s28+$0xFFFFFFF0]  }
0x173: {  	v58 =	vmul.f32 $2.000000030e-01, v10;
	v59 =	vmul.f32 $2.000000030e-01, v11  }
0x174: {  	v9 =	vadd.f32 v12, v9;
	v12 =	vadd.f32 v12, v1;
	v6 =	vmul.f32 $1.442695020e+00, v6  }
0x175: {  	v10 =	vmax.f32 v10, v58;
	v11 =	vmax.f32 v11, v59;
	v61 =	vld [tilespmem:s25+$0x10];
	v14 =	vmax.f32 v14, v15;
	v15 =	vpop (erf)  }
0x176: {  	v13 =	vmax.f32 v13, v60;
	v62 =	vmul.f32 $2.000000030e-01, v9;
	v10 =	vsub.f32 v10, v11;
	v11 =	vld [tilespmem:s11+$0x10];
	[tilespmem:s12+$0xFFFFFFD0] =	vst v15  }
0x177: {  	v63 =	vmul.f32 $2.000000030e-01, v12;
	(erf) = vpow2.f32 v6;
	v6 =	vadd.f32 v5, v8;
	v8 =	vld [tilespmem:s25+$0xFFFFFFE0]  }
0x178: {  	[tilespmem:s19+$0x20] =	vst v7;
	v10 =	vmul.f32 $1.442695020e+00, v10;
	v13 =	vsub.f32 v13, v14;
	v7 =	vld [tilespmem:s11+$0xFFFFFFE0]  }
0x179: {  	v9 =	vmax.f32 v9, v62;
	v12 =	vmax.f32 v12, v63  }
0x17a: {  	v12 =	vsub.f32 v9, v12;
	(erf) = vpow2.f32 v10;
	v13 =	vmul.f32 $1.442695020e+00, v13  }
0x17b: {  	s2 =	simm.s32 $0x4410;
	s1 =	simm.s32 $0x8;
	s23 =	simm.s32 $0x73B0;
	v10 =	vadd.f32 v11, v61;
	v11 =	vadd.f32 v11, v2;
	v9 =	vmul.f32 $2.000000030e-01, v6;
	v14 =	vpop (erf)  }
.LBB2_7:
0x17c: {  	v15 =	vld [tilespmem:s2+$0x0];
	v12 =	vmul.f32 $1.442695020e+00, v12;
	(erf) = vpow2.f32 v13;
	[tilespmem:s13+$0x10] =	vst v14;
	v5 =	vadd.f32 v5, v3;
	s24 =	smov.u32 s13;
	s13 =	smov.u32 s12  }
0x17d: {  	v8 =	vadd.f32 v7, v8;
	v13 =	vmul.f32 $2.000000030e-01, v10;
	v14 =	vmul.f32 $2.000000030e-01, v11;
	v16 =	vld [tilespmem:s21+$0x20]  }
0x17e: {  	s15 =	sadd.s32 $0x60, s15;
	v7 =	vadd.f32 v7, v2;
	(erf) = vpow2.f32 v12;
	v12 =	vld [tilespmem:s22+$0x20];
	v17 =	vmul.f32 $2.000000030e-01, v5  }
0x17f: {  	v18 =	vld [tilespmem:s15+$0x0];
	v19 =	vmul.f32 $2.000000030e-01, v8;
	v10 =	vmax.f32 v10, v13;
	v11 =	vmax.f32 v11, v14  }
0x180: {  	v6 =	vmax.f32 v6, v9;
	v20 =	vmul.f32 $2.000000030e-01, v7;
	v13 =	vld [tilespmem:s15+$0xFFFFFFD0];
	v10 =	vsub.f32 v10, v11  }
0x181: {  	v17 =	vmax.f32 v5, v17;
	v11 =	vmul.f32 $1.442695020e+00, v4;
	v9 =	vld [tilespmem:s2+$0xFFFFFFD0];
	v8 =	vmax.f32 v8, v19  }
0x182: {  	s1 =	sadd.s32 $0x2, s1;
	v7 =	vmax.f32 v7, v20;
	v4 =	vsub.f32 v6, v17;
	v10 =	vmul.f32 $1.442695020e+00, v10;
	v14 =	vpop (erf)  }
0x183: {  	p0 =	slt.u32 s1, $0x7E;
	[tilespmem:s24+$0xFFFFFFE0] =	vst v14;
	v6 =	vadd.f32 v12, v16;
	v12 =	vadd.f32 v12, v3;
	v5 =	vpop (erf);
	(erf) = vpow2.f32 v11  }
0x184: {  	v7 =	vsub.f32 v8, v7;
	v11 =	vadd.f32 v18, v15;
	(erf) = vpow2.f32 v10;
	v10 =	vld [tilespmem:s21+$0xFFFFFFF0];
	[tilespmem:s20+$0x20] =	vst v5;
	s21 =	smov.u32 s25;
	s25 =	smov.u32 s14;
	s14 =	smov.u32 s2  }
0x185: {  	s12 =	sadd.s32 $0x60, s12;
	v8 =	vadd.f32 v18, v1;
	v14 =	vpop (erf);
	v5 =	vld [tilespmem:s22+$0xFFFFFFF0];
	v15 =	vmul.f32 $2.000000030e-01, v6;
	v16 =	vmul.f32 $2.000000030e-01, v12;
	s22 =	smov.u32 s11;
	s11 =	smov.u32 s23  }
0x186: {  	s23 =	smov.u32 s15;
	v9 =	vadd.f32 v13, v9;
	v13 =	vadd.f32 v13, v1;
	v17 =	vmul.f32 $2.000000030e-01, v11;
	[tilespmem:s12+$0x0] =	vst v14  }
0x187: {  	v14 =	vmul.f32 $2.000000030e-01, v8;
	v18 =	vld [tilespmem:s25+$0x10];
	v19 =	vpop (erf);
	v6 =	vmax.f32 v6, v15;
	v12 =	vmax.f32 v12, v16  }
0x188: {  	v15 =	vmul.f32 $2.000000030e-01, v9;
	v16 =	vmul.f32 $2.000000030e-01, v13;
	[tilespmem:s12+$0xFFFFFFD0] =	vst v19;
	v19 =	vld [tilespmem:s11+$0x10];
	v6 =	vsub.f32 v6, v12  }
.Ltmp2:
0x189: {  	v11 =	vmax.f32 v11, v17;
	v12 =	vmax.f32 v8, v14;
	v14 =	vmul.f32 $1.442695020e+00, v7;
	v8 =	vld [tilespmem:s25+$0xFFFFFFE0];
	(pc) =	sbr.rel @p0 .LBB2_7-.Ltmp2, $4  }
0x18a: {  	v11 =	vsub.f32 v11, v12;
	v9 =	vmax.f32 v9, v15;
	v7 =	vld [tilespmem:s11+$0xFFFFFFE0];
	v17 =	vmul.f32 $1.442695020e+00, v6  }
0x18b: {  	v12 =	vmax.f32 v13, v16;
	v6 =	vadd.f32 v5, v10;
	(erf) = vpow2.f32 v14  }
0x18c: {  	v12 =	vsub.f32 v9, v12;
	v13 =	vmul.f32 $1.442695020e+00, v11;
	(erf) = vpow2.f32 v17;
	v15 =	vpop (erf)  }
0x18d: {  	s2 =	sadd.s32 $0x60, s2;
	v9 =	vmul.f32 $2.000000030e-01, v6;
	v10 =	vadd.f32 v19, v18;
	v11 =	vadd.f32 v19, v2;
	v14 =	vpop (erf);
	[tilespmem:s19+$0xFFFFFFF0] =	vst v15;
	s19 =	smov.u32 s20;
	s20 =	smov.u32 s24  }
0x18e: {  	(erf) = vpow2.f32 v13  }
0x18f: {  	v12 =	vmul.f32 $1.442695020e+00, v12;
	_ =	sdelay $0x1  }
0x190: {  	(erf) = vpow2.f32 v12;
	_ =	sdelay $0x3  }
0x191: {  	[tilespmem:s13+$0x10] =	vst v14;
	v53 =	vpop (erf)  }
0x192: {  	v51 =	vld [tilespmem:s21+$0x20];
	v15 =	vpop (erf)  }
0x193: {  	v5 =	vadd.f32 v5, v3;
	s15 =	sadd.s32 $0x60, s12;
	v4 =	vmul.f32 $1.442695020e+00, v4;
	v52 =	vld [tilespmem:s22+$0x20];
	v18 =	vpop (erf)  }
0x194: {  	v8 =	vadd.f32 v7, v8;
	v16 =	vmul.f32 $2.000000030e-01, v10;
	v17 =	vmul.f32 $2.000000030e-01, v11;
	[tilespmem:s15+$0x0] =	vst v18  }
0x195: {  	v54 =	vadd.f32 v7, v2;
	v6 =	vmax.f32 v6, v9;
	v19 =	vmul.f32 $2.000000030e-01, v5;
	v56 =	vld [tilespmem:s14+$0x10]  }
0x196: {  	v55 =	vmul.f32 $2.000000030e-01, v8;
	v10 =	vmax.f32 v10, v16;
	v11 =	vmax.f32 v11, v17;
	v58 =	vpop (erf);
	v59 =	vld [tilespmem:s23+$0x10]  }
0x197: {  	v60 =	vmul.f32 $2.000000030e-01, v54;
	v10 =	vsub.f32 v10, v11;
	v5 =	vmax.f32 v5, v19;
	[tilespmem:s15+$0xFFFFFFD0] =	vst v58  }
0x198: {  	v8 =	vmax.f32 v8, v55;
	v57 =	vadd.f32 v52, v51;
	v13 =	vadd.f32 v52, v3;
	v62 =	vld [tilespmem:s14+$0xFFFFFFE0]  }
0x199: {  	v7 =	vmax.f32 v54, v60;
	v10 =	vmul.f32 $1.442695020e+00, v10;
	(erf) = vpow2.f32 v4;
	v21 =	vld [tilespmem:s23+$0xFFFFFFE0]  }
0x19a: {  	v5 =	vsub.f32 v6, v5;
	v61 =	vmul.f32 $2.000000030e-01, v57;
	v63 =	vmul.f32 $2.000000030e-01, v13  }
0x19b: {  	v4 =	vsub.f32 v8, v7;
	(erf) = vpow2.f32 v10;
	v24 =	vadd.f32 v59, v56  }
0x19c: {  	v22 =	vmax.f32 v57, v61;
	v23 =	vmax.f32 v13, v63;
	v25 =	vadd.f32 v59, v2  }
0x19d: {  	v4 =	vmul.f32 $1.442695020e+00, v4;
	v7 =	vsub.f32 v22, v23;
	v26 =	vmul.f32 $2.000000030e-01, v24  }
0x19e: {  	v27 =	vmul.f32 $2.000000030e-01, v25;
	v28 =	vadd.f32 v21, v62;
	v29 =	vadd.f32 v21, v2  }
0x19f: {  	(erf) = vpow2.f32 v4;
	v7 =	vmul.f32 $1.442695020e+00, v7;
	v4 =	vmax.f32 v24, v26  }
0x1a0: {  	v30 =	vmax.f32 v25, v27;
	v31 =	vmul.f32 $2.000000030e-01, v28;
	v32 =	vmul.f32 $2.000000030e-01, v29  }
0x1a1: {  	v5 =	vmul.f32 $1.442695020e+00, v5;
	v4 =	vsub.f32 v4, v30  }
0x1a2: {  	(erf) = vpow2.f32 v7;
	v33 =	vmax.f32 v28, v31;
	v34 =	vmax.f32 v29, v32  }
0x1a3: {  	(erf) = vpow2.f32 v5;
	v4 =	vmul.f32 $1.442695020e+00, v4;
	v5 =	vsub.f32 v33, v34;
	_ =	sdelay $0x1  }
0x1a4: {  	(erf) = vpow2.f32 v4;
	v4 =	vmul.f32 $1.442695020e+00, v5;
	_ =	sdelay $0x1  }
0x1a5: {  	[tilespmem:s13+$0xFFFFFFE0] =	vst v53  }
0x1a6: {  	v36 =	vld [tilespmem:s22+$0xFFFFFFF0];
	(erf) = vpow2.f32 v4  }
0x1a7: {  	v5 =	vld [tilespmem:s21+$0xFFFFFFF0];
	v4 =	vpop (erf)  }
0x1a8: {  	v35 =	vpop (erf)  }
0x1a9: {  	[tilespmem:s12+$0x10] =	vst v35;
	v37 =	vpop (erf)  }
0x1aa: {  	v38 =	vld [tilespmem:s25+$0x20];
	v39 =	vpop (erf)  }
0x1ab: {  	v40 =	vld [tilespmem:s11+$0x20];
	[tilespmem:s12+$0xFFFFFFE0] =	vst v37;
	v41 =	vpop (erf)  }
0x1ac: {  	v7 =	vadd.f32 v36, v3;
	v5 =	vadd.f32 v36, v5;
	v42 =	vld [tilespmem:s25+$0xFFFFFFF0];
	v43 =	vpop (erf)  }
0x1ad: {  	v44 =	vld [tilespmem:s11+$0xFFFFFFF0];
	[tilespmem:s15+$0x10] =	vst v43  }
0x1ae: {  	v48 =	vmul.f32 $2.000000030e-01, v7;
	v47 =	vmul.f32 $2.000000030e-01, v5;
	v12 =	vld [tilespmem:s14+$0x20]  }
0x1af: {  	v45 =	vld [tilespmem:s23+$0x20];
	v46 =	vpop (erf)  }
0x1b0: {  	v7 =	vmax.f32 v7, v48;
	v5 =	vmax.f32 v5, v47;
	[tilespmem:s15+$0xFFFFFFE0] =	vst v46  }
0x1b1: {  	v5 =	vsub.f32 v5, v7;
	v16 =	vld [tilespmem:s14+$0xFFFFFFF0]  }
0x1b2: {  	v8 =	vadd.f32 v40, v38;
	v10 =	vadd.f32 v40, v3;
	v50 =	vld [tilespmem:s23+$0xFFFFFFF0]  }
0x1b3: {  	v5 =	vmul.f32 $1.442695020e+00, v5;
	v11 =	vadd.f32 v44, v42;
	v13 =	vadd.f32 v44, v3  }
0x1b4: {  	v49 =	vmul.f32 $2.000000030e-01, v8;
	v51 =	vmul.f32 $2.000000030e-01, v10;
	v12 =	vadd.f32 v45, v12  }
0x1b5: {  	v52 =	vmul.f32 $2.000000030e-01, v11;
	v53 =	vmul.f32 $2.000000030e-01, v13;
	v14 =	vadd.f32 v45, v3  }
0x1b6: {  	v8 =	vmax.f32 v8, v49;
	v7 =	vmax.f32 v10, v51;
	v54 =	vmul.f32 $2.000000030e-01, v12  }
0x1b7: {  	v55 =	vmul.f32 $2.000000030e-01, v14;
	v16 =	vadd.f32 v50, v16;
	v18 =	vadd.f32 v50, v3  }
0x1b8: {  	v7 =	vsub.f32 v8, v7;
	v10 =	vmax.f32 v11, v52;
	v56 =	vmax.f32 v12, v54  }
0x1b9: {  	v57 =	vmax.f32 v14, v55;
	v58 =	vmul.f32 $2.000000030e-01, v16;
	v59 =	vmul.f32 $2.000000030e-01, v18  }
0x1ba: {  	v8 =	vmax.f32 v13, v53;
	v7 =	vmul.f32 $1.442695020e+00, v7;
	v11 =	vsub.f32 v56, v57  }
0x1bb: {  	v8 =	vsub.f32 v10, v8;
	v60 =	vmax.f32 v16, v58;
	v61 =	vmax.f32 v18, v59  }
0x1bc: {  	(erf) = vpow2.f32 v7;
	v62 =	vmul.f32 $1.442695020e+00, v11;
	v10 =	vsub.f32 v60, v61  }
0x1bd: {  	(erf) = vpow2.f32 v5;
	v5 =	vmul.f32 $1.442695020e+00, v8  }
0x1be: {  	(erf) = vpow2.f32 v62;
	v63 =	vmul.f32 $1.442695020e+00, v10  }
0x1bf: {  	(erf) = vpow2.f32 v5  }
0x1c0: {  	(erf) = vpow2.f32 v63;
	_ =	sdelay $0x1  }
0x1c1: {  	[tilespmem:s20+$0x20] =	vst v15  }
0x1c2: {  	[tilespmem:s19+$0xFFFFFFF0] =	vst v4  }
0x1c3: {  	[tilespmem:s13+$0x20] =	vst v39  }
0x1c4: {  	[tilespmem:s20+$0xFFFFFFF0] =	vst v41;
	v4 =	vpop (erf)  }
0x1c5: {  	[tilespmem:s12+$0x20] =	vst v4;
	v4 =	vpop (erf)  }
0x1c6: {  	s1 =	sadd.s32 s10, s18;
	s16 =	sadd.s32 $0x1, s16;
	[tilespmem:s13+$0xFFFFFFF0] =	vst v4;
	v4 =	vpop (erf)  }
0x1c7: {  	s1 =	smul.u32 $0x6, s1;
	p0 =	sne.s32 s16, $0x15;
	[tilespmem:s15+$0x20] =	vst v4;
	v4 =	vpop (erf)  }
.Ltmp3:
0x1c8: {  	[tilespmem:s12+$0xFFFFFFF0] =	vst v4;
	v4 =	vpop (erf);
	(pc) =	sbr.rel @p0 .LBB2_4-.Ltmp3, $4  }
0x1c9: {  	s1 =	sadd.s32 s7, s1;
	[tilespmem:s15+$0xFFFFFFF0] =	vst v4  }
0x1ca: {  	[hbm4b:s1+s4] =	stream.linear.scatter [tilespmem:s9], [sflag:$0x6], $0x1800, $0x38;
	[tilespmem:$0x13E30] =	vst v63  }
0x1cb: {  	_ = 	snop  }
0x1cc: {  	[spmem:s3] =	stream.indirect.scatter.add.f32 [tilespmem:s9], [sflag:$0x8], $0x30, s17, s29, $0xb8;
	[tilespmem:$0x13E30] =	vst v63  }
0x1cd: {  	s1 =	simm.s32 $0x5  }
0x1ce: {  	_ =	swait.ge [sflag:s1], $0x1800  }
0x1cf: {  	[sflag:s1] =	ssyncset.done $0x0  }
0x1d0: {  	s21 =	simm.s32 $0x7;
	[sflag:s1] =	ssyncadd.s32 $0xFFFFE800  }
0x1d1: {  	_ =	swait.ge [sflag:s21], $0x1800  }
0x1d2: {  	[sflag:s21] =	ssyncset.done $0x0  }
0x1d3: {  	s22 =	simm.s32 $0x6;
	[sflag:s21] =	ssyncadd.s32 $0xFFFFE800  }
0x1d4: {  	_ =	swait.ge [sflag:s22], $0x1800  }
0x1d5: {  	[sflag:s22] =	ssyncset.done $0x0  }
0x1d6: {  	s23 =	simm.s32 $0x8;
	[sflag:s22] =	ssyncadd.s32 $0xFFFFE800  }
0x1d7: {  	_ =	swait.ge [sflag:s23], $0x1800  }
0x1d8: {  	[sflag:s23] =	ssyncset.done $0x0  }
0x1d9: {  	[sflag:s23] =	ssyncadd.s32 $0xFFFFE800  }
0x1da: {  	s24 =	stileid.u32;
	[bflag:$0x0] =	sbarrier.arrive $0xFFFF  }
0x1db: {  	s1 =	sshll.u32 s24, $0x6;
	s2 =	rddreg [dreg:$0x6]  }
0x1dc: {  	s12 =	simm.s32 $0x9;
	s1 =	sor.u32 $0x1C09, s1;
	s11 =	rddreg [dreg:$0x12]  }
0x1dd: {  	[hbm:s2], [sflag:s1] =	dma.local [spmem:s11], $0xF00  }
0x1de: {  	_ =	swait.ge [sflag:s12], $0xF00  }
0x1df: {  	s25 =	rddreg [dreg:$0x13]  }
0x1e0: {  	s28 =	rddreg [dreg:$0x7];
	s2 =	sadd.s32 $0x1, s25  }
0x1e1: {  	p0 =	sne.s32 s2, s28  }
.Ltmp4:
0x1e2: {  	_ = 	snop;
	(pc) =	sbr.rel @p0 .LBB2_1-.Ltmp4, $3  }
0x1e3: {  	_ =	sdelay $0x1  }
0x1e4: {  	[sflag:s12] =	ssyncset.done $0x0  }
0x1e5: {  	[sflag:s12] =	ssyncadd.s32 $0xFFFFF100  }
0x1e6: {  	_ =	sfence.sel $0x180000  }
0x1e7: {  	[bflag:$0x0] =	sbarrier.arrive $0xFFFF  }
0x1e8: {  	_ =	strace $0x90000047  }
0x1e9: {  	s0 =	stileid.u32;
	[bflag:$0x2] =	sbarrier.arrive $0xFFFF  }
0x1ea: {  	p0 =	sne.s32 s0, $0x0;
	s0 =	rddreg [dreg:$0x3]  }
0x1eb: {  	s0 =	sadd.s32 @!p0 $0x100000, s0  }
0x1ec: {  	[sflag:s0] =	ssyncadd.tile.s32 @!p0 $0x1;
	_ =	shalt  }
.Lfunc_end2:
_tile_overlayer_lowered:
.L_overlay_start_2:
0x1ed: {  	(tag) =	ssettag $0x2  }
0x1ee: {  	s0 =	rddreg [dreg:$0x0];
	s2 =	stileid.u32  }
0x1ef: {  	s1 =	rddreg [dreg:$0x1];
	p0 =	sne.s32 s2, $0x0  }
0x1f0: {  	s3 =	rddreg [dreg:$0x2];
	[bflag:$0x3] =	sbarrier.arrive $0xFFFF;
	s2 =	simm.s32 @!p0 $0x1C09  }
0x1f1: {  	[timem:s3], [sflag:s2] =	dma.local @!p0 [hbm:s0], s1  }
0x1f2: {  	s0 =	simm.s32 @!p0 $0x9  }
0x1f3: {  	_ =	swait.ge @!p0 [sflag:s0], s1  }
0x1f4: {  	s1 =	ssub.s32 @!p0 $0x0, s1;
	[sflag:s0] =	ssyncset.done @!p0 $0x0  }
0x1f5: {  	[sflag:s0] =	ssyncadd.s32 @!p0 s1  }
0x1f6: {  	[bflag:$0x3] =	sbarrier.arrive $0xFFFF  }
0x1f7: {  	_ =	shalt  }

// kernel: gat_edge_pass_b.3.cloned.1.call-start
scs
__scs_entry_jumppad:
0x0: {  	(pc) =	sbr.rel $0x88, $3  }
0x1: {  	(tag) =	ssettag $0x0;
	lr =	simm.s32 $0x1  }
0x2: {  	[smem:$0x3F9B] =	sst lr;
	_ =	strace $0xD0000000  }
0x3: {  	_ = 	snop  }
0x4: {  	_ = 	snop  }
0x5: {  	_ = 	snop  }
0x6: {  	_ = 	snop  }
0x7: {  	_ = 	snop  }
__scs_overlays_trampoline_lowered:
0x8: {  	[smem:$0x3FAA] =	sst s0  }
0x9: {  	[smem:$0x3FAB] =	sst s1  }
0xa: {  	[smem:$0x3FAC] =	sst s2  }
0xb: {  	[smem:$0x3FAD] =	sst s3  }
0xc: {  	[smem:$0x3FAE] =	sst s4  }
0xd: {  	[smem:$0x3FAF] =	sst s5  }
0xe: {  	[smem:$0x3FB0] =	sst s6  }
0xf: {  	[smem:$0x3FB1] =	sst s7  }
0x10: {  	[smem:$0x3FB2] =	sst s8  }
0x11: {  	[smem:$0x3FB3] =	sst s9;
	s0 =	simm.s32 @!p0 $0x0  }
0x12: {  	s1 =	sld [smem:$0x3F99];
	s0 =	simm.s32 @p0 $0x1  }
0x13: {  	[smem:$0x3FB4] =	sst s0;
	s0 =	simm.s32 @!p1 $0x0  }
0x14: {  	s2 =	sld [smem:$0x3F98];
	s0 =	simm.s32 @p1 $0x1  }
0x15: {  	[smem:$0x3FB5] =	sst s0;
	s0 =	simm.s32 @!p2 $0x0  }
0x16: {  	s3 =	sld [smem:$0x3FDB];
	s0 =	simm.s32 @p2 $0x1  }
0x17: {  	s4 =	simm.s32 $0x1BF5;
	[smem:$0x3FB7] =	sst s0  }
0x18: {  	s0 =	sld [smem:$0x3F9A];
	_ =	swait.ge [sflag:s4], $0x0  }
0x19: {  	s7 =	sld [smem:$0x3F9B]  }
0x1a: {  	s8 =	sadd.s32 $0xFFFFE003, lr  }
0x1b: {  	s9 =	sadd.s32 $0xFFFFFEF7, lr;
	s5 =	simm.s32 $0xFFFFFFFF;
	p2 =	slt.u32 s8, $0xFFFFF086  }
0x1c: {  	p1 =	slt.u32 s9, $0xF7A;
	s5 =	simm.s32 @!p2 $0x0  }
0x1d: {  	s5 =	simm.s32 @p1 $0x1;
	p0 =	seq.s32 s7, s2  }
0x1e: {  	s7 =	smul.u32 @!p0 $0xF7A, s2;
	p2 =	seq.s32 @!p0 s5, $0x0  }
0x1f: {  	s9 =	smul.u32 $0xF7A, s1;
	s8 =	simm.s32 @!p0 $0x1BF5;
	p2 =	por !p2, p0  }
0x20: {  	[sflag:s8] =	ssyncset.s32 @!p0 $0xFFFFF086;
	s6 =	sadd.s32 @!p0 s3, s7;
	s7 =	simm.s32 @!p0 $0x108  }
0x21: {  	s3 =	sadd.s32 s3, s9;
	s6 =	sadd.s32 @!p0 $0x88, s6;
	s7 =	simm.s32 @p2 $0x1082  }
0x22: {  	[simem:s7], [sflag:s8] =	dma.local @!p0 [hbm:s6], $0xF7A  }
0x23: {  	s9 =	sor.u32 $0xD0000000, s2;
	s6 =	simm.s32 $0x108;
	_ =	swait.ge @!p0 [sflag:s8], $0x0  }
0x24: {  	s3 =	sadd.s32 $0x88, s3;
	s6 =	simm.s32 @!p1 $0x1082;
	[sflag:s4] =	ssyncset.s32 $0xFFFFF086  }
0x25: {  	[simem:s6], [sflag:s4] =	dma.local [hbm:s3], $0xF7A  }
0x26: {  	[smem:$0x3F9B] =	sst s1;
	(tag) =	ssettag s2;
	_ =	strace s9  }
0x27: {  	s1 =	sld [smem:$0x3FAB]  }
0x28: {  	s2 =	sld [smem:$0x3FAC]  }
0x29: {  	s4 =	sld [smem:$0x3FAE]  }
0x2a: {  	p0 =	seq.s32 s5, $0x0;
	s5 =	sld [smem:$0x3FAF]  }
0x2b: {  	s6 =	sld [smem:$0x3FB0]  }
0x2c: {  	s7 =	sld [smem:$0x3FB1]  }
0x2d: {  	s3 =	simm.s32 $0x108;
	s8 =	sld [smem:$0x3FB2]  }
0x2e: {  	s3 =	simm.s32 @!p0 $0x1082;
	s9 =	sld [smem:$0x3FB3]  }
0x2f: {  	lr =	sadd.s32 s0, s3;
	s0 =	sld [smem:$0x3FAA]  }
0x30: {  	s3 =	sld [smem:$0x3FAD]  }
0x31: {  	[smem:$0x3FB6] =	sst s10  }
0x32: {  	s10 =	sld [smem:$0x3FB4];
	_ =	sdelay $0x3  }
0x33: {  	p0 =	seq.s32 s10, $0x1;
	s10 =	sld [smem:$0x3FB6];
	_ =	sdelay $0x3  }
0x34: {  	[smem:$0x3FB6] =	sst s10  }
0x35: {  	s10 =	sld [smem:$0x3FB5];
	_ =	sdelay $0x3  }
0x36: {  	p1 =	seq.s32 s10, $0x1;
	s10 =	sld [smem:$0x3FB6];
	_ =	sdelay $0x3  }
0x37: {  	[smem:$0x3FB6] =	sst s10  }
0x38: {  	s10 =	sld [smem:$0x3FB7]  }
0x39: {  	_ = 	snop;
	(pc) =	sbr.ind lr, $3  }
0x3a: {  	_ = 	snop  }
0x3b: {  	_ = 	snop  }
0x3c: {  	p2 =	seq.s32 s10, $0x1;
	s10 =	sld [smem:$0x3FB6]  }
0x3d: {  	_ =	shalt  }
0x3e: {  	_ =	shalt  }
0x3f: {  	_ =	shalt  }
0x40: {  	_ =	shalt  }
0x41: {  	_ =	shalt  }
0x42: {  	_ =	shalt  }
0x43: {  	_ =	shalt  }
0x44: {  	_ =	shalt  }
0x45: {  	_ =	shalt  }
0x46: {  	_ =	shalt  }
0x47: {  	_ =	shalt  }
0x48: {  	_ =	shalt  }
0x49: {  	_ =	shalt  }
0x4a: {  	_ =	shalt  }
0x4b: {  	_ =	shalt  }
0x4c: {  	_ =	shalt  }
0x4d: {  	_ =	shalt  }
0x4e: {  	_ =	shalt  }
0x4f: {  	_ =	shalt  }
0x50: {  	_ =	shalt  }
0x51: {  	_ =	shalt  }
0x52: {  	_ =	shalt  }
0x53: {  	_ =	shalt  }
0x54: {  	_ =	shalt  }
0x55: {  	_ =	shalt  }
0x56: {  	_ =	shalt  }
0x57: {  	_ =	shalt  }
0x58: {  	_ =	shalt  }
0x59: {  	_ =	shalt  }
0x5a: {  	_ =	shalt  }
0x5b: {  	_ =	shalt  }
0x5c: {  	_ =	shalt  }
0x5d: {  	_ =	shalt  }
0x5e: {  	_ =	shalt  }
0x5f: {  	_ =	shalt  }
0x60: {  	_ =	shalt  }
0x61: {  	_ =	shalt  }
0x62: {  	_ =	shalt  }
0x63: {  	_ =	shalt  }
0x64: {  	_ =	shalt  }
0x65: {  	_ =	shalt  }
0x66: {  	_ =	shalt  }
0x67: {  	_ =	shalt  }
0x68: {  	_ =	shalt  }
0x69: {  	_ =	shalt  }
0x6a: {  	_ =	shalt  }
0x6b: {  	_ =	shalt  }
0x6c: {  	_ =	shalt  }
0x6d: {  	_ =	shalt  }
0x6e: {  	_ =	shalt  }
0x6f: {  	_ =	shalt  }
0x70: {  	_ =	shalt  }
0x71: {  	_ =	shalt  }
0x72: {  	_ =	shalt  }
0x73: {  	_ =	shalt  }
0x74: {  	_ =	shalt  }
0x75: {  	_ =	shalt  }
0x76: {  	_ =	shalt  }
0x77: {  	_ =	shalt  }
0x78: {  	_ =	shalt  }
0x79: {  	_ =	shalt  }
0x7a: {  	_ =	shalt  }
0x7b: {  	_ =	shalt  }
0x7c: {  	_ =	shalt  }
0x7d: {  	_ =	shalt  }
0x7e: {  	_ =	shalt  }
0x7f: {  	_ =	shalt  }
0x80: {  	_ =	shalt  }
0x81: {  	_ =	shalt  }
0x82: {  	_ =	shalt  }
0x83: {  	_ =	shalt  }
0x84: {  	_ =	shalt  }
0x85: {  	_ =	shalt  }
0x86: {  	_ =	shalt  }
0x87: {  	_ =	shalt  }
.Lfunc_end0:
.L_simem_size_0:
called_computation.1_lowered:
.L_overlay_start_0:
0x88: {  	s2 =	sld [smem:$0x3FD9]  }
0x89: {  	s3 =	sld [smem:$0x3FFE];
	_ =	sdelay $0x1  }
0x8a: {  	s1 =	srdreg.scid  }
0x8b: {  	s0 =	sand.u32 $0x1, s1  }
0x8c: {  	s16 =	sshll.u32 s0, $0xA;
	s2 =	sadd.s32 s3, s2  }
0x8d: {  	s2 =	sadd.s32 s2, s16  }
0x8e: {  	[smem:$0x3FC2] =	sst s2  }
0x8f: {  	_ = 	snop  }
0x90: {  	(tm) =	ssettm $0x1  }
0x91: {  	s17 =	sld [smem:$0x3FFB];
	_ =	sdelay $0x3  }
0x92: {  	_ =	strace s17  }
0x93: {  	s2 =	sld [smem:$0x3FFC];
	_ =	sdelay $0x3  }
0x94: {  	_ =	strace s2  }
0x95: {  	s2 =	sld [smem:$0x3FFD];
	_ =	sdelay $0x3  }
0x96: {  	_ =	strace s2  }
0x97: {  	_ =	strace $0x8FFFFFFF  }
0x98: {  	s18 =	sld [smem:$0x3FDB];
	_ =	sdelay $0x1  }
0x99: {  	s19 =	simm.s32 $_scs_section_size  }
0x9a: {  	s4 =	simm.s32 $_size__tile_overlayer_lowered;
	s5 =	simm.s32 $_tile_overlayer_lowered  }
0x9b: {  	s22 =	simm.s32 $0x1BFF;
	s21 =	sshll.u32 s5, $0x1;
	s2 =	sadd.s32 s19, s18  }
0x9c: {  	s6 =	simm.s32 $0x0;
	s20 =	sshll.u32 s4, $0x1;
	s4 =	sadd.s32 s21, s2  }
0x9d: {  	[timem:s6], [sflag:s22] =	dma.local [hbm:s4], s20  }
0x9e: {  	_ =	swait.ge [sflag:s22], s20  }
0x9f: {  	s3 =	ssub.s32 $0x0, s20;
	[sflag:s22] =	ssyncset.done $0x0  }
0xa0: {  	[sflag:s22] =	ssyncadd.s32 s3;
	_ =	sdelay $0x1  }
0xa1: {  	s23 =	simm.s32 $0x1B8B  }
0xa2: {  	_ =	swait.ge [sflag:s23], $0x1  }
0xa3: {  	[sflag:s23] =	ssyncset.done $0x0  }
0xa4: {  	s25 =	simm.s32 $0x1B8E;
	s24 =	sld [smem:$0x3FFE];
	[sflag:s23] =	ssyncadd.s32 $0xFFFFFFFF  }
0xa5: {  	s26 =	simm.s32 $execute0_lowered;
	[smem:$0x3FD2] =	sst s25  }
0xa6: {  	s4 =	sshll.u32 s26, $0x1;
	_ =	strace $0x80000049;
	[dreg:$0x1] =	wrdreg $0xFFFFFFFF  }
0xa7: {  	s28 =	simm.s32 $_size_execute0_lowered;
	s2 =	sadd.s32 s2, s4;
	[dreg:$0x0] =	wrdreg $0x0  }
0xa8: {  	s4 =	sshll.u32 s28, $0x1;
	[dreg:$0x2] =	wrdreg s2  }
0xa9: {  	[dreg:$0x3] =	wrdreg s4  }
0xaa: {  	[dreg:$0x4] =	wrdreg $0xC0  }
0xab: {  	_ =	task [dreg:s6], $0x5FFFF  }
0xac: {  	[dreg:$0x1] =	wrdreg $0xFFFFFFFF  }
0xad: {  	[dreg:$0x0] =	wrdreg $0x60  }
0xae: {  	[dreg:$0x2] =	wrdreg s24  }
0xaf: {  	[dreg:$0x3] =	wrdreg $0xFA000  }
0xb0: {  	[dreg:$0x4] =	wrdreg $0x9  }
0xb1: {  	_ =	task.clear_ibuf [dreg:s6], $0x5FFFF;
	_ =	strace $0x90000049  }
0xb2: {  	s29 =	simm.s32 $0x9;
	_ =	strace $0x8000004B  }
0xb3: {  	_ =	swait.ge [sflag:s29], $0x1  }
0xb4: {  	[sflag:s29] =	ssyncadd.s32 $0xFFFFFFFF  }
0xb5: {  	_ =	strace $0x9000004B  }
0xb6: {  	_ =	sfence  }
0xb7: {  	s30 =	sld [smem:$0x0];
	_ =	sdelay $0x2  }
0xb8: {  	s31 =	sshll.u32 s1, $0xD;
	s1 =	sshrl.u32 s1, $0x2  }
0xb9: {  	s3 =	sand.u32 $0x4000, s31;
	s1 =	sadd.s32 s1, s30  }
0xba: {  	s0 =	sor.u32 s3, s0;
	s1 =	sshll.u32 s1, $0x11  }
0xbb: {  	s0 =	sor.u32 s1, s0  }
0xbc: {  	s0 =	sadd.s32 $0x8F2B, s0  }
0xbd: {  	[sflag:s0] =	ssyncadd.remote.s32 $0x1  }
0xbe: {  	_ =	sfence.sel $0xFFFF  }
0xbf: {  	[dreg:$0x0] =	wrdreg $0xFFFFFFFF;
	(pc) =	sbr.abs _section_cstart, $3  }
0xc0: {  	[dreg:$0x1] =	wrdreg $0xFFFFFFFF  }
0xc1: {  	_ =	task.clear_ibuf [dreg:s6], $0x2FFFF;
	_ =	strace $0x9FFFFFFF  }
0xc2: {  	(tm) =	ssettm $0x7FFFFFFF  }
0xc3: {  	_ =	shalt  }
tec
execute0_lowered:
.L_overlay_start_1:
0x0: {  	(tag) =	ssettag $0x1  }
0x1: {  	s0 =	srdreg.scid;
	s7 =	rddreg [dreg:$0x0]  }
0x2: {  	s11 =	stileid.u32;
	s2 =	rddreg [dreg:$0x1];
	s3 =	simm.s32 $0x0  }
0x3: {  	s29 =	simm.s32 $0x40;
	s28 =	simm.s32 $0x4E00;
	s30 =	simm.s32 $0x9E00  }
0x4: {  	s0 =	sand.u32 $0x1, s0;
	[smem:$0x7FF] =	sst s3;
	s8 =	smul.u32 $0x5000, s11  }
0x5: {  	s5 =	sadd.s32 $0xBC00, s7;
	s1 =	sshll.u32 s0, $0x4;
	s6 =	smul.u32 $0x50000, s0  }
0x6: {  	s0 =	ssub.s32 $0x2, s0;
	s1 =	sor.u32 s11, s1;
	s11 =	smul.u32 $0x14000, s11  }
0x7: {  	_ =	strace $0x8000004A;
	s24 =	sshrl.u32 s0, $0x1;
	s4 =	smul.u32 $0x2A0, s1  }
0x8: {  	s6 =	sadd.s32 s8, s6;
	s0 =	ssub.s32 s0, s24;
	s26 =	smul.u32 $0x7E00, s1  }
0x9: {  	s10 =	sshrl.u32 s6, $0x3;
	s25 =	sshrl.u32 s11, $0x2;
	s0 =	smax.u32 s0, $0x1  }
0xa: {  	s9 =	sadd.s32 s4, s7;
	s12 =	sadd.s32 s25, s2;
	[dreg:$0x8] =	wrdreg s0  }
0xb: {  	s6 =	sadd.s32 $0x143C00, s7;
	s13 =	sadd.s32 $0x6800, s9;
	[dreg:$0x3] =	wrdreg s12  }
0xc: {  	s4 =	sadd.s32 $0x47C00, s7;
	s9 =	sadd.s32 $0x1400, s9;
	[dreg:$0x4] =	wrdreg s13  }
0xd: {  	s7 =	sadd.s32 s10, s7;
	s14 =	sadd.s32 s4, s26;
	[dreg:$0x5] =	wrdreg s9  }
0xe: {  	s31 =	simm.s32 $0x1;
	s15 =	sadd.s32 $0x1AC00, s7;
	[dreg:$0x6] =	wrdreg s14  }
0xf: {  	s16 =	sadd.s32 s8, s2;
	s17 =	sadd.s32 $0x800, s12;
	[dreg:$0x7] =	wrdreg s15  }
0x10: {  	s8 =	simm.s32 $0xE200;
	s18 =	sadd.s32 $0x1000, s12;
	[dreg:$0x9] =	wrdreg s17  }
0x11: {  	s11 =	simm.s32 $0x4;
	s19 =	sadd.s32 $0x1800, s12;
	[dreg:$0xa] =	wrdreg s18  }
0x12: {  	s10 =	smul.u32 $0x1500, s1;
	s20 =	sadd.s32 $0x2000, s12;
	[dreg:$0xb] =	wrdreg s19  }
0x13: {  	s1 =	simm.s32 $0x3600;
	s21 =	sadd.s32 $0x2800, s12;
	[dreg:$0xc] =	wrdreg s20  }
0x14: {  	s0 =	simm.s32 $0x3;
	s22 =	sadd.s32 $0x3000, s12;
	[dreg:$0xd] =	wrdreg s21  }
0x15: {  	s23 =	sadd.s32 $0x3800, s12;
	s24 =	sadd.s32 $0x4000, s12;
	[dreg:$0xe] =	wrdreg s22  }
0x16: {  	s25 =	sadd.s32 $0x4800, s12;
	s26 =	sshrl.u32 s16, $0x3;
	[dreg:$0xf] =	wrdreg s23  }
0x17: {  	s12 =	simm.s32 $0x6;
	s16 =	simm.s32 $0x0;
	[dreg:$0x10] =	wrdreg s24  }
0x18: {  	[dreg:$0x11] =	wrdreg s25;
	s23 =	simm.s32 $0xF200;
	s24 =	simm.s32 $0x9  }
0x19: {  	v0 =	vimm.f32 $0.0e+00;
	v1 =	vimm.s32 $0xC;
	[dreg:$0x12] =	wrdreg s26;
	s26 =	simm.s32 $0x5;
	s9 =	simm.s32 $0x2  }
0x1a: {  	v2 =	vimm.s32 $0xD;
	v50 =	vimm.s32 $0xE;
	v51 =	vimm.s32 $0xF;
	s13 =	simm.s32 $0xEA00;
	s14 =	simm.s32 $0x7;
	s15 =	simm.s32 $0x8  }
.LBB2_1:
0x1b: {  	s17 =	simm.s32 $0x80;
	s7 =	simm.s32 $0x0  }
.LBB2_2:
0x1c: {  	p0 =	sne.s32 s17, $0x1F80;
	[tilespmem:s7+$0xEA10] =	vst v0;
	s18 =	smov.u32 s17;
	s17 =	sadd.s32 $0x80, s17  }
.Ltmp0:
0x1d: {  	[tilespmem:s7+$0xE210] =	vst v0;
	(pc) =	sbr.rel @p0 .LBB2_2-.Ltmp0, $3  }
0x1e: {  	[tilespmem:s7+$0xF200] =	vst v0  }
0x1f: {  	[tilespmem:s7+$0xF210] =	vst v0;
	_ =	sdelay $0x1  }
0x20: {  	s7 =	sshra.s32 s18, $0x2  }
0x21: {  	[tilespmem:s7+$0xEA10] =	vst v0  }
0x22: {  	[tilespmem:s7+$0xE210] =	vst v0  }
0x23: {  	[tilespmem:s7+$0xF200] =	vst v0  }
0x24: {  	[tilespmem:s7+$0xF210] =	vst v0;
	s25 =	rddreg [dreg:$0x3]  }
0x25: {  	[spmem:s25] =	stream.linear.scatter [tilespmem:s23], [sflag:$0x9], $0x800, $0x38;
	[tilespmem:$0x14A00] =	vst v63  }
0x26: {  	_ =	swait.ge [sflag:s24], $0x800  }
0x27: {  	[sflag:s24] =	ssyncset.done $0x0  }
0x28: {  	s17 =	rddreg [dreg:$0x9];
	[sflag:s24] =	ssyncadd.s32 $0xFFFFF800  }
0x29: {  	[spmem:s17] =	stream.linear.scatter [tilespmem:s23], [sflag:$0x9], $0x800, $0x38;
	[tilespmem:$0x14A00] =	vst v63  }
0x2a: {  	_ =	swait.ge [sflag:s24], $0x800  }
0x2b: {  	[sflag:s24] =	ssyncset.done $0x0  }
0x2c: {  	s18 =	rddreg [dreg:$0xa];
	[sflag:s24] =	ssyncadd.s32 $0xFFFFF800  }
0x2d: {  	[spmem:s18] =	stream.linear.scatter [tilespmem:s23], [sflag:$0x9], $0x800, $0x38;
	[tilespmem:$0x14A00] =	vst v63  }
0x2e: {  	_ =	swait.ge [sflag:s24], $0x800  }
0x2f: {  	[sflag:s24] =	ssyncset.done $0x0  }
0x30: {  	s19 =	rddreg [dreg:$0xb];
	[sflag:s24] =	ssyncadd.s32 $0xFFFFF800  }
0x31: {  	[spmem:s19] =	stream.linear.scatter [tilespmem:s23], [sflag:$0x9], $0x800, $0x38;
	[tilespmem:$0x14A00] =	vst v63  }
0x32: {  	_ =	swait.ge [sflag:s24], $0x800  }
0x33: {  	[sflag:s24] =	ssyncset.done $0x0  }
0x34: {  	s20 =	rddreg [dreg:$0xc];
	[sflag:s24] =	ssyncadd.s32 $0xFFFFF800  }
0x35: {  	[spmem:s20] =	stream.linear.scatter [tilespmem:s23], [sflag:$0x9], $0x800, $0x38;
	[tilespmem:$0x14A00] =	vst v63  }
0x36: {  	_ =	swait.ge [sflag:s24], $0x800  }
0x37: {  	[sflag:s24] =	ssyncset.done $0x0  }
0x38: {  	s21 =	rddreg [dreg:$0xd];
	[sflag:s24] =	ssyncadd.s32 $0xFFFFF800  }
0x39: {  	[spmem:s21] =	stream.linear.scatter [tilespmem:s23], [sflag:$0x9], $0x800, $0x38;
	[tilespmem:$0x14A00] =	vst v63  }
0x3a: {  	_ =	swait.ge [sflag:s24], $0x800  }
0x3b: {  	[sflag:s24] =	ssyncset.done $0x0  }
0x3c: {  	s22 =	rddreg [dreg:$0xe];
	[sflag:s24] =	ssyncadd.s32 $0xFFFFF800  }
0x3d: {  	[spmem:s22] =	stream.linear.scatter [tilespmem:s23], [sflag:$0x9], $0x800, $0x38;
	[tilespmem:$0x14A00] =	vst v63  }
0x3e: {  	_ =	swait.ge [sflag:s24], $0x800  }
0x3f: {  	[sflag:s24] =	ssyncset.done $0x0  }
0x40: {  	s25 =	rddreg [dreg:$0xf];
	[sflag:s24] =	ssyncadd.s32 $0xFFFFF800  }
0x41: {  	[spmem:s25] =	stream.linear.scatter [tilespmem:s23], [sflag:$0x9], $0x800, $0x38;
	[tilespmem:$0x14A00] =	vst v63  }
0x42: {  	_ =	swait.ge [sflag:s24], $0x800  }
0x43: {  	[sflag:s24] =	ssyncset.done $0x0  }
0x44: {  	s17 =	rddreg [dreg:$0x10];
	[sflag:s24] =	ssyncadd.s32 $0xFFFFF800  }
0x45: {  	[spmem:s17] =	stream.linear.scatter [tilespmem:s23], [sflag:$0x9], $0x800, $0x38;
	[tilespmem:$0x14A00] =	vst v63  }
0x46: {  	_ =	swait.ge [sflag:s24], $0x800  }
0x47: {  	[sflag:s24] =	ssyncset.done $0x0  }
0x48: {  	s18 =	rddreg [dreg:$0x11];
	[sflag:s24] =	ssyncadd.s32 $0xFFFFF800  }
0x49: {  	[spmem:s18] =	stream.linear.scatter [tilespmem:s23], [sflag:$0x9], $0x800, $0x38;
	[tilespmem:$0x14A00] =	vst v63  }
0x4a: {  	_ =	swait.ge [sflag:s24], $0x800  }
0x4b: {  	[sflag:s24] =	ssyncset.done $0x0  }
0x4c: {  	s17 =	simm.s32 $0x0;
	s19 =	rddreg [dreg:$0x4];
	[sflag:s24] =	ssyncadd.s32 $0xFFFFF800  }
0x4d: {  	[tilespmem:s17], [sflag:$0x9] =	stream.linear.gather [hbm4b:s19+s17], $0x1500, $0x38;
	[tilespmem:$0x14A00] =	vst v63  }
0x4e: {  	_ =	swait.ge [sflag:s24], $0x1500  }
0x4f: {  	[sflag:s24] =	ssyncset.done $0x0  }
0x50: {  	s18 =	simm.s32 $0x1500;
	s20 =	rddreg [dreg:$0x5];
	[sflag:s24] =	ssyncadd.s32 $0xFFFFEB00  }
0x51: {  	[tilespmem:s18], [sflag:$0x9] =	stream.linear.gather [hbm4b:s20+s17], $0x1500, $0x38;
	[tilespmem:$0x14A00] =	vst v63  }
0x52: {  	_ =	swait.ge [sflag:s24], $0x1500  }
0x53: {  	[sflag:s24] =	ssyncset.done $0x0  }
0x54: {  	[sflag:s24] =	ssyncadd.s32 $0xFFFFEB00  }
0x55: {  	[bflag:$0x0] =	sbarrier.arrive $0xFFFF  }
0x56: {  	s19 =	simm.s32 $0x2A00;
	s21 =	rddreg [dreg:$0x6]  }
0x57: {  	[tilespmem:s19], [sflag:$0x1] =	stream.linear.gather [hbm4b:s21+s17], $0xC00, $0x38;
	[tilespmem:$0x14A00] =	vst v63  }
0x58: {  	s22 =	simm.s32 $0x4200  }
0x59: {  	[tilespmem:s22], [sflag:$0x3] =	stream.indirect.gather [hbm4b:s5+s29], $0x30, s18, s29, $0xb8;
	[tilespmem:$0x14A00] =	vst v63  }
0x5a: {  	s25 =	simm.s32 $0x5A00  }
0x5b: {  	[tilespmem:s25], [sflag:$0x5] =	stream.indirect.gather [hbm4b:s6+s29], $0x110, s17, s29, $0xb8;
	[tilespmem:$0x14A00] =	vst v63  }
.LBB2_4:
0x5c: {  	s7 =	sshllo.u32 s17, $0x1  }
0x5d: {  	s18 =	sshll.u32 s7, $0x6  }
0x5e: {  	s7 =	sadd.s32 s10, s18  }
0x5f: {  	s7 =	smul.u32 $0x6, s7;
	_ =	sdelay $0x1  }
0x60: {  	s7 =	sadd.s32 s4, s7  }
0x61: {  	[tilespmem:s1], [sflag:$0x2] =	stream.linear.gather [hbm4b:s7+s3], $0xC00, $0x38;
	[tilespmem:$0x14A00] =	vst v63  }
0x62: {  	s21 =	sadd.s32 $0x1500, s18  }
0x63: {  	[tilespmem:s28], [sflag:$0x4] =	stream.indirect.gather [hbm4b:s5+s29], $0x30, s21, s29, $0xb8;
	[tilespmem:$0x14A00] =	vst v63  }
0x64: {  	_ = 	snop  }
0x65: {  	[tilespmem:s30], [sflag:$0x6] =	stream.indirect.gather [hbm4b:s6+s29], $0x110, s18, s29, $0xb8;
	[tilespmem:$0x14A00] =	vst v63  }
0x66: {  	_ =	swait.ge [sflag:s31], $0xC00  }
0x67: {  	[sflag:s31] =	ssyncset.done $0x0  }
0x68: {  	[sflag:s31] =	ssyncadd.s32 $0xFFFFF400  }
0x69: {  	_ =	swait.ge [sflag:s0], $0xC00  }
0x6a: {  	[sflag:s0] =	ssyncset.done $0x0  }
0x6b: {  	[sflag:s0] =	ssyncadd.s32 $0xFFFFF400  }
0x6c: {  	_ =	swait.ge [sflag:s26], $0x4400  }
0x6d: {  	p0 =	seq.s32 s17, $0x0;
	[sflag:s26] =	ssyncset.done $0x0  }
0x6e: {  	s7 =	simm.s32 @!p0 $0x7;
	[sflag:s26] =	ssyncadd.s32 $0xFFFFBC00  }
0x6f: {  	_ =	swait.ge @!p0 [sflag:s7], $0x800  }
0x70: {  	[sflag:s7] =	ssyncset.done @!p0 $0x0  }
0x71: {  	s20 =	simm.s32 $0x2A60;
	[sflag:s7] =	ssyncadd.s32 @!p0 $0xFFFFF800  }
0x72: {  	s19 =	simm.s32 $0x4260;
	v3 =	vld [tilespmem:s20+$0x50]  }
0x73: {  	v4 =	vld [tilespmem:s19+$0x50]  }
0x74: {  	v5 =	vld [tilespmem:s20+$0x40]  }
0x75: {  	v6 =	vld [tilespmem:s19+$0x40]  }
0x76: {  	v7 =	vld [tilespmem:s20+$0x30]  }
0x77: {  	s22 =	simm.s32 $0x5C20;
	v11 =	vimm.s32 $0x0;
	v10 =	vimm.s32 $0xA;
	v9 =	vimm.s32 $0x1;
	v8 =	vld [tilespmem:s19+$0x30]  }
0x78: {  	v12 =	vimm.s32 $0xB;
	v57 =	vimm.s32 $0x6;
	v13 =	vimm.s32 $0xC;
	v0 =	vld [tilespmem:s22+$0x200]  }
0x79: {  	v14 =	vimm.s32 $0xD;
	v59 =	vimm.s32 $0x2;
	v56 =	vimm.s32 $0x9  }
0x7a: {  	v60 =	vimm.s32 $0x3;
	v61 =	vimm.s32 $0x4;
	v17 =	vld [tilespmem:s22+$0x210];
	v19 =	vmul.f32 v6, v5  }
0x7b: {  	v62 =	vimm.s32 $0x5;
	v63 =	vimm.s32 $0xF;
	v4 =	vmul.f32 v4, v3  }
0x7c: {  	v58 =	vimm.s32 $0xA;
	v18 =	vld [tilespmem:s22+$0x1E0];
	v8 =	vmul.f32 v8, v7;
	v23 =	vperm.xlane v19, v50  }
0x7d: {  	v20 =	vshll.u32 v0, $0x10;
	v24 =	vperm.xlane v19, v51;
	v3 =	vperm.xlane v4, v11  }
0x7e: {  	v21 =	vld [tilespmem:s22+$0x1F0];
	v22 =	vand.u32 $0xFFFF0000, v0;
	v25 =	vperm.xlane v19, v10;
	v4 =	vperm.xlane v4, v9  }
0x7f: {  	v0 =	vshll.u32 v17, $0x10;
	v28 =	vperm.xlane v19, v12;
	v6 =	vperm.xlane v19, v1  }
0x80: {  	v5 =	vand.u32 $0xFFFF0000, v17;
	v17 =	vperm.xlane v19, v57;
	v7 =	vperm.xlane v19, v2  }
0x81: {  	v27 =	vshll.u32 v18, $0x10;
	v33 =	vperm.xlane v19, v59;
	v35 =	vperm.xlane v19, v56  }
0x82: {  	v26 =	vld [tilespmem:s22+$0x1C0];
	v18 =	vand.u32 $0xFFFF0000, v18;
	v36 =	vperm.xlane v19, v60;
	v38 =	vperm.xlane v19, v61  }
0x83: {  	v31 =	vshll.u32 v21, $0x10;
	v39 =	vperm.xlane v8, v50;
	v41 =	vperm.xlane v19, v62  }
0x84: {  	v29 =	vld [tilespmem:s22+$0x1D0];
	v21 =	vand.u32 $0xFFFF0000, v21;
	v42 =	vperm.xlane v8, v51;
	v44 =	vperm.xlane v19, v11  }
0x85: {  	v34 =	vld [tilespmem:s22+$0x1A0];
	v2 =	vimm.s32 $0x7;
	v45 =	vperm.xlane v8, v10;
	v47 =	vperm.xlane v8, v12  }
0x86: {  	v1 =	vimm.s32 $0x8;
	v49 =	vperm.xlane v8, v57;
	v53 =	vperm.xlane v8, v59  }
0x87: {  	v40 =	vld [tilespmem:s22+$0x1B0];
	v37 =	vshll.u32 v26, $0x10;
	v30 =	vperm.xlane v19, v2;
	v32 =	vperm.xlane v19, v1  }
0x88: {  	v26 =	vand.u32 $0xFFFF0000, v26;
	v19 =	vperm.xlane v19, v9;
	v50 =	vperm.xlane v8, v2  }
0x89: {  	v43 =	vshll.u32 v29, $0x10;
	v52 =	vperm.xlane v8, v1;
	v20 =	vmul.f32 v20, v23  }
0x8a: {  	v46 =	vld [tilespmem:s22+$0x180];
	v48 =	vshll.u32 v34, $0x10;
	v25 =	vmul.f32 v27, v25;
	v22 =	vmul.f32 v22, v24  }
0x8b: {  	v34 =	vand.u32 $0xFFFF0000, v34;
	v17 =	vmul.f32 v37, v17;
	v37 =	vperm.xlane v8, v60  }
0x8c: {  	v51 =	vld [tilespmem:s22+$0x160];
	v23 =	vshll.u32 v40, $0x10;
	v18 =	vmul.f32 v18, v28;
	v33 =	vmul.f32 v48, v33  }
0x8d: {  	v27 =	vand.u32 $0xFFFF0000, v40;
	v40 =	vld [tilespmem:s22+$0x140];
	v34 =	vmul.f32 v34, v36;
	v36 =	vperm.xlane v8, v9  }
0x8e: {  	v29 =	vand.u32 $0xFFFF0000, v29;
	v28 =	vld [tilespmem:s22+$0x120];
	v6 =	vmul.f32 v31, v6;
	v7 =	vmul.f32 v21, v7  }
0x8f: {  	v24 =	vshll.u32 v46, $0x10;
	v0 =	vmul.f32 v0, v3;
	v26 =	vmul.f32 v26, v30  }
0x90: {  	v46 =	vand.u32 $0xFFFF0000, v46;
	v48 =	vld [tilespmem:s22+$0x110];
	v24 =	vmul.f32 v24, v39;
	v39 =	vperm.xlane v8, v11  }
0x91: {  	v42 =	vmul.f32 v46, v42;
	v30 =	vshll.u32 v51, $0x10;
	v51 =	vand.u32 $0xFFFF0000, v51  }
0x92: {  	v10 =	vimm.s32 $0xE;
	v46 =	vld [tilespmem:s22+$0x130];
	v30 =	vmul.f32 v30, v45;
	v47 =	vmul.f32 v51, v47  }
0x93: {  	v54 =	vshll.u32 v40, $0x10;
	v55 =	vshll.u32 v28, $0x10;
	v40 =	vand.u32 $0xFFFF0000, v40  }
0x94: {  	v28 =	vand.u32 $0xFFFF0000, v28;
	v45 =	vmul.f32 v54, v49;
	v49 =	vmul.f32 v55, v53  }
0x95: {  	v51 =	vld [tilespmem:s22+$0x150];
	v53 =	vshll.u32 v48, $0x10;
	v40 =	vmul.f32 v40, v50;
	v28 =	vmul.f32 v28, v37  }
0x96: {  	v48 =	vand.u32 $0xFFFF0000, v48;
	v39 =	vmul.f32 v53, v39;
	v53 =	vperm.xlane v8, v61  }
0x97: {  	v54 =	vshll.u32 v46, $0x10;
	v36 =	vmul.f32 v48, v36;
	v48 =	vperm.xlane v8, v62  }
0x98: {  	v50 =	vld [tilespmem:s22+$0x190];
	v46 =	vand.u32 $0xFFFF0000, v46;
	v49 =	vadd.f32 $0.0e+00, v49;
	v28 =	vadd.f32 $0.0e+00, v28  }
0x99: {  	v37 =	vmul.f32 v54, v53;
	v39 =	vadd.f32 $0.0e+00, v39;
	v46 =	vmul.f32 v46, v48  }
0x9a: {  	v53 =	vld [tilespmem:s22+$0x170];
	v55 =	vshll.u32 v51, $0x10;
	v36 =	vadd.f32 $0.0e+00, v36;
	v54 =	vperm.xlane v8, v56  }
0x9b: {  	v51 =	vand.u32 $0xFFFF0000, v51;
	v48 =	vmul.f32 v55, v52;
	v52 =	vperm.xlane v8, v13  }
0x9c: {  	v8 =	vperm.xlane v8, v14;
	v45 =	vadd.f32 v45, v49;
	v28 =	vadd.f32 v40, v28  }
0x9d: {  	v37 =	vadd.f32 v37, v39;
	v39 =	vshll.u32 v50, $0x10;
	v36 =	vadd.f32 v46, v36  }
0x9e: {  	v50 =	vand.u32 $0xFFFF0000, v50;
	v30 =	vadd.f32 v30, v45;
	v28 =	vadd.f32 v47, v28  }
0x9f: {  	v46 =	vmul.f32 v51, v54;
	v37 =	vadd.f32 v48, v37;
	v51 =	vshll.u32 v53, $0x10  }
0xa0: {  	v53 =	vand.u32 $0xFFFF0000, v53;
	v24 =	vadd.f32 v24, v30;
	v30 =	vld [tilespmem:s20+$0xFFFFFFD0];
	v28 =	vadd.f32 v42, v28  }
0xa1: {  	v36 =	vadd.f32 v46, v36;
	v55 =	vmul.f32 v51, v52;
	v8 =	vmul.f32 v53, v8;
	v52 =	vld [tilespmem:s19+$0xFFFFFFD0]  }
0xa2: {  	v39 =	vmul.f32 v39, v44;
	v24 =	vadd.f32 v33, v24;
	v28 =	vadd.f32 v34, v28  }
0xa3: {  	v19 =	vmul.f32 v50, v19;
	v37 =	vadd.f32 v55, v37;
	v8 =	vadd.f32 v8, v36  }
0xa4: {  	v23 =	vmul.f32 v23, v38;
	v49 =	vld [tilespmem:s19+$0xFFFFFFA0];
	v17 =	vadd.f32 v17, v24;
	v26 =	vadd.f32 v26, v28  }
0xa5: {  	v51 =	vadd.f32 v39, v37;
	v8 =	vadd.f32 v19, v8;
	v19 =	vmul.f32 v27, v41;
	v27 =	vld [tilespmem:s20+$0xFFFFFFA0]  }
0xa6: {  	v5 =	vmul.f32 v5, v4;
	v17 =	vadd.f32 v25, v17;
	v3 =	vmul.f32 v52, v30  }
0xa7: {  	v32 =	vmul.f32 v43, v32;
	v28 =	vld [tilespmem:s22+$0xFFFFFDE0];
	v18 =	vadd.f32 v18, v26;
	v23 =	vadd.f32 v23, v51  }
0xa8: {  	v8 =	vadd.f32 v19, v8;
	v19 =	vmul.f32 v29, v35;
	v33 =	vperm.xlane v3, v59  }
0xa9: {  	v17 =	vadd.f32 v20, v17;
	v34 =	vperm.xlane v3, v60;
	v35 =	vperm.xlane v3, v61  }
0xaa: {  	v29 =	vld [tilespmem:s22+$0x20];
	v18 =	vadd.f32 v22, v18;
	v36 =	vperm.xlane v3, v62;
	v4 =	vmul.f32 v49, v27  }
0xab: {  	v53 =	vld [tilespmem:s20+$0x0];
	v46 =	vperm.xlane v3, v57;
	v47 =	vperm.xlane v3, v2;
	v23 =	vadd.f32 v32, v23  }
0xac: {  	v24 =	vld [tilespmem:s19+$0x0];
	v8 =	vadd.f32 v19, v8;
	v21 =	vshll.u32 v28, $0x10;
	v22 =	vperm.xlane v4, v9  }
0xad: {  	v6 =	vadd.f32 v6, v23;
	v30 =	vperm.xlane v4, v61;
	v31 =	vperm.xlane v4, v62  }
0xae: {  	v7 =	vadd.f32 v7, v8;
	v40 =	vperm.xlane v4, v57;
	v42 =	vperm.xlane v4, v2  }
0xaf: {  	v20 =	vld [tilespmem:s22+$0x0];
	v52 =	vshll.u32 v29, $0x10;
	v43 =	vperm.xlane v4, v1;
	v44 =	vperm.xlane v4, v56  }
0xb0: {  	v6 =	vadd.f32 v0, v6;
	v5 =	vadd.f32 v5, v7;
	v7 =	vperm.xlane v4, v11  }
0xb1: {  	v23 =	vld [tilespmem:s22+$0xFFFFFDF0];
	v29 =	vand.u32 $0xFFFF0000, v29;
	v0 =	vmul.f32 v24, v53;
	v24 =	vperm.xlane v3, v9  }
0xb2: {  	v8 =	vld [tilespmem:s22+$0xFFFFFEF0];
	v5 =	vadd.f32 v5, v6;
	v6 =	vadd.f32 v18, v17;
	v17 =	vperm.xlane v3, v11  }
0xb3: {  	v18 =	vand.u32 $0xFFFF0000, v28;
	v25 =	vperm.xlane v0, v11;
	v27 =	vperm.xlane v0, v9  }
0xb4: {  	v26 =	vld [tilespmem:s22+$0xFFFFFE00];
	v28 =	vshll.u32 v20, $0x10;
	v7 =	vmul.f32 v21, v7;
	v54 =	vperm.xlane v0, v59  }
0xb5: {  	v20 =	vand.u32 $0xFFFF0000, v20;
	v55 =	vperm.xlane v0, v60;
	v49 =	vperm.xlane v0, v61  }
0xb6: {  	v50 =	vperm.xlane v0, v62;
	v18 =	vmul.f32 v18, v22;
	v21 =	vshll.u32 v23, $0x10  }
0xb7: {  	v23 =	vand.u32 $0xFFFF0000, v23;
	v19 =	vadd.f32 v5, v6;
	v5 =	vshll.u32 v8, $0x10  }
0xb8: {  	v8 =	vand.u32 $0xFFFF0000, v8;
	v22 =	vmul.f32 v28, v25;
	v20 =	vmul.f32 v20, v27  }
0xb9: {  	v27 =	vperm.xlane v4, v60;
	v28 =	vshll.u32 v26, $0x10;
	v38 =	vmul.f32 v52, v49  }
0xba: {  	v48 =	vld [tilespmem:s22+$0xFFFFFE10];
	v26 =	vand.u32 $0xFFFF0000, v26;
	v29 =	vmul.f32 v29, v50;
	v49 =	vperm.xlane v3, v56  }
0xbb: {  	v7 =	vadd.f32 $0.0e+00, v7;
	v52 =	vperm.xlane v0, v2;
	v5 =	vmul.f32 v5, v17  }
0xbc: {  	v2 =	vimm.s32 $0x8;
	v8 =	vmul.f32 v8, v24;
	v24 =	vperm.xlane v4, v59  }
0xbd: {  	v6 =	vld [tilespmem:s22+$0xFFFFFF00];
	v18 =	vadd.f32 $0.0e+00, v18;
	v26 =	vmul.f32 v26, v31;
	v23 =	vmul.f32 v23, v27  }
0xbe: {  	v25 =	vld [tilespmem:s22+$0x10];
	v22 =	vadd.f32 $0.0e+00, v22;
	v20 =	vadd.f32 $0.0e+00, v20;
	v27 =	vmul.f32 v28, v30  }
0xbf: {  	v17 =	vld [tilespmem:s22+$0xFFFFFF10];
	v28 =	vshll.u32 v48, $0x10;
	v5 =	vadd.f32 $0.0e+00, v5;
	v8 =	vadd.f32 $0.0e+00, v8  }
0xc0: {  	v53 =	vld [tilespmem:s22+$0xFFFFFE20];
	v21 =	vmul.f32 v21, v24;
	v26 =	vadd.f32 v26, v18;
	v7 =	vadd.f32 v27, v7  }
0xc1: {  	v31 =	vld [tilespmem:s22+$0xFFFFFF30];
	v28 =	vmul.f32 v28, v40;
	v22 =	vadd.f32 v38, v22;
	v29 =	vadd.f32 v29, v20  }
0xc2: {  	v23 =	vadd.f32 $0.0e+00, v23;
	v32 =	vshll.u32 v6, $0x10;
	v6 =	vand.u32 $0xFFFF0000, v6  }
0xc3: {  	v51 =	vshll.u32 v25, $0x10;
	v25 =	vand.u32 $0xFFFF0000, v25;
	v21 =	vadd.f32 $0.0e+00, v21  }
0xc4: {  	v41 =	vld [tilespmem:s22+$0x40];
	v37 =	vshll.u32 v17, $0x10;
	v17 =	vand.u32 $0xFFFF0000, v17;
	v30 =	vmul.f32 v32, v33  }
0xc5: {  	v32 =	vand.u32 $0xFFFF0000, v48;
	v6 =	vmul.f32 v6, v34;
	v34 =	vshll.u32 v53, $0x10  }
0xc6: {  	v24 =	vld [tilespmem:s22+$0xFFFFFF20];
	v25 =	vmul.f32 v25, v55;
	v45 =	vshll.u32 v31, $0x10;
	v48 =	vperm.xlane v3, v1  }
0xc7: {  	v31 =	vand.u32 $0xFFFF0000, v31;
	v55 =	vperm.xlane v0, v1;
	v33 =	vmul.f32 v37, v35  }
0xc8: {  	v1 =	vimm.s32 $0x7;
	v17 =	vmul.f32 v17, v36;
	v35 =	vmul.f32 v51, v54  }
0xc9: {  	v37 =	vand.u32 $0xFFFF0000, v53;
	v51 =	vperm.xlane v0, v57;
	v53 =	vshll.u32 v41, $0x10  }
0xca: {  	v41 =	vand.u32 $0xFFFF0000, v41;
	v32 =	vmul.f32 v32, v42;
	v34 =	vmul.f32 v34, v43  }
0xcb: {  	v20 =	vld [tilespmem:s22+$0xFFFFFE40];
	v31 =	vmul.f32 v31, v49;
	v21 =	vadd.f32 v28, v21;
	v39 =	vshll.u32 v24, $0x10  }
0xcc: {  	v24 =	vand.u32 $0xFFFF0000, v24;
	v37 =	vmul.f32 v37, v44;
	v30 =	vadd.f32 $0.0e+00, v30  }
0xcd: {  	v18 =	vld [tilespmem:s19+$0xFFFFFFB0];
	v6 =	vadd.f32 $0.0e+00, v6;
	v25 =	vadd.f32 $0.0e+00, v25;
	v45 =	vmul.f32 v45, v48  }
0xce: {  	v27 =	vld [tilespmem:s20+$0xFFFFFFB0];
	v40 =	vmul.f32 v53, v55;
	v5 =	vadd.f32 v33, v5;
	v8 =	vadd.f32 v17, v8  }
0xcf: {  	v54 =	vld [tilespmem:s22+$0x30];
	v33 =	vperm.xlane v0, v56;
	v39 =	vmul.f32 v39, v46;
	v35 =	vadd.f32 $0.0e+00, v35  }
0xd0: {  	v43 =	vld [tilespmem:s22+$0xFFFFFF40];
	v24 =	vmul.f32 v24, v47;
	v53 =	vand.u32 $0xFFFF0000, v20;
	v7 =	vadd.f32 v34, v7  }
0xd1: {  	v38 =	vld [tilespmem:s20+$0xFFFFFFE0];
	v34 =	vperm.xlane v3, v12;
	v23 =	vadd.f32 v32, v23;
	v32 =	vperm.xlane v0, v13  }
0xd2: {  	v42 =	vld [tilespmem:s19+$0xFFFFFFE0];
	v33 =	vmul.f32 v41, v33;
	v41 =	vperm.xlane v4, v12;
	v8 =	vadd.f32 v31, v8  }
0xd3: {  	v44 =	vld [tilespmem:s20+$0x10];
	v31 =	vperm.xlane v3, v14;
	v30 =	vadd.f32 v39, v30;
	v39 =	vperm.xlane v4, v10  }
0xd4: {  	v17 =	vld [tilespmem:s22+$0xFFFFFE30];
	v50 =	vshll.u32 v54, $0x10;
	v36 =	vand.u32 $0xFFFF0000, v54;
	v54 =	vperm.xlane v4, v13  }
0xd5: {  	v47 =	vld [tilespmem:s19+$0x10];
	v55 =	vshll.u32 v43, $0x10;
	v49 =	vmul.f32 v50, v51;
	v36 =	vmul.f32 v36, v52  }
0xd6: {  	v51 =	vshll.u32 v20, $0x10;
	v52 =	vperm.xlane v4, v58;
	v20 =	vmul.f32 v18, v27  }
0xd7: {  	v43 =	vand.u32 $0xFFFF0000, v43;
	v27 =	vperm.xlane v4, v14;
	v18 =	vmul.f32 v42, v38  }
0xd8: {  	v42 =	vperm.xlane v3, v58;
	v29 =	vadd.f32 v33, v29;
	v33 =	vperm.xlane v0, v12  }
0xd9: {  	v28 =	vld [tilespmem:s22+$0xFFFFFE50];
	v26 =	vadd.f32 v37, v26;
	v34 =	vmul.f32 v43, v34;
	v4 =	vperm.xlane v4, v63  }
0xda: {  	v46 =	vshll.u32 v17, $0x10;
	v48 =	vand.u32 $0xFFFF0000, v17;
	v17 =	vmul.f32 v47, v44  }
0xdb: {  	v22 =	vadd.f32 v40, v22;
	v44 =	vmul.f32 v46, v52;
	v46 =	vperm.xlane v3, v13  }
0xdc: {  	v5 =	vadd.f32 v45, v5;
	v41 =	vmul.f32 v48, v41;
	v48 =	vperm.xlane v0, v58  }
0xdd: {  	v6 =	vadd.f32 v24, v6;
	v50 =	vld [tilespmem:s22+$0xFFFFFF50];
	v27 =	vmul.f32 v53, v27;
	v52 =	vperm.xlane v0, v14  }
0xde: {  	v38 =	vld [tilespmem:s22+$0x50];
	v24 =	vmul.f32 v55, v42;
	v25 =	vadd.f32 v36, v25;
	v36 =	vshll.u32 v28, $0x10  }
0xdf: {  	v35 =	vadd.f32 v49, v35;
	v28 =	vand.u32 $0xFFFF0000, v28;
	v36 =	vmul.f32 v36, v39  }
0xe0: {  	v45 =	vld [tilespmem:s22+$0x60];
	v6 =	vadd.f32 v34, v6;
	v39 =	vperm.xlane v18, v9;
	v4 =	vmul.f32 v28, v4  }
0xe1: {  	v28 =	vperm.xlane v17, v11;
	v26 =	vadd.f32 v27, v26;
	v27 =	vperm.xlane v18, v11  }
0xe2: {  	v21 =	vadd.f32 v44, v21;
	v44 =	vperm.xlane v17, v9;
	v23 =	vadd.f32 v41, v23  }
0xe3: {  	v37 =	vshll.u32 v50, $0x10;
	v47 =	vand.u32 $0xFFFF0000, v50;
	v40 =	vshll.u32 v38, $0x10  }
0xe4: {  	v55 =	vld [tilespmem:s22+$0xFFFFFF60];
	v38 =	vand.u32 $0xFFFF0000, v38;
	v50 =	vmul.f32 v51, v54;
	v37 =	vmul.f32 v37, v46  }
0xe5: {  	v43 =	vld [tilespmem:s22+$0xFFFFFF70];
	v54 =	vshll.u32 v45, $0x10;
	v31 =	vmul.f32 v47, v31;
	v40 =	vmul.f32 v40, v48  }
0xe6: {  	v45 =	vand.u32 $0xFFFF0000, v45;
	v33 =	vmul.f32 v38, v33;
	v32 =	vmul.f32 v54, v32  }
0xe7: {  	v24 =	vadd.f32 v24, v30;
	v45 =	vmul.f32 v45, v52;
	v48 =	vperm.xlane v20, v11  }
0xe8: {  	v52 =	vperm.xlane v3, v10;
	v3 =	vperm.xlane v3, v63;
	v21 =	vadd.f32 v36, v21  }
0xe9: {  	v53 =	vld [tilespmem:s22+$0x80];
	v36 =	vperm.xlane v17, v62;
	v4 =	vadd.f32 v4, v23;
	v49 =	vshll.u32 v55, $0x10  }
0xea: {  	v42 =	vand.u32 $0xFFFF0000, v55;
	v7 =	vadd.f32 v50, v7;
	v50 =	vshll.u32 v43, $0x10  }
0xeb: {  	v43 =	vand.u32 $0xFFFF0000, v43;
	v5 =	vadd.f32 v37, v5;
	v37 =	vperm.xlane v0, v10  }
0xec: {  	v8 =	vadd.f32 v31, v8;
	v0 =	vperm.xlane v0, v63;
	v22 =	vadd.f32 v32, v22  }
0xed: {  	v51 =	vld [tilespmem:s22+$0xFFFFFE60];
	v29 =	vadd.f32 v45, v29;
	v30 =	vmul.f32 v49, v52;
	v3 =	vmul.f32 v42, v3  }
0xee: {  	v45 =	vshll.u32 v53, $0x10;
	v27 =	vmul.f32 v50, v27;
	v39 =	vmul.f32 v43, v39  }
0xef: {  	v47 =	vld [tilespmem:s22+$0x70];
	v53 =	vand.u32 $0xFFFF0000, v53;
	v42 =	vperm.xlane v20, v59;
	v49 =	vperm.xlane v20, v62  }
0xf0: {  	v35 =	vadd.f32 v40, v35;
	v50 =	vperm.xlane v18, v59;
	v28 =	vmul.f32 v45, v28  }
0xf1: {  	v25 =	vadd.f32 v33, v25;
	v43 =	vmul.f32 v53, v44;
	v44 =	vperm.xlane v20, v60  }
0xf2: {  	v41 =	vld [tilespmem:s22+$0xFFFFFE80];
	v38 =	vshll.u32 v51, $0x10;
	v46 =	vand.u32 $0xFFFF0000, v51;
	v51 =	vperm.xlane v20, v9  }
0xf3: {  	v32 =	vld [tilespmem:s22+$0xFFFFFE70];
	v5 =	vadd.f32 v27, v5;
	v8 =	vadd.f32 v39, v8;
	v39 =	vperm.xlane v17, v60  }
0xf4: {  	v52 =	vld [tilespmem:s22+$0xFFFFFF80];
	v24 =	vadd.f32 v30, v24;
	v3 =	vadd.f32 v3, v6;
	v31 =	vshll.u32 v47, $0x10  }
0xf5: {  	v47 =	vand.u32 $0xFFFF0000, v47;
	v38 =	vmul.f32 v38, v48;
	v22 =	vadd.f32 v28, v22  }
0xf6: {  	v29 =	vadd.f32 v43, v29;
	v46 =	vmul.f32 v46, v51;
	v31 =	vmul.f32 v31, v37  }
0xf7: {  	v40 =	vld [tilespmem:s22+$0xFFFFFF90];
	v0 =	vmul.f32 v47, v0;
	v37 =	vshll.u32 v41, $0x10;
	v41 =	vand.u32 $0xFFFF0000, v41  }
0xf8: {  	v47 =	vperm.xlane v20, v61;
	v51 =	vperm.xlane v18, v60;
	v33 =	vshll.u32 v32, $0x10  }
0xf9: {  	v45 =	vld [tilespmem:s22+$0x90];
	v32 =	vand.u32 $0xFFFF0000, v32;
	v48 =	vshll.u32 v52, $0x10;
	v34 =	vand.u32 $0xFFFF0000, v52  }
0xfa: {  	v7 =	vadd.f32 v38, v7;
	v38 =	vperm.xlane v18, v61;
	v41 =	vmul.f32 v41, v49  }
0xfb: {  	v49 =	vperm.xlane v20, v56;
	v26 =	vadd.f32 v46, v26;
	v46 =	vperm.xlane v18, v62  }
0xfc: {  	v53 =	vshll.u32 v40, $0x10;
	v33 =	vmul.f32 v33, v42;
	v42 =	vperm.xlane v17, v59  }
0xfd: {  	v30 =	vld [tilespmem:s22+$0xFFFFFFA0];
	v40 =	vand.u32 $0xFFFF0000, v40;
	v32 =	vmul.f32 v32, v44;
	v44 =	vperm.xlane v17, v61  }
0xfe: {  	v28 =	vld [tilespmem:s22+$0xFFFFFE90];
	v27 =	vshll.u32 v45, $0x10;
	v37 =	vmul.f32 v37, v47;
	v6 =	vmul.f32 v48, v50  }
0xff: {  	v23 =	vld [tilespmem:s22+$0xFFFFFEA0];
	v0 =	vadd.f32 v0, v25;
	v25 =	vmul.f32 v34, v51;
	v47 =	vperm.xlane v20, v2  }
0x100: {  	v45 =	vand.u32 $0xFFFF0000, v45;
	v50 =	vperm.xlane v18, v57;
	v51 =	vperm.xlane v18, v1  }
0x101: {  	v31 =	vadd.f32 v31, v35;
	v35 =	vmul.f32 v53, v38;
	v39 =	vmul.f32 v45, v39  }
0x102: {  	v45 =	vperm.xlane v20, v1;
	v48 =	vshll.u32 v30, $0x10;
	v30 =	vand.u32 $0xFFFF0000, v30  }
0x103: {  	v53 =	vperm.xlane v18, v2;
	v34 =	vshll.u32 v28, $0x10;
	v38 =	vmul.f32 v40, v46  }
0x104: {  	v28 =	vand.u32 $0xFFFF0000, v28;
	v27 =	vmul.f32 v27, v42;
	v42 =	vshll.u32 v23, $0x10  }
0x105: {  	v54 =	vld [tilespmem:s22+$0xFFFFFEC0];
	v23 =	vand.u32 $0xFFFF0000, v23;
	v7 =	vadd.f32 v37, v7;
	v37 =	vperm.xlane v18, v56  }
0x106: {  	v52 =	vld [tilespmem:s22+$0xA0];
	v26 =	vadd.f32 v41, v26;
	v21 =	vadd.f32 v33, v21;
	v33 =	vperm.xlane v17, v2  }
0x107: {  	v4 =	vadd.f32 v32, v4;
	v3 =	vadd.f32 v25, v3;
	v25 =	vperm.xlane v17, v56  }
0x108: {  	v6 =	vadd.f32 v6, v24;
	v48 =	vmul.f32 v48, v50;
	v30 =	vmul.f32 v30, v51  }
0x109: {  	v40 =	vld [tilespmem:s22+$0xFFFFFFB0];
	v5 =	vadd.f32 v35, v5;
	v28 =	vmul.f32 v28, v45;
	v42 =	vmul.f32 v42, v47  }
0x10a: {  	v46 =	vld [tilespmem:s22+$0xB0];
	v23 =	vmul.f32 v23, v49;
	v0 =	vadd.f32 v39, v0;
	v49 =	vperm.xlane v20, v58  }
0x10b: {  	v41 =	vld [tilespmem:s22+$0xC0];
	v47 =	vand.u32 $0xFFFF0000, v54;
	v43 =	vshll.u32 v52, $0x10;
	v8 =	vadd.f32 v38, v8  }
0x10c: {  	v32 =	vld [tilespmem:s20+$0xFFFFFFF0];
	v52 =	vand.u32 $0xFFFF0000, v52;
	v27 =	vadd.f32 v27, v31;
	v6 =	vadd.f32 v48, v6  }
0x10d: {  	v24 =	vld [tilespmem:s19+$0xFFFFFFF0];
	v3 =	vadd.f32 v30, v3;
	v43 =	vmul.f32 v43, v44;
	v44 =	vperm.xlane v20, v57  }
0x10e: {  	v36 =	vmul.f32 v52, v36;
	v7 =	vadd.f32 v42, v7;
	v42 =	vperm.xlane v18, v12  }
0x10f: {  	v50 =	vld [tilespmem:s22+$0xFFFFFFC0];
	v23 =	vadd.f32 v23, v26;
	v4 =	vadd.f32 v28, v4;
	v28 =	vperm.xlane v17, v13  }
0x110: {  	v35 =	vld [tilespmem:s20+$0xFFFFFFC0];
	v52 =	vshll.u32 v40, $0x10;
	v40 =	vand.u32 $0xFFFF0000, v40;
	v34 =	vmul.f32 v34, v44  }
0x111: {  	v45 =	vld [tilespmem:s19+$0xFFFFFFC0];
	v44 =	vperm.xlane v17, v57;
	v38 =	vshll.u32 v46, $0x10;
	v22 =	vadd.f32 v43, v22  }
0x112: {  	v43 =	vperm.xlane v17, v1;
	v55 =	vshll.u32 v41, $0x10;
	v24 =	vmul.f32 v24, v32  }
0x113: {  	v41 =	vand.u32 $0xFFFF0000, v41;
	v51 =	vmul.f32 v52, v53;
	v37 =	vmul.f32 v40, v37  }
0x114: {  	v29 =	vadd.f32 v36, v29;
	v33 =	vmul.f32 v55, v33;
	v25 =	vmul.f32 v41, v25  }
0x115: {  	v46 =	vand.u32 $0xFFFF0000, v46;
	v41 =	vperm.xlane v20, v12;
	v52 =	vperm.xlane v20, v13  }
0x116: {  	v31 =	vld [tilespmem:s20+$0x20];
	v53 =	vshll.u32 v50, $0x10;
	v35 =	vmul.f32 v45, v35;
	v50 =	vand.u32 $0xFFFF0000, v50  }
0x117: {  	v36 =	vld [tilespmem:s22+$0xFFFFFEB0];
	v38 =	vmul.f32 v38, v44;
	v43 =	vmul.f32 v46, v43;
	v46 =	vshll.u32 v54, $0x10  }
0x118: {  	v40 =	vld [tilespmem:s19+$0x20];
	v54 =	vperm.xlane v20, v14;
	v21 =	vadd.f32 v34, v21;
	v34 =	vperm.xlane v17, v12  }
0x119: {  	v5 =	vadd.f32 v51, v5;
	v8 =	vadd.f32 v37, v8;
	v37 =	vperm.xlane v18, v14  }
0x11a: {  	v22 =	vadd.f32 v33, v22;
	v25 =	vadd.f32 v25, v29;
	v46 =	vmul.f32 v46, v52  }
0x11b: {  	v55 =	vld [tilespmem:s22+$0xD0];
	v52 =	vperm.xlane v17, v14;
	v45 =	vmul.f32 v47, v54;
	v27 =	vadd.f32 v38, v27  }
0x11c: {  	v38 =	vmul.f32 v50, v42;
	v7 =	vadd.f32 v46, v7;
	v46 =	vperm.xlane v24, v11  }
0x11d: {  	v44 =	vld [tilespmem:s22+$0xFFFFFFD0];
	v39 =	vshll.u32 v36, $0x10;
	v24 =	vperm.xlane v24, v9;
	v31 =	vmul.f32 v40, v31  }
0x11e: {  	v51 =	vld [tilespmem:s22+$0xE0];
	v36 =	vand.u32 $0xFFFF0000, v36;
	v40 =	vperm.xlane v18, v58;
	v39 =	vmul.f32 v39, v49  }
0x11f: {  	v0 =	vadd.f32 v43, v0;
	v49 =	vperm.xlane v18, v13;
	v36 =	vmul.f32 v36, v41  }
0x120: {  	v29 =	vld [tilespmem:s22+$0xFFFFFED0];
	v41 =	vperm.xlane v17, v58;
	v33 =	vshll.u32 v55, $0x10;
	v32 =	vand.u32 $0xFFFF0000, v55  }
0x121: {  	v23 =	vadd.f32 v45, v23;
	v45 =	vperm.xlane v17, v10;
	v17 =	vperm.xlane v17, v63  }
0x122: {  	v3 =	vadd.f32 v38, v3;
	v26 =	vshll.u32 v44, $0x10;
	v44 =	vand.u32 $0xFFFF0000, v44  }
0x123: {  	v47 =	vld [tilespmem:s22+$0xFFFFFEE0];
	v32 =	vmul.f32 v32, v34;
	v54 =	vshll.u32 v51, $0x10;
	v30 =	vmul.f32 v53, v40  }
0x124: {  	v51 =	vand.u32 $0xFFFF0000, v51;
	v26 =	vmul.f32 v26, v49;
	v37 =	vmul.f32 v44, v37  }
0x125: {  	v43 =	vld [tilespmem:s22+$0xFFFFFFF0];
	v42 =	vshll.u32 v29, $0x10;
	v33 =	vmul.f32 v33, v41;
	v41 =	vperm.xlane v20, v10  }
0x126: {  	v29 =	vand.u32 $0xFFFF0000, v29;
	v20 =	vperm.xlane v20, v63;
	v49 =	vperm.xlane v35, v11  }
0x127: {  	v35 =	vperm.xlane v35, v9;
	v21 =	vadd.f32 v39, v21;
	v4 =	vadd.f32 v36, v4  }
0x128: {  	v34 =	vshll.u32 v47, $0x10;
	v28 =	vmul.f32 v54, v28;
	v48 =	vmul.f32 v51, v52  }
0x129: {  	v55 =	vld [tilespmem:s22+$0xFFFFFFE0];
	v47 =	vand.u32 $0xFFFF0000, v47;
	v52 =	vperm.xlane v18, v10;
	v18 =	vperm.xlane v18, v63  }
0x12a: {  	v53 =	vshll.u32 v43, $0x10;
	v43 =	vand.u32 $0xFFFF0000, v43;
	v0 =	vadd.f32 v32, v0  }
0x12b: {  	v41 =	vmul.f32 v42, v41;
	v5 =	vadd.f32 v26, v5;
	v26 =	vperm.xlane v31, v11  }
0x12c: {  	v51 =	vld [tilespmem:s22+$0x100];
	v8 =	vadd.f32 v37, v8;
	v31 =	vperm.xlane v31, v9;
	v20 =	vmul.f32 v29, v20  }
0x12d: {  	v29 =	vmul.f32 v47, v35;
	v6 =	vadd.f32 v30, v6;
	v27 =	vadd.f32 v33, v27  }
0x12e: {  	v24 =	vmul.f32 v43, v24;
	v50 =	vshll.u32 v55, $0x10;
	v40 =	vand.u32 $0xFFFF0000, v55  }
0x12f: {  	v44 =	vld [tilespmem:s22+$0xF0];
	v22 =	vadd.f32 v28, v22;
	v25 =	vadd.f32 v48, v25;
	v28 =	vmul.f32 v34, v49  }
0x130: {  	s19 =	simm.s32 $0x2B20;
	v30 =	vmul.f32 v50, v52;
	v52 =	vmul.f32 v53, v46;
	v23 =	vadd.f32 v29, v23  }
0x131: {  	s20 =	simm.s32 $0x4320;
	v29 =	vld [tilespmem:s19+$0x50];
	v7 =	vadd.f32 v28, v7;
	v55 =	vshll.u32 v51, $0x10;
	v51 =	vand.u32 $0xFFFF0000, v51  }
0x132: {  	v8 =	vadd.f32 v24, v8;
	v26 =	vmul.f32 v55, v26;
	v24 =	vmul.f32 v51, v31;
	v31 =	vld [tilespmem:s20+$0x50]  }
0x133: {  	v18 =	vmul.f32 v40, v18;
	v21 =	vadd.f32 v41, v21;
	v7 =	vadd.f32 v23, v7;
	v23 =	vld [tilespmem:s20+$0x30]  }
0x134: {  	v4 =	vadd.f32 v20, v4;
	v54 =	vshll.u32 v44, $0x10;
	v20 =	vadd.f32 v26, v22;
	v22 =	vld [tilespmem:s19+$0x40]  }
0x135: {  	v44 =	vand.u32 $0xFFFF0000, v44;
	v5 =	vadd.f32 v52, v5;
	v24 =	vadd.f32 v24, v25;
	v25 =	vld [tilespmem:s20+$0x40]  }
0x136: {  	v53 =	vmul.f32 v54, v45;
	v17 =	vmul.f32 v44, v17;
	v6 =	vadd.f32 v30, v6;
	v26 =	vld [tilespmem:s19+$0x30]  }
0x137: {  	s25 =	simm.s32 $0x6060;
	v3 =	vadd.f32 v18, v3;
	v4 =	vadd.f32 v4, v21  }
0x138: {  	v18 =	vadd.f32 v53, v27;
	v0 =	vadd.f32 v17, v0;
	v27 =	vld [tilespmem:s25+$0x210]  }
0x139: {  	v5 =	vadd.f32 v8, v5;
	v3 =	vadd.f32 v3, v6  }
0x13a: {  	v21 =	vadd.f32 v7, v4;
	v16 =	vadd.f32 v0, v18;
	v4 =	vmul.f32 v31, v29  }
0x13b: {  	v33 =	vld [tilespmem:s25+$0x1D0];
	v15 =	vadd.f32 v24, v20;
	v22 =	vmul.f32 v25, v22;
	v23 =	vmul.f32 v23, v26  }
0x13c: {  	v36 =	vld [tilespmem:s25+$0x1A0];
	v20 =	vadd.f32 v5, v3;
	v3 =	vperm.xlane v4, v11;
	v4 =	vperm.xlane v4, v9  }
0x13d: {  	v42 =	vld [tilespmem:s25+$0x180];
	v0 =	vshll.u32 v27, $0x10;
	v26 =	vperm.xlane v22, v10;
	v29 =	vperm.xlane v22, v63  }
0x13e: {  	v28 =	vld [tilespmem:s25+$0x200];
	v5 =	vand.u32 $0xFFFF0000, v27;
	v32 =	vperm.xlane v22, v58;
	v27 =	vperm.xlane v22, v12  }
0x13f: {  	v6 =	vperm.xlane v22, v13;
	v34 =	vperm.xlane v22, v57  }
0x140: {  	v30 =	vld [tilespmem:s25+$0x1C0];
	v47 =	vshll.u32 v33, $0x10;
	v7 =	vperm.xlane v22, v14;
	v37 =	vperm.xlane v22, v1  }
0x141: {  	v51 =	vshll.u32 v36, $0x10;
	v38 =	vperm.xlane v22, v2;
	v39 =	vperm.xlane v22, v59  }
0x142: {  	v54 =	vshll.u32 v42, $0x10;
	v8 =	vld [tilespmem:s25+$0x1E0];
	v40 =	vperm.xlane v22, v56;
	v43 =	vperm.xlane v22, v60  }
0x143: {  	v24 =	vshll.u32 v28, $0x10;
	v44 =	vperm.xlane v23, v10;
	v45 =	vperm.xlane v23, v63  }
0x144: {  	v28 =	vand.u32 $0xFFFF0000, v28;
	v46 =	vperm.xlane v23, v58;
	v49 =	vperm.xlane v23, v12  }
0x145: {  	v48 =	vld [tilespmem:s25+$0x160];
	v41 =	vshll.u32 v30, $0x10;
	v50 =	vperm.xlane v23, v57;
	v52 =	vperm.xlane v23, v1  }
0x146: {  	v30 =	vand.u32 $0xFFFF0000, v30;
	v53 =	vperm.xlane v23, v59;
	v0 =	vmul.f32 v0, v3  }
0x147: {  	v31 =	vshll.u32 v8, $0x10;
	v5 =	vmul.f32 v5, v4;
	v24 =	vmul.f32 v24, v26  }
0x148: {  	v8 =	vand.u32 $0xFFFF0000, v8;
	v25 =	vld [tilespmem:s25+$0x1F0];
	v31 =	vmul.f32 v31, v32;
	v28 =	vmul.f32 v28, v29  }
0x149: {  	v26 =	vand.u32 $0xFFFF0000, v36;
	v29 =	vperm.xlane v23, v60;
	v34 =	vmul.f32 v41, v34  }
0x14a: {  	v36 =	vld [tilespmem:s25+$0x140];
	v8 =	vmul.f32 v8, v27;
	v27 =	vshll.u32 v48, $0x10;
	v39 =	vmul.f32 v51, v39  }
0x14b: {  	v41 =	vld [tilespmem:s25+$0x120];
	v30 =	vmul.f32 v30, v37;
	v37 =	vand.u32 $0xFFFF0000, v48;
	v48 =	vperm.xlane v23, v61  }
0x14c: {  	v42 =	vand.u32 $0xFFFF0000, v42;
	v32 =	vmul.f32 v54, v44;
	v44 =	vperm.xlane v23, v11  }
0x14d: {  	v51 =	vld [tilespmem:s25+$0x110];
	v42 =	vmul.f32 v42, v45;
	v35 =	vshll.u32 v25, $0x10;
	v26 =	vmul.f32 v26, v43  }
0x14e: {  	v25 =	vand.u32 $0xFFFF0000, v25;
	v27 =	vmul.f32 v27, v46;
	v37 =	vmul.f32 v37, v49  }
0x14f: {  	v33 =	vand.u32 $0xFFFF0000, v33;
	v49 =	vld [tilespmem:s25+$0x150];
	v6 =	vmul.f32 v35, v6;
	v7 =	vmul.f32 v25, v7  }
0x150: {  	v55 =	vshll.u32 v36, $0x10;
	v36 =	vand.u32 $0xFFFF0000, v36;
	v54 =	vshll.u32 v41, $0x10  }
0x151: {  	v46 =	vld [tilespmem:s25+$0x130];
	v41 =	vand.u32 $0xFFFF0000, v41;
	v43 =	vmul.f32 v55, v50;
	v45 =	vmul.f32 v54, v53  }
0x152: {  	v50 =	vshll.u32 v51, $0x10;
	v36 =	vmul.f32 v36, v52;
	v53 =	vperm.xlane v23, v9  }
0x153: {  	v51 =	vand.u32 $0xFFFF0000, v51;
	v29 =	vmul.f32 v41, v29;
	v41 =	vperm.xlane v23, v2  }
0x154: {  	v55 =	vshll.u32 v49, $0x10;
	v54 =	vperm.xlane v23, v56;
	v44 =	vmul.f32 v50, v44  }
0x155: {  	v49 =	vand.u32 $0xFFFF0000, v49;
	v50 =	vperm.xlane v23, v62;
	v51 =	vmul.f32 v51, v53  }
0x156: {  	v53 =	vshll.u32 v46, $0x10;
	v46 =	vand.u32 $0xFFFF0000, v46;
	v41 =	vmul.f32 v55, v41  }
0x157: {  	v45 =	vadd.f32 $0.0e+00, v45;
	v29 =	vadd.f32 $0.0e+00, v29;
	v48 =	vmul.f32 v53, v48  }
0x158: {  	v53 =	vld [tilespmem:s25+$0x170];
	v46 =	vmul.f32 v46, v50;
	v44 =	vadd.f32 $0.0e+00, v44;
	v51 =	vadd.f32 $0.0e+00, v51  }
0x159: {  	v43 =	vadd.f32 v43, v45;
	v45 =	vperm.xlane v22, v61;
	v29 =	vadd.f32 v36, v29  }
0x15a: {  	v44 =	vadd.f32 v48, v44;
	v48 =	vmul.f32 v49, v54;
	v46 =	vadd.f32 v46, v51;
	v51 =	vld [tilespmem:s25+$0x190]  }
0x15b: {  	v49 =	vperm.xlane v23, v13;
	v23 =	vperm.xlane v23, v14;
	v27 =	vadd.f32 v27, v43  }
0x15c: {  	v29 =	vadd.f32 v37, v29;
	v41 =	vadd.f32 v41, v44;
	v44 =	vperm.xlane v22, v11  }
0x15d: {  	v52 =	vld [tilespmem:s25+$0x1B0];
	v36 =	vshll.u32 v53, $0x10;
	v53 =	vand.u32 $0xFFFF0000, v53;
	v46 =	vadd.f32 v48, v46  }
0x15e: {  	v54 =	vld [tilespmem:s20+$0xFFFFFFA0];
	v29 =	vadd.f32 v42, v29;
	v36 =	vmul.f32 v36, v49;
	v49 =	vperm.xlane v22, v62  }
0x15f: {  	v48 =	vld [tilespmem:s20+$0xFFFFFFD0];
	v22 =	vperm.xlane v22, v9;
	v23 =	vmul.f32 v53, v23;
	v55 =	vshll.u32 v51, $0x10  }
0x160: {  	v27 =	vadd.f32 v32, v27;
	v51 =	vand.u32 $0xFFFF0000, v51;
	v53 =	vmul.f32 v55, v44;
	v55 =	vld [tilespmem:s19+$0xFFFFFFD0]  }
0x161: {  	v26 =	vadd.f32 v26, v29;
	v23 =	vadd.f32 v23, v46;
	v22 =	vmul.f32 v51, v22;
	v51 =	vld [tilespmem:s19+$0xFFFFFFA0]  }
0x162: {  	v50 =	vshll.u32 v52, $0x10;
	v52 =	vand.u32 $0xFFFF0000, v52;
	v27 =	vadd.f32 v39, v27  }
0x163: {  	v26 =	vadd.f32 v30, v26;
	v22 =	vadd.f32 v22, v23;
	v23 =	vmul.f32 v52, v49  }
0x164: {  	v29 =	vmul.f32 v47, v38;
	v36 =	vadd.f32 v36, v41;
	v27 =	vadd.f32 v34, v27  }
0x165: {  	v8 =	vadd.f32 v8, v26;
	v22 =	vadd.f32 v23, v22;
	v23 =	vmul.f32 v33, v40  }
0x166: {  	v36 =	vadd.f32 v53, v36;
	v4 =	vmul.f32 v54, v51;
	v3 =	vmul.f32 v48, v55  }
0x167: {  	v46 =	vmul.f32 v50, v45;
	v8 =	vadd.f32 v28, v8;
	v22 =	vadd.f32 v23, v22  }
0x168: {  	v50 =	vld [tilespmem:s19+$0x0];
	v23 =	vadd.f32 v31, v27;
	v27 =	vperm.xlane v4, v9;
	v28 =	vperm.xlane v3, v11  }
0x169: {  	v30 =	vld [tilespmem:s25+$0xFFFFFDE0];
	v32 =	vadd.f32 v46, v36;
	v35 =	vperm.xlane v4, v61;
	v36 =	vperm.xlane v4, v62  }
0x16a: {  	v52 =	vld [tilespmem:s20+$0x0];
	v38 =	vperm.xlane v3, v59;
	v39 =	vperm.xlane v3, v60  }
0x16b: {  	v54 =	vld [tilespmem:s25+$0xFFFFFF00];
	v29 =	vadd.f32 v29, v32;
	v40 =	vperm.xlane v3, v61;
	v41 =	vperm.xlane v3, v62  }
0x16c: {  	v17 =	vimm.s32 $0x7;
	v55 =	vld [tilespmem:s25+$0x20];
	v47 =	vperm.xlane v4, v2;
	v48 =	vperm.xlane v4, v56  }
0x16d: {  	v26 =	vld [tilespmem:s25+$0xFFFFFDF0];
	v49 =	vperm.xlane v3, v57;
	v6 =	vadd.f32 v6, v29;
	v7 =	vadd.f32 v7, v22  }
0x16e: {  	v51 =	vperm.xlane v3, v1;
	v22 =	vadd.f32 v24, v23;
	v24 =	vperm.xlane v4, v11  }
0x16f: {  	v29 =	vperm.xlane v3, v9;
	v6 =	vadd.f32 v0, v6;
	v5 =	vadd.f32 v5, v7  }
0x170: {  	v7 =	vshll.u32 v30, $0x10;
	v0 =	vmul.f32 v52, v50;
	v37 =	vshll.u32 v54, $0x10  }
0x171: {  	v33 =	vand.u32 $0xFFFF0000, v54;
	v54 =	vshll.u32 v55, $0x10;
	v34 =	vand.u32 $0xFFFF0000, v55  }
0x172: {  	v25 =	vld [tilespmem:s25+$0xFFFFFEF0];
	v7 =	vmul.f32 v7, v24;
	v24 =	vshll.u32 v26, $0x10;
	v26 =	vand.u32 $0xFFFF0000, v26  }
0x173: {  	v33 =	vmul.f32 v33, v39;
	v5 =	vadd.f32 v5, v6;
	v31 =	vperm.xlane v0, v11  }
0x174: {  	v23 =	vld [tilespmem:s25+$0x0];
	v6 =	vadd.f32 v8, v22;
	v53 =	vperm.xlane v0, v9;
	v43 =	vperm.xlane v0, v59  }
0x175: {  	v8 =	vand.u32 $0xFFFF0000, v30;
	v44 =	vperm.xlane v0, v60;
	v45 =	vperm.xlane v0, v61  }
0x176: {  	v46 =	vperm.xlane v0, v62;
	v8 =	vmul.f32 v8, v27;
	v7 =	vadd.f32 $0.0e+00, v7  }
0x177: {  	v30 =	vld [tilespmem:s25+$0xFFFFFE00];
	v33 =	vadd.f32 $0.0e+00, v33;
	v22 =	vadd.f32 v5, v6;
	v5 =	vshll.u32 v25, $0x10  }
0x178: {  	v6 =	vand.u32 $0xFFFF0000, v25;
	v34 =	vmul.f32 v34, v46;
	v46 =	vperm.xlane v4, v1  }
0x179: {  	v27 =	vld [tilespmem:s25+$0xFFFFFF10];
	v25 =	vshll.u32 v23, $0x10;
	v5 =	vmul.f32 v5, v28;
	v6 =	vmul.f32 v6, v29  }
0x17a: {  	v23 =	vand.u32 $0xFFFF0000, v23;
	v25 =	vmul.f32 v25, v31;
	v29 =	vperm.xlane v4, v59  }
0x17b: {  	v52 =	vld [tilespmem:s25+$0xFFFFFE10];
	v23 =	vmul.f32 v23, v53;
	v31 =	vperm.xlane v4, v60;
	v8 =	vadd.f32 $0.0e+00, v8  }
0x17c: {  	v32 =	vshll.u32 v30, $0x10;
	v30 =	vand.u32 $0xFFFF0000, v30;
	v24 =	vmul.f32 v24, v29  }
0x17d: {  	v55 =	vld [tilespmem:s25+$0xFFFFFE20];
	v5 =	vadd.f32 $0.0e+00, v5;
	v6 =	vadd.f32 $0.0e+00, v6;
	v26 =	vmul.f32 v26, v31  }
0x17e: {  	v25 =	vadd.f32 $0.0e+00, v25;
	v42 =	vshll.u32 v27, $0x10;
	v29 =	vmul.f32 v32, v35  }
0x17f: {  	v28 =	vld [tilespmem:s25+$0x10];
	v27 =	vand.u32 $0xFFFF0000, v27;
	v30 =	vmul.f32 v30, v36;
	v32 =	vmul.f32 v37, v38  }
0x180: {  	v35 =	vshll.u32 v52, $0x10;
	v38 =	vand.u32 $0xFFFF0000, v52;
	v52 =	vperm.xlane v3, v2  }
0x181: {  	v23 =	vadd.f32 $0.0e+00, v23;
	v36 =	vmul.f32 v42, v40;
	v27 =	vmul.f32 v27, v41  }
0x182: {  	v40 =	vshll.u32 v55, $0x10;
	v41 =	vmul.f32 v54, v45;
	v42 =	vand.u32 $0xFFFF0000, v55  }
0x183: {  	v38 =	vmul.f32 v38, v46;
	v34 =	vadd.f32 v34, v23;
	v23 =	vperm.xlane v0, v56  }
0x184: {  	v54 =	vadd.f32 $0.0e+00, v24;
	v26 =	vadd.f32 $0.0e+00, v26;
	v53 =	vshll.u32 v28, $0x10  }
0x185: {  	v28 =	vand.u32 $0xFFFF0000, v28;
	v7 =	vadd.f32 v29, v7;
	v29 =	vperm.xlane v3, v56  }
0x186: {  	v31 =	vld [tilespmem:s25+$0xFFFFFF20];
	v8 =	vadd.f32 v30, v8;
	v40 =	vmul.f32 v40, v47;
	v42 =	vmul.f32 v42, v48  }
0x187: {  	v32 =	vadd.f32 $0.0e+00, v32;
	v39 =	vmul.f32 v53, v43;
	v28 =	vmul.f32 v28, v44  }
0x188: {  	v37 =	vld [tilespmem:s25+$0xFFFFFF30];
	v43 =	vperm.xlane v4, v57;
	v5 =	vadd.f32 v36, v5;
	v36 =	vperm.xlane v0, v57  }
0x189: {  	v6 =	vadd.f32 v27, v6;
	v27 =	vperm.xlane v0, v1;
	v41 =	vadd.f32 v41, v25  }
0x18a: {  	v47 =	vld [tilespmem:s19+$0xFFFFFFE0];
	v25 =	vperm.xlane v0, v2;
	v1 =	vimm.s32 $0x8;
	v2 =	vimm.s32 $0x9  }
0x18b: {  	v48 =	vld [tilespmem:s20+$0xFFFFFFE0];
	v26 =	vadd.f32 v38, v26;
	v38 =	vperm.xlane v0, v58;
	v45 =	vshll.u32 v31, $0x10  }
0x18c: {  	v31 =	vand.u32 $0xFFFF0000, v31;
	v7 =	vadd.f32 v40, v7;
	v40 =	vperm.xlane v4, v13  }
0x18d: {  	v44 =	vld [tilespmem:s25+$0x30];
	v8 =	vadd.f32 v42, v8;
	v50 =	vshll.u32 v37, $0x10;
	v35 =	vmul.f32 v35, v43  }
0x18e: {  	v53 =	vld [tilespmem:s25+$0x40];
	v37 =	vand.u32 $0xFFFF0000, v37;
	v45 =	vmul.f32 v45, v49;
	v31 =	vmul.f32 v31, v51  }
0x18f: {  	v30 =	vld [tilespmem:s19+$0xFFFFFFB0];
	v39 =	vadd.f32 $0.0e+00, v39;
	v50 =	vmul.f32 v50, v52;
	v29 =	vmul.f32 v37, v29  }
0x190: {  	v43 =	vld [tilespmem:s20+$0xFFFFFFB0];
	v28 =	vadd.f32 $0.0e+00, v28;
	v24 =	vmul.f32 v48, v47;
	v48 =	vperm.xlane v4, v58  }
0x191: {  	v52 =	vld [tilespmem:s25+$0xFFFFFE30];
	v47 =	vperm.xlane v4, v14;
	v35 =	vadd.f32 v35, v54;
	v32 =	vadd.f32 v45, v32  }
0x192: {  	v37 =	vld [tilespmem:s25+$0xFFFFFE40];
	v31 =	vadd.f32 v31, v33;
	v54 =	vimm.s32 $0x8;
	v46 =	vshll.u32 v44, $0x10  }
0x193: {  	v44 =	vand.u32 $0xFFFF0000, v44;
	v51 =	vshll.u32 v53, $0x10;
	v53 =	vand.u32 $0xFFFF0000, v53  }
0x194: {  	v6 =	vadd.f32 v29, v6;
	v29 =	vperm.xlane v3, v58;
	v36 =	vmul.f32 v46, v36  }
0x195: {  	v49 =	vld [tilespmem:s19+$0x10];
	v5 =	vadd.f32 v50, v5;
	v27 =	vmul.f32 v44, v27;
	v51 =	vmul.f32 v51, v25  }
0x196: {  	v46 =	vld [tilespmem:s20+$0x10];
	v53 =	vmul.f32 v53, v23;
	v25 =	vmul.f32 v43, v30;
	v55 =	vshll.u32 v52, $0x10  }
0x197: {  	v44 =	vld [tilespmem:s25+$0xFFFFFF40];
	v56 =	vshll.u32 v37, $0x10;
	v37 =	vand.u32 $0xFFFF0000, v37;
	v41 =	vadd.f32 v51, v41  }
0x198: {  	v51 =	vperm.xlane v3, v13;
	v36 =	vadd.f32 v36, v39;
	v39 =	vperm.xlane v0, v13  }
0x199: {  	v30 =	vld [tilespmem:s25+$0xFFFFFF50];
	v27 =	vadd.f32 v27, v28;
	v28 =	vperm.xlane v0, v14;
	v43 =	vmul.f32 v55, v48  }
0x19a: {  	v52 =	vand.u32 $0xFFFF0000, v52;
	v40 =	vmul.f32 v56, v40;
	v37 =	vmul.f32 v37, v47  }
0x19b: {  	v34 =	vadd.f32 v53, v34;
	v48 =	vld [tilespmem:s25+$0x50];
	v23 =	vmul.f32 v46, v49;
	v46 =	vperm.xlane v4, v12  }
0x19c: {  	v56 =	vld [tilespmem:s25+$0x60];
	v42 =	vshll.u32 v44, $0x10;
	v44 =	vand.u32 $0xFFFF0000, v44;
	v7 =	vadd.f32 v40, v7  }
0x19d: {  	v47 =	vld [tilespmem:s25+$0xFFFFFE50];
	v49 =	vperm.xlane v3, v12;
	v8 =	vadd.f32 v37, v8;
	v35 =	vadd.f32 v43, v35  }
0x19e: {  	v50 =	vshll.u32 v30, $0x10;
	v29 =	vmul.f32 v42, v29;
	v42 =	vperm.xlane v0, v12  }
0x19f: {  	v33 =	vld [tilespmem:s25+$0xFFFFFE60];
	v30 =	vand.u32 $0xFFFF0000, v30;
	v46 =	vmul.f32 v52, v46;
	v52 =	vperm.xlane v3, v14  }
0x1a0: {  	v44 =	vmul.f32 v44, v49;
	v49 =	vmul.f32 v50, v51;
	v45 =	vshll.u32 v48, $0x10  }
0x1a1: {  	v48 =	vand.u32 $0xFFFF0000, v48;
	v58 =	vshll.u32 v56, $0x10;
	v53 =	vand.u32 $0xFFFF0000, v56  }
0x1a2: {  	v56 =	vshll.u32 v47, $0x10;
	v47 =	vand.u32 $0xFFFF0000, v47;
	v30 =	vmul.f32 v30, v52  }
0x1a3: {  	v29 =	vadd.f32 v29, v32;
	v38 =	vmul.f32 v45, v38;
	v42 =	vmul.f32 v48, v42  }
0x1a4: {  	v45 =	vshll.u32 v33, $0x10;
	v39 =	vmul.f32 v58, v39;
	v58 =	vperm.xlane v4, v10  }
0x1a5: {  	v33 =	vand.u32 $0xFFFF0000, v33;
	v28 =	vmul.f32 v53, v28;
	v4 =	vperm.xlane v4, v63  }
0x1a6: {  	v53 =	vperm.xlane v25, v11;
	v26 =	vadd.f32 v46, v26;
	v46 =	vperm.xlane v0, v10  }
0x1a7: {  	v43 =	vld [tilespmem:s25+$0xFFFFFE70];
	v5 =	vadd.f32 v49, v5;
	v0 =	vperm.xlane v0, v63;
	v49 =	vperm.xlane v25, v60  }
0x1a8: {  	v50 =	vld [tilespmem:s25+$0xFFFFFF60];
	v31 =	vadd.f32 v44, v31;
	v37 =	vmul.f32 v56, v58;
	v56 =	vperm.xlane v25, v9  }
0x1a9: {  	v58 =	vperm.xlane v3, v10;
	v3 =	vperm.xlane v3, v63;
	v6 =	vadd.f32 v30, v6  }
0x1aa: {  	v51 =	vld [tilespmem:s25+$0x70];
	v4 =	vmul.f32 v47, v4;
	v39 =	vadd.f32 v39, v41;
	v47 =	vperm.xlane v24, v11  }
0x1ab: {  	v28 =	vadd.f32 v28, v34;
	v34 =	vperm.xlane v24, v9;
	v45 =	vmul.f32 v45, v53  }
0x1ac: {  	v63 =	vperm.xlane v23, v11;
	v36 =	vadd.f32 v38, v36;
	v27 =	vadd.f32 v42, v27  }
0x1ad: {  	v42 =	vshll.u32 v43, $0x10;
	v43 =	vand.u32 $0xFFFF0000, v43;
	v40 =	vshll.u32 v50, $0x10  }
0x1ae: {  	v48 =	vld [tilespmem:s25+$0xFFFFFF70];
	v50 =	vand.u32 $0xFFFF0000, v50;
	v43 =	vmul.f32 v43, v49;
	v33 =	vmul.f32 v33, v56  }
0x1af: {  	v32 =	vld [tilespmem:s25+$0xFFFFFE80];
	v53 =	vshll.u32 v51, $0x10;
	v40 =	vmul.f32 v40, v58;
	v58 =	vperm.xlane v23, v9  }
0x1b0: {  	v51 =	vand.u32 $0xFFFF0000, v51;
	v3 =	vmul.f32 v50, v3;
	v46 =	vmul.f32 v53, v46  }
0x1b1: {  	v0 =	vmul.f32 v51, v0;
	v50 =	vperm.xlane v25, v59;
	v7 =	vadd.f32 v45, v7  }
0x1b2: {  	v41 =	vld [tilespmem:s25+$0x80];
	v51 =	vperm.xlane v25, v61;
	v35 =	vadd.f32 v37, v35;
	v4 =	vadd.f32 v4, v26  }
0x1b3: {  	v53 =	vperm.xlane v25, v2;
	v30 =	vshll.u32 v48, $0x10;
	v48 =	vand.u32 $0xFFFF0000, v48  }
0x1b4: {  	v30 =	vmul.f32 v30, v47;
	v34 =	vmul.f32 v48, v34;
	v48 =	vshll.u32 v32, $0x10  }
0x1b5: {  	v32 =	vand.u32 $0xFFFF0000, v32;
	v8 =	vadd.f32 v33, v8;
	v42 =	vmul.f32 v42, v50  }
0x1b6: {  	v50 =	vperm.xlane v24, v60;
	v29 =	vadd.f32 v40, v29;
	v3 =	vadd.f32 v3, v31  }
0x1b7: {  	v49 =	vld [tilespmem:s25+$0xA0];
	v36 =	vadd.f32 v46, v36;
	v0 =	vadd.f32 v0, v27;
	v55 =	vshll.u32 v41, $0x10  }
0x1b8: {  	v56 =	vld [tilespmem:s25+$0xFFFFFF80];
	v41 =	vand.u32 $0xFFFF0000, v41;
	v48 =	vmul.f32 v48, v51;
	v51 =	vperm.xlane v23, v60  }
0x1b9: {  	v4 =	vadd.f32 v43, v4;
	v44 =	vmul.f32 v55, v63;
	v41 =	vmul.f32 v41, v58  }
0x1ba: {  	v60 =	vimm.s32 $0x4;
	v63 =	vperm.xlane v25, v62;
	v58 =	vperm.xlane v24, v59  }
0x1bb: {  	v37 =	vld [tilespmem:s25+$0xFFFFFE90];
	v5 =	vadd.f32 v30, v5;
	v6 =	vadd.f32 v34, v6;
	v34 =	vperm.xlane v24, v61  }
0x1bc: {  	v61 =	vperm.xlane v23, v61;
	v31 =	vshll.u32 v49, $0x10;
	v49 =	vand.u32 $0xFFFF0000, v49  }
0x1bd: {  	v35 =	vadd.f32 v42, v35;
	v52 =	vshll.u32 v56, $0x10;
	v39 =	vadd.f32 v44, v39  }
0x1be: {  	v47 =	vld [tilespmem:s25+$0xFFFFFF90];
	v44 =	vperm.xlane v24, v62;
	v28 =	vadd.f32 v41, v28;
	v41 =	vperm.xlane v23, v59  }
0x1bf: {  	v46 =	vld [tilespmem:s25+$0xFFFFFFA0];
	v38 =	vand.u32 $0xFFFF0000, v56;
	v32 =	vmul.f32 v32, v63;
	v33 =	vmul.f32 v52, v58  }
0x1c0: {  	v27 =	vshll.u32 v37, $0x10;
	v63 =	vperm.xlane v23, v62;
	v38 =	vmul.f32 v38, v50  }
0x1c1: {  	v7 =	vadd.f32 v48, v7;
	v31 =	vmul.f32 v31, v61;
	v58 =	vperm.xlane v25, v57  }
0x1c2: {  	v59 =	vimm.s32 $0x5;
	v61 =	vperm.xlane v25, v17;
	v62 =	vperm.xlane v25, v1  }
0x1c3: {  	v50 =	vperm.xlane v24, v1;
	v30 =	vshll.u32 v47, $0x10;
	v47 =	vand.u32 $0xFFFF0000, v47  }
0x1c4: {  	v56 =	vld [tilespmem:s25+$0x90];
	v52 =	vshll.u32 v46, $0x10;
	v46 =	vand.u32 $0xFFFF0000, v46;
	v30 =	vmul.f32 v30, v34  }
0x1c5: {  	v34 =	vand.u32 $0xFFFF0000, v37;
	v37 =	vmul.f32 v47, v44;
	v49 =	vmul.f32 v49, v63  }
0x1c6: {  	v63 =	vperm.xlane v24, v57;
	v8 =	vadd.f32 v32, v8;
	v27 =	vmul.f32 v27, v58  }
0x1c7: {  	v55 =	vld [tilespmem:s25+$0xFFFFFEC0];
	v47 =	vperm.xlane v24, v17;
	v31 =	vadd.f32 v31, v39;
	v58 =	vimm.s32 $0x6  }
0x1c8: {  	v40 =	vld [tilespmem:s25+$0xFFFFFEA0];
	v29 =	vadd.f32 v33, v29;
	v33 =	vperm.xlane v23, v17;
	v3 =	vadd.f32 v38, v3  }
0x1c9: {  	v34 =	vmul.f32 v34, v61;
	v61 =	vperm.xlane v24, v2;
	v26 =	vshll.u32 v56, $0x10  }
0x1ca: {  	v45 =	vand.u32 $0xFFFF0000, v56;
	v5 =	vadd.f32 v30, v5;
	v6 =	vadd.f32 v37, v6  }
0x1cb: {  	v28 =	vadd.f32 v49, v28;
	v48 =	vmul.f32 v52, v63;
	v46 =	vmul.f32 v46, v47  }
0x1cc: {  	v32 =	vld [tilespmem:s25+$0xB0];
	v52 =	vshll.u32 v55, $0x10;
	v27 =	vadd.f32 v27, v35;
	v26 =	vmul.f32 v26, v41  }
0x1cd: {  	v41 =	vshll.u32 v40, $0x10;
	v44 =	vmul.f32 v45, v51;
	v40 =	vand.u32 $0xFFFF0000, v40  }
0x1ce: {  	v39 =	vld [tilespmem:s19+$0xFFFFFFC0];
	v34 =	vadd.f32 v34, v4;
	v4 =	vperm.xlane v24, v12;
	v41 =	vmul.f32 v41, v62  }
0x1cf: {  	v56 =	vld [tilespmem:s25+$0xFFFFFFB0];
	v62 =	vperm.xlane v23, v57;
	v40 =	vmul.f32 v40, v53;
	v57 =	vimm.s32 $0x7  }
0x1d0: {  	v49 =	vld [tilespmem:s20+$0xFFFFFFC0];
	v29 =	vadd.f32 v48, v29;
	v46 =	vadd.f32 v46, v3;
	v3 =	vperm.xlane v24, v14  }
0x1d1: {  	v30 =	vld [tilespmem:s25+$0xC0];
	v63 =	vshll.u32 v32, $0x10;
	v32 =	vand.u32 $0xFFFF0000, v32;
	v26 =	vadd.f32 v26, v36  }
0x1d2: {  	v51 =	vld [tilespmem:s19+$0xFFFFFFF0];
	v0 =	vadd.f32 v44, v0;
	v36 =	vand.u32 $0xFFFF0000, v55;
	v43 =	vmul.f32 v63, v62  }
0x1d3: {  	v53 =	vld [tilespmem:s20+$0xFFFFFFF0];
	v62 =	vimm.s32 $0x9;
	v32 =	vmul.f32 v32, v33;
	v7 =	vadd.f32 v41, v7  }
0x1d4: {  	v37 =	vshll.u32 v56, $0x10;
	v45 =	vand.u32 $0xFFFF0000, v56;
	v56 =	vperm.xlane v23, v1  }
0x1d5: {  	v8 =	vadd.f32 v40, v8;
	v38 =	vmul.f32 v49, v39;
	v49 =	vperm.xlane v24, v10  }
0x1d6: {  	v44 =	vld [tilespmem:s25+$0xFFFFFFC0];
	v63 =	vshll.u32 v30, $0x10;
	v37 =	vmul.f32 v37, v50;
	v42 =	vmul.f32 v45, v61  }
0x1d7: {  	v47 =	vld [tilespmem:s19+$0x20];
	v61 =	vperm.xlane v23, v2;
	v32 =	vadd.f32 v32, v0;
	v0 =	vperm.xlane v23, v12  }
0x1d8: {  	v1 =	vimm.s32 $0xA;
	v50 =	vld [tilespmem:s20+$0x20];
	v33 =	vmul.f32 v63, v56;
	v39 =	vmul.f32 v53, v51  }
0x1d9: {  	v30 =	vand.u32 $0xFFFF0000, v30;
	v45 =	vld [tilespmem:s25+$0xFFFFFEB0];
	v56 =	vperm.xlane v25, v1;
	v63 =	vperm.xlane v25, v12  }
0x1da: {  	v51 =	vimm.s32 $0xF;
	v53 =	vperm.xlane v25, v13;
	v30 =	vmul.f32 v30, v61  }
0x1db: {  	s21 =	simm.s32 $0xE240;
	v5 =	vadd.f32 v37, v5;
	v6 =	vadd.f32 v42, v6;
	v55 =	vshll.u32 v44, $0x10  }
0x1dc: {  	[tilespmem:s21+$0xFFFFFFC0] =	vst v21;
	v37 =	vld [tilespmem:s25+$0xFFFFFFD0];
	v44 =	vand.u32 $0xFFFF0000, v44;
	v21 =	vperm.xlane v23, v51;
	v42 =	vmul.f32 v52, v53  }
0x1dd: {  	v43 =	vadd.f32 v43, v26;
	v53 =	vperm.xlane v24, v13;
	v44 =	vmul.f32 v44, v4  }
0x1de: {  	v28 =	vadd.f32 v30, v28;
	v47 =	vmul.f32 v50, v47;
	v61 =	vshll.u32 v45, $0x10  }
0x1df: {  	v30 =	vld [tilespmem:s25+$0xD0];
	v45 =	vand.u32 $0xFFFF0000, v45;
	v41 =	vmul.f32 v61, v56;
	v56 =	vperm.xlane v25, v14  }
0x1e0: {  	s22 =	simm.s32 $0xE2C0;
	v31 =	vadd.f32 v33, v31;
	v40 =	vmul.f32 v45, v63;
	v61 =	vperm.xlane v24, v1  }
0x1e1: {  	[tilespmem:s22+$0x20] =	vst v22;
	v52 =	vld [tilespmem:s25+$0xE0];
	v63 =	vshll.u32 v37, $0x10;
	v22 =	vperm.xlane v47, v9;
	v33 =	vmul.f32 v36, v56  }
0x1e2: {  	v4 =	vld [tilespmem:s25+$0xFFFFFED0];
	v37 =	vand.u32 $0xFFFF0000, v37;
	v35 =	vmul.f32 v55, v61;
	v55 =	vperm.xlane v23, v1  }
0x1e3: {  	v56 =	vimm.s32 $0xA;
	v48 =	vmul.f32 v63, v53;
	v61 =	vperm.xlane v23, v13  }
0x1e4: {  	v37 =	vmul.f32 v37, v3;
	v3 =	vperm.xlane v23, v14;
	v26 =	vshll.u32 v30, $0x10  }
0x1e5: {  	v36 =	vadd.f32 v42, v7;
	v30 =	vand.u32 $0xFFFF0000, v30;
	v45 =	vmul.f32 v26, v55  }
0x1e6: {  	v63 =	vld [tilespmem:s25+$0xFFFFFFE0];
	v26 =	vshll.u32 v52, $0x10;
	v50 =	vmul.f32 v30, v0;
	v7 =	vadd.f32 v33, v8  }
0x1e7: {  	v8 =	vshll.u32 v4, $0x10;
	v4 =	vand.u32 $0xFFFF0000, v4;
	v55 =	vperm.xlane v24, v51  }
0x1e8: {  	v33 =	vperm.xlane v39, v9;
	v0 =	vmul.f32 v26, v61;
	v26 =	vand.u32 $0xFFFF0000, v52  }
0x1e9: {  	v30 =	vld [tilespmem:s25+$0xFFFFFEE0];
	v6 =	vadd.f32 v37, v6;
	v26 =	vmul.f32 v26, v3;
	v3 =	vperm.xlane v25, v10  }
0x1ea: {  	v25 =	vperm.xlane v25, v51;
	v24 =	vadd.f32 v50, v32;
	v50 =	vimm.s32 $0xE  }
0x1eb: {  	v52 =	vand.u32 $0xFFFF0000, v63;
	v3 =	vmul.f32 v8, v3;
	v8 =	vadd.f32 v48, v5  }
0x1ec: {  	v5 =	vmul.f32 v4, v25;
	v4 =	vadd.f32 v0, v31;
	v0 =	vadd.f32 v26, v28  }
0x1ed: {  	v53 =	vld [tilespmem:s25+$0x100];
	v28 =	vadd.f32 v41, v27;
	v25 =	vperm.xlane v38, v11;
	v48 =	vperm.xlane v38, v9  }
0x1ee: {  	v31 =	vld [tilespmem:s25+$0xFFFFFFF0];
	v26 =	vadd.f32 v40, v34;
	v27 =	vshll.u32 v30, $0x10;
	v30 =	vand.u32 $0xFFFF0000, v30  }
0x1ef: {  	v41 =	vld [tilespmem:s25+$0xF0];
	v38 =	vmul.f32 v27, v25;
	v37 =	vmul.f32 v30, v48;
	v27 =	vadd.f32 v35, v29  }
0x1f0: {  	v29 =	vshll.u32 v63, $0x10;
	v25 =	vadd.f32 v44, v46;
	v63 =	vperm.xlane v39, v11  }
0x1f1: {  	v35 =	vmul.f32 v52, v55;
	v30 =	vmul.f32 v29, v49;
	v29 =	vadd.f32 v45, v43  }
0x1f2: {  	[tilespmem:s21+$0x20] =	vst v19;
	v43 =	vimm.s32 $0x0;
	v49 =	vimm.s32 $0x1;
	v19 =	vadd.f32 v38, v36  }
0x1f3: {  	v36 =	vperm.xlane v47, v11;
	v38 =	vshll.u32 v53, $0x10;
	v61 =	vshll.u32 v31, $0x10  }
0x1f4: {  	v32 =	vand.u32 $0xFFFF0000, v31;
	v31 =	vperm.xlane v23, v50;
	v34 =	vshll.u32 v41, $0x10  }
0x1f5: {  	s7 =	simm.s32 $0x64A0;
	[tilespmem:s21+$0xFFFFFFE0] =	vst v20;
	s25 =	simm.s32 $0x4;
	v20 =	vand.u32 $0xFFFF0000, v41;
	v23 =	vand.u32 $0xFFFF0000, v53;
	v39 =	vmul.f32 v61, v63  }
.LBB2_5:
0x1f6: {  	v20 =	vmul.f32 v20, v21  }
0x1f7: {  	v21 =	vmul.f32 v38, v36;
	v22 =	vmul.f32 v23, v22;
	_ =	sdelay $0x1  }
0x1f8: {  	v4 =	vadd.f32 v21, v4;
	v0 =	vadd.f32 v22, v0;
	_ =	sdelay $0x1  }
0x1f9: {  	v0 =	vadd.f32 v0, v4  }
0x1fa: {  	v53 =	vld [tilespmem:s7+$0x210];
	s20 =	sadd.s32 $0xC0, s20  }
0x1fb: {  	v1 =	vmov v0;
	v0 =	vld [tilespmem:s20+$0xFFFFFFA0];
	_ =	sdelay $0x2  }
0x1fc: {  	v32 =	vmul.f32 v32, v33;
	v8 =	vadd.f32 v39, v8  }
0x1fd: {  	v5 =	vadd.f32 v5, v26;
	v26 =	vadd.f32 v30, v27  }
0x1fe: {  	v25 =	vadd.f32 v35, v25;
	v6 =	vadd.f32 v32, v6;
	[tilespmem:$0x1FD70] =	vst v0;
	v0 =	vshll.u32 v53, $0x10  }
0x1ff: {  	s19 =	sadd.s32 $0xC0, s19;
	v23 =	vld [tilespmem:s7+$0x1F0];
	[tilespmem:$0x1FD30] =	vst v0;
	v0 =	vand.u32 $0xFFFF0000, v53  }
0x200: {  	v6 =	vadd.f32 v6, v8;
	v4 =	vadd.f32 v25, v26;
	[tilespmem:$0x1FD50] =	vst v0;
	v0 =	vld [tilespmem:s19+$0xFFFFFFD0];
	_ =	sdelay $0x1  }
0x201: {  	v6 =	vadd.f32 v6, v4;
	_ =	sdelay $0x1  }
0x202: {  	v7 =	vadd.f32 v37, v7;
	v3 =	vadd.f32 v3, v28;
	v21 =	vld [tilespmem:s19+$0x50];
	[tilespmem:s22+$0xFFFFFFE0] =	vst v6  }
0x203: {  	v22 =	vld [tilespmem:s20+$0x50];
	[tilespmem:$0x1FD90] =	vst v0;
	v0 =	vshll.u32 v23, $0x10  }
0x204: {  	v7 =	vadd.f32 v7, v19;
	v3 =	vadd.f32 v5, v3;
	[tilespmem:$0x1FCF0] =	vst v0;
	v0 =	vand.u32 $0xFFFF0000, v23  }
0x205: {  	[tilespmem:$0x1FD10] =	vst v0;
	v0 =	vld [tilespmem:s20+$0xFFFFFFD0]  }
0x206: {  	v7 =	vadd.f32 v7, v3;
	_ =	sdelay $0x1  }
0x207: {  	[tilespmem:s22+$0xFFFFFFC0] =	vst v7;
	v7 =	vmul.f32 v22, v21;
	_ =	sdelay $0x1  }
0x208: {  	[tilespmem:$0x1FDA0] =	vst v0;
	v0 =	vperm.xlane v7, v43  }
0x209: {  	v19 =	vadd.f32 v20, v24;
	v24 =	vadd.f32 v15, v16  }
0x20a: {  	v28 =	vld [tilespmem:s19+$0x40];
	[tilespmem:$0x1FD40] =	vst v0;
	v0 =	vperm.xlane v7, v49  }
0x20b: {  	v20 =	vld [tilespmem:s20+$0x40];
	[tilespmem:s21+$0x0] =	vst v24  }
0x20c: {  	[tilespmem:$0x1FD60] =	vst v0;
	v0 =	vld [tilespmem:s19+$0x0];
	_ =	sdelay $0x3  }
0x20d: {  	v24 =	vmul.f32 v20, v28  }
0x20e: {  	[tilespmem:$0x1FDB0] =	vst v0;
	v0 =	vimm.s32 $0xB  }
0x20f: {  	v44 =	vperm.xlane v24, v0;
	v0 =	vimm.s32 $0xC  }
0x210: {  	v0 =	vperm.xlane v24, v0  }
0x211: {  	v40 =	vld [tilespmem:s7+$0x200]  }
0x212: {  	v55 =	vld [tilespmem:s7+$0x1E0];
	[tilespmem:$0x1FD00] =	vst v0;
	v0 =	vimm.s32 $0xD  }
0x213: {  	v61 =	vld [tilespmem:s7+$0x1A0];
	v0 =	vperm.xlane v24, v0  }
0x214: {  	v63 =	vld [tilespmem:s7+$0x1B0];
	v31 =	vmul.f32 v34, v31  }
0x215: {  	[tilespmem:$0x1FD20] =	vst v0;
	v0 =	vld [tilespmem:s20+$0x0]  }
0x216: {  	v27 =	vadd.f32 v31, v29;
	v5 =	vld [tilespmem:s20+$0x30]  }
0x217: {  	v8 =	vld [tilespmem:s19+$0x30]  }
0x218: {  	v2 =	vadd.f32 v19, v27;
	v27 =	vshll.u32 v40, $0x10;
	v26 =	vld [tilespmem:s7+$0x1D0]  }
0x219: {  	v30 =	vand.u32 $0xFFFF0000, v40;
	v37 =	vand.u32 $0xFFFF0000, v55;
	v3 =	vimm.s32 $0xD  }
0x21a: {  	v40 =	vld [tilespmem:s7+$0x180];
	v52 =	vshll.u32 v61, $0x10;
	v48 =	vand.u32 $0xFFFF0000, v63;
	[tilespmem:$0x1FDC0] =	vst v0;
	v0 =	vimm.s32 $0x2  }
0x21b: {  	[tilespmem:$0x1FFE0] =	vst v2;
	v2 =	vimm.s32 $0xB;
	v28 =	vshll.u32 v55, $0x10;
	v55 =	vperm.xlane v24, v0;
	v0 =	vld [tilespmem:s19+$0xFFFFFFA0]  }
0x21c: {  	[tilespmem:$0x1FFF0] =	vst v1;
	v1 =	vimm.s32 $0xC;
	v8 =	vmul.f32 v5, v8;
	v39 =	vperm.xlane v24, v51  }
0x21d: {  	v46 =	vshll.u32 v26, $0x10;
	v51 =	vperm.xlane v24, v58;
	v32 =	vand.u32 $0xFFFF0000, v26  }
0x21e: {  	v29 =	vperm.xlane v24, v54;
	v54 =	vand.u32 $0xFFFF0000, v61;
	v31 =	vperm.xlane v24, v62  }
0x21f: {  	v26 =	vshll.u32 v63, $0x10;
	v63 =	vand.u32 $0xFFFF0000, v40;
	v53 =	vperm.xlane v24, v57  }
0x220: {  	v57 =	vperm.xlane v8, v50;
	v23 =	vperm.xlane v24, v50;
	[tilespmem:$0x1FD80] =	vst v0;
	v0 =	vimm.s32 $0x3  }
0x221: {  	v43 =	vperm.xlane v24, v56;
	v56 =	vperm.xlane v24, v0;
	v0 =	vimm.s32 $0xF  }
0x222: {  	v50 =	vperm.xlane v24, v59;
	v59 =	vperm.xlane v8, v0;
	v0 =	vimm.s32 $0x0  }
0x223: {  	v49 =	vperm.xlane v24, v60;
	v60 =	vperm.xlane v24, v0;
	v0 =	vimm.s32 $0xA  }
0x224: {  	v15 =	vperm.xlane v8, v1;
	v61 =	vperm.xlane v8, v0;
	v0 =	vimm.s32 $0x1  }
0x225: {  	v14 =	vperm.xlane v8, v3;
	v21 =	vperm.xlane v24, v0;
	v0 =	vimm.s32 $0x6  }
0x226: {  	v1 =	vimm.s32 $0x5;
	v13 =	vperm.xlane v8, v0;
	v0 =	vimm.s32 $0x7  }
0x227: {  	v22 =	vmul.f32 v30, v39;
	v16 =	vperm.xlane v8, v0;
	v0 =	vimm.s32 $0x8  }
0x228: {  	v12 =	vld [tilespmem:s7+$0x140];
	v23 =	vmul.f32 v27, v23;
	v17 =	vperm.xlane v8, v0;
	v0 =	vimm.s32 $0x2  }
0x229: {  	v27 =	vld [tilespmem:s7+$0x110];
	v7 =	vperm.xlane v8, v1;
	v5 =	vperm.xlane v8, v0;
	v0 =	vimm.s32 $0x9  }
0x22a: {  	v1 =	vimm.s32 $0x1;
	v11 =	vperm.xlane v8, v0;
	v0 =	vimm.s32 $0x3  }
0x22b: {  	v30 =	vld [tilespmem:s7+$0x130];
	v54 =	vmul.f32 v54, v56;
	v6 =	vperm.xlane v8, v0;
	v0 =	vimm.s32 $0x4  }
0x22c: {  	v24 =	vperm.xlane v8, v2;
	v9 =	vperm.xlane v8, v0;
	v0 =	vimm.s32 $0x0  }
0x22d: {  	v4 =	vperm.xlane v8, v0;
	v8 =	vperm.xlane v8, v1;
	v1 =	vshll.u32 v12, $0x10  }
0x22e: {  	v56 =	vmul.f32 v63, v59;
	v63 =	vmul.f32 v1, v13;
	v1 =	vand.u32 $0xFFFF0000, v27  }
0x22f: {  	v1 =	vmul.f32 v1, v8  }
0x230: {  	v8 =	vshll.u32 v30, $0x10  }
0x231: {  	v8 =	vmul.f32 v8, v9;
	v9 =	vadd.f32 $0.0e+00, v1;
	v1 =	vld [tilespmem:s19+$0xFFFFFFB0];
	_ =	sdelay $0x4  }
0x232: {  	[tilespmem:$0x1FDD0] =	vst v1;
	v1 =	vld [tilespmem:s20+$0xFFFFFFB0]  }
0x233: {  	v42 =	vld [tilespmem:s7+$0x190]  }
0x234: {  	v45 =	vld [tilespmem:s7+$0x160]  }
0x235: {  	v47 =	vld [tilespmem:s7+$0x170]  }
0x236: {  	v25 =	vld [tilespmem:s7+$0x1C0]  }
0x237: {  	[tilespmem:$0x1FDE0] =	vst v1;
	v1 =	vld [tilespmem:s19+$0xFFFFFFE0];
	_ =	sdelay $0x2  }
0x238: {  	v0 =	vld [tilespmem:s7+$0x120]  }
0x239: {  	v19 =	vshll.u32 v42, $0x10  }
0x23a: {  	v18 =	vshll.u32 v45, $0x10;
	v10 =	vshll.u32 v47, $0x10;
	v41 =	vshll.u32 v25, $0x10;
	[tilespmem:$0x1FDF0] =	vst v1;
	v1 =	vld [tilespmem:s20+$0xFFFFFFE0]  }
0x23b: {  	v25 =	vand.u32 $0xFFFF0000, v25;
	v58 =	vshll.u32 v40, $0x10;
	v15 =	vmul.f32 v10, v15  }
0x23c: {  	v62 =	vand.u32 $0xFFFF0000, v47;
	v53 =	vmul.f32 v25, v53;
	v52 =	vmul.f32 v52, v55;
	v2 =	vld [tilespmem:s7+$0x150]  }
0x23d: {  	v55 =	vmul.f32 v18, v61;
	v61 =	vshll.u32 v27, $0x10;
	v25 =	vshll.u32 v0, $0x10  }
0x23e: {  	v3 =	vand.u32 $0xFFFF0000, v45;
	v4 =	vmul.f32 v61, v4;
	v5 =	vmul.f32 v25, v5  }
0x23f: {  	v57 =	vmul.f32 v58, v57;
	v43 =	vmul.f32 v28, v43;
	v12 =	vand.u32 $0xFFFF0000, v12;
	[tilespmem:$0x1FE00] =	vst v1;
	v1 =	vld [tilespmem:s19+$0x10]  }
0x240: {  	v4 =	vadd.f32 $0.0e+00, v4;
	v0 =	vand.u32 $0xFFFF0000, v0;
	v5 =	vadd.f32 $0.0e+00, v5  }
0x241: {  	v28 =	vshll.u32 v2, $0x10;
	v16 =	vmul.f32 v12, v16;
	v0 =	vmul.f32 v0, v6  }
0x242: {  	v6 =	vand.u32 $0xFFFF0000, v30;
	v4 =	vadd.f32 v8, v4;
	v5 =	vadd.f32 v63, v5  }
0x243: {  	v6 =	vmul.f32 v6, v7;
	v7 =	vmul.f32 v28, v17;
	v0 =	vadd.f32 $0.0e+00, v0  }
0x244: {  	v44 =	vmul.f32 v37, v44;
	v3 =	vmul.f32 v3, v24;
	v5 =	vadd.f32 v55, v5;
	[tilespmem:$0x1FE10] =	vst v1;
	v1 =	vld [tilespmem:s20+$0x10]  }
0x245: {  	v37 =	vand.u32 $0xFFFF0000, v2;
	v4 =	vadd.f32 v7, v4;
	v0 =	vadd.f32 v16, v0  }
0x246: {  	v11 =	vmul.f32 v37, v11;
	v6 =	vadd.f32 v6, v9;
	v5 =	vadd.f32 v57, v5  }
0x247: {  	v4 =	vadd.f32 v15, v4;
	v0 =	vadd.f32 v3, v0;
	v3 =	vmul.f32 v19, v60  }
0x248: {  	v7 =	vmul.f32 v62, v14;
	v6 =	vadd.f32 v11, v6;
	v15 =	vadd.f32 v52, v5;
	v5 =	vld [tilespmem:$0x1FD00]  }
0x249: {  	v20 =	vand.u32 $0xFFFF0000, v42;
	v11 =	vmul.f32 v26, v49;
	v3 =	vadd.f32 v3, v4;
	[tilespmem:$0x1FE20] =	vst v1;
	v1 =	vld [tilespmem:$0x1FCF0]  }
0x24a: {  	v6 =	vadd.f32 v7, v6;
	v7 =	vmul.f32 v20, v21  }
0x24b: {  	v16 =	vmul.f32 v46, v29;
	v0 =	vadd.f32 v56, v0;
	v3 =	vadd.f32 v11, v3  }
0x24c: {  	v51 =	vmul.f32 v41, v51;
	v14 =	vmul.f32 v48, v50;
	v4 =	vadd.f32 v7, v6  }
0x24d: {  	v0 =	vadd.f32 v54, v0;
	v16 =	vadd.f32 v16, v3;
	v3 =	vld [tilespmem:$0x1FD20]  }
0x24e: {  	v4 =	vadd.f32 v14, v4;
	v14 =	vadd.f32 v51, v15;
	v15 =	vmul.f32 v1, v5;
	v1 =	vld [tilespmem:$0x1FD10];
	_ =	sdelay $0x1  }
0x24f: {  	v0 =	vadd.f32 v53, v0;
	_ =	sdelay $0x1  }
0x250: {  	v19 =	vadd.f32 v44, v0;
	v0 =	vld [tilespmem:$0x1FD30]  }
0x251: {  	v17 =	vmul.f32 v1, v3;
	v1 =	vld [tilespmem:$0x1FD40];
	_ =	sdelay $0x4  }
0x252: {  	v20 =	vmul.f32 v0, v1;
	v0 =	vld [tilespmem:$0x1FD50]  }
0x253: {  	v1 =	vld [tilespmem:$0x1FD60];
	_ =	sdelay $0x4  }
0x254: {  	v15 =	vadd.f32 v15, v16;
	v16 =	vmul.f32 v0, v1;
	v0 =	vld [tilespmem:$0x1FD70]  }
0x255: {  	v1 =	vld [tilespmem:$0x1FD80];
	_ =	sdelay $0x4  }
0x256: {  	v56 =	vmul.f32 v0, v1;
	v0 =	vld [tilespmem:$0x1FD90]  }
0x257: {  	v1 =	vld [tilespmem:$0x1FDA0];
	_ =	sdelay $0x1  }
0x258: {  	v11 =	vmul.f32 v32, v31;
	_ =	sdelay $0x1  }
0x259: {  	v11 =	vadd.f32 v11, v4  }
0x25a: {  	v54 =	vmul.f32 v1, v0;
	v0 =	vimm.s32 $0x0;
	v1 =	vld [tilespmem:$0x1FDC0]  }
0x25b: {  	v11 =	vadd.f32 v17, v11;
	v17 =	vadd.f32 v22, v19;
	v19 =	vperm.xlane v56, v0;
	v0 =	vld [tilespmem:$0x1FDB0];
	_ =	sdelay $0x2  }
0x25c: {  	v14 =	vadd.f32 v43, v14;
	_ =	sdelay $0x1  }
0x25d: {  	v14 =	vadd.f32 v23, v14;
	v53 =	vmul.f32 v1, v0;
	v0 =	vimm.s32 $0x1  }
0x25e: {  	v15 =	vadd.f32 v20, v15;
	v20 =	vperm.xlane v56, v0;
	v0 =	vimm.s32 $0x0  }
0x25f: {  	v14 =	vadd.f32 v17, v14;
	v17 =	vperm.xlane v54, v0;
	v0 =	vimm.s32 $0x1  }
0x260: {  	v21 =	vperm.xlane v54, v0;
	v0 =	vimm.s32 $0x0  }
0x261: {  	v22 =	vperm.xlane v53, v0;
	v0 =	vimm.s32 $0x1  }
0x262: {  	v23 =	vperm.xlane v53, v0;
	v0 =	vld [tilespmem:s7+$0xFFFFFF80]  }
0x263: {  	v35 =	vld [tilespmem:s7+$0x0]  }
0x264: {  	v33 =	vld [tilespmem:s7+$0xFFFFFEF0]  }
0x265: {  	v34 =	vld [tilespmem:s7+$0xFFFFFDE0]  }
0x266: {  	v11 =	vadd.f32 v16, v11  }
0x267: {  	[tilespmem:$0x1FE30] =	vst v0;
	v0 =	vld [tilespmem:s7+$0xFFFFFF90]  }
0x268: {  	v11 =	vadd.f32 v11, v15  }
0x269: {  	v28 =	vshll.u32 v35, $0x10;
	v26 =	vand.u32 $0xFFFF0000, v33  }
0x26a: {  	v16 =	vshll.u32 v34, $0x10;
	v11 =	vadd.f32 v11, v14;
	v14 =	vshll.u32 v33, $0x10  }
0x26b: {  	v16 =	vmul.f32 v16, v19;
	v19 =	vand.u32 $0xFFFF0000, v35;
	v14 =	vmul.f32 v14, v17  }
0x26c: {  	v17 =	vmul.f32 v26, v21;
	v21 =	vmul.f32 v28, v22;
	[tilespmem:$0x1FE40] =	vst v0;
	v0 =	vimm.s32 $0x2  }
0x26d: {  	v22 =	vmul.f32 v19, v23;
	v19 =	vperm.xlane v56, v0;
	v0 =	vimm.s32 $0x3  }
0x26e: {  	v23 =	vperm.xlane v56, v0;
	v0 =	vld [tilespmem:s7+$0x90];
	_ =	sdelay $0x4  }
0x26f: {  	[tilespmem:$0x1FE50] =	vst v0;
	v0 =	vimm.s32 $0x4  }
0x270: {  	v29 =	vperm.xlane v56, v0;
	v0 =	vimm.s32 $0x5  }
0x271: {  	v30 =	vperm.xlane v56, v0;
	v0 =	vld [tilespmem:s7+$0xA0];
	_ =	sdelay $0x4  }
0x272: {  	[tilespmem:$0x1FE60] =	vst v0;
	v0 =	vld [tilespmem:s7+$0xFFFFFE90];
	_ =	sdelay $0x1  }
0x273: {  	v36 =	vld [tilespmem:s7+$0xFFFFFDF0]  }
0x274: {  	v38 =	vld [tilespmem:s7+$0xFFFFFE00]  }
0x275: {  	v39 =	vld [tilespmem:s7+$0xFFFFFF00]  }
0x276: {  	v18 =	vld [tilespmem:s7+$0x20];
	[tilespmem:$0x1FE70] =	vst v0;
	v0 =	vimm.s32 $0x2  }
0x277: {  	v12 =	vld [tilespmem:s7+$0xFFFFFE20];
	v32 =	vperm.xlane v54, v0;
	v0 =	vimm.s32 $0x3  }
0x278: {  	v33 =	vperm.xlane v54, v0;
	v0 =	vld [tilespmem:s7+$0xFFFFFEA0];
	_ =	sdelay $0x1  }
0x279: {  	v47 =	vld [tilespmem:s7+$0x40]  }
0x27a: {  	s21 =	smov.u32 s22;
	v10 =	vimm.s32 $0x9;
	s22 =	sadd.s32 $0x80, s22;
	v40 =	vld [tilespmem:s7+$0xFFFFFF30];
	v37 =	vand.u32 $0xFFFF0000, v39;
	v31 =	vshll.u32 v39, $0x10  }
0x27b: {  	v2 =	vld [tilespmem:s7+$0xFFFFFF10];
	v39 =	vand.u32 $0xFFFF0000, v12;
	v3 =	vshll.u32 v18, $0x10;
	v15 =	vand.u32 $0xFFFF0000, v34;
	[tilespmem:s22+$0x20] =	vst v11  }
0x27c: {  	v11 =	vshll.u32 v36, $0x10;
	v1 =	vld [tilespmem:s7+$0xB0];
	v26 =	vshll.u32 v38, $0x10;
	[tilespmem:$0x1FE80] =	vst v0;
	v0 =	vimm.s32 $0x4  }
0x27d: {  	v28 =	vand.u32 $0xFFFF0000, v38;
	v38 =	vperm.xlane v54, v0;
	v0 =	vimm.s32 $0x5  }
0x27e: {  	v25 =	vadd.f32 $0.0e+00, v16;
	v15 =	vmul.f32 v15, v20;
	v43 =	vperm.xlane v54, v0;
	v0 =	vld [tilespmem:s7+$0xFFFFFFA0]  }
0x27f: {  	v16 =	vshll.u32 v40, $0x10;
	v10 =	vperm.xlane v53, v10;
	v20 =	vand.u32 $0xFFFF0000, v36  }
0x280: {  	v42 =	vld [tilespmem:s7+$0x30];
	v36 =	vshll.u32 v2, $0x10;
	v2 =	vand.u32 $0xFFFF0000, v2;
	v35 =	vadd.f32 $0.0e+00, v15  }
0x281: {  	v13 =	vld [tilespmem:s7+$0xFFFFFE10];
	[tilespmem:$0x1FEB0] =	vst v1;
	v1 =	vand.u32 $0xFFFF0000, v18;
	v15 =	vand.u32 $0xFFFF0000, v40;
	v40 =	vand.u32 $0xFFFF0000, v47  }
0x282: {  	v24 =	vadd.f32 $0.0e+00, v14;
	v10 =	vmul.f32 v40, v10;
	v43 =	vmul.f32 v2, v43;
	v2 =	vld [tilespmem:s19+$0x20]  }
0x283: {  	v27 =	vld [tilespmem:s7+$0xFFFFFF20];
	v21 =	vadd.f32 $0.0e+00, v21;
	v22 =	vadd.f32 $0.0e+00, v22;
	[tilespmem:$0x1FE90] =	vst v0;
	v0 =	vimm.s32 $0x2  }
0x284: {  	v48 =	vld [tilespmem:s7+$0xFFFFFF40];
	v18 =	vmul.f32 v11, v19;
	v52 =	vperm.xlane v53, v0;
	v0 =	vimm.s32 $0x3  }
0x285: {  	v19 =	vadd.f32 $0.0e+00, v17;
	v11 =	vshll.u32 v42, $0x10;
	v34 =	vperm.xlane v53, v0;
	v0 =	vld [tilespmem:s7+$0xFFFFFFB0]  }
0x286: {  	v6 =	vld [tilespmem:s7+$0xC0];
	v17 =	vmul.f32 v20, v23;
	v26 =	vmul.f32 v26, v29;
	v29 =	vshll.u32 v13, $0x10  }
0x287: {  	v28 =	vmul.f32 v28, v30;
	v30 =	vand.u32 $0xFFFF0000, v13;
	v31 =	vmul.f32 v31, v32;
	[tilespmem:$0x1FF60] =	vst v2;
	v2 =	vld [tilespmem:s7+$0xFFFFFEC0]  }
0x288: {  	v32 =	vmul.f32 v37, v33;
	v33 =	vshll.u32 v12, $0x10;
	v37 =	vadd.f32 v26, v25  }
0x289: {  	v41 =	vld [tilespmem:s7+$0x10];
	v12 =	vand.u32 $0xFFFF0000, v42;
	v25 =	vadd.f32 $0.0e+00, v18;
	v26 =	vadd.f32 $0.0e+00, v17  }
0x28a: {  	v44 =	vmul.f32 v36, v38;
	v36 =	vshll.u32 v27, $0x10;
	[tilespmem:$0x1FEA0] =	vst v0;
	v0 =	vimm.s32 $0x4  }
0x28b: {  	v45 =	vld [tilespmem:s7+$0xFFFFFE30];
	[tilespmem:$0x1FEC0] =	vst v6;
	v27 =	vand.u32 $0xFFFF0000, v27;
	v38 =	vadd.f32 v28, v35;
	v5 =	vperm.xlane v53, v0  }
0x28c: {  	v6 =	vld [tilespmem:s19+$0xFFFFFFC0];
	v35 =	vshll.u32 v48, $0x10;
	[tilespmem:$0x1FED0] =	vst v2;
	v2 =	vimm.s32 $0x8;
	v0 =	vimm.s32 $0x5  }
0x28d: {  	v23 =	vld [tilespmem:s7+$0xFFFFFEE0];
	v2 =	vperm.xlane v56, v2;
	v8 =	vmul.f32 v3, v5;
	v3 =	vimm.s32 $0x9  }
0x28e: {  	v4 =	vperm.xlane v53, v0;
	v0 =	vshll.u32 v41, $0x10;
	v5 =	vperm.xlane v56, v3;
	v3 =	vld [tilespmem:s7+$0xFFFFFFC0]  }
0x28f: {  	v28 =	vadd.f32 v44, v24;
	v41 =	vand.u32 $0xFFFF0000, v41;
	v52 =	vmul.f32 v0, v52  }
0x290: {  	v49 =	vld [tilespmem:s7+$0xFFFFFF50];
	v34 =	vmul.f32 v41, v34;
	v18 =	vmul.f32 v33, v2;
	v33 =	vshll.u32 v45, $0x10  }
0x291: {  	[tilespmem:$0x1FF10] =	vst v6;
	v2 =	vimm.s32 $0xD;
	v7 =	vmul.f32 v1, v4;
	v1 =	vimm.s32 $0x7  }
0x292: {  	v6 =	vld [tilespmem:s20+$0xFFFFFFC0];
	[tilespmem:$0x1FF90] =	vst v23;
	v4 =	vshll.u32 v47, $0x10;
	v47 =	vadd.f32 v43, v19;
	v43 =	vimm.s32 $0xD  }
0x293: {  	v0 =	vld [tilespmem:s20+$0x20];
	v1 =	vperm.xlane v56, v1;
	v23 =	vadd.f32 v8, v21;
	[tilespmem:$0x1FEE0] =	vst v3;
	v3 =	vimm.s32 $0x6  }
0x294: {  	v21 =	vadd.f32 $0.0e+00, v52;
	v9 =	vperm.xlane v54, v3;
	v3 =	vimm.s32 $0x7  }
0x295: {  	v52 =	vshll.u32 v49, $0x10;
	v49 =	vand.u32 $0xFFFF0000, v49;
	v14 =	vperm.xlane v54, v3;
	v3 =	vld [tilespmem:s7+$0xFFFFFFD0]  }
0x296: {  	v8 =	vperm.xlane v54, v2;
	v18 =	vadd.f32 v18, v37;
	v24 =	vadd.f32 v7, v22  }
0x297: {  	v60 =	vld [tilespmem:s7+$0xFFFFFF70];
	[tilespmem:$0x1FF20] =	vst v6;
	v17 =	vmul.f32 v39, v5;
	v22 =	vadd.f32 $0.0e+00, v31;
	v31 =	vadd.f32 $0.0e+00, v32  }
0x298: {  	v6 =	vld [tilespmem:s19+$0xFFFFFFF0];
	v32 =	vadd.f32 $0.0e+00, v34;
	v7 =	vimm.s32 $0xB;
	[tilespmem:$0x1FF70] =	vst v0;
	v0 =	vimm.s32 $0x6  }
0x299: {  	v55 =	vld [tilespmem:s7+$0xFFFFFE50];
	v30 =	vmul.f32 v30, v1;
	v1 =	vimm.s32 $0xB;
	v0 =	vperm.xlane v56, v0  }
0x29a: {  	v61 =	vld [tilespmem:s7+$0xFFFFFF60];
	v39 =	vperm.xlane v53, v7;
	v8 =	vmul.f32 v49, v8;
	[tilespmem:$0x1FEF0] =	vst v3;
	v3 =	vimm.s32 $0x8  }
0x29b: {  	v29 =	vmul.f32 v29, v0;
	v0 =	vld [tilespmem:s7+$0xFFFFFFE0];
	v20 =	vperm.xlane v54, v3;
	v3 =	vimm.s32 $0x9  }
0x29c: {  	v49 =	vimm.s32 $0x0;
	v17 =	vadd.f32 v17, v38;
	v13 =	vperm.xlane v54, v3;
	v3 =	vld [tilespmem:s7+$0xD0]  }
0x29d: {  	[tilespmem:$0x1FF30] =	vst v6;
	v6 =	vld [tilespmem:s20+$0xFFFFFFF0];
	v10 =	vadd.f32 v10, v24;
	v38 =	vand.u32 $0xFFFF0000, v60;
	v24 =	vadd.f32 v30, v26  }
0x29e: {  	v46 =	vld [tilespmem:s7+$0xFFFFFE40];
	v26 =	vand.u32 $0xFFFF0000, v55;
	v19 =	vmul.f32 v36, v9;
	v14 =	vmul.f32 v27, v14  }
0x29f: {  	v63 =	vld [tilespmem:s7+$0xFFFFFE60];
	v30 =	vimm.s32 $0x0;
	v36 =	vperm.xlane v56, v2;
	v27 =	vperm.xlane v56, v1  }
0x2a0: {  	v19 =	vadd.f32 v19, v22;
	v14 =	vadd.f32 v14, v31;
	v31 =	vshll.u32 v61, $0x10;
	[tilespmem:$0x1FFA0] =	vst v0;
	v0 =	vld [tilespmem:s7+$0xFFFFFFF0]  }
0x2a1: {  	v57 =	vld [tilespmem:s7+$0x80];
	v16 =	vmul.f32 v16, v20;
	v20 =	vand.u32 $0xFFFF0000, v45;
	[tilespmem:$0x1FF00] =	vst v3;
	v3 =	vimm.s32 $0x6  }
0x2a2: {  	[tilespmem:$0x1FF40] =	vst v6;
	v13 =	vmul.f32 v15, v13;
	v6 =	vperm.xlane v53, v3;
	v3 =	vimm.s32 $0x7  }
0x2a3: {  	v15 =	vand.u32 $0xFFFF0000, v46;
	v20 =	vmul.f32 v20, v27;
	v42 =	vperm.xlane v53, v3;
	v3 =	vld [tilespmem:s7+$0xE0]  }
0x2a4: {  	v50 =	vld [tilespmem:s7+$0x50];
	v16 =	vadd.f32 v16, v28;
	v15 =	vmul.f32 v15, v36;
	v28 =	vand.u32 $0xFFFF0000, v63  }
0x2a5: {  	[tilespmem:$0x1FFB0] =	vst v0;
	v0 =	vld [tilespmem:s7+$0xF0];
	v36 =	vshll.u32 v60, $0x10;
	v60 =	vimm.s32 $0x3;
	v13 =	vadd.f32 v13, v47  }
0x2a6: {  	v47 =	vimm.s32 $0xE;
	v15 =	vadd.f32 v15, v17;
	v17 =	vand.u32 $0xFFFF0000, v57  }
0x2a7: {  	v8 =	vadd.f32 v8, v13;
	v9 =	vmul.f32 v11, v6;
	v6 =	vimm.s32 $0xC  }
0x2a8: {  	v11 =	vshll.u32 v46, $0x10;
	v12 =	vmul.f32 v12, v42;
	v34 =	vperm.xlane v56, v6;
	[tilespmem:$0x1FF50] =	vst v3;
	v3 =	vld [tilespmem:s7+$0xFFFFFED0]  }
0x2a9: {  	v42 =	vand.u32 $0xFFFF0000, v48;
	v48 =	vperm.xlane v54, v1;
	v5 =	vperm.xlane v54, v6  }
0x2aa: {  	[tilespmem:$0x1FFC0] =	vst v0;
	v0 =	vld [tilespmem:s7+$0x100];
	v1 =	vshll.u32 v50, $0x10;
	v6 =	vperm.xlane v53, v6;
	v50 =	vand.u32 $0xFFFF0000, v50  }
0x2ab: {  	v9 =	vadd.f32 v9, v21;
	v21 =	vshll.u32 v55, $0x10;
	v27 =	vmul.f32 v50, v39  }
0x2ac: {  	v50 =	vimm.s32 $0x1;
	v55 =	vimm.s32 $0x1;
	v11 =	vmul.f32 v11, v34  }
0x2ad: {  	v12 =	vadd.f32 v12, v32;
	v5 =	vmul.f32 v52, v5;
	[tilespmem:$0x1FF80] =	vst v3;
	v3 =	vimm.s32 $0x8  }
0x2ae: {  	v34 =	vperm.xlane v54, v47;
	v52 =	vimm.s32 $0xF;
	v3 =	vperm.xlane v53, v3  }
0x2af: {  	v47 =	vperm.xlane v53, v52;
	v52 =	vimm.s32 $0xA;
	[tilespmem:$0x1FFD0] =	vst v0;
	v0 =	vimm.s32 $0xA  }
0x2b0: {  	v3 =	vmul.f32 v4, v3;
	v4 =	vperm.xlane v56, v0;
	v0 =	vimm.s32 $0xA  }
0x2b1: {  	v11 =	vadd.f32 v11, v18;
	v46 =	vperm.xlane v54, v0;
	v0 =	vimm.s32 $0xA  }
0x2b2: {  	v58 =	vld [tilespmem:s7+$0xFFFFFE70];
	v5 =	vadd.f32 v5, v16;
	v18 =	vmul.f32 v31, v34;
	v2 =	vperm.xlane v53, v0  }
0x2b3: {  	v7 =	vld [tilespmem:$0x1FDE0];
	v4 =	vmul.f32 v33, v4;
	v3 =	vadd.f32 v3, v23;
	v23 =	vadd.f32 v29, v25  }
0x2b4: {  	v0 =	vld [tilespmem:$0x1FDD0];
	v25 =	vmul.f32 v42, v48;
	v29 =	vimm.s32 $0xF;
	v33 =	vand.u32 $0xFFFF0000, v61  }
0x2b5: {  	v59 =	vld [tilespmem:s7+$0x70];
	v61 =	vimm.s32 $0x4;
	v48 =	vimm.s32 $0xF;
	v22 =	vmul.f32 v35, v46  }
0x2b6: {  	v51 =	vld [tilespmem:s7+$0x60];
	v29 =	vperm.xlane v56, v29;
	v46 =	vimm.s32 $0x1;
	v35 =	vperm.xlane v54, v48  }
0x2b7: {  	v40 =	vld [tilespmem:$0x1FE10];
	v54 =	vimm.s32 $0x7;
	v1 =	vmul.f32 v1, v2;
	v2 =	vshll.u32 v63, $0x10  }
0x2b8: {  	v44 =	vld [tilespmem:$0x1FE00];
	v63 =	vimm.s32 $0x6;
	v4 =	vadd.f32 v4, v23;
	v14 =	vadd.f32 v25, v14  }
0x2b9: {  	v13 =	vmul.f32 v26, v29;
	v16 =	vadd.f32 v22, v19;
	v45 =	vmul.f32 v7, v0;
	v0 =	vld [tilespmem:$0x1FDF0]  }
0x2ba: {  	v19 =	vmul.f32 v33, v35;
	v1 =	vadd.f32 v1, v9;
	v7 =	vperm.xlane v53, v43;
	v43 =	vld [tilespmem:$0x1FE20]  }
0x2bb: {  	v9 =	vadd.f32 v27, v12;
	v12 =	vshll.u32 v58, $0x10;
	v30 =	vperm.xlane v45, v30  }
0x2bc: {  	v16 =	vadd.f32 v18, v16;
	v14 =	vadd.f32 v19, v14;
	v32 =	vperm.xlane v45, v46  }
0x2bd: {  	v46 =	vshll.u32 v59, $0x10;
	v29 =	vperm.xlane v45, v60;
	v2 =	vmul.f32 v2, v30  }
0x2be: {  	v30 =	vperm.xlane v45, v61;
	v44 =	vmul.f32 v44, v0;
	v0 =	vshll.u32 v51, $0x10  }
0x2bf: {  	v43 =	vmul.f32 v43, v40;
	v51 =	vand.u32 $0xFFFF0000, v51;
	v40 =	vimm.s32 $0x8  }
0x2c0: {  	v0 =	vmul.f32 v0, v6;
	v6 =	vimm.s32 $0xE;
	v7 =	vmul.f32 v51, v7  }
0x2c1: {  	v51 =	vimm.s32 $0xE;
	v2 =	vadd.f32 v2, v11;
	v6 =	vperm.xlane v56, v6  }
0x2c2: {  	v56 =	vimm.s32 $0x9;
	v37 =	vperm.xlane v44, v49;
	v39 =	vperm.xlane v44, v50  }
0x2c3: {  	v42 =	vperm.xlane v53, v51;
	v53 =	vimm.s32 $0x0;
	v49 =	vand.u32 $0xFFFF0000, v59  }
0x2c4: {  	v59 =	vimm.s32 $0x2;
	v50 =	vshll.u32 v57, $0x10;
	v51 =	vperm.xlane v43, v55  }
0x2c5: {  	v62 =	vld [tilespmem:s7+$0xFFFFFE80];
	v55 =	vimm.s32 $0x1;
	v35 =	vperm.xlane v44, v60;
	v48 =	vperm.xlane v43, v53  }
0x2c6: {  	v0 =	vadd.f32 v0, v3;
	v3 =	vadd.f32 v7, v10;
	v10 =	vmul.f32 v28, v32  }
0x2c7: {  	v57 =	vimm.s32 $0x5;
	v25 =	vmul.f32 v49, v47;
	v27 =	vperm.xlane v45, v59  }
0x2c8: {  	v53 =	vimm.s32 $0x0;
	v32 =	vperm.xlane v45, v57;
	v34 =	vperm.xlane v44, v59  }
0x2c9: {  	v7 =	vadd.f32 v20, v24;
	v47 =	vperm.xlane v43, v60;
	v6 =	vmul.f32 v21, v6  }
0x2ca: {  	v24 =	vshll.u32 v62, $0x10;
	v20 =	vmul.f32 v36, v37;
	v22 =	vmul.f32 v38, v39  }
0x2cb: {  	v28 =	vand.u32 $0xFFFF0000, v62;
	v23 =	vmul.f32 v46, v42;
	v17 =	vmul.f32 v17, v51  }
0x2cc: {  	v60 =	vimm.s32 $0x4;
	v37 =	vperm.xlane v44, v61;
	v39 =	vperm.xlane v44, v57  }
0x2cd: {  	v21 =	vand.u32 $0xFFFF0000, v58;
	v42 =	vperm.xlane v43, v59;
	v57 =	vperm.xlane v43, v57  }
0x2ce: {  	v26 =	vmul.f32 v50, v48;
	v48 =	vperm.xlane v43, v61;
	v10 =	vadd.f32 v10, v15  }
0x2cf: {  	v12 =	vmul.f32 v12, v27;
	v15 =	vmul.f32 v21, v29;
	v9 =	vadd.f32 v25, v9  }
0x2d0: {  	v51 =	vld [tilespmem:$0x1FE30];
	v27 =	vperm.xlane v45, v63;
	v5 =	vadd.f32 v20, v5;
	v8 =	vadd.f32 v22, v8  }
0x2d1: {  	v58 =	vld [tilespmem:$0x1FE40];
	v29 =	vperm.xlane v45, v54;
	v3 =	vadd.f32 v17, v3;
	v4 =	vadd.f32 v6, v4  }
0x2d2: {  	v59 =	vld [tilespmem:$0x1FE50];
	v6 =	vadd.f32 v13, v7;
	v7 =	vmul.f32 v24, v30;
	v13 =	vmul.f32 v28, v32  }
0x2d3: {  	v1 =	vadd.f32 v23, v1;
	v30 =	vperm.xlane v45, v40;
	v0 =	vadd.f32 v26, v0  }
0x2d4: {  	v61 =	vld [tilespmem:$0x1FE60];
	v32 =	vperm.xlane v45, v56;
	v2 =	vadd.f32 v7, v2;
	v7 =	vadd.f32 v13, v10  }
0x2d5: {  	v4 =	vadd.f32 v12, v4;
	v6 =	vadd.f32 v15, v6;
	v31 =	vshll.u32 v51, $0x10  }
0x2d6: {  	v21 =	vld [tilespmem:$0x1FE70];
	v33 =	vand.u32 $0xFFFF0000, v51;
	v36 =	vshll.u32 v58, $0x10;
	v38 =	vand.u32 $0xFFFF0000, v58  }
0x2d7: {  	v46 =	vshll.u32 v59, $0x10;
	v49 =	vand.u32 $0xFFFF0000, v59;
	v17 =	vmul.f32 v31, v34  }
0x2d8: {  	v59 =	vimm.s32 $0x5;
	v19 =	vmul.f32 v33, v35;
	v20 =	vmul.f32 v36, v37  }
0x2d9: {  	v28 =	vld [tilespmem:$0x1FE80];
	v62 =	vshll.u32 v61, $0x10;
	v22 =	vmul.f32 v38, v39;
	v23 =	vmul.f32 v46, v42  }
0x2da: {  	v11 =	vand.u32 $0xFFFF0000, v61;
	v25 =	vmul.f32 v49, v47;
	v34 =	vperm.xlane v44, v63  }
0x2db: {  	v18 =	vshll.u32 v21, $0x10;
	v35 =	vperm.xlane v44, v54;
	v37 =	vperm.xlane v44, v40  }
0x2dc: {  	v41 =	vld [tilespmem:s7+$0xFFFFFEB0];
	v21 =	vand.u32 $0xFFFF0000, v21;
	v39 =	vperm.xlane v44, v56;
	v42 =	vperm.xlane v43, v63  }
0x2dd: {  	v47 =	vperm.xlane v43, v54;
	v54 =	vimm.s32 $0x8;
	v63 =	vperm.xlane v43, v56  }
0x2de: {  	v56 =	vimm.s32 $0xD;
	v24 =	vshll.u32 v28, $0x10;
	v26 =	vmul.f32 v62, v48  }
0x2df: {  	v28 =	vand.u32 $0xFFFF0000, v28;
	v11 =	vmul.f32 v11, v57;
	v48 =	vperm.xlane v43, v40  }
0x2e0: {  	v57 =	vimm.s32 $0x7;
	v13 =	vmul.f32 v18, v27;
	v18 =	vmul.f32 v21, v29  }
0x2e1: {  	v58 =	vld [tilespmem:$0x1FE90];
	v21 =	vand.u32 $0xFFFF0000, v41;
	v5 =	vadd.f32 v20, v5;
	v8 =	vadd.f32 v22, v8  }
0x2e2: {  	v27 =	vperm.xlane v45, v52;
	v15 =	vadd.f32 v17, v16;
	v14 =	vadd.f32 v19, v14  }
0x2e3: {  	v61 =	vld [tilespmem:$0x1FEA0];
	v12 =	vmul.f32 v28, v32;
	v1 =	vadd.f32 v23, v1;
	v9 =	vadd.f32 v25, v9  }
0x2e4: {  	v51 =	vld [tilespmem:$0x1FEE0];
	v17 =	vshll.u32 v41, $0x10;
	v32 =	vperm.xlane v45, v56;
	v0 =	vadd.f32 v26, v0  }
0x2e5: {  	v62 =	vld [tilespmem:$0x1FEB0];
	v3 =	vadd.f32 v11, v3;
	v11 =	vmul.f32 v24, v30;
	v13 =	vadd.f32 v13, v4  }
0x2e6: {  	v40 =	vld [tilespmem:$0x1FEC0];
	v18 =	vadd.f32 v18, v6;
	v31 =	vshll.u32 v58, $0x10;
	v33 =	vand.u32 $0xFFFF0000, v58  }
0x2e7: {  	v58 =	vimm.s32 $0x6;
	v7 =	vadd.f32 v12, v7;
	v12 =	vmul.f32 v17, v27  }
0x2e8: {  	v36 =	vshll.u32 v61, $0x10;
	v38 =	vand.u32 $0xFFFF0000, v61;
	v16 =	vmul.f32 v31, v34  }
0x2e9: {  	v28 =	vld [tilespmem:$0x1FED0];
	v19 =	vmul.f32 v33, v35;
	v31 =	vshll.u32 v51, $0x10;
	v33 =	vand.u32 $0xFFFF0000, v51  }
0x2ea: {  	v34 =	vperm.xlane v44, v52;
	v2 =	vadd.f32 v11, v2;
	v46 =	vshll.u32 v62, $0x10  }
0x2eb: {  	v49 =	vand.u32 $0xFFFF0000, v62;
	v50 =	vshll.u32 v40, $0x10;
	v62 =	vimm.s32 $0x9  }
0x2ec: {  	v61 =	vld [tilespmem:$0x1FEF0];
	v10 =	vand.u32 $0xFFFF0000, v40;
	v20 =	vmul.f32 v36, v37;
	v22 =	vmul.f32 v38, v39  }
0x2ed: {  	v39 =	vperm.xlane v44, v56;
	v56 =	vimm.s32 $0xA;
	v40 =	vperm.xlane v43, v52  }
0x2ee: {  	v23 =	vmul.f32 v46, v42;
	v24 =	vshll.u32 v28, $0x10;
	v25 =	vmul.f32 v49, v47  }
0x2ef: {  	v52 =	vld [tilespmem:$0x1FF20];
	v26 =	vmul.f32 v50, v48;
	v10 =	vmul.f32 v10, v63;
	v63 =	vimm.s32 $0xC  }
0x2f0: {  	v28 =	vand.u32 $0xFFFF0000, v28;
	v49 =	vimm.s32 $0xB;
	v46 =	vperm.xlane v43, v63;
	v63 =	vld [tilespmem:$0x1FF10]  }
0x2f1: {  	v50 =	vimm.s32 $0xC;
	v36 =	vshll.u32 v61, $0x10;
	v38 =	vand.u32 $0xFFFF0000, v61;
	v61 =	vld [tilespmem:$0x1FF00]  }
0x2f2: {  	v42 =	vimm.s32 $0xB;
	v15 =	vadd.f32 v16, v15;
	v16 =	vmul.f32 v31, v34  }
0x2f3: {  	v14 =	vadd.f32 v19, v14;
	v29 =	vperm.xlane v45, v49;
	v30 =	vperm.xlane v45, v50  }
0x2f4: {  	v35 =	vperm.xlane v44, v49;
	v37 =	vperm.xlane v44, v50;
	v5 =	vadd.f32 v20, v5;
	v20 =	vld [tilespmem:$0x1FF80]  }
0x2f5: {  	v49 =	vimm.s32 $0xD;
	v42 =	vperm.xlane v43, v42;
	v47 =	vmul.f32 v52, v63;
	v63 =	vld [tilespmem:$0x1FF40]  }
0x2f6: {  	v17 =	vadd.f32 v22, v8;
	v41 =	vshll.u32 v61, $0x10;
	v48 =	vand.u32 $0xFFFF0000, v61;
	v61 =	vld [tilespmem:$0x1FF30]  }
0x2f7: {  	v4 =	vmul.f32 v28, v32;
	v49 =	vperm.xlane v43, v49;
	v0 =	vadd.f32 v26, v0  }
0x2f8: {  	v10 =	vadd.f32 v10, v3;
	v1 =	vadd.f32 v23, v1;
	v23 =	vld [tilespmem:$0x1FFD0];
	v27 =	vmul.f32 v21, v29  }
0x2f9: {  	v9 =	vadd.f32 v25, v9;
	v3 =	vmul.f32 v24, v30;
	v19 =	vmul.f32 v33, v35;
	v21 =	vld [tilespmem:$0x1FF90]  }
0x2fa: {  	v7 =	vadd.f32 v4, v7;
	v8 =	vmul.f32 v36, v37;
	v6 =	vshll.u32 v20, $0x10  }
0x2fb: {  	v24 =	vand.u32 $0xFFFF0000, v20;
	v20 =	vimm.s32 $0xE;
	v50 =	vmul.f32 v63, v61;
	v63 =	vld [tilespmem:$0x1FF50]  }
0x2fc: {  	v25 =	vmul.f32 v38, v39;
	v2 =	vadd.f32 v3, v2;
	v28 =	vperm.xlane v45, v20;
	v20 =	vld [tilespmem:$0x1FFA0]  }
0x2fd: {  	v8 =	vadd.f32 v8, v5;
	v38 =	vshll.u32 v23, $0x10;
	v23 =	vand.u32 $0xFFFF0000, v23  }
0x2fe: {  	v52 =	vld [tilespmem:$0x1FF60];
	v30 =	vshll.u32 v21, $0x10;
	v29 =	vmul.f32 v41, v40;
	v35 =	vmul.f32 v48, v42  }
0x2ff: {  	v37 =	vand.u32 $0xFFFF0000, v21;
	v40 =	vperm.xlane v47, v53;
	v42 =	vperm.xlane v47, v55;
	v61 =	vld [tilespmem:$0x1FF70]  }
0x300: {  	v3 =	vmul.f32 v6, v28;
	v6 =	vadd.f32 v25, v17;
	v51 =	vshll.u32 v63, $0x10  }
0x301: {  	v41 =	vshll.u32 v20, $0x10;
	v26 =	vmul.f32 v51, v46;
	v51 =	vimm.s32 $0xF  }
0x302: {  	v39 =	vperm.xlane v45, v51;
	v45 =	vand.u32 $0xFFFF0000, v20;
	v20 =	vimm.s32 $0xE  }
0x303: {  	v28 =	vadd.f32 v12, v13;
	v37 =	vmul.f32 v37, v42;
	v46 =	vperm.xlane v44, v20;
	v20 =	vld [tilespmem:$0x1FFB0]  }
0x304: {  	v25 =	vadd.f32 v19, v14;
	v33 =	vperm.xlane v50, v55;
	v52 =	vmul.f32 v61, v52  }
0x305: {  	v11 =	vand.u32 $0xFFFF0000, v63;
	v63 =	vperm.xlane v50, v53;
	v50 =	vimm.s32 $0xE  }
0x306: {  	v29 =	vadd.f32 v29, v1;
	v11 =	vmul.f32 v11, v49;
	v31 =	vperm.xlane v43, v50  }
0x307: {  	s25 =	sadd.s32 $0x4, s25;
	v49 =	vimm.s32 $0x1;
	v21 =	vperm.xlane v43, v51;
	v43 =	vimm.s32 $0x0  }
0x308: {  	p1 =	slt.u32 s25, $0x3C;
	v36 =	vperm.xlane v52, v53;
	v61 =	vshll.u32 v20, $0x10;
	v32 =	vand.u32 $0xFFFF0000, v20;
	v20 =	vld [tilespmem:$0x1FFC0]  }
.Ltmp1:
0x309: {  	v22 =	vperm.xlane v52, v55;
	v44 =	vperm.xlane v44, v51;
	v4 =	vadd.f32 v26, v0;
	(pc) =	sbr.rel @p1 .LBB2_5-.Ltmp1, $4  }
0x30a: {  	v0 =	vadd.f32 v11, v10;
	v26 =	vadd.f32 v27, v18;
	v10 =	vmul.f32 v30, v40  }
0x30b: {  	v27 =	vadd.f32 v16, v15;
	v5 =	vmul.f32 v24, v39;
	v24 =	vadd.f32 v35, v9  }
0x30c: {  	v16 =	vld [tilespmem:$0x1FFE0];
	v30 =	vmul.f32 v41, v46;
	v19 =	vadd.f32 v10, v2;
	v35 =	vmul.f32 v45, v44  }
0x30d: {  	s7 =	sadd.s32 $0x440, s7;
	v15 =	vld [tilespmem:$0x1FFF0];
	v39 =	vmul.f32 v61, v63;
	v34 =	vshll.u32 v20, $0x10;
	v20 =	vand.u32 $0xFFFF0000, v20  }
0x30e: {  	v1 =	vadd.f32 v37, v7;
	v2 =	vmul.f32 v32, v33  }
0x30f: {  	v3 =	vadd.f32 v3, v28;
	v5 =	vadd.f32 v5, v26;
	v9 =	vmul.f32 v34, v31  }
0x310: {  	v10 =	vmul.f32 v20, v21;
	v7 =	vadd.f32 v39, v8;
	v2 =	vadd.f32 v2, v6  }
0x311: {  	v8 =	vmul.f32 v38, v36;
	v9 =	vadd.f32 v9, v29;
	v1 =	vadd.f32 v1, v19  }
0x312: {  	v6 =	vmul.f32 v23, v22;
	v10 =	vadd.f32 v10, v24;
	v3 =	vadd.f32 v5, v3  }
0x313: {  	v4 =	vadd.f32 v8, v4;
	v8 =	vadd.f32 v30, v27  }
0x314: {  	v0 =	vadd.f32 v6, v0;
	v6 =	vadd.f32 v35, v25  }
0x315: {  	v2 =	vadd.f32 v2, v7;
	v5 =	vadd.f32 v15, v16  }
0x316: {  	v0 =	vadd.f32 v0, v4;
	v4 =	vadd.f32 v6, v8  }
0x317: {  	p1 =	seq.s32 s17, $0x29;
	v1 =	vadd.f32 v1, v3;
	v6 =	vadd.f32 v10, v9  }
0x318: {  	s7 =	sshll.u32 @!p1 s17, $0x7;
	[tilespmem:s21+$0x0] =	vst v5;
	v2 =	vadd.f32 v2, v4  }
0x319: {  	s19 =	sshll.u32 s17, $0x7;
	s20 =	sadd.s32 @!p1 $0x80, s7;
	[tilespmem:s22+$0xFFFFFFC0] =	vst v1;
	v0 =	vadd.f32 v0, v6  }
0x31a: {  	s19 =	sand.u32 $0x3FFFFF80, s19;
	s21 =	sadd.s32 @!p1 s10, s20;
	[tilespmem:s22+$0xFFFFFFE0] =	vst v2  }
0x31b: {  	s19 =	sadd.s32 $0x1500, s19;
	s21 =	smul.u32 @!p1 $0x6, s21;
	[tilespmem:s22+$0x0] =	vst v0  }
0x31c: {  	[spmem:s2] =	stream.indirect.scatter.add.f32 [tilespmem:s8], [sflag:$0x7], $0x20, s19, s29, $0xb8;
	[tilespmem:$0x14A00] =	vst v63  }
0x31d: {  	s22 =	simm.s32 @!p1 $0x2A00;
	s19 =	sadd.s32 @!p1 s4, s21;
	s21 =	simm.s32 @!p1 $0x0  }
0x31e: {  	[tilespmem:s22], [sflag:$0x1] =	stream.linear.gather @!p1 [hbm4b:s19+s21], $0xC00, $0x38;
	[tilespmem:$0x14A00] =	vst v63  }
0x31f: {  	s7 =	sadd.s32 @!p1 $0x1580, s7;
	s19 =	simm.s32 @!p1 $0x40;
	s21 =	simm.s32 @!p1 $0x4200  }
0x320: {  	[tilespmem:s21], [sflag:$0x3] =	stream.indirect.gather @!p1 [hbm4b:s5+s19], $0x30, s7, s19, $0xb8;
	[tilespmem:$0x14A00] =	vst v63  }
0x321: {  	s7 =	simm.s32 @!p1 $0x5A00  }
0x322: {  	[tilespmem:s7], [sflag:$0x5] =	stream.indirect.gather @!p1 [hbm4b:s6+s19], $0x110, s20, s19, $0xb8;
	[tilespmem:$0x14A00] =	vst v63  }
0x323: {  	_ =	swait.ge [sflag:s9], $0xC00  }
0x324: {  	[sflag:s9] =	ssyncset.done $0x0  }
0x325: {  	[sflag:s9] =	ssyncadd.s32 $0xFFFFF400  }
0x326: {  	_ =	swait.ge [sflag:s11], $0xC00  }
0x327: {  	[sflag:s11] =	ssyncset.done $0x0  }
0x328: {  	[sflag:s11] =	ssyncadd.s32 $0xFFFFF400  }
0x329: {  	_ =	swait.ge [sflag:s12], $0x4400  }
0x32a: {  	[sflag:s12] =	ssyncset.done $0x0  }
0x32b: {  	s7 =	simm.s32 @!p0 $0x8;
	[sflag:s12] =	ssyncadd.s32 $0xFFFFBC00  }
0x32c: {  	_ =	swait.ge @!p0 [sflag:s7], $0x800  }
0x32d: {  	[sflag:s7] =	ssyncset.done @!p0 $0x0  }
0x32e: {  	s21 =	simm.s32 $0x3660;
	[sflag:s7] =	ssyncadd.s32 @!p0 $0xFFFFF800  }
0x32f: {  	s22 =	simm.s32 $0x4E60;
	v1 =	vld [tilespmem:s21+$0x50]  }
0x330: {  	v2 =	vld [tilespmem:s22+$0x50]  }
0x331: {  	v3 =	vld [tilespmem:s21+$0x40]  }
0x332: {  	v4 =	vld [tilespmem:s22+$0x40]  }
0x333: {  	v5 =	vld [tilespmem:s21+$0x30]  }
0x334: {  	v6 =	vld [tilespmem:s22+$0x30]  }
0x335: {  	s25 =	simm.s32 $0xA020;
	v57 =	vimm.s32 $0x0;
	v53 =	vimm.s32 $0xA;
	v56 =	vimm.s32 $0x1  }
0x336: {  	v61 =	vimm.s32 $0xB;
	v47 =	vimm.s32 $0xC;
	v63 =	vimm.s32 $0x6;
	v0 =	vld [tilespmem:s25+$0x200]  }
0x337: {  	v48 =	vimm.s32 $0xD;
	v54 =	vimm.s32 $0x7;
	v55 =	vimm.s32 $0x8  }
0x338: {  	v59 =	vimm.s32 $0x2;
	v46 =	vimm.s32 $0x9;
	v7 =	vld [tilespmem:s25+$0x210];
	v9 =	vmul.f32 v4, v3  }
0x339: {  	v52 =	vimm.s32 $0x3;
	v1 =	vmul.f32 v2, v1;
	v2 =	vmul.f32 v6, v5  }
0x33a: {  	v49 =	vimm.s32 $0x4;
	v13 =	vperm.xlane v9, v50;
	v14 =	vperm.xlane v9, v51  }
0x33b: {  	v8 =	vld [tilespmem:s25+$0x1E0];
	v10 =	vshll.u32 v0, $0x10;
	v3 =	vperm.xlane v1, v57;
	v15 =	vperm.xlane v9, v53  }
0x33c: {  	v12 =	vand.u32 $0xFFFF0000, v0;
	v4 =	vperm.xlane v1, v56;
	v1 =	vperm.xlane v9, v61  }
0x33d: {  	v11 =	vld [tilespmem:s25+$0x1F0];
	v0 =	vshll.u32 v7, $0x10;
	v6 =	vperm.xlane v9, v47;
	v18 =	vperm.xlane v9, v63  }
0x33e: {  	v5 =	vand.u32 $0xFFFF0000, v7;
	v7 =	vperm.xlane v9, v48;
	v20 =	vperm.xlane v9, v54  }
0x33f: {  	v62 =	vimm.s32 $0x5;
	v16 =	vld [tilespmem:s25+$0x1C0];
	v22 =	vperm.xlane v9, v55;
	v23 =	vperm.xlane v9, v59  }
0x340: {  	v17 =	vshll.u32 v8, $0x10;
	v25 =	vperm.xlane v9, v46;
	v26 =	vperm.xlane v9, v52  }
0x341: {  	v19 =	vld [tilespmem:s25+$0x1D0];
	v8 =	vand.u32 $0xFFFF0000, v8;
	v28 =	vperm.xlane v9, v49;
	v29 =	vperm.xlane v2, v50  }
0x342: {  	v24 =	vld [tilespmem:s25+$0x1A0];
	v21 =	vshll.u32 v11, $0x10;
	v31 =	vperm.xlane v9, v62;
	v32 =	vperm.xlane v2, v51  }
0x343: {  	v11 =	vand.u32 $0xFFFF0000, v11;
	v34 =	vperm.xlane v9, v57;
	v35 =	vperm.xlane v2, v53  }
0x344: {  	v30 =	vld [tilespmem:s25+$0x1B0];
	v27 =	vshll.u32 v16, $0x10;
	v9 =	vperm.xlane v9, v56;
	v37 =	vperm.xlane v2, v61  }
0x345: {  	v16 =	vand.u32 $0xFFFF0000, v16;
	v45 =	vperm.xlane v2, v63;
	v40 =	vperm.xlane v2, v54  }
0x346: {  	v58 =	vld [tilespmem:s25+$0x180];
	v33 =	vshll.u32 v19, $0x10;
	v42 =	vperm.xlane v2, v55;
	v43 =	vperm.xlane v2, v59  }
0x347: {  	v60 =	vshll.u32 v24, $0x10;
	v10 =	vmul.f32 v10, v13;
	v15 =	vmul.f32 v17, v15  }
0x348: {  	v41 =	vld [tilespmem:s25+$0x160];
	v24 =	vand.u32 $0xFFFF0000, v24;
	v12 =	vmul.f32 v12, v14;
	v14 =	vmul.f32 v27, v18  }
0x349: {  	v13 =	vshll.u32 v30, $0x10;
	v27 =	vperm.xlane v2, v52;
	v1 =	vmul.f32 v8, v1  }
0x34a: {  	v17 =	vand.u32 $0xFFFF0000, v30;
	v30 =	vld [tilespmem:s25+$0x140];
	v23 =	vmul.f32 v60, v23;
	v16 =	vmul.f32 v16, v20  }
0x34b: {  	v36 =	vand.u32 $0xFFFF0000, v58;
	v8 =	vld [tilespmem:s25+$0x120];
	v24 =	vmul.f32 v24, v26;
	v26 =	vperm.xlane v2, v56  }
0x34c: {  	v18 =	vshll.u32 v58, $0x10;
	v58 =	vld [tilespmem:s25+$0x110];
	v32 =	vmul.f32 v36, v32;
	v22 =	vmul.f32 v33, v22  }
0x34d: {  	v20 =	vshll.u32 v41, $0x10;
	v6 =	vmul.f32 v21, v6;
	v7 =	vmul.f32 v11, v7  }
0x34e: {  	v41 =	vand.u32 $0xFFFF0000, v41;
	v36 =	vld [tilespmem:s25+$0x130];
	v18 =	vmul.f32 v18, v29;
	v29 =	vperm.xlane v2, v57  }
0x34f: {  	v19 =	vand.u32 $0xFFFF0000, v19;
	v20 =	vmul.f32 v20, v35;
	v37 =	vmul.f32 v41, v37;
	v41 =	vld [tilespmem:s25+$0x150]  }
0x350: {  	v60 =	vshll.u32 v30, $0x10;
	v44 =	vshll.u32 v8, $0x10;
	v30 =	vand.u32 $0xFFFF0000, v30  }
0x351: {  	v38 =	vand.u32 $0xFFFF0000, v58;
	v35 =	vmul.f32 v60, v45;
	v39 =	vmul.f32 v44, v43  }
0x352: {  	v45 =	vshll.u32 v58, $0x10;
	v30 =	vmul.f32 v30, v40;
	v58 =	vperm.xlane v2, v49  }
0x353: {  	v8 =	vand.u32 $0xFFFF0000, v8;
	v26 =	vmul.f32 v38, v26;
	v60 =	vperm.xlane v2, v62  }
0x354: {  	v8 =	vmul.f32 v8, v27;
	v27 =	vshll.u32 v36, $0x10;
	v44 =	vshll.u32 v41, $0x10  }
0x355: {  	v40 =	vld [tilespmem:s25+$0x190];
	v36 =	vand.u32 $0xFFFF0000, v36;
	v29 =	vmul.f32 v45, v29;
	v38 =	vmul.f32 v44, v42  }
0x356: {  	v43 =	vld [tilespmem:s25+$0x170];
	v41 =	vand.u32 $0xFFFF0000, v41;
	v45 =	vperm.xlane v2, v47;
	v27 =	vmul.f32 v27, v58  }
0x357: {  	v36 =	vmul.f32 v36, v60;
	v26 =	vadd.f32 $0.0e+00, v26;
	v39 =	vadd.f32 $0.0e+00, v39  }
0x358: {  	v58 =	vperm.xlane v2, v46;
	v8 =	vadd.f32 $0.0e+00, v8;
	v29 =	vadd.f32 $0.0e+00, v29  }
0x359: {  	v2 =	vperm.xlane v2, v48;
	v26 =	vadd.f32 v36, v26;
	v35 =	vadd.f32 v35, v39  }
0x35a: {  	v36 =	vmul.f32 v41, v58;
	v8 =	vadd.f32 v30, v8;
	v27 =	vadd.f32 v27, v29  }
0x35b: {  	v29 =	vshll.u32 v40, $0x10;
	v60 =	vshll.u32 v43, $0x10;
	v43 =	vand.u32 $0xFFFF0000, v43  }
0x35c: {  	v40 =	vand.u32 $0xFFFF0000, v40;
	v26 =	vadd.f32 v36, v26;
	v2 =	vmul.f32 v43, v2  }
0x35d: {  	v30 =	vmul.f32 v60, v45;
	v20 =	vadd.f32 v20, v35;
	v8 =	vadd.f32 v37, v8  }
0x35e: {  	v9 =	vmul.f32 v40, v9;
	v36 =	vld [tilespmem:s25+$0xFFFFFDF0];
	v27 =	vadd.f32 v38, v27;
	v2 =	vadd.f32 v2, v26  }
0x35f: {  	v29 =	vmul.f32 v29, v34;
	v40 =	vld [tilespmem:s25+$0x10];
	v18 =	vadd.f32 v18, v20;
	v8 =	vadd.f32 v32, v8  }
0x360: {  	v27 =	vadd.f32 v30, v27;
	v30 =	vld [tilespmem:s22+$0xFFFFFFA0];
	v2 =	vadd.f32 v9, v2;
	v9 =	vmul.f32 v17, v31  }
0x361: {  	v13 =	vmul.f32 v13, v28;
	v17 =	vadd.f32 v23, v18;
	v18 =	vld [tilespmem:s21+$0xFFFFFFA0];
	v8 =	vadd.f32 v24, v8  }
0x362: {  	v20 =	vld [tilespmem:s21+$0xFFFFFFD0];
	v26 =	vadd.f32 v29, v27;
	v2 =	vadd.f32 v9, v2;
	v9 =	vmul.f32 v19, v25  }
0x363: {  	v0 =	vmul.f32 v0, v3;
	v27 =	vld [tilespmem:s22+$0xFFFFFFD0];
	v14 =	vadd.f32 v14, v17;
	v8 =	vadd.f32 v16, v8  }
0x364: {  	v5 =	vmul.f32 v5, v4;
	v13 =	vadd.f32 v13, v26;
	v2 =	vadd.f32 v9, v2  }
0x365: {  	v42 =	vshll.u32 v40, $0x10;
	v16 =	vld [tilespmem:s25+$0xFFFFFDE0];
	v9 =	vadd.f32 v15, v14;
	v1 =	vadd.f32 v1, v8  }
0x366: {  	v13 =	vadd.f32 v22, v13;
	v4 =	vmul.f32 v30, v18;
	v2 =	vadd.f32 v7, v2  }
0x367: {  	v14 =	vand.u32 $0xFFFF0000, v40;
	v8 =	vadd.f32 v10, v9;
	v1 =	vadd.f32 v12, v1  }
0x368: {  	v23 =	vld [tilespmem:s21+$0x0];
	v3 =	vmul.f32 v27, v20;
	v12 =	vand.u32 $0xFFFF0000, v36;
	v11 =	vperm.xlane v4, v56  }
0x369: {  	v17 =	vld [tilespmem:s22+$0x0];
	v6 =	vadd.f32 v6, v13;
	v39 =	vperm.xlane v4, v59;
	v20 =	vperm.xlane v4, v49  }
0x36a: {  	v45 =	vld [tilespmem:s25+$0xFFFFFF20];
	v10 =	vshll.u32 v16, $0x10;
	v21 =	vperm.xlane v4, v62;
	v32 =	vperm.xlane v4, v54  }
0x36b: {  	v18 =	vld [tilespmem:s25+$0x20];
	v33 =	vperm.xlane v4, v55;
	v34 =	vperm.xlane v4, v46;
	v2 =	vadd.f32 v5, v2  }
0x36c: {  	v5 =	vperm.xlane v4, v57;
	v1 =	vadd.f32 v1, v8;
	v37 =	vperm.xlane v3, v56  }
0x36d: {  	v8 =	vand.u32 $0xFFFF0000, v16;
	v24 =	vperm.xlane v3, v52;
	v25 =	vperm.xlane v3, v49  }
0x36e: {  	v9 =	vld [tilespmem:s25+$0x0];
	v26 =	vperm.xlane v3, v62;
	v6 =	vadd.f32 v0, v6;
	v0 =	vmul.f32 v17, v23  }
0x36f: {  	v13 =	vand.u32 $0xFFFF0000, v45;
	v8 =	vmul.f32 v8, v11;
	v23 =	vperm.xlane v3, v59  }
0x370: {  	v5 =	vmul.f32 v10, v5;
	v10 =	vshll.u32 v36, $0x10;
	v43 =	vshll.u32 v18, $0x10  }
0x371: {  	v36 =	vperm.xlane v3, v63;
	v2 =	vadd.f32 v2, v6;
	v6 =	vperm.xlane v3, v57  }
0x372: {  	v7 =	vld [tilespmem:s25+$0xFFFFFEF0];
	v18 =	vand.u32 $0xFFFF0000, v18;
	v38 =	vperm.xlane v0, v57;
	v16 =	vperm.xlane v0, v56  }
0x373: {  	v17 =	vshll.u32 v9, $0x10;
	v28 =	vperm.xlane v0, v59;
	v29 =	vperm.xlane v0, v52  }
0x374: {  	v15 =	vld [tilespmem:s25+$0xFFFFFE00];
	v9 =	vand.u32 $0xFFFF0000, v9;
	v31 =	vperm.xlane v0, v49;
	v41 =	vperm.xlane v0, v62  }
0x375: {  	v8 =	vadd.f32 $0.0e+00, v8;
	v10 =	vmul.f32 v10, v39;
	v39 =	vperm.xlane v3, v46  }
0x376: {  	v58 =	vperm.xlane v0, v63;
	v60 =	vperm.xlane v0, v54;
	v5 =	vadd.f32 $0.0e+00, v5  }
0x377: {  	v19 =	vadd.f32 v2, v1;
	v1 =	vshll.u32 v7, $0x10;
	v11 =	vmul.f32 v17, v38  }
0x378: {  	v7 =	vand.u32 $0xFFFF0000, v7;
	v9 =	vmul.f32 v9, v16;
	v16 =	vperm.xlane v4, v52  }
0x379: {  	v17 =	vshll.u32 v15, $0x10;
	v14 =	vmul.f32 v14, v29;
	v18 =	vmul.f32 v18, v41  }
0x37a: {  	v30 =	vld [tilespmem:s25+$0xFFFFFE10];
	v15 =	vand.u32 $0xFFFF0000, v15;
	v38 =	vperm.xlane v3, v55;
	v1 =	vmul.f32 v1, v6  }
0x37b: {  	v2 =	vld [tilespmem:s25+$0xFFFFFF00];
	v29 =	vshll.u32 v45, $0x10;
	v7 =	vmul.f32 v7, v37;
	v15 =	vmul.f32 v15, v21  }
0x37c: {  	v10 =	vadd.f32 $0.0e+00, v10;
	v6 =	vld [tilespmem:s25+$0xFFFFFF10];
	v37 =	vperm.xlane v3, v54;
	v29 =	vmul.f32 v29, v36  }
0x37d: {  	v12 =	vmul.f32 v12, v16;
	v11 =	vadd.f32 $0.0e+00, v11;
	v9 =	vadd.f32 $0.0e+00, v9  }
0x37e: {  	v16 =	vmul.f32 v17, v20;
	v14 =	vadd.f32 $0.0e+00, v14;
	v1 =	vadd.f32 $0.0e+00, v1  }
0x37f: {  	v44 =	vld [tilespmem:s25+$0xFFFFFE20];
	v17 =	vshll.u32 v30, $0x10;
	v7 =	vadd.f32 $0.0e+00, v7;
	v8 =	vadd.f32 v15, v8  }
0x380: {  	v21 =	vld [tilespmem:s25+$0xFFFFFF30];
	v13 =	vmul.f32 v13, v37;
	v5 =	vadd.f32 v16, v5;
	v9 =	vadd.f32 v18, v9  }
0x381: {  	v22 =	vshll.u32 v2, $0x10;
	v2 =	vand.u32 $0xFFFF0000, v2;
	v27 =	vshll.u32 v6, $0x10  }
0x382: {  	v6 =	vand.u32 $0xFFFF0000, v6;
	v20 =	vmul.f32 v22, v23;
	v2 =	vmul.f32 v2, v24  }
0x383: {  	v22 =	vand.u32 $0xFFFF0000, v30;
	v30 =	vperm.xlane v4, v63;
	v23 =	vmul.f32 v27, v25  }
0x384: {  	v24 =	vshll.u32 v44, $0x10;
	v6 =	vmul.f32 v6, v26;
	v25 =	vmul.f32 v42, v28  }
0x385: {  	v35 =	vshll.u32 v21, $0x10;
	v28 =	vmul.f32 v43, v31;
	v22 =	vmul.f32 v22, v32  }
0x386: {  	v36 =	vld [tilespmem:s21+$0x10];
	v21 =	vand.u32 $0xFFFF0000, v21;
	v24 =	vmul.f32 v24, v33;
	v35 =	vmul.f32 v35, v38  }
0x387: {  	v18 =	vld [tilespmem:s25+$0xFFFFFE40];
	v27 =	vand.u32 $0xFFFF0000, v44;
	v21 =	vmul.f32 v21, v39;
	v44 =	vperm.xlane v4, v47  }
0x388: {  	v16 =	vld [tilespmem:s21+$0xFFFFFFB0];
	v12 =	vadd.f32 $0.0e+00, v12;
	v42 =	vperm.xlane v3, v50;
	v15 =	vmul.f32 v17, v30  }
0x389: {  	v26 =	vld [tilespmem:s25+$0x30];
	v30 =	vperm.xlane v0, v55;
	v33 =	vadd.f32 $0.0e+00, v20;
	v2 =	vadd.f32 $0.0e+00, v2  }
0x38a: {  	v31 =	vld [tilespmem:s25+$0x40];
	v27 =	vmul.f32 v27, v34;
	v1 =	vadd.f32 v23, v1;
	v6 =	vadd.f32 v6, v7  }
0x38b: {  	v32 =	vld [tilespmem:s22+$0xFFFFFFE0];
	v23 =	vperm.xlane v0, v46;
	v11 =	vadd.f32 v28, v11;
	v25 =	vadd.f32 $0.0e+00, v25  }
0x38c: {  	v38 =	vld [tilespmem:s22+$0x10];
	v41 =	vshll.u32 v18, $0x10;
	v5 =	vadd.f32 v24, v5;
	v12 =	vadd.f32 v22, v12  }
0x38d: {  	v17 =	vld [tilespmem:s22+$0xFFFFFFB0];
	v24 =	vperm.xlane v3, v61;
	v8 =	vadd.f32 v27, v8;
	v10 =	vadd.f32 v15, v10  }
0x38e: {  	v34 =	vld [tilespmem:s25+$0xFFFFFF40];
	v22 =	vperm.xlane v0, v47;
	v29 =	vadd.f32 v29, v33;
	v1 =	vadd.f32 v35, v1  }
0x38f: {  	v7 =	vld [tilespmem:s25+$0xFFFFFE30];
	v6 =	vadd.f32 v21, v6;
	v21 =	vperm.xlane v3, v48;
	v40 =	vshll.u32 v26, $0x10  }
0x390: {  	v28 =	vld [tilespmem:s21+$0xFFFFFFE0];
	v26 =	vand.u32 $0xFFFF0000, v26;
	v45 =	vshll.u32 v31, $0x10;
	v39 =	vmul.f32 v40, v58  }
0x391: {  	v31 =	vand.u32 $0xFFFF0000, v31;
	v26 =	vmul.f32 v26, v60;
	v30 =	vmul.f32 v45, v30  }
0x392: {  	v58 =	vperm.xlane v4, v53;
	v60 =	vand.u32 $0xFFFF0000, v18;
	v23 =	vmul.f32 v31, v23  }
0x393: {  	v31 =	vperm.xlane v4, v61;
	v45 =	vshll.u32 v34, $0x10;
	v20 =	vmul.f32 v17, v16  }
0x394: {  	v16 =	vperm.xlane v4, v48;
	v34 =	vand.u32 $0xFFFF0000, v34;
	v17 =	vmul.f32 v38, v36  }
0x395: {  	v15 =	vld [tilespmem:s25+$0xFFFFFE50];
	v37 =	vshll.u32 v7, $0x10;
	v18 =	vmul.f32 v32, v28;
	v32 =	vperm.xlane v3, v53  }
0x396: {  	v35 =	vld [tilespmem:s25+$0x60];
	v7 =	vand.u32 $0xFFFF0000, v7;
	v24 =	vmul.f32 v34, v24;
	v36 =	vmul.f32 v37, v58  }
0x397: {  	v2 =	vadd.f32 v13, v2;
	v37 =	vperm.xlane v3, v47;
	v7 =	vmul.f32 v7, v31  }
0x398: {  	v31 =	vperm.xlane v0, v53;
	v9 =	vadd.f32 v23, v9;
	v23 =	vperm.xlane v0, v61  }
0x399: {  	v11 =	vadd.f32 v30, v11;
	v16 =	vmul.f32 v60, v16;
	v60 =	vperm.xlane v0, v48  }
0x39a: {  	v40 =	vld [tilespmem:s25+$0xFFFFFF50];
	v25 =	vadd.f32 v39, v25;
	v14 =	vadd.f32 v26, v14;
	v26 =	vshll.u32 v15, $0x10  }
0x39b: {  	v28 =	vld [tilespmem:s25+$0x50];
	v15 =	vand.u32 $0xFFFF0000, v15;
	v3 =	vperm.xlane v3, v51;
	v43 =	vshll.u32 v35, $0x10  }
0x39c: {  	v35 =	vand.u32 $0xFFFF0000, v35;
	v13 =	vmul.f32 v45, v32;
	v2 =	vadd.f32 v24, v2  }
0x39d: {  	v22 =	vmul.f32 v43, v22;
	v35 =	vmul.f32 v35, v60;
	v8 =	vadd.f32 v16, v8  }
0x39e: {  	v58 =	vld [tilespmem:s25+$0xFFFFFE60];
	v16 =	vperm.xlane v18, v57;
	v10 =	vadd.f32 v36, v10;
	v7 =	vadd.f32 v7, v12  }
0x39f: {  	v45 =	vld [tilespmem:s25+$0xFFFFFF70];
	v27 =	vshll.u32 v40, $0x10;
	v38 =	vand.u32 $0xFFFF0000, v40;
	v40 =	vmul.f32 v41, v44  }
0x3a0: {  	v41 =	vperm.xlane v20, v56;
	v30 =	vshll.u32 v28, $0x10;
	v27 =	vmul.f32 v27, v37  }
0x3a1: {  	v28 =	vand.u32 $0xFFFF0000, v28;
	v21 =	vmul.f32 v38, v21;
	v38 =	vperm.xlane v20, v57  }
0x3a2: {  	v13 =	vadd.f32 v13, v29;
	v30 =	vmul.f32 v30, v31;
	v23 =	vmul.f32 v28, v23  }
0x3a3: {  	v28 =	vshll.u32 v58, $0x10;
	v31 =	vperm.xlane v4, v50;
	v33 =	vand.u32 $0xFFFF0000, v58  }
0x3a4: {  	v4 =	vperm.xlane v4, v51;
	v5 =	vadd.f32 v40, v5;
	v40 =	vshll.u32 v45, $0x10  }
0x3a5: {  	v43 =	vld [tilespmem:s25+$0x80];
	v1 =	vadd.f32 v27, v1;
	v27 =	vperm.xlane v0, v50;
	v0 =	vperm.xlane v0, v51  }
0x3a6: {  	v34 =	vand.u32 $0xFFFF0000, v45;
	v45 =	vperm.xlane v17, v56;
	v28 =	vmul.f32 v28, v38  }
0x3a7: {  	v44 =	vld [tilespmem:s25+$0xFFFFFF60];
	v11 =	vadd.f32 v22, v11;
	v33 =	vmul.f32 v33, v41;
	v41 =	vperm.xlane v18, v52  }
0x3a8: {  	v9 =	vadd.f32 v35, v9;
	v26 =	vmul.f32 v26, v31;
	v31 =	vperm.xlane v18, v56  }
0x3a9: {  	v29 =	vld [tilespmem:s25+$0xFFFFFF80];
	v6 =	vadd.f32 v21, v6;
	v4 =	vmul.f32 v15, v4;
	v15 =	vperm.xlane v17, v57  }
0x3aa: {  	v60 =	vshll.u32 v43, $0x10;
	v43 =	vand.u32 $0xFFFF0000, v43;
	v25 =	vadd.f32 v30, v25  }
0x3ab: {  	v22 =	vld [tilespmem:s25+$0xFFFFFE70];
	v14 =	vadd.f32 v23, v14;
	v16 =	vmul.f32 v40, v16;
	v40 =	vperm.xlane v18, v59  }
0x3ac: {  	v39 =	vshll.u32 v44, $0x10;
	v32 =	vand.u32 $0xFFFF0000, v44;
	v5 =	vadd.f32 v28, v5  }
0x3ad: {  	v58 =	vld [tilespmem:s25+$0x70];
	v28 =	vperm.xlane v18, v49;
	v8 =	vadd.f32 v33, v8;
	v33 =	vperm.xlane v18, v62  }
0x3ae: {  	v38 =	vshll.u32 v29, $0x10;
	v24 =	vmul.f32 v39, v42;
	v3 =	vmul.f32 v32, v3  }
0x3af: {  	v29 =	vand.u32 $0xFFFF0000, v29;
	v30 =	vmul.f32 v34, v31;
	v15 =	vmul.f32 v60, v15  }
0x3b0: {  	v23 =	vshll.u32 v22, $0x10;
	v60 =	vperm.xlane v20, v59;
	v34 =	vmul.f32 v43, v45  }
0x3b1: {  	v22 =	vand.u32 $0xFFFF0000, v22;
	v45 =	vperm.xlane v20, v52;
	v39 =	vperm.xlane v20, v62  }
0x3b2: {  	v1 =	vadd.f32 v16, v1;
	v10 =	vadd.f32 v26, v10;
	v21 =	vshll.u32 v58, $0x10  }
0x3b3: {  	v26 =	vperm.xlane v17, v62;
	v37 =	vand.u32 $0xFFFF0000, v58;
	v21 =	vmul.f32 v21, v27  }
0x3b4: {  	v4 =	vadd.f32 v4, v7;
	v0 =	vmul.f32 v37, v0;
	v37 =	vperm.xlane v20, v49  }
0x3b5: {  	v23 =	vmul.f32 v23, v60;
	v60 =	vperm.xlane v17, v59;
	v6 =	vadd.f32 v30, v6  }
0x3b6: {  	v31 =	vld [tilespmem:s25+$0xFFFFFF90];
	v30 =	vperm.xlane v17, v52;
	v22 =	vmul.f32 v22, v45;
	v11 =	vadd.f32 v15, v11  }
0x3b7: {  	v7 =	vld [tilespmem:s25+$0xFFFFFEA0];
	v45 =	vperm.xlane v17, v49;
	v9 =	vadd.f32 v34, v9;
	v13 =	vadd.f32 v24, v13  }
0x3b8: {  	v58 =	vld [tilespmem:s25+$0xFFFFFE80];
	v2 =	vadd.f32 v3, v2;
	v3 =	vmul.f32 v38, v40;
	v34 =	vperm.xlane v20, v63  }
0x3b9: {  	v40 =	vperm.xlane v18, v63;
	v21 =	vadd.f32 v21, v25;
	v0 =	vadd.f32 v0, v14  }
0x3ba: {  	v14 =	vmul.f32 v29, v41;
	v41 =	vperm.xlane v18, v54;
	v10 =	vadd.f32 v23, v10  }
0x3bb: {  	v15 =	vld [tilespmem:s25+$0xFFFFFE90];
	v23 =	vperm.xlane v17, v55;
	v4 =	vadd.f32 v22, v4;
	v3 =	vadd.f32 v3, v13  }
0x3bc: {  	v24 =	vld [tilespmem:s25+$0xFFFFFFA0];
	v43 =	vshll.u32 v31, $0x10;
	v31 =	vand.u32 $0xFFFF0000, v31;
	v32 =	vshll.u32 v7, $0x10  }
0x3bd: {  	v44 =	vld [tilespmem:s25+$0xFFFFFEC0];
	v7 =	vand.u32 $0xFFFF0000, v7;
	v27 =	vshll.u32 v58, $0x10;
	v28 =	vmul.f32 v43, v28  }
0x3be: {  	v22 =	vld [tilespmem:s21+$0xFFFFFFF0];
	v12 =	vand.u32 $0xFFFF0000, v58;
	v29 =	vmul.f32 v31, v33;
	v43 =	vperm.xlane v18, v55  }
0x3bf: {  	v13 =	vld [tilespmem:s22+$0xFFFFFFF0];
	v2 =	vadd.f32 v14, v2;
	v14 =	vperm.xlane v20, v61;
	v27 =	vmul.f32 v27, v37  }
0x3c0: {  	v58 =	vld [tilespmem:s25+$0x90];
	v12 =	vmul.f32 v12, v39;
	v25 =	vshll.u32 v15, $0x10;
	v15 =	vand.u32 $0xFFFF0000, v15  }
0x3c1: {  	v42 =	vld [tilespmem:s25+$0xA0];
	v38 =	vshll.u32 v24, $0x10;
	v24 =	vand.u32 $0xFFFF0000, v24;
	v39 =	vperm.xlane v18, v47  }
0x3c2: {  	v37 =	vand.u32 $0xFFFF0000, v44;
	v25 =	vmul.f32 v25, v34;
	v34 =	vperm.xlane v17, v63  }
0x3c3: {  	v1 =	vadd.f32 v28, v1;
	v6 =	vadd.f32 v29, v6;
	v38 =	vmul.f32 v38, v40  }
0x3c4: {  	v31 =	vld [tilespmem:s25+$0xFFFFFFB0];
	v5 =	vadd.f32 v27, v5;
	v27 =	vperm.xlane v18, v46;
	v13 =	vmul.f32 v13, v22  }
0x3c5: {  	v35 =	vld [tilespmem:s22+$0xFFFFFFC0];
	v10 =	vadd.f32 v25, v10;
	v25 =	vperm.xlane v17, v61;
	v16 =	vshll.u32 v58, $0x10  }
0x3c6: {  	v28 =	vld [tilespmem:s21+$0xFFFFFFC0];
	v36 =	vand.u32 $0xFFFF0000, v58;
	v58 =	vshll.u32 v42, $0x10;
	v16 =	vmul.f32 v16, v60  }
0x3c7: {  	v42 =	vand.u32 $0xFFFF0000, v42;
	v30 =	vmul.f32 v36, v30;
	v33 =	vmul.f32 v58, v45  }
0x3c8: {  	v8 =	vadd.f32 v12, v8;
	v12 =	vld [tilespmem:s25+$0xC0];
	v26 =	vmul.f32 v42, v26;
	v60 =	vperm.xlane v20, v54  }
0x3c9: {  	v45 =	vperm.xlane v20, v55;
	v42 =	vshll.u32 v31, $0x10;
	v31 =	vand.u32 $0xFFFF0000, v31  }
0x3ca: {  	v40 =	vld [tilespmem:s25+$0xFFFFFFC0];
	v3 =	vadd.f32 v38, v3;
	v58 =	vperm.xlane v20, v46;
	v27 =	vmul.f32 v31, v27  }
0x3cb: {  	v28 =	vmul.f32 v35, v28;
	v15 =	vmul.f32 v15, v60;
	v11 =	vadd.f32 v33, v11  }
0x3cc: {  	v60 =	vperm.xlane v17, v54;
	v9 =	vadd.f32 v26, v9;
	v32 =	vmul.f32 v32, v45  }
0x3cd: {  	v7 =	vmul.f32 v7, v58;
	v45 =	vshll.u32 v12, $0x10;
	v58 =	vperm.xlane v17, v46  }
0x3ce: {  	v12 =	vand.u32 $0xFFFF0000, v12;
	v16 =	vadd.f32 v16, v21;
	v0 =	vadd.f32 v30, v0  }
0x3cf: {  	v21 =	vmul.f32 v24, v41;
	v41 =	vmul.f32 v42, v43;
	v43 =	vshll.u32 v40, $0x10  }
0x3d0: {  	v36 =	vld [tilespmem:s25+$0xB0];
	v40 =	vand.u32 $0xFFFF0000, v40;
	v42 =	vperm.xlane v18, v50;
	v23 =	vmul.f32 v45, v23  }
0x3d1: {  	v22 =	vld [tilespmem:s25+$0xD0];
	v45 =	vperm.xlane v20, v47;
	v6 =	vadd.f32 v27, v6;
	v27 =	vperm.xlane v18, v48  }
0x3d2: {  	v31 =	vld [tilespmem:s22+$0x20];
	v12 =	vmul.f32 v12, v58;
	v58 =	vperm.xlane v20, v48;
	v5 =	vadd.f32 v32, v5  }
0x3d3: {  	v24 =	vld [tilespmem:s21+$0x20];
	v32 =	vperm.xlane v18, v61;
	v7 =	vadd.f32 v7, v8;
	v1 =	vadd.f32 v41, v1  }
0x3d4: {  	v26 =	vld [tilespmem:s25+$0xFFFFFEB0];
	v4 =	vadd.f32 v15, v4;
	v15 =	vperm.xlane v17, v47;
	v2 =	vadd.f32 v21, v2  }
0x3d5: {  	v29 =	vshll.u32 v36, $0x10;
	v36 =	vand.u32 $0xFFFF0000, v36;
	v11 =	vadd.f32 v23, v11  }
0x3d6: {  	v23 =	vshll.u32 v22, $0x10;
	v29 =	vmul.f32 v29, v34;
	v33 =	vmul.f32 v36, v60  }
0x3d7: {  	v22 =	vand.u32 $0xFFFF0000, v22;
	v60 =	vperm.xlane v20, v53;
	v35 =	vmul.f32 v37, v58  }
0x3d8: {  	v36 =	vshll.u32 v44, $0x10;
	v22 =	vmul.f32 v22, v25;
	v24 =	vmul.f32 v31, v24  }
0x3d9: {  	v30 =	vshll.u32 v26, $0x10;
	v31 =	vperm.xlane v18, v53;
	v36 =	vmul.f32 v36, v45  }
0x3da: {  	v26 =	vand.u32 $0xFFFF0000, v26;
	v45 =	vperm.xlane v17, v48;
	v18 =	vperm.xlane v18, v51  }
0x3db: {  	v34 =	vld [tilespmem:s25+$0xFFFFFFD0];
	v9 =	vadd.f32 v12, v9;
	v30 =	vmul.f32 v30, v60;
	v14 =	vmul.f32 v26, v14  }
0x3dc: {  	v12 =	vld [tilespmem:s25+$0xFFFFFED0];
	v26 =	vperm.xlane v17, v53;
	v16 =	vadd.f32 v29, v16;
	v0 =	vadd.f32 v33, v0  }
0x3dd: {  	v37 =	vld [tilespmem:s25+$0xFFFFFEE0];
	v29 =	vmul.f32 v40, v32;
	v7 =	vadd.f32 v35, v7;
	v21 =	vmul.f32 v43, v31  }
0x3de: {  	v5 =	vadd.f32 v36, v5;
	v23 =	vmul.f32 v23, v26;
	v26 =	vperm.xlane v20, v50  }
0x3df: {  	v20 =	vperm.xlane v20, v51;
	v10 =	vadd.f32 v30, v10;
	v4 =	vadd.f32 v14, v4  }
0x3e0: {  	v60 =	vld [tilespmem:s25+$0xE0];
	v2 =	vadd.f32 v29, v2;
	v0 =	vadd.f32 v22, v0;
	v8 =	vshll.u32 v34, $0x10  }
0x3e1: {  	v31 =	vld [tilespmem:s25+$0xFFFFFFE0];
	v34 =	vand.u32 $0xFFFF0000, v34;
	v32 =	vshll.u32 v12, $0x10;
	v12 =	vand.u32 $0xFFFF0000, v12  }
0x3e2: {  	v25 =	vshll.u32 v37, $0x10;
	v8 =	vmul.f32 v8, v39;
	v27 =	vmul.f32 v34, v27  }
0x3e3: {  	v37 =	vand.u32 $0xFFFF0000, v37;
	v39 =	vperm.xlane v28, v57;
	v28 =	vperm.xlane v28, v56  }
0x3e4: {  	v3 =	vadd.f32 v21, v3;
	v26 =	vmul.f32 v32, v26;
	v12 =	vmul.f32 v12, v20  }
0x3e5: {  	v16 =	vadd.f32 v23, v16;
	v58 =	vshll.u32 v60, $0x10;
	v41 =	vand.u32 $0xFFFF0000, v60  }
0x3e6: {  	v15 =	vmul.f32 v58, v15;
	v38 =	vmul.f32 v41, v45;
	v40 =	vshll.u32 v31, $0x10  }
0x3e7: {  	v60 =	vld [tilespmem:s25+$0xFFFFFFF0];
	v31 =	vand.u32 $0xFFFF0000, v31;
	v45 =	vperm.xlane v13, v57;
	v13 =	vperm.xlane v13, v56  }
0x3e8: {  	v34 =	vld [tilespmem:s25+$0xF0];
	v58 =	vperm.xlane v17, v50;
	v17 =	vperm.xlane v17, v51;
	v1 =	vadd.f32 v8, v1  }
0x3e9: {  	v41 =	vld [tilespmem:s25+$0x100];
	v8 =	vperm.xlane v24, v57;
	v6 =	vadd.f32 v27, v6;
	v39 =	vmul.f32 v25, v39  }
0x3ea: {  	s20 =	simm.s32 $0x4F20;
	v4 =	vadd.f32 v12, v4;
	v20 =	vmul.f32 v40, v42;
	v40 =	vmul.f32 v31, v18  }
0x3eb: {  	v44 =	vld [tilespmem:s20+$0x40];
	v11 =	vadd.f32 v15, v11;
	v15 =	vmul.f32 v37, v28;
	v5 =	vadd.f32 v39, v5  }
0x3ec: {  	v23 =	vld [tilespmem:s20+$0x50];
	s25 =	simm.s32 $0xA460;
	v3 =	vadd.f32 v20, v3;
	v2 =	vadd.f32 v40, v2;
	v43 =	vshll.u32 v60, $0x10  }
0x3ed: {  	s19 =	simm.s32 $0x3720;
	v12 =	vld [tilespmem:s25+$0x1D0];
	v33 =	vand.u32 $0xFFFF0000, v60;
	v60 =	vshll.u32 v34, $0x10;
	v7 =	vadd.f32 v15, v7  }
0x3ee: {  	v15 =	vld [tilespmem:s19+$0x50];
	v27 =	vshll.u32 v41, $0x10;
	v21 =	vmul.f32 v43, v45;
	v18 =	vmul.f32 v60, v58  }
0x3ef: {  	v13 =	vmul.f32 v33, v13;
	v8 =	vmul.f32 v27, v8;
	v5 =	vadd.f32 v7, v5;
	v7 =	vld [tilespmem:s20+$0x30]  }
0x3f0: {  	v24 =	vperm.xlane v24, v56;
	v1 =	vadd.f32 v21, v1;
	v45 =	vadd.f32 v18, v16;
	v16 =	vld [tilespmem:s19+$0x30]  }
0x3f1: {  	v41 =	vand.u32 $0xFFFF0000, v41;
	v6 =	vadd.f32 v13, v6;
	v8 =	vadd.f32 v8, v11;
	v11 =	vld [tilespmem:s19+$0x40]  }
0x3f2: {  	v10 =	vadd.f32 v26, v10;
	v9 =	vadd.f32 v38, v9;
	v42 =	vmul.f32 v41, v24  }
0x3f3: {  	v34 =	vand.u32 $0xFFFF0000, v34;
	v2 =	vadd.f32 v2, v3;
	v1 =	vadd.f32 v6, v1  }
0x3f4: {  	v4 =	vadd.f32 v4, v10;
	v43 =	vmul.f32 v34, v17;
	v9 =	vadd.f32 v42, v9  }
0x3f5: {  	v37 =	vshll.u32 v12, $0x10;
	v20 =	vadd.f32 v1, v2;
	v2 =	vmul.f32 v23, v15  }
0x3f6: {  	v58 =	vld [tilespmem:s25+$0x210];
	v17 =	vadd.f32 v9, v8;
	v13 =	vmul.f32 v7, v16;
	v8 =	vmul.f32 v44, v11  }
0x3f7: {  	v21 =	vadd.f32 v5, v4;
	v3 =	vperm.xlane v2, v57;
	v4 =	vperm.xlane v2, v56  }
0x3f8: {  	v26 =	vld [tilespmem:s25+$0x1A0];
	v0 =	vadd.f32 v43, v0;
	v34 =	vperm.xlane v13, v50;
	v35 =	vperm.xlane v13, v51  }
0x3f9: {  	v22 =	vld [tilespmem:s25+$0x200];
	v12 =	vand.u32 $0xFFFF0000, v12;
	v36 =	vperm.xlane v13, v53;
	v39 =	vperm.xlane v13, v61  }
0x3fa: {  	v18 =	vadd.f32 v0, v45;
	v40 =	vperm.xlane v13, v63;
	v42 =	vperm.xlane v13, v54  }
0x3fb: {  	v10 =	vld [tilespmem:s25+$0x1E0];
	v0 =	vshll.u32 v58, $0x10;
	v43 =	vperm.xlane v13, v59;
	v38 =	vperm.xlane v13, v49  }
0x3fc: {  	v5 =	vand.u32 $0xFFFF0000, v58;
	v60 =	vperm.xlane v8, v50;
	v15 =	vperm.xlane v8, v51  }
0x3fd: {  	v9 =	vld [tilespmem:s25+$0x1F0];
	v58 =	vshll.u32 v26, $0x10;
	v23 =	vperm.xlane v8, v53;
	v2 =	vperm.xlane v8, v61  }
0x3fe: {  	v1 =	vshll.u32 v22, $0x10;
	v6 =	vperm.xlane v8, v47;
	v24 =	vperm.xlane v8, v63  }
0x3ff: {  	v16 =	vld [tilespmem:s25+$0x1C0];
	v11 =	vand.u32 $0xFFFF0000, v22;
	v7 =	vperm.xlane v8, v48;
	v27 =	vperm.xlane v8, v54  }
0x400: {  	v22 =	vshll.u32 v10, $0x10;
	v28 =	vperm.xlane v8, v55;
	v29 =	vperm.xlane v8, v59  }
0x401: {  	v10 =	vand.u32 $0xFFFF0000, v10;
	v30 =	vperm.xlane v8, v46;
	v33 =	vperm.xlane v8, v52  }
0x402: {  	v32 =	vld [tilespmem:s25+$0x180];
	v25 =	vshll.u32 v9, $0x10;
	v0 =	vmul.f32 v0, v3;
	v5 =	vmul.f32 v5, v4  }
0x403: {  	v9 =	vand.u32 $0xFFFF0000, v9;
	v1 =	vmul.f32 v1, v60;
	v22 =	vmul.f32 v22, v23  }
0x404: {  	v45 =	vld [tilespmem:s25+$0x160];
	v31 =	vshll.u32 v16, $0x10;
	v11 =	vmul.f32 v11, v15;
	v15 =	vperm.xlane v13, v52  }
0x405: {  	v16 =	vand.u32 $0xFFFF0000, v16;
	v2 =	vmul.f32 v10, v2;
	v29 =	vmul.f32 v58, v29  }
0x406: {  	v41 =	vld [tilespmem:s25+$0x110];
	v60 =	vand.u32 $0xFFFF0000, v26;
	v12 =	vmul.f32 v12, v30;
	v6 =	vmul.f32 v25, v6  }
0x407: {  	v26 =	vld [tilespmem:s25+$0x140];
	v23 =	vshll.u32 v32, $0x10;
	v7 =	vmul.f32 v9, v7;
	v24 =	vmul.f32 v31, v24  }
0x408: {  	v32 =	vand.u32 $0xFFFF0000, v32;
	v31 =	vld [tilespmem:s25+$0x120];
	v16 =	vmul.f32 v16, v27;
	v23 =	vmul.f32 v23, v34  }
0x409: {  	v10 =	vshll.u32 v45, $0x10;
	v34 =	vperm.xlane v13, v57;
	v14 =	vmul.f32 v60, v33  }
0x40a: {  	v27 =	vand.u32 $0xFFFF0000, v45;
	v10 =	vmul.f32 v10, v36;
	v36 =	vld [tilespmem:s25+$0x130];
	v32 =	vmul.f32 v32, v35  }
0x40b: {  	v60 =	vshll.u32 v41, $0x10;
	v41 =	vand.u32 $0xFFFF0000, v41;
	v27 =	vmul.f32 v27, v39  }
0x40c: {  	v34 =	vmul.f32 v60, v34;
	v45 =	vshll.u32 v26, $0x10;
	v26 =	vand.u32 $0xFFFF0000, v26  }
0x40d: {  	v39 =	vld [tilespmem:s25+$0x150];
	v58 =	vshll.u32 v31, $0x10;
	v33 =	vmul.f32 v45, v40;
	v26 =	vmul.f32 v26, v42  }
0x40e: {  	v45 =	vperm.xlane v13, v56;
	v31 =	vand.u32 $0xFFFF0000, v31;
	v35 =	vmul.f32 v58, v43  }
0x40f: {  	v60 =	vshll.u32 v36, $0x10;
	v58 =	vperm.xlane v13, v62;
	v15 =	vmul.f32 v31, v15  }
0x410: {  	v34 =	vadd.f32 $0.0e+00, v34;
	v42 =	vld [tilespmem:s25+$0x1B0];
	v31 =	vperm.xlane v13, v55;
	v38 =	vmul.f32 v60, v38  }
0x411: {  	v36 =	vand.u32 $0xFFFF0000, v36;
	v60 =	vperm.xlane v13, v47;
	v41 =	vmul.f32 v41, v45  }
0x412: {  	v43 =	vld [tilespmem:s25+$0x170];
	v45 =	vshll.u32 v39, $0x10;
	v39 =	vand.u32 $0xFFFF0000, v39;
	v36 =	vmul.f32 v36, v58  }
0x413: {  	v31 =	vmul.f32 v45, v31;
	v34 =	vadd.f32 v38, v34;
	v58 =	vperm.xlane v13, v46  }
0x414: {  	v35 =	vadd.f32 $0.0e+00, v35;
	v15 =	vadd.f32 $0.0e+00, v15;
	v45 =	vperm.xlane v8, v62  }
0x415: {  	v13 =	vperm.xlane v13, v48;
	v41 =	vadd.f32 $0.0e+00, v41;
	v40 =	vshll.u32 v42, $0x10  }
0x416: {  	v38 =	vmul.f32 v39, v58;
	v33 =	vadd.f32 v33, v35;
	v15 =	vadd.f32 v26, v15  }
0x417: {  	v35 =	vperm.xlane v8, v49;
	v36 =	vadd.f32 v36, v41;
	v26 =	vshll.u32 v43, $0x10  }
0x418: {  	v31 =	vadd.f32 v31, v34;
	v41 =	vld [tilespmem:s25+$0x190];
	v26 =	vmul.f32 v26, v60;
	v15 =	vadd.f32 v27, v15  }
0x419: {  	v42 =	vand.u32 $0xFFFF0000, v42;
	v10 =	vadd.f32 v10, v33;
	v36 =	vadd.f32 v38, v36;
	v38 =	vld [tilespmem:s20+$0xFFFFFFA0]  }
0x41a: {  	v58 =	vperm.xlane v8, v57;
	v26 =	vadd.f32 v26, v31;
	v31 =	vld [tilespmem:s19+$0xFFFFFFD0];
	v15 =	vadd.f32 v32, v15  }
0x41b: {  	v43 =	vand.u32 $0xFFFF0000, v43;
	v10 =	vadd.f32 v23, v10;
	v23 =	vmul.f32 v40, v35;
	v40 =	vld [tilespmem:s20+$0xFFFFFFD0]  }
0x41c: {  	v13 =	vmul.f32 v43, v13;
	v14 =	vadd.f32 v14, v15;
	v15 =	vmul.f32 v37, v28;
	v28 =	vld [tilespmem:s19+$0xFFFFFFA0]  }
0x41d: {  	v8 =	vperm.xlane v8, v56;
	v60 =	vshll.u32 v41, $0x10;
	v10 =	vadd.f32 v29, v10  }
0x41e: {  	v13 =	vadd.f32 v13, v36;
	v41 =	vand.u32 $0xFFFF0000, v41;
	v27 =	vmul.f32 v60, v58  }
0x41f: {  	v8 =	vmul.f32 v41, v8;
	v41 =	vmul.f32 v42, v45;
	v10 =	vadd.f32 v24, v10  }
0x420: {  	v14 =	vadd.f32 v16, v14;
	v26 =	vadd.f32 v27, v26;
	v3 =	vmul.f32 v40, v31  }
0x421: {  	v45 =	vld [tilespmem:s25+$0xFFFFFE00];
	v8 =	vadd.f32 v8, v13;
	v9 =	vadd.f32 v22, v10;
	v4 =	vmul.f32 v38, v28  }
0x422: {  	v2 =	vadd.f32 v2, v14;
	v44 =	vperm.xlane v3, v56;
	v28 =	vperm.xlane v3, v59  }
0x423: {  	v23 =	vadd.f32 v23, v26;
	v29 =	vperm.xlane v3, v52;
	v30 =	vperm.xlane v3, v49  }
0x424: {  	v16 =	vld [tilespmem:s25+$0xFFFFFDE0];
	v8 =	vadd.f32 v41, v8;
	v31 =	vperm.xlane v3, v62;
	v39 =	vperm.xlane v3, v63  }
0x425: {  	v58 =	vld [tilespmem:s25+$0x10];
	v41 =	vperm.xlane v3, v54;
	v1 =	vadd.f32 v1, v9;
	v2 =	vadd.f32 v11, v2  }
0x426: {  	v42 =	vld [tilespmem:s20+$0x0];
	v14 =	vand.u32 $0xFFFF0000, v45;
	v15 =	vadd.f32 v15, v23;
	v10 =	vperm.xlane v4, v57  }
0x427: {  	v27 =	vld [tilespmem:s19+$0x0];
	v8 =	vadd.f32 v12, v8;
	v43 =	vperm.xlane v4, v56;
	v60 =	vperm.xlane v4, v59  }
0x428: {  	v11 =	vld [tilespmem:s25+$0xFFFFFDF0];
	v25 =	vperm.xlane v4, v49;
	v26 =	vperm.xlane v4, v62;
	v1 =	vadd.f32 v2, v1  }
0x429: {  	v2 =	vand.u32 $0xFFFF0000, v16;
	v6 =	vadd.f32 v6, v15;
	v7 =	vadd.f32 v7, v8  }
0x42a: {  	v23 =	vld [tilespmem:s25+$0xFFFFFF00];
	v12 =	vand.u32 $0xFFFF0000, v58;
	v38 =	vperm.xlane v4, v46;
	v2 =	vmul.f32 v2, v43  }
0x42b: {  	v14 =	vmul.f32 v14, v26;
	v6 =	vadd.f32 v0, v6;
	v5 =	vadd.f32 v5, v7  }
0x42c: {  	v7 =	vshll.u32 v16, $0x10;
	v0 =	vmul.f32 v42, v27;
	v2 =	vadd.f32 $0.0e+00, v2  }
0x42d: {  	v9 =	vld [tilespmem:s25+$0x0];
	v7 =	vmul.f32 v7, v10;
	v10 =	vshll.u32 v11, $0x10;
	v11 =	vand.u32 $0xFFFF0000, v11  }
0x42e: {  	v8 =	vld [tilespmem:s25+$0xFFFFFEF0];
	v5 =	vadd.f32 v5, v6;
	v6 =	vperm.xlane v3, v57;
	v15 =	vperm.xlane v0, v57  }
0x42f: {  	v27 =	vshll.u32 v23, $0x10;
	v16 =	vperm.xlane v0, v56;
	v33 =	vperm.xlane v0, v59  }
0x430: {  	v23 =	vand.u32 $0xFFFF0000, v23;
	v34 =	vperm.xlane v0, v52;
	v35 =	vperm.xlane v0, v49  }
0x431: {  	v36 =	vperm.xlane v0, v62;
	v10 =	vmul.f32 v10, v60;
	v2 =	vadd.f32 v14, v2  }
0x432: {  	v24 =	vld [tilespmem:s25+$0x20];
	v23 =	vmul.f32 v23, v29;
	v7 =	vadd.f32 $0.0e+00, v7;
	v22 =	vadd.f32 v5, v1  }
0x433: {  	v37 =	vld [tilespmem:s25+$0xFFFFFE10];
	v1 =	vshll.u32 v8, $0x10;
	v5 =	vand.u32 $0xFFFF0000, v8;
	v8 =	vshll.u32 v9, $0x10  }
0x434: {  	v9 =	vand.u32 $0xFFFF0000, v9;
	v12 =	vmul.f32 v12, v34;
	v1 =	vmul.f32 v1, v6  }
0x435: {  	v10 =	vadd.f32 $0.0e+00, v10;
	v5 =	vmul.f32 v5, v44;
	v8 =	vmul.f32 v8, v15  }
0x436: {  	v9 =	vmul.f32 v9, v16;
	v15 =	vperm.xlane v4, v52;
	v16 =	vshll.u32 v45, $0x10  }
0x437: {  	v44 =	vshll.u32 v58, $0x10;
	v45 =	vshll.u32 v24, $0x10;
	v24 =	vand.u32 $0xFFFF0000, v24  }
0x438: {  	v60 =	vmul.f32 v16, v25;
	v16 =	vmul.f32 v27, v28;
	v25 =	vshll.u32 v37, $0x10  }
0x439: {  	v28 =	vand.u32 $0xFFFF0000, v37;
	v29 =	vmul.f32 v44, v33;
	v24 =	vmul.f32 v24, v36  }
0x43a: {  	v6 =	vld [tilespmem:s25+$0xFFFFFF10];
	v33 =	vperm.xlane v4, v63;
	v44 =	vadd.f32 $0.0e+00, v23;
	v12 =	vadd.f32 $0.0e+00, v12  }
0x43b: {  	v37 =	vperm.xlane v4, v55;
	v1 =	vadd.f32 $0.0e+00, v1;
	v5 =	vadd.f32 $0.0e+00, v5  }
0x43c: {  	v58 =	vld [tilespmem:s25+$0xFFFFFE20];
	v11 =	vmul.f32 v11, v15;
	v8 =	vadd.f32 $0.0e+00, v8;
	v9 =	vadd.f32 $0.0e+00, v9  }
0x43d: {  	v7 =	vadd.f32 v60, v7;
	v60 =	vperm.xlane v3, v46;
	v16 =	vadd.f32 $0.0e+00, v16  }
0x43e: {  	v27 =	vld [tilespmem:s25+$0xFFFFFF30];
	v33 =	vmul.f32 v25, v33;
	v29 =	vadd.f32 $0.0e+00, v29;
	v9 =	vadd.f32 v24, v9  }
0x43f: {  	v15 =	vld [tilespmem:s25+$0xFFFFFF20];
	v24 =	vperm.xlane v0, v46;
	v11 =	vadd.f32 $0.0e+00, v11;
	v32 =	vshll.u32 v6, $0x10  }
0x440: {  	v6 =	vand.u32 $0xFFFF0000, v6;
	v10 =	vadd.f32 v33, v10;
	v33 =	vperm.xlane v3, v48  }
0x441: {  	v34 =	vld [tilespmem:s25+$0x30];
	v26 =	vmul.f32 v32, v30;
	v6 =	vmul.f32 v6, v31;
	v30 =	vshll.u32 v58, $0x10  }
0x442: {  	v31 =	vmul.f32 v45, v35;
	v32 =	vand.u32 $0xFFFF0000, v58;
	v45 =	vperm.xlane v4, v54  }
0x443: {  	v43 =	vld [tilespmem:s25+$0x40];
	v40 =	vshll.u32 v27, $0x10;
	v58 =	vperm.xlane v3, v55;
	v27 =	vand.u32 $0xFFFF0000, v27  }
0x444: {  	v14 =	vld [tilespmem:s19+$0xFFFFFFB0];
	v35 =	vshll.u32 v15, $0x10;
	v30 =	vmul.f32 v30, v37;
	v32 =	vmul.f32 v32, v38  }
0x445: {  	v25 =	vld [tilespmem:s20+$0xFFFFFFB0];
	v15 =	vand.u32 $0xFFFF0000, v15;
	v13 =	vmul.f32 v27, v60;
	v28 =	vmul.f32 v28, v45  }
0x446: {  	v45 =	vshll.u32 v34, $0x10;
	v1 =	vadd.f32 v26, v1;
	v26 =	vperm.xlane v0, v63  }
0x447: {  	v5 =	vadd.f32 v6, v5;
	v6 =	vperm.xlane v0, v54;
	v35 =	vmul.f32 v35, v39  }
0x448: {  	v37 =	vld [tilespmem:s19+$0xFFFFFFE0];
	v15 =	vmul.f32 v15, v41;
	v41 =	vshll.u32 v43, $0x10;
	v40 =	vmul.f32 v40, v58  }
0x449: {  	v38 =	vld [tilespmem:s20+$0xFFFFFFE0];
	v8 =	vadd.f32 v31, v8;
	v31 =	vperm.xlane v0, v55;
	v43 =	vand.u32 $0xFFFF0000, v43  }
0x44a: {  	v27 =	vld [tilespmem:s25+$0xFFFFFE40];
	v34 =	vand.u32 $0xFFFF0000, v34;
	v25 =	vmul.f32 v25, v14;
	v43 =	vmul.f32 v43, v24  }
0x44b: {  	v7 =	vadd.f32 v30, v7;
	v30 =	vperm.xlane v4, v47;
	v26 =	vmul.f32 v45, v26  }
0x44c: {  	v60 =	vld [tilespmem:s20+$0x10];
	v2 =	vadd.f32 v32, v2;
	v6 =	vmul.f32 v34, v6;
	v31 =	vmul.f32 v41, v31  }
0x44d: {  	v58 =	vld [tilespmem:s25+$0xFFFFFE30];
	v1 =	vadd.f32 v40, v1;
	v5 =	vadd.f32 v13, v5;
	v40 =	vperm.xlane v3, v61  }
0x44e: {  	v39 =	vld [tilespmem:s19+$0x10];
	v11 =	vadd.f32 v28, v11;
	v28 =	vperm.xlane v0, v53;
	v16 =	vadd.f32 v35, v16  }
0x44f: {  	v14 =	vld [tilespmem:s25+$0xFFFFFF50];
	v15 =	vadd.f32 v15, v44;
	v45 =	vshll.u32 v27, $0x10;
	v24 =	vmul.f32 v38, v37  }
0x450: {  	v27 =	vand.u32 $0xFFFF0000, v27;
	v38 =	vperm.xlane v4, v48;
	v26 =	vadd.f32 v26, v29  }
0x451: {  	v34 =	vld [tilespmem:s25+$0xFFFFFF40];
	v29 =	vperm.xlane v0, v47;
	v6 =	vadd.f32 v6, v12;
	v12 =	vperm.xlane v0, v48  }
0x452: {  	v41 =	vshll.u32 v58, $0x10;
	v42 =	vand.u32 $0xFFFF0000, v58;
	v58 =	vperm.xlane v4, v53  }
0x453: {  	v8 =	vadd.f32 v31, v8;
	v23 =	vmul.f32 v60, v39;
	v60 =	vperm.xlane v4, v61  }
0x454: {  	v31 =	vshll.u32 v14, $0x10;
	v14 =	vand.u32 $0xFFFF0000, v14;
	v30 =	vmul.f32 v45, v30  }
0x455: {  	v9 =	vadd.f32 v43, v9;
	v27 =	vmul.f32 v27, v38;
	v14 =	vmul.f32 v14, v33  }
0x456: {  	v44 =	vperm.xlane v24, v47;
	v32 =	vshll.u32 v34, $0x10;
	v37 =	vmul.f32 v41, v58  }
0x457: {  	s21 =	simm.s32 $0xEA40;
	v39 =	vld [tilespmem:s25+$0x50];
	v34 =	vand.u32 $0xFFFF0000, v34;
	v58 =	vperm.xlane v3, v53;
	v36 =	vmul.f32 v42, v60  }
0x458: {  	[tilespmem:s21+$0xFFFFFFC0] =	vst v21;
	v45 =	vld [tilespmem:s25+$0x60];
	v60 =	vperm.xlane v3, v47;
	v7 =	vadd.f32 v30, v7;
	v21 =	vperm.xlane v23, v51  }
0x459: {  	v38 =	vld [tilespmem:s25+$0xFFFFFE50];
	v34 =	vmul.f32 v34, v40;
	v2 =	vadd.f32 v27, v2;
	v13 =	vmul.f32 v32, v58  }
0x45a: {  	v5 =	vadd.f32 v14, v5;
	v58 =	vperm.xlane v0, v61;
	v31 =	vmul.f32 v31, v60  }
0x45b: {  	v43 =	vld [tilespmem:s25+$0xFFFFFE60];
	v10 =	vadd.f32 v37, v10;
	v11 =	vadd.f32 v36, v11;
	v37 =	vperm.xlane v0, v50  }
0x45c: {  	v0 =	vperm.xlane v0, v51;
	v35 =	vshll.u32 v39, $0x10;
	v39 =	vand.u32 $0xFFFF0000, v39  }
0x45d: {  	v60 =	vshll.u32 v45, $0x10;
	v42 =	vand.u32 $0xFFFF0000, v45;
	v15 =	vadd.f32 v34, v15  }
0x45e: {  	v40 =	vld [tilespmem:s25+$0xFFFFFF60];
	v34 =	vperm.xlane v25, v59;
	v45 =	vshll.u32 v38, $0x10;
	v28 =	vmul.f32 v35, v28  }
0x45f: {  	v38 =	vand.u32 $0xFFFF0000, v38;
	v32 =	vmul.f32 v39, v58;
	v29 =	vmul.f32 v60, v29  }
0x460: {  	v35 =	vshll.u32 v43, $0x10;
	v58 =	vperm.xlane v4, v50;
	v12 =	vmul.f32 v42, v12  }
0x461: {  	v33 =	vld [tilespmem:s25+$0x70];
	v43 =	vand.u32 $0xFFFF0000, v43;
	v4 =	vperm.xlane v4, v51;
	v60 =	vperm.xlane v25, v57  }
0x462: {  	v1 =	vadd.f32 v31, v1;
	v31 =	vperm.xlane v3, v50;
	v3 =	vperm.xlane v3, v51  }
0x463: {  	v13 =	vadd.f32 v13, v16;
	v30 =	vshll.u32 v40, $0x10;
	v27 =	vmul.f32 v45, v58  }
0x464: {  	v45 =	vperm.xlane v25, v56;
	v40 =	vand.u32 $0xFFFF0000, v40;
	v4 =	vmul.f32 v38, v4  }
0x465: {  	v36 =	vld [tilespmem:s25+$0xFFFFFE70];
	v8 =	vadd.f32 v29, v8;
	v38 =	vperm.xlane v24, v57;
	v9 =	vadd.f32 v12, v9  }
0x466: {  	v12 =	vperm.xlane v24, v56;
	v35 =	vmul.f32 v35, v60;
	v58 =	vshll.u32 v33, $0x10  }
0x467: {  	v60 =	vperm.xlane v23, v57;
	v33 =	vand.u32 $0xFFFF0000, v33;
	v30 =	vmul.f32 v30, v31  }
0x468: {  	v39 =	vld [tilespmem:s25+$0xFFFFFF70];
	v26 =	vadd.f32 v28, v26;
	v31 =	vperm.xlane v23, v56;
	v3 =	vmul.f32 v40, v3  }
0x469: {  	v6 =	vadd.f32 v32, v6;
	v37 =	vmul.f32 v58, v37;
	v0 =	vmul.f32 v33, v0  }
0x46a: {  	v32 =	vshll.u32 v36, $0x10;
	v58 =	vperm.xlane v25, v49;
	v40 =	vperm.xlane v23, v52  }
0x46b: {  	v16 =	vld [tilespmem:s25+$0xFFFFFE80];
	v36 =	vand.u32 $0xFFFF0000, v36;
	v41 =	vmul.f32 v43, v45;
	v43 =	vperm.xlane v25, v62  }
0x46c: {  	v29 =	vld [tilespmem:s25+$0x80];
	v7 =	vadd.f32 v35, v7;
	v32 =	vmul.f32 v32, v34;
	v34 =	vperm.xlane v24, v52  }
0x46d: {  	v28 =	vld [tilespmem:s25+$0xFFFFFF80];
	v10 =	vadd.f32 v27, v10;
	v4 =	vadd.f32 v4, v11;
	v14 =	vshll.u32 v39, $0x10  }
0x46e: {  	v39 =	vand.u32 $0xFFFF0000, v39;
	v13 =	vadd.f32 v30, v13;
	v3 =	vadd.f32 v3, v15  }
0x46f: {  	v26 =	vadd.f32 v37, v26;
	v0 =	vadd.f32 v0, v6;
	v14 =	vmul.f32 v14, v38  }
0x470: {  	v12 =	vmul.f32 v39, v12;
	v39 =	vshll.u32 v16, $0x10;
	v16 =	vand.u32 $0xFFFF0000, v16  }
0x471: {  	v2 =	vadd.f32 v41, v2;
	v10 =	vadd.f32 v32, v10;
	v32 =	vperm.xlane v24, v46  }
0x472: {  	v27 =	vld [tilespmem:s25+$0xFFFFFE90];
	v45 =	vshll.u32 v29, $0x10;
	v29 =	vand.u32 $0xFFFF0000, v29;
	v42 =	vshll.u32 v28, $0x10  }
0x473: {  	v28 =	vand.u32 $0xFFFF0000, v28;
	v39 =	vmul.f32 v39, v58;
	v16 =	vmul.f32 v16, v43  }
0x474: {  	v58 =	vimm.s32 $0x4;
	v33 =	vmul.f32 v45, v60;
	v29 =	vmul.f32 v29, v31  }
0x475: {  	v31 =	vperm.xlane v25, v52;
	v45 =	vperm.xlane v24, v59;
	v1 =	vadd.f32 v14, v1  }
0x476: {  	v37 =	vld [tilespmem:s25+$0xFFFFFFA0];
	v5 =	vadd.f32 v12, v5;
	v12 =	vperm.xlane v24, v49;
	v52 =	vperm.xlane v23, v49  }
0x477: {  	v28 =	vmul.f32 v28, v34;
	v49 =	vperm.xlane v25, v63;
	v6 =	vshll.u32 v27, $0x10  }
0x478: {  	v38 =	vld [tilespmem:s25+$0xFFFFFF90];
	v7 =	vadd.f32 v39, v7;
	v2 =	vadd.f32 v16, v2;
	v31 =	vmul.f32 v36, v31  }
0x479: {  	v8 =	vadd.f32 v33, v8;
	v33 =	vperm.xlane v24, v62;
	v9 =	vadd.f32 v29, v9  }
0x47a: {  	v29 =	vperm.xlane v23, v59;
	v59 =	vimm.s32 $0x3;
	v41 =	vmul.f32 v42, v45  }
0x47b: {  	v45 =	vperm.xlane v23, v62;
	v42 =	vshll.u32 v37, $0x10;
	v62 =	vperm.xlane v25, v46  }
0x47c: {  	v60 =	vld [tilespmem:s25+$0x90];
	v37 =	vand.u32 $0xFFFF0000, v37;
	v6 =	vmul.f32 v6, v49;
	v49 =	vperm.xlane v24, v54  }
0x47d: {  	v30 =	vld [tilespmem:s25+$0xFFFFFEA0];
	v3 =	vadd.f32 v28, v3;
	v28 =	vperm.xlane v23, v55;
	v14 =	vshll.u32 v38, $0x10  }
0x47e: {  	v38 =	vand.u32 $0xFFFF0000, v38;
	v12 =	vmul.f32 v14, v12;
	v14 =	vand.u32 $0xFFFF0000, v27  }
0x47f: {  	v34 =	vld [tilespmem:s25+$0xFFFFFFB0];
	v27 =	vmul.f32 v38, v33;
	v4 =	vadd.f32 v31, v4;
	v31 =	vperm.xlane v23, v63  }
0x480: {  	v36 =	vld [tilespmem:s25+$0xA0];
	v13 =	vadd.f32 v41, v13;
	v10 =	vadd.f32 v6, v10;
	v6 =	vperm.xlane v24, v53  }
0x481: {  	v11 =	vshll.u32 v60, $0x10;
	v35 =	vand.u32 $0xFFFF0000, v60;
	v60 =	vimm.s32 $0x5  }
0x482: {  	v11 =	vmul.f32 v11, v29;
	v29 =	vshll.u32 v30, $0x10;
	v33 =	vmul.f32 v35, v40  }
0x483: {  	v30 =	vand.u32 $0xFFFF0000, v30;
	v40 =	vperm.xlane v25, v55;
	v1 =	vadd.f32 v12, v1  }
0x484: {  	v5 =	vadd.f32 v27, v5;
	v27 =	vshll.u32 v34, $0x10;
	v34 =	vand.u32 $0xFFFF0000, v34  }
0x485: {  	v35 =	vmul.f32 v37, v49;
	v15 =	vshll.u32 v36, $0x10;
	v30 =	vmul.f32 v30, v62  }
0x486: {  	v36 =	vand.u32 $0xFFFF0000, v36;
	v32 =	vmul.f32 v34, v32;
	v15 =	vmul.f32 v15, v52  }
0x487: {  	v62 =	vimm.s32 $0x9;
	v36 =	vmul.f32 v36, v45;
	v52 =	vperm.xlane v25, v54  }
0x488: {  	v16 =	vld [tilespmem:s25+$0xB0];
	v45 =	vperm.xlane v24, v63;
	v29 =	vmul.f32 v29, v40;
	v11 =	vadd.f32 v11, v26  }
0x489: {  	v43 =	vld [tilespmem:s20+$0xFFFFFFF0];
	v63 =	vimm.s32 $0x7;
	v0 =	vadd.f32 v33, v0;
	v35 =	vadd.f32 v35, v3  }
0x48a: {  	v12 =	vld [tilespmem:s25+$0xC0];
	v3 =	vperm.xlane v24, v48;
	v2 =	vadd.f32 v30, v2;
	v30 =	vperm.xlane v25, v61  }
0x48b: {  	v37 =	vld [tilespmem:s19+$0x20];
	v5 =	vadd.f32 v32, v5;
	v14 =	vmul.f32 v14, v52;
	v8 =	vadd.f32 v15, v8  }
0x48c: {  	v40 =	vld [tilespmem:s19+$0xFFFFFFF0];
	v52 =	vperm.xlane v24, v55;
	v9 =	vadd.f32 v36, v9;
	v39 =	vmul.f32 v42, v45  }
0x48d: {  	v49 =	vld [tilespmem:s20+$0x20];
	v42 =	vshll.u32 v16, $0x10;
	v45 =	vperm.xlane v23, v54;
	v55 =	vperm.xlane v23, v46  }
0x48e: {  	v16 =	vand.u32 $0xFFFF0000, v16;
	v31 =	vmul.f32 v42, v31;
	v27 =	vmul.f32 v27, v52  }
0x48f: {  	v15 =	vld [tilespmem:s19+$0xFFFFFFC0];
	v16 =	vmul.f32 v16, v45;
	v45 =	vshll.u32 v12, $0x10;
	v12 =	vand.u32 $0xFFFF0000, v12  }
0x490: {  	v36 =	vld [tilespmem:s20+$0xFFFFFFC0];
	v14 =	vadd.f32 v14, v4;
	v4 =	vperm.xlane v24, v61;
	v26 =	vmul.f32 v45, v28  }
0x491: {  	v54 =	vimm.s32 $0x8;
	v46 =	vld [tilespmem:s25+$0xFFFFFFC0];
	v12 =	vmul.f32 v12, v55;
	v33 =	vmul.f32 v43, v40  }
0x492: {  	v7 =	vadd.f32 v29, v7;
	v42 =	vld [tilespmem:s25+$0xD0];
	v40 =	vmul.f32 v49, v37;
	v49 =	vperm.xlane v25, v53  }
0x493: {  	v52 =	vld [tilespmem:s25+$0xFFFFFEB0];
	v13 =	vadd.f32 v39, v13;
	v55 =	vperm.xlane v25, v47;
	v45 =	vperm.xlane v23, v47  }
0x494: {  	v28 =	vld [tilespmem:s25+$0xFFFFFEC0];
	v1 =	vadd.f32 v27, v1;
	v16 =	vadd.f32 v16, v0;
	v0 =	vperm.xlane v23, v61  }
0x495: {  	v15 =	vmul.f32 v36, v15;
	v26 =	vadd.f32 v26, v8;
	v8 =	vperm.xlane v25, v48  }
0x496: {  	s22 =	simm.s32 $0xEAC0;
	v36 =	vand.u32 $0xFFFF0000, v46;
	v61 =	vperm.xlane v33, v57;
	v33 =	vperm.xlane v33, v56  }
0x497: {  	[tilespmem:s22+$0x20] =	vst v22;
	v9 =	vadd.f32 v12, v9;
	v22 =	vperm.xlane v40, v56;
	v36 =	vmul.f32 v36, v4  }
0x498: {  	v27 =	vld [tilespmem:s25+$0xFFFFFFD0];
	v12 =	vand.u32 $0xFFFF0000, v42;
	v29 =	vshll.u32 v52, $0x10;
	v34 =	vand.u32 $0xFFFF0000, v52  }
0x499: {  	v12 =	vmul.f32 v12, v0;
	v52 =	vshll.u32 v28, $0x10;
	v28 =	vand.u32 $0xFFFF0000, v28  }
0x49a: {  	v41 =	vshll.u32 v46, $0x10;
	v29 =	vmul.f32 v29, v49;
	v8 =	vmul.f32 v28, v8;
	v28 =	vld [tilespmem:s25+$0xE0]  }
0x49b: {  	v11 =	vadd.f32 v31, v11;
	v30 =	vmul.f32 v34, v30;
	v34 =	vmul.f32 v41, v6  }
0x49c: {  	v31 =	vshll.u32 v42, $0x10;
	v6 =	vperm.xlane v23, v53;
	v53 =	vperm.xlane v24, v51  }
0x49d: {  	v4 =	vld [tilespmem:s25+$0xFFFFFED0];
	v32 =	vmul.f32 v52, v55;
	v43 =	vshll.u32 v27, $0x10;
	v27 =	vand.u32 $0xFFFF0000, v27  }
0x49e: {  	v49 =	vld [tilespmem:s25+$0xF0];
	v55 =	vimm.s32 $0xA;
	v37 =	vmul.f32 v43, v44;
	v27 =	vmul.f32 v27, v3  }
0x49f: {  	v3 =	vperm.xlane v23, v48;
	v31 =	vmul.f32 v31, v6;
	v6 =	vshll.u32 v28, $0x10  }
0x4a0: {  	v46 =	vld [tilespmem:s25+$0xFFFFFEE0];
	v48 =	vperm.xlane v15, v56;
	v0 =	vmul.f32 v6, v45;
	v6 =	vand.u32 $0xFFFF0000, v28  }
0x4a1: {  	v47 =	vadd.f32 v32, v7;
	v28 =	vmul.f32 v6, v3;
	v3 =	vperm.xlane v25, v50  }
0x4a2: {  	v7 =	vadd.f32 v8, v2;
	v2 =	vshll.u32 v4, $0x10;
	v8 =	vadd.f32 v37, v1;
	v1 =	vld [tilespmem:s25+$0xFFFFFFE0]  }
0x4a3: {  	[tilespmem:s21+$0xFFFFFFE0] =	vst v20;
	v20 =	vand.u32 $0xFFFF0000, v49;
	v3 =	vmul.f32 v2, v3;
	v2 =	vand.u32 $0xFFFF0000, v4  }
0x4a4: {  	v4 =	vadd.f32 v0, v26;
	v0 =	vadd.f32 v28, v9;
	v9 =	vperm.xlane v15, v57  }
0x4a5: {  	v25 =	vperm.xlane v25, v51;
	v28 =	vadd.f32 v29, v10;
	v10 =	vshll.u32 v46, $0x10  }
0x4a6: {  	v6 =	vadd.f32 v27, v5;
	v9 =	vmul.f32 v10, v9;
	v10 =	vperm.xlane v24, v50  }
0x4a7: {  	v27 =	vadd.f32 v34, v13;
	v52 =	vshll.u32 v1, $0x10;
	v5 =	vmul.f32 v2, v25;
	v2 =	vld [tilespmem:s25+$0xFFFFFFF0]  }
0x4a8: {  	v34 =	vshll.u32 v49, $0x10;
	v26 =	vadd.f32 v30, v14;
	v30 =	vmul.f32 v52, v10;
	v10 =	vld [tilespmem:s25+$0x100]  }
0x4a9: {  	v1 =	vand.u32 $0xFFFF0000, v1;
	v15 =	vand.u32 $0xFFFF0000, v46;
	v29 =	vadd.f32 v31, v11  }
0x4aa: {  	v31 =	vperm.xlane v23, v50;
	v37 =	vmul.f32 v15, v48;
	v25 =	vadd.f32 v36, v35  }
0x4ab: {  	v35 =	vmul.f32 v1, v53;
	v36 =	vperm.xlane v40, v57;
	v24 =	vadd.f32 v12, v16  }
0x4ac: {  	[tilespmem:s21+$0x20] =	vst v19;
	v19 =	vadd.f32 v9, v47;
	v11 =	vshll.u32 v2, $0x10;
	v32 =	vand.u32 $0xFFFF0000, v2  }
0x4ad: {  	s7 =	simm.s32 $0xA8A0;
	s25 =	simm.s32 $0x4;
	v39 =	vmul.f32 v11, v61;
	v38 =	vshll.u32 v10, $0x10;
	v23 =	vand.u32 $0xFFFF0000, v10  }
.LBB2_7:
0x4ae: {  	v2 =	vadd.f32 v37, v7;
	v7 =	vmul.f32 v32, v33  }
0x4af: {  	v12 =	vmul.f32 v38, v36  }
0x4b0: {  	v9 =	vmul.f32 v34, v31;
	v6 =	vadd.f32 v7, v6;
	v7 =	vmul.f32 v23, v22  }
0x4b1: {  	v4 =	vadd.f32 v12, v4  }
0x4b2: {  	v11 =	vmul.f32 v20, v21;
	v9 =	vadd.f32 v9, v29;
	v0 =	vadd.f32 v7, v0;
	_ =	sdelay $0x1  }
0x4b3: {  	v11 =	vadd.f32 v11, v24;
	v0 =	vadd.f32 v0, v4  }
0x4b4: {  	v10 =	vld [tilespmem:s7+$0x210];
	s20 =	sadd.s32 $0xC0, s20  }
0x4b5: {  	v11 =	vadd.f32 v11, v9;
	v9 =	vmov v0;
	v0 =	vld [tilespmem:s20+$0xFFFFFFA0];
	_ =	sdelay $0x3  }
0x4b6: {  	v8 =	vadd.f32 v39, v8  }
0x4b7: {  	v15 =	vadd.f32 v30, v27;
	v16 =	vadd.f32 v35, v25;
	[tilespmem:$0x1FA60] =	vst v0;
	v0 =	vshll.u32 v10, $0x10  }
0x4b8: {  	v14 =	vld [tilespmem:s7+$0x1F0];
	s19 =	sadd.s32 $0xC0, s19;
	[tilespmem:$0x1FA20] =	vst v0;
	v0 =	vand.u32 $0xFFFF0000, v10  }
0x4b9: {  	v6 =	vadd.f32 v6, v8;
	v4 =	vadd.f32 v16, v15;
	[tilespmem:$0x1FA40] =	vst v0;
	v0 =	vld [tilespmem:s19+$0xFFFFFFD0]  }
0x4ba: {  	v3 =	vadd.f32 v3, v28  }
0x4bb: {  	v5 =	vadd.f32 v5, v26;
	v6 =	vadd.f32 v6, v4  }
0x4bc: {  	v57 =	vld [tilespmem:s19+$0x50]  }
0x4bd: {  	v3 =	vadd.f32 v5, v3;
	v5 =	vld [tilespmem:s20+$0x30];
	[tilespmem:s22+$0xFFFFFFE0] =	vst v6  }
0x4be: {  	v7 =	vld [tilespmem:s20+$0x50];
	[tilespmem:$0x1FA80] =	vst v0;
	v0 =	vshll.u32 v14, $0x10  }
0x4bf: {  	v8 =	vld [tilespmem:s19+$0x30];
	[tilespmem:$0x1F9E0] =	vst v0;
	v0 =	vand.u32 $0xFFFF0000, v14  }
0x4c0: {  	[tilespmem:$0x1FA00] =	vst v0;
	v0 =	vld [tilespmem:s20+$0xFFFFFFD0];
	_ =	sdelay $0x2  }
0x4c1: {  	v7 =	vmul.f32 v7, v57  }
0x4c2: {  	v8 =	vmul.f32 v5, v8;
	v5 =	vimm.s32 $0x0  }
0x4c3: {  	[tilespmem:$0x1FA90] =	vst v0;
	v0 =	vperm.xlane v7, v5  }
0x4c4: {  	v15 =	vadd.f32 v17, v18;
	v6 =	vimm.s32 $0x1  }
0x4c5: {  	v20 =	vld [tilespmem:s19+$0x40];
	[tilespmem:$0x1FA30] =	vst v0;
	v0 =	vperm.xlane v7, v6  }
0x4c6: {  	v2 =	vadd.f32 v2, v19;
	v19 =	vld [tilespmem:s20+$0x40];
	[tilespmem:s21+$0x0] =	vst v15  }
0x4c7: {  	[tilespmem:$0x1FA50] =	vst v0;
	v0 =	vld [tilespmem:s19+$0x0];
	_ =	sdelay $0x3  }
0x4c8: {  	v15 =	vmul.f32 v19, v20  }
0x4c9: {  	[tilespmem:$0x1FAA0] =	vst v0;
	v0 =	vimm.s32 $0xB  }
0x4ca: {  	v27 =	vperm.xlane v15, v0;
	v0 =	vimm.s32 $0xC  }
0x4cb: {  	v0 =	vperm.xlane v15, v0;
	_ =	sdelay $0x1  }
0x4cc: {  	[tilespmem:$0x1F9F0] =	vst v0;
	v0 =	vimm.s32 $0xD  }
0x4cd: {  	v0 =	vperm.xlane v15, v0;
	_ =	sdelay $0x1  }
0x4ce: {  	[tilespmem:$0x1FA10] =	vst v0;
	v0 =	vld [tilespmem:s20+$0x0];
	_ =	sdelay $0x1  }
0x4cf: {  	v2 =	vadd.f32 v2, v3;
	_ =	sdelay $0x1  }
0x4d0: {  	[tilespmem:s22+$0xFFFFFFC0] =	vst v2  }
0x4d1: {  	v61 =	vld [tilespmem:s7+$0x190];
	[tilespmem:$0x1FAB0] =	vst v0;
	v0 =	vimm.s32 $0x2  }
0x4d2: {  	v41 =	vperm.xlane v15, v0;
	v0 =	vld [tilespmem:s19+$0xFFFFFFA0];
	_ =	sdelay $0x1  }
0x4d3: {  	v12 =	vperm.xlane v15, v50  }
0x4d4: {  	v25 =	vperm.xlane v15, v55;
	v37 =	vperm.xlane v15, v63  }
0x4d5: {  	v56 =	vshll.u32 v61, $0x10;
	v29 =	vperm.xlane v15, v54;
	v31 =	vperm.xlane v15, v62  }
0x4d6: {  	v43 =	vperm.xlane v15, v59;
	v49 =	vperm.xlane v15, v58;
	[tilespmem:$0x1FA70] =	vst v0;
	v0 =	vimm.s32 $0xF  }
0x4d7: {  	v14 =	vperm.xlane v15, v51;
	v51 =	vperm.xlane v8, v0;
	v0 =	vimm.s32 $0xA  }
0x4d8: {  	v44 =	vperm.xlane v8, v50;
	v52 =	vperm.xlane v8, v0;
	v0 =	vimm.s32 $0x7  }
0x4d9: {  	v1 =	vld [tilespmem:s7+$0x200];
	v50 =	vperm.xlane v15, v60;
	v60 =	vperm.xlane v8, v0;
	v0 =	vimm.s32 $0x8  }
0x4da: {  	v13 =	vld [tilespmem:s7+$0x1E0];
	v59 =	vand.u32 $0xFFFF0000, v61;
	v61 =	vperm.xlane v8, v0;
	v0 =	vimm.s32 $0x2  }
0x4db: {  	v53 =	vperm.xlane v15, v5;
	v63 =	vperm.xlane v8, v0;
	v0 =	vimm.s32 $0x9  }
0x4dc: {  	v7 =	vimm.s32 $0x6;
	v18 =	vperm.xlane v8, v0;
	v0 =	vimm.s32 $0x3  }
0x4dd: {  	[tilespmem:$0x1FCE0] =	vst v9;
	v9 =	vld [tilespmem:s7+$0x1C0];
	v30 =	vperm.xlane v15, v7;
	v5 =	vperm.xlane v8, v0;
	v0 =	vimm.s32 $0x4  }
0x4de: {  	v15 =	vperm.xlane v15, v6;
	v6 =	vperm.xlane v8, v0;
	v0 =	vld [tilespmem:s7+$0x120]  }
0x4df: {  	v21 =	vshll.u32 v1, $0x10;
	v19 =	vand.u32 $0xFFFF0000, v13  }
0x4e0: {  	v22 =	vand.u32 $0xFFFF0000, v1;
	v2 =	vimm.s32 $0xC;
	v19 =	vmul.f32 v19, v27;
	v27 =	vld [tilespmem:s7+$0x130]  }
0x4e1: {  	v23 =	vshll.u32 v13, $0x10;
	v55 =	vperm.xlane v8, v2;
	v2 =	vimm.s32 $0x5  }
0x4e2: {  	v13 =	vshll.u32 v9, $0x10;
	v1 =	vand.u32 $0xFFFF0000, v9;
	v57 =	vperm.xlane v8, v7  }
0x4e3: {  	v13 =	vmul.f32 v13, v30;
	v30 =	vmul.f32 v1, v37;
	v1 =	vshll.u32 v0, $0x10  }
0x4e4: {  	v7 =	vperm.xlane v8, v2;
	v0 =	vand.u32 $0xFFFF0000, v0;
	v1 =	vmul.f32 v1, v63  }
0x4e5: {  	v0 =	vmul.f32 v0, v5;
	v5 =	vand.u32 $0xFFFF0000, v27  }
0x4e6: {  	v5 =	vmul.f32 v5, v7;
	v7 =	vadd.f32 $0.0e+00, v1;
	v1 =	vld [tilespmem:s19+$0xFFFFFFB0];
	_ =	sdelay $0x4  }
0x4e7: {  	[tilespmem:$0x1FAC0] =	vst v1;
	v1 =	vld [tilespmem:s20+$0xFFFFFFB0];
	_ =	sdelay $0x4  }
0x4e8: {  	[tilespmem:$0x1FAD0] =	vst v1;
	v1 =	vld [tilespmem:s19+$0xFFFFFFE0];
	_ =	sdelay $0x3  }
0x4e9: {  	v28 =	vld [tilespmem:s7+$0x180]  }
0x4ea: {  	[tilespmem:$0x1FAE0] =	vst v1;
	v1 =	vld [tilespmem:s20+$0xFFFFFFE0]  }
0x4eb: {  	v24 =	vld [tilespmem:s7+$0x1B0]  }
0x4ec: {  	v36 =	vld [tilespmem:s7+$0x160]  }
0x4ed: {  	v16 =	vld [tilespmem:s7+$0x1D0]  }
0x4ee: {  	v20 =	vmul.f32 v21, v12;
	v21 =	vld [tilespmem:s7+$0x110]  }
0x4ef: {  	v46 =	vimm.s32 $0x0;
	v3 =	vimm.s32 $0xB;
	[tilespmem:$0x1FAF0] =	vst v1;
	v1 =	vld [tilespmem:s19+$0x10]  }
0x4f0: {  	v39 =	vld [tilespmem:s7+$0x140];
	v26 =	vshll.u32 v24, $0x10;
	v48 =	vand.u32 $0xFFFF0000, v24;
	v24 =	vshll.u32 v28, $0x10  }
0x4f1: {  	v28 =	vand.u32 $0xFFFF0000, v28;
	v4 =	vimm.s32 $0xD;
	v62 =	vshll.u32 v36, $0x10  }
0x4f2: {  	v42 =	vshll.u32 v16, $0x10;
	v58 =	vperm.xlane v8, v4;
	v4 =	vperm.xlane v8, v46  }
0x4f3: {  	v38 =	vld [tilespmem:s7+$0x170];
	v54 =	vperm.xlane v8, v3;
	v44 =	vmul.f32 v24, v44;
	v24 =	vshll.u32 v21, $0x10  }
0x4f4: {  	v4 =	vmul.f32 v24, v4;
	v2 =	vimm.s32 $0x1;
	v62 =	vmul.f32 v62, v52;
	[tilespmem:$0x1FB00] =	vst v1;
	v1 =	vld [tilespmem:s20+$0x10]  }
0x4f5: {  	v17 =	vld [tilespmem:s7+$0x150];
	v8 =	vperm.xlane v8, v2;
	v2 =	vshll.u32 v39, $0x10;
	v39 =	vand.u32 $0xFFFF0000, v39  }
0x4f6: {  	v10 =	vld [tilespmem:s7+$0x1A0];
	v52 =	vmul.f32 v2, v57;
	v2 =	vand.u32 $0xFFFF0000, v21;
	v21 =	vmul.f32 v39, v60  }
0x4f7: {  	v24 =	vmul.f32 v2, v8;
	v2 =	vshll.u32 v27, $0x10;
	v0 =	vadd.f32 $0.0e+00, v0  }
0x4f8: {  	v32 =	vand.u32 $0xFFFF0000, v16;
	v3 =	vand.u32 $0xFFFF0000, v36;
	v6 =	vmul.f32 v2, v6;
	v2 =	vld [tilespmem:$0x1F9F0]  }
0x4f9: {  	v23 =	vmul.f32 v23, v25;
	v3 =	vmul.f32 v3, v54;
	v0 =	vadd.f32 v21, v0;
	[tilespmem:$0x1FB10] =	vst v1;
	v1 =	vld [tilespmem:$0x1F9E0]  }
0x4fa: {  	v25 =	vshll.u32 v17, $0x10;
	v17 =	vand.u32 $0xFFFF0000, v17;
	v9 =	vshll.u32 v38, $0x10  }
0x4fb: {  	[tilespmem:$0x1FCD0] =	vst v11;
	v11 =	vand.u32 $0xFFFF0000, v10;
	v51 =	vmul.f32 v28, v51;
	v0 =	vadd.f32 v3, v0  }
0x4fc: {  	v16 =	vshll.u32 v10, $0x10;
	v10 =	vand.u32 $0xFFFF0000, v38;
	v11 =	vmul.f32 v11, v43  }
0x4fd: {  	v4 =	vadd.f32 $0.0e+00, v4;
	v16 =	vmul.f32 v16, v41;
	v0 =	vadd.f32 v51, v0  }
0x4fe: {  	v27 =	vadd.f32 $0.0e+00, v24;
	v7 =	vadd.f32 v52, v7;
	v63 =	vmul.f32 v1, v2;
	v1 =	vld [tilespmem:$0x1FA00]  }
0x4ff: {  	v25 =	vmul.f32 v25, v61;
	v4 =	vadd.f32 v6, v4;
	v0 =	vadd.f32 v11, v0;
	v2 =	vld [tilespmem:$0x1FA10]  }
0x500: {  	v6 =	vmul.f32 v17, v18;
	v5 =	vadd.f32 v5, v27;
	v7 =	vadd.f32 v62, v7  }
0x501: {  	v18 =	vmul.f32 v9, v55;
	v4 =	vadd.f32 v25, v4;
	v0 =	vadd.f32 v30, v0  }
0x502: {  	v5 =	vadd.f32 v6, v5;
	v6 =	vmul.f32 v10, v58;
	v10 =	vadd.f32 v44, v7  }
0x503: {  	v4 =	vadd.f32 v18, v4;
	v18 =	vadd.f32 v19, v0;
	v0 =	vld [tilespmem:$0x1FA20]  }
0x504: {  	v10 =	vadd.f32 v16, v10;
	v16 =	vmul.f32 v1, v2;
	v1 =	vld [tilespmem:$0x1FA30];
	_ =	sdelay $0x1  }
0x505: {  	v3 =	vmul.f32 v56, v53  }
0x506: {  	v5 =	vadd.f32 v6, v5;
	v6 =	vmul.f32 v59, v15  }
0x507: {  	v15 =	vmul.f32 v26, v49;
	v3 =	vadd.f32 v3, v4  }
0x508: {  	v4 =	vadd.f32 v6, v5;
	v5 =	vmul.f32 v48, v50;
	v19 =	vmul.f32 v0, v1;
	v0 =	vld [tilespmem:$0x1FA40]  }
0x509: {  	v1 =	vld [tilespmem:$0x1FA50]  }
0x50a: {  	v3 =	vadd.f32 v15, v3;
	v15 =	vmul.f32 v32, v31;
	v4 =	vadd.f32 v5, v4;
	_ =	sdelay $0x1  }
0x50b: {  	v15 =	vadd.f32 v15, v4;
	_ =	sdelay $0x1  }
0x50c: {  	v32 =	vadd.f32 v16, v15;
	v15 =	vmul.f32 v0, v1;
	v0 =	vld [tilespmem:$0x1FA60]  }
0x50d: {  	v1 =	vld [tilespmem:$0x1FA70];
	_ =	sdelay $0x4  }
0x50e: {  	v56 =	vmul.f32 v0, v1;
	v0 =	vld [tilespmem:$0x1FA80]  }
0x50f: {  	v1 =	vld [tilespmem:$0x1FA90];
	_ =	sdelay $0x4  }
0x510: {  	v54 =	vmul.f32 v1, v0;
	v0 =	vld [tilespmem:$0x1FAA0]  }
0x511: {  	v11 =	vmul.f32 v42, v29;
	v1 =	vld [tilespmem:$0x1FAB0];
	_ =	sdelay $0x1  }
0x512: {  	v11 =	vadd.f32 v11, v3  }
0x513: {  	v10 =	vadd.f32 v13, v10  }
0x514: {  	v22 =	vmul.f32 v22, v14;
	v11 =	vadd.f32 v63, v11  }
0x515: {  	v10 =	vadd.f32 v23, v10;
	v53 =	vmul.f32 v1, v0;
	v0 =	vimm.s32 $0x1  }
0x516: {  	v11 =	vadd.f32 v19, v11;
	v19 =	vperm.xlane v56, v0;
	v0 =	vimm.s32 $0x1  }
0x517: {  	v10 =	vadd.f32 v20, v10;
	v20 =	vperm.xlane v54, v0;
	v0 =	vimm.s32 $0x1  }
0x518: {  	v16 =	vadd.f32 v22, v18;
	v22 =	vperm.xlane v53, v0;
	v0 =	vld [tilespmem:s7+$0xFFFFFE80];
	_ =	sdelay $0x2  }
0x519: {  	v4 =	vld [tilespmem:s7+$0xB0];
	_ =	sdelay $0x1  }
0x51a: {  	[tilespmem:$0x1FB20] =	vst v0;
	v0 =	vld [tilespmem:s7+$0xFFFFFF80];
	_ =	sdelay $0x1  }
0x51b: {  	v34 =	vld [tilespmem:s7+$0xFFFFFDE0]  }
0x51c: {  	[tilespmem:$0x1FBB0] =	vst v4;
	v4 =	vld [tilespmem:s7+$0xC0]  }
0x51d: {  	v35 =	vld [tilespmem:s7+$0x0]  }
0x51e: {  	[tilespmem:$0x1FB30] =	vst v0;
	v0 =	vld [tilespmem:s7+$0xFFFFFF90];
	_ =	sdelay $0x1  }
0x51f: {  	v13 =	vadd.f32 v15, v32  }
0x520: {  	[tilespmem:$0x1FBC0] =	vst v4;
	v4 =	vld [tilespmem:s19+$0xFFFFFFC0];
	v18 =	vperm.xlane v56, v46  }
0x521: {  	v15 =	vshll.u32 v34, $0x10;
	v34 =	vand.u32 $0xFFFF0000, v34;
	v11 =	vadd.f32 v13, v11  }
0x522: {  	v15 =	vmul.f32 v15, v18;
	v18 =	vand.u32 $0xFFFF0000, v35;
	[tilespmem:$0x1FB40] =	vst v0;
	v0 =	vimm.s32 $0x2  }
0x523: {  	v13 =	vmul.f32 v34, v19;
	v19 =	vperm.xlane v56, v0;
	v0 =	vimm.s32 $0x3  }
0x524: {  	v18 =	vmul.f32 v18, v22;
	v22 =	vperm.xlane v56, v0;
	v0 =	vld [tilespmem:s7+$0x90]  }
0x525: {  	[tilespmem:$0x1FC00] =	vst v4;
	v4 =	vld [tilespmem:s20+$0xFFFFFFC0];
	_ =	sdelay $0x3  }
0x526: {  	[tilespmem:$0x1FB50] =	vst v0;
	v0 =	vimm.s32 $0x4  }
0x527: {  	[tilespmem:$0x1FC10] =	vst v4;
	v4 =	vld [tilespmem:s19+$0xFFFFFFF0];
	v26 =	vperm.xlane v56, v0;
	v0 =	vimm.s32 $0x5  }
0x528: {  	v27 =	vperm.xlane v56, v0;
	v0 =	vld [tilespmem:s7+$0xA0]  }
0x529: {  	v45 =	vld [tilespmem:s7+$0x30]  }
0x52a: {  	v36 =	vld [tilespmem:s7+$0xFFFFFDF0]  }
0x52b: {  	v33 =	vld [tilespmem:s7+$0xFFFFFEF0]  }
0x52c: {  	[tilespmem:$0x1FC20] =	vst v4;
	v4 =	vld [tilespmem:s20+$0xFFFFFFF0]  }
0x52d: {  	[tilespmem:$0x1FB60] =	vst v0;
	v0 =	vld [tilespmem:s7+$0xFFFFFE90]  }
0x52e: {  	v14 =	vld [tilespmem:s7+$0xFFFFFF00]  }
0x52f: {  	v8 =	vld [tilespmem:s7+$0xFFFFFF20]  }
0x530: {  	v57 =	vld [tilespmem:s7+$0x40]  }
0x531: {  	[tilespmem:$0x1FC30] =	vst v4;
	v4 =	vld [tilespmem:s19+$0x20]  }
0x532: {  	v40 =	vld [tilespmem:s7+$0xFFFFFF30];
	v25 =	vshll.u32 v35, $0x10;
	[tilespmem:$0x1FB70] =	vst v0;
	v0 =	vimm.s32 $0x2  }
0x533: {  	v37 =	vld [tilespmem:s7+$0x20];
	v10 =	vadd.f32 v16, v10;
	v30 =	vperm.xlane v54, v0;
	v0 =	vimm.s32 $0x3  }
0x534: {  	v17 =	vand.u32 $0xFFFF0000, v8;
	v29 =	vshll.u32 v14, $0x10;
	v31 =	vperm.xlane v54, v0;
	v0 =	vld [tilespmem:s7+$0xFFFFFEA0]  }
0x535: {  	v14 =	vand.u32 $0xFFFF0000, v14;
	v10 =	vadd.f32 v11, v10;
	v16 =	vperm.xlane v54, v46  }
0x536: {  	s21 =	smov.u32 s22;
	s22 =	sadd.s32 $0x80, s22;
	v23 =	vand.u32 $0xFFFF0000, v33;
	[tilespmem:$0x1FC50] =	vst v4;
	v4 =	vshll.u32 v57, $0x10;
	v11 =	vshll.u32 v33, $0x10  }
0x537: {  	v38 =	vld [tilespmem:s7+$0xFFFFFE00];
	[tilespmem:s22+$0x20] =	vst v10;
	v10 =	vshll.u32 v36, $0x10;
	v39 =	vadd.f32 $0.0e+00, v15;
	v11 =	vmul.f32 v11, v16  }
0x538: {  	v12 =	vld [tilespmem:s7+$0xFFFFFF10];
	v15 =	vand.u32 $0xFFFF0000, v40;
	v1 =	vshll.u32 v37, $0x10;
	v37 =	vand.u32 $0xFFFF0000, v37  }
0x539: {  	v24 =	vadd.f32 $0.0e+00, v11;
	v11 =	vshll.u32 v45, $0x10;
	[tilespmem:$0x1FB80] =	vst v0;
	v0 =	vimm.s32 $0x4  }
0x53a: {  	v21 =	vperm.xlane v53, v46;
	v32 =	vperm.xlane v54, v0;
	v0 =	vimm.s32 $0x5  }
0x53b: {  	v16 =	vmul.f32 v23, v20;
	v20 =	vand.u32 $0xFFFF0000, v36;
	v33 =	vperm.xlane v54, v0;
	v0 =	vld [tilespmem:s7+$0xFFFFFFA0]  }
0x53c: {  	v21 =	vmul.f32 v25, v21;
	v23 =	vshll.u32 v38, $0x10;
	v25 =	vand.u32 $0xFFFF0000, v38  }
0x53d: {  	v38 =	vshll.u32 v12, $0x10;
	v12 =	vand.u32 $0xFFFF0000, v12;
	v36 =	vadd.f32 $0.0e+00, v13  }
0x53e: {  	v43 =	vld [tilespmem:s7+$0xFFFFFE10];
	v35 =	vadd.f32 $0.0e+00, v16;
	v21 =	vadd.f32 $0.0e+00, v21;
	v16 =	vshll.u32 v40, $0x10  }
0x53f: {  	v28 =	vld [tilespmem:s7+$0xFFFFFE20];
	v46 =	vmul.f32 v10, v19;
	v19 =	vshll.u32 v8, $0x10;
	v8 =	vimm.s32 $0x9  }
0x540: {  	v42 =	vmul.f32 v20, v22;
	v8 =	vperm.xlane v53, v8;
	[tilespmem:$0x1FB90] =	vst v0;
	v0 =	vimm.s32 $0x2  }
0x541: {  	v23 =	vmul.f32 v23, v26;
	v44 =	vperm.xlane v53, v0;
	v0 =	vimm.s32 $0x3  }
0x542: {  	v22 =	vadd.f32 $0.0e+00, v18;
	v25 =	vmul.f32 v25, v27;
	v34 =	vperm.xlane v53, v0;
	v0 =	vld [tilespmem:s7+$0xFFFFFFB0]  }
0x543: {  	v27 =	vshll.u32 v43, $0x10;
	v43 =	vand.u32 $0xFFFF0000, v43;
	v26 =	vmul.f32 v29, v30  }
0x544: {  	v41 =	vld [tilespmem:s7+$0x10];
	v36 =	vadd.f32 v25, v36;
	v30 =	vshll.u32 v28, $0x10;
	v28 =	vand.u32 $0xFFFF0000, v28  }
0x545: {  	v29 =	vmul.f32 v14, v31;
	v26 =	vadd.f32 $0.0e+00, v26;
	v31 =	vmul.f32 v38, v32  }
0x546: {  	v32 =	vmul.f32 v12, v33;
	v12 =	vand.u32 $0xFFFF0000, v45;
	v33 =	vadd.f32 v23, v39  }
0x547: {  	v39 =	vand.u32 $0xFFFF0000, v57;
	v31 =	vadd.f32 v31, v24;
	[tilespmem:$0x1FBA0] =	vst v0;
	v0 =	vimm.s32 $0x4  }
0x548: {  	v8 =	vmul.f32 v39, v8;
	v2 =	vperm.xlane v53, v0;
	v0 =	vimm.s32 $0x5  }
0x549: {  	v47 =	vld [tilespmem:s7+$0xFFFFFE30];
	v3 =	vperm.xlane v53, v0;
	v0 =	vshll.u32 v41, $0x10;
	v41 =	vand.u32 $0xFFFF0000, v41  }
0x54a: {  	v18 =	vld [tilespmem:s7+$0xFFFFFEE0];
	v25 =	vadd.f32 v32, v35;
	v44 =	vmul.f32 v0, v44;
	v34 =	vmul.f32 v41, v34  }
0x54b: {  	v7 =	vmul.f32 v1, v2;
	v1 =	vimm.s32 $0x7;
	v2 =	vimm.s32 $0x8  }
0x54c: {  	v49 =	vld [tilespmem:s7+$0xFFFFFF40];
	v6 =	vmul.f32 v37, v3;
	v1 =	vperm.xlane v56, v1;
	v3 =	vimm.s32 $0x9  }
0x54d: {  	v0 =	vld [tilespmem:s20+$0x20];
	v2 =	vperm.xlane v56, v2;
	v14 =	vperm.xlane v56, v3;
	v23 =	vadd.f32 v7, v21  }
0x54e: {  	v3 =	vld [tilespmem:s7+$0xFFFFFFC0];
	v21 =	vadd.f32 $0.0e+00, v46;
	v7 =	vimm.s32 $0xD;
	v24 =	vadd.f32 v6, v22  }
0x54f: {  	[tilespmem:$0x1FC80] =	vst v18;
	v22 =	vadd.f32 $0.0e+00, v42;
	v18 =	vmul.f32 v30, v2;
	v30 =	vshll.u32 v47, $0x10  }
0x550: {  	v61 =	vld [tilespmem:s7+$0xFFFFFF60];
	v6 =	vimm.s32 $0xC;
	v2 =	vimm.s32 $0xD;
	v7 =	vperm.xlane v53, v7  }
0x551: {  	v60 =	vld [tilespmem:s7+$0xFFFFFF70];
	v14 =	vmul.f32 v28, v14;
	v28 =	vadd.f32 $0.0e+00, v29;
	v29 =	vadd.f32 $0.0e+00, v34  }
0x552: {  	v32 =	vperm.xlane v56, v6;
	v34 =	vshll.u32 v49, $0x10;
	v39 =	vperm.xlane v56, v2;
	[tilespmem:$0x1FC60] =	vst v0  }
0x553: {  	v2 =	vperm.xlane v54, v2;
	v0 =	vimm.s32 $0x6;
	[tilespmem:$0x1FBD0] =	vst v3;
	v3 =	vimm.s32 $0x6  }
0x554: {  	v48 =	vld [tilespmem:s7+$0xFFFFFE40];
	v18 =	vadd.f32 v18, v33;
	v5 =	vperm.xlane v54, v3;
	v3 =	vimm.s32 $0x7  }
0x555: {  	v8 =	vadd.f32 v8, v24;
	v0 =	vperm.xlane v56, v0;
	v13 =	vperm.xlane v54, v3;
	v3 =	vld [tilespmem:s7+$0xFFFFFFD0]  }
0x556: {  	v33 =	vand.u32 $0xFFFF0000, v61;
	v14 =	vadd.f32 v14, v36;
	v36 =	vshll.u32 v60, $0x10  }
0x557: {  	v63 =	vld [tilespmem:s7+$0xFFFFFE60];
	v57 =	vmul.f32 v27, v0;
	v27 =	vmul.f32 v43, v1;
	v1 =	vimm.s32 $0xB  }
0x558: {  	v50 =	vld [tilespmem:s7+$0xFFFFFF50];
	v46 =	vperm.xlane v54, v1;
	v35 =	vmul.f32 v19, v5;
	v19 =	vadd.f32 $0.0e+00, v44  }
0x559: {  	v0 =	vld [tilespmem:s7+$0xFFFFFFE0];
	v5 =	vimm.s32 $0xB;
	v13 =	vmul.f32 v17, v13;
	v17 =	vshll.u32 v48, $0x10  }
0x55a: {  	v5 =	vperm.xlane v53, v5;
	v17 =	vmul.f32 v17, v32;
	[tilespmem:$0x1FBE0] =	vst v3;
	v3 =	vimm.s32 $0x8  }
0x55b: {  	v51 =	vld [tilespmem:s7+$0x50];
	v13 =	vadd.f32 v13, v28;
	v10 =	vperm.xlane v54, v3;
	v3 =	vimm.s32 $0x9  }
0x55c: {  	v28 =	vand.u32 $0xFFFF0000, v63;
	v17 =	vadd.f32 v17, v18;
	v40 =	vperm.xlane v54, v3;
	v3 =	vld [tilespmem:s7+$0xD0]  }
0x55d: {  	v37 =	vld [tilespmem:$0x1FAC0];
	v10 =	vmul.f32 v16, v10;
	v16 =	vand.u32 $0xFFFF0000, v47;
	v47 =	vshll.u32 v50, $0x10  }
0x55e: {  	[tilespmem:$0x1FC90] =	vst v0;
	v0 =	vld [tilespmem:s7+$0xFFFFFFF0];
	v15 =	vmul.f32 v15, v40;
	v40 =	vand.u32 $0xFFFF0000, v49;
	v49 =	vand.u32 $0xFFFF0000, v50  }
0x55f: {  	v50 =	vld [tilespmem:$0x1FAD0];
	v10 =	vadd.f32 v10, v31;
	v24 =	vmul.f32 v40, v46;
	v2 =	vmul.f32 v49, v2  }
0x560: {  	v31 =	vshll.u32 v61, $0x10;
	v61 =	vimm.s32 $0x4;
	v49 =	vimm.s32 $0xF  }
0x561: {  	v40 =	vand.u32 $0xFFFF0000, v60;
	v15 =	vadd.f32 v15, v25;
	[tilespmem:$0x1FBF0] =	vst v3;
	v3 =	vimm.s32 $0x6  }
0x562: {  	v55 =	vld [tilespmem:s7+$0xFFFFFE50];
	v60 =	vimm.s32 $0x3;
	v20 =	vperm.xlane v53, v3;
	v3 =	vimm.s32 $0x7  }
0x563: {  	[tilespmem:$0x1FCA0] =	vst v0;
	v0 =	vld [tilespmem:s7+$0xF0];
	v13 =	vadd.f32 v24, v13;
	v2 =	vadd.f32 v2, v15;
	v9 =	vperm.xlane v53, v3  }
0x564: {  	v3 =	vld [tilespmem:s7+$0xE0];
	v45 =	vmul.f32 v50, v37;
	v50 =	vand.u32 $0xFFFF0000, v51;
	v11 =	vmul.f32 v11, v20  }
0x565: {  	v20 =	vperm.xlane v56, v1;
	v5 =	vmul.f32 v50, v5;
	v50 =	vimm.s32 $0x1  }
0x566: {  	v9 =	vmul.f32 v12, v9;
	v12 =	vand.u32 $0xFFFF0000, v48;
	v48 =	vperm.xlane v54, v6  }
0x567: {  	v59 =	vld [tilespmem:s7+$0x70];
	v6 =	vperm.xlane v53, v6;
	v16 =	vmul.f32 v16, v20;
	v20 =	vadd.f32 v57, v21  }
0x568: {  	[tilespmem:$0x1FCB0] =	vst v0;
	v0 =	vld [tilespmem:s7+$0x100];
	v57 =	vimm.s32 $0x0;
	v21 =	vadd.f32 v27, v22;
	v12 =	vmul.f32 v12, v39  }
0x569: {  	v22 =	vadd.f32 v35, v26;
	v11 =	vadd.f32 v11, v19;
	v19 =	vshll.u32 v55, $0x10;
	[tilespmem:$0x1FC40] =	vst v3;
	v3 =	vld [tilespmem:s7+$0xFFFFFED0]  }
0x56a: {  	v26 =	vand.u32 $0xFFFF0000, v55;
	v55 =	vimm.s32 $0x8;
	v27 =	vimm.s32 $0xE  }
0x56b: {  	v62 =	vld [tilespmem:s7+$0xFFFFFE70];
	v35 =	vperm.xlane v54, v49;
	v9 =	vadd.f32 v9, v29;
	v25 =	vmul.f32 v47, v48  }
0x56c: {  	v27 =	vperm.xlane v56, v27;
	v29 =	vimm.s32 $0xF;
	v47 =	vimm.s32 $0x1  }
0x56d: {  	v48 =	vimm.s32 $0xE;
	[tilespmem:$0x1FCC0] =	vst v0;
	v0 =	vimm.s32 $0xA;
	v29 =	vperm.xlane v56, v29  }
0x56e: {  	v32 =	vperm.xlane v45, v47;
	v47 =	vshll.u32 v59, $0x10;
	[tilespmem:$0x1FC70] =	vst v3;
	v3 =	vimm.s32 $0x8  }
0x56f: {  	v12 =	vadd.f32 v12, v14;
	v18 =	vmul.f32 v19, v27;
	v3 =	vperm.xlane v53, v3  }
0x570: {  	v10 =	vadd.f32 v25, v10;
	v5 =	vadd.f32 v5, v9;
	v9 =	vshll.u32 v62, $0x10  }
0x571: {  	v3 =	vmul.f32 v4, v3;
	v4 =	vperm.xlane v56, v0;
	v0 =	vimm.s32 $0xA  }
0x572: {  	v52 =	vld [tilespmem:s7+$0x60];
	v15 =	vmul.f32 v26, v29;
	v42 =	vperm.xlane v54, v0;
	v0 =	vimm.s32 $0xA  }
0x573: {  	v37 =	vld [tilespmem:$0x1FAE0];
	v29 =	vperm.xlane v45, v60;
	v56 =	vimm.s32 $0x9;
	v1 =	vperm.xlane v53, v0  }
0x574: {  	v0 =	vshll.u32 v51, $0x10;
	v51 =	vld [tilespmem:$0x1FAF0];
	v4 =	vmul.f32 v30, v4;
	v30 =	vperm.xlane v45, v57  }
0x575: {  	v3 =	vadd.f32 v3, v23;
	v23 =	vmul.f32 v34, v42;
	v34 =	vperm.xlane v54, v48  }
0x576: {  	v54 =	vimm.s32 $0x7;
	v0 =	vmul.f32 v0, v1;
	v1 =	vshll.u32 v63, $0x10  }
0x577: {  	v63 =	vimm.s32 $0x6;
	v4 =	vadd.f32 v4, v20;
	v1 =	vmul.f32 v1, v30  }
0x578: {  	v58 =	vld [tilespmem:s7+$0x80];
	v19 =	vmul.f32 v31, v34;
	v30 =	vperm.xlane v45, v61;
	v0 =	vadd.f32 v0, v11  }
0x579: {  	v43 =	vld [tilespmem:$0x1FB00];
	v11 =	vmul.f32 v33, v35;
	v44 =	vmul.f32 v51, v37;
	v51 =	vshll.u32 v52, $0x10  }
0x57a: {  	v4 =	vadd.f32 v18, v4;
	v37 =	vld [tilespmem:$0x1FB10];
	v1 =	vadd.f32 v1, v17;
	v6 =	vmul.f32 v51, v6  }
0x57b: {  	v51 =	vimm.s32 $0xE;
	v39 =	vperm.xlane v44, v57;
	v42 =	vperm.xlane v44, v50  }
0x57c: {  	v46 =	vperm.xlane v53, v51;
	v50 =	vand.u32 $0xFFFF0000, v59;
	v59 =	vimm.s32 $0x2  }
0x57d: {  	v11 =	vadd.f32 v11, v13;
	v35 =	vperm.xlane v44, v60;
	v27 =	vperm.xlane v45, v59  }
0x57e: {  	v51 =	vshll.u32 v58, $0x10;
	v34 =	vperm.xlane v44, v59;
	v20 =	vmul.f32 v36, v39  }
0x57f: {  	v39 =	vperm.xlane v44, v61;
	v43 =	vmul.f32 v37, v43;
	v37 =	vand.u32 $0xFFFF0000, v52  }
0x580: {  	v52 =	vimm.s32 $0xF;
	v9 =	vmul.f32 v9, v27;
	v27 =	vperm.xlane v45, v63  }
0x581: {  	v3 =	vadd.f32 v6, v3;
	v7 =	vmul.f32 v37, v7;
	v48 =	vperm.xlane v53, v52  }
0x582: {  	v53 =	vimm.s32 $0xA;
	v37 =	vimm.s32 $0x1;
	v10 =	vadd.f32 v20, v10  }
0x583: {  	v49 =	vperm.xlane v43, v57;
	v52 =	vperm.xlane v43, v37;
	v37 =	vand.u32 $0xFFFF0000, v58  }
0x584: {  	v58 =	vimm.s32 $0x4;
	v4 =	vadd.f32 v9, v4;
	v6 =	vadd.f32 v7, v8  }
0x585: {  	v7 =	vadd.f32 v16, v21;
	v8 =	vmul.f32 v28, v32;
	v16 =	vadd.f32 v23, v22  }
0x586: {  	v21 =	vand.u32 $0xFFFF0000, v62;
	v22 =	vmul.f32 v40, v42;
	v23 =	vmul.f32 v47, v46  }
0x587: {  	v62 =	vimm.s32 $0x5;
	v25 =	vmul.f32 v50, v48;
	v46 =	vperm.xlane v43, v59  }
0x588: {  	v41 =	vld [tilespmem:s7+$0xFFFFFEB0];
	v59 =	vimm.s32 $0x3;
	v48 =	vperm.xlane v43, v60;
	v26 =	vmul.f32 v51, v49  }
0x589: {  	v28 =	vld [tilespmem:$0x1FB20];
	v60 =	vimm.s32 $0x5;
	v14 =	vmul.f32 v37, v52;
	v32 =	vperm.xlane v45, v62  }
0x58a: {  	v50 =	vld [tilespmem:$0x1FB30];
	v42 =	vperm.xlane v44, v62;
	v49 =	vperm.xlane v43, v61;
	v8 =	vadd.f32 v8, v12  }
0x58b: {  	v51 =	vld [tilespmem:$0x1FB40];
	v62 =	vperm.xlane v43, v62;
	v2 =	vadd.f32 v22, v2;
	v7 =	vadd.f32 v15, v7  }
0x58c: {  	v52 =	vld [tilespmem:$0x1FB50];
	v17 =	vmul.f32 v21, v29;
	v16 =	vadd.f32 v19, v16;
	v0 =	vadd.f32 v23, v0  }
0x58d: {  	v29 =	vperm.xlane v45, v54;
	v5 =	vadd.f32 v25, v5;
	v3 =	vadd.f32 v26, v3  }
0x58e: {  	v37 =	vld [tilespmem:$0x1FB60];
	v6 =	vadd.f32 v14, v6;
	v7 =	vadd.f32 v17, v7;
	v17 =	vshll.u32 v41, $0x10  }
0x58f: {  	v61 =	vld [tilespmem:$0x1FB90];
	v24 =	vshll.u32 v28, $0x10;
	v28 =	vand.u32 $0xFFFF0000, v28;
	v31 =	vshll.u32 v50, $0x10  }
0x590: {  	v33 =	vand.u32 $0xFFFF0000, v50;
	v36 =	vshll.u32 v51, $0x10;
	v40 =	vand.u32 $0xFFFF0000, v51  }
0x591: {  	v47 =	vshll.u32 v52, $0x10;
	v14 =	vmul.f32 v24, v30;
	v15 =	vmul.f32 v28, v32  }
0x592: {  	v21 =	vld [tilespmem:$0x1FB70];
	v50 =	vand.u32 $0xFFFF0000, v52;
	v13 =	vmul.f32 v31, v34;
	v19 =	vmul.f32 v33, v35  }
0x593: {  	v51 =	vshll.u32 v37, $0x10;
	v30 =	vperm.xlane v45, v55;
	v32 =	vperm.xlane v45, v56  }
0x594: {  	v31 =	vshll.u32 v61, $0x10;
	v34 =	vperm.xlane v44, v63;
	v35 =	vperm.xlane v44, v54  }
0x595: {  	v33 =	vand.u32 $0xFFFF0000, v61;
	v61 =	vperm.xlane v43, v56;
	v20 =	vmul.f32 v36, v39  }
0x596: {  	v37 =	vand.u32 $0xFFFF0000, v37;
	v22 =	vmul.f32 v40, v42;
	v23 =	vmul.f32 v47, v46  }
0x597: {  	v18 =	vshll.u32 v21, $0x10;
	v25 =	vmul.f32 v50, v48;
	v26 =	vmul.f32 v51, v49  }
0x598: {  	v21 =	vand.u32 $0xFFFF0000, v21;
	v12 =	vmul.f32 v37, v62;
	v39 =	vperm.xlane v44, v55  }
0x599: {  	v42 =	vperm.xlane v44, v56;
	v46 =	vperm.xlane v43, v63;
	v63 =	vimm.s32 $0x7  }
0x59a: {  	v48 =	vperm.xlane v43, v54;
	v54 =	vimm.s32 $0x8;
	v49 =	vperm.xlane v43, v55  }
0x59b: {  	v55 =	vimm.s32 $0xD;
	v1 =	vadd.f32 v14, v1;
	v8 =	vadd.f32 v15, v8  }
0x59c: {  	v28 =	vld [tilespmem:$0x1FB80];
	v15 =	vmul.f32 v18, v27;
	v18 =	vmul.f32 v21, v29;
	v13 =	vadd.f32 v13, v16  }
0x59d: {  	v52 =	vld [tilespmem:$0x1FBD0];
	v11 =	vadd.f32 v19, v11;
	v16 =	vmul.f32 v31, v34;
	v10 =	vadd.f32 v20, v10  }
0x59e: {  	v62 =	vld [tilespmem:$0x1FBA0];
	v19 =	vmul.f32 v33, v35;
	v2 =	vadd.f32 v22, v2;
	v3 =	vadd.f32 v26, v3  }
0x59f: {  	v37 =	vld [tilespmem:$0x1FBB0];
	v21 =	vand.u32 $0xFFFF0000, v41;
	v6 =	vadd.f32 v12, v6;
	v0 =	vadd.f32 v23, v0  }
0x5a0: {  	v27 =	vperm.xlane v45, v53;
	v5 =	vadd.f32 v25, v5;
	v15 =	vadd.f32 v15, v4  }
0x5a1: {  	v38 =	vld [tilespmem:s7+$0xFFFFFEC0];
	v34 =	vperm.xlane v44, v53;
	v18 =	vadd.f32 v18, v7;
	v13 =	vadd.f32 v16, v13  }
0x5a2: {  	v11 =	vadd.f32 v19, v11;
	v7 =	vimm.s32 $0xE;
	v24 =	vshll.u32 v28, $0x10  }
0x5a3: {  	v56 =	vld [tilespmem:$0x1FBE0];
	v28 =	vand.u32 $0xFFFF0000, v28;
	v31 =	vshll.u32 v52, $0x10;
	v33 =	vand.u32 $0xFFFF0000, v52  }
0x5a4: {  	v36 =	vshll.u32 v62, $0x10;
	v40 =	vand.u32 $0xFFFF0000, v62;
	v47 =	vshll.u32 v37, $0x10  }
0x5a5: {  	v50 =	vand.u32 $0xFFFF0000, v37;
	v62 =	vimm.s32 $0x9;
	v9 =	vmul.f32 v24, v30  }
0x5a6: {  	v12 =	vmul.f32 v28, v32;
	v24 =	vshll.u32 v38, $0x10;
	v32 =	vperm.xlane v45, v55  }
0x5a7: {  	v37 =	vld [tilespmem:$0x1FBC0];
	v28 =	vand.u32 $0xFFFF0000, v38;
	v16 =	vmul.f32 v31, v34;
	v20 =	vmul.f32 v36, v39  }
0x5a8: {  	v38 =	vand.u32 $0xFFFF0000, v56;
	v22 =	vmul.f32 v40, v42;
	v40 =	vperm.xlane v43, v53;
	v53 =	vld [tilespmem:$0x1FC00]  }
0x5a9: {  	v23 =	vmul.f32 v47, v46;
	v25 =	vmul.f32 v50, v48;
	v36 =	vshll.u32 v56, $0x10;
	v56 =	vld [tilespmem:$0x1FC10]  }
0x5aa: {  	v50 =	vimm.s32 $0xB;
	v42 =	vimm.s32 $0xB;
	v39 =	vperm.xlane v44, v55  }
0x5ab: {  	v46 =	vimm.s32 $0xC;
	v29 =	vperm.xlane v45, v50;
	v35 =	vperm.xlane v44, v50  }
0x5ac: {  	v55 =	vimm.s32 $0xA;
	v42 =	vperm.xlane v43, v42;
	v46 =	vperm.xlane v43, v46  }
0x5ad: {  	v52 =	vld [tilespmem:$0x1FBF0];
	v1 =	vadd.f32 v9, v1;
	v51 =	vshll.u32 v37, $0x10;
	v37 =	vand.u32 $0xFFFF0000, v37  }
0x5ae: {  	v14 =	vmul.f32 v37, v61;
	v61 =	vimm.s32 $0xD;
	v47 =	vmul.f32 v56, v53;
	v56 =	vld [tilespmem:$0x1FC30]  }
0x5af: {  	v26 =	vmul.f32 v51, v49;
	v51 =	vimm.s32 $0xC;
	v49 =	vperm.xlane v43, v61;
	v61 =	vld [tilespmem:$0x1FC20]  }
0x5b0: {  	v8 =	vadd.f32 v12, v8;
	v12 =	vmul.f32 v17, v27;
	v30 =	vperm.xlane v45, v51  }
0x5b1: {  	v4 =	vmul.f32 v28, v32;
	v10 =	vadd.f32 v20, v10;
	v20 =	vld [tilespmem:$0x1FC80];
	v37 =	vperm.xlane v44, v51  }
0x5b2: {  	v26 =	vadd.f32 v26, v3;
	v14 =	vadd.f32 v14, v6;
	v6 =	vld [tilespmem:$0x1FC70];
	v3 =	vmul.f32 v24, v30  }
0x5b3: {  	v24 =	vadd.f32 v25, v5;
	v5 =	vmul.f32 v36, v37;
	v37 =	vperm.xlane v45, v7;
	v7 =	vld [tilespmem:$0x1FC90]  }
0x5b4: {  	v2 =	vadd.f32 v22, v2;
	v41 =	vshll.u32 v52, $0x10;
	v50 =	vmul.f32 v56, v61;
	v56 =	vld [tilespmem:$0x1FC40]  }
0x5b5: {  	v19 =	vadd.f32 v23, v0;
	v17 =	vmul.f32 v21, v29;
	v29 =	vmul.f32 v41, v40  }
0x5b6: {  	v22 =	vimm.s32 $0x1;
	v48 =	vand.u32 $0xFFFF0000, v52;
	v25 =	vmul.f32 v33, v35  }
0x5b7: {  	v29 =	vadd.f32 v29, v19;
	v41 =	vperm.xlane v47, v57;
	v30 =	vshll.u32 v20, $0x10  }
0x5b8: {  	v52 =	vld [tilespmem:$0x1FC50];
	v35 =	vmul.f32 v48, v42;
	v1 =	vadd.f32 v3, v1;
	v25 =	vadd.f32 v25, v11  }
0x5b9: {  	v61 =	vld [tilespmem:$0x1FC60];
	v0 =	vshll.u32 v6, $0x10;
	v42 =	vshll.u32 v7, $0x10;
	v51 =	vshll.u32 v56, $0x10  }
0x5ba: {  	v28 =	vmul.f32 v51, v46;
	v46 =	vand.u32 $0xFFFF0000, v7;
	v7 =	vimm.s32 $0xE  }
0x5bb: {  	v27 =	vand.u32 $0xFFFF0000, v6;
	v6 =	vmul.f32 v38, v39;
	v53 =	vperm.xlane v44, v7;
	v7 =	vld [tilespmem:$0x1FCA0]  }
0x5bc: {  	v23 =	vld [tilespmem:$0x1FCC0];
	v24 =	vadd.f32 v35, v24;
	v39 =	vand.u32 $0xFFFF0000, v20;
	v20 =	vimm.s32 $0x1  }
0x5bd: {  	v33 =	vperm.xlane v50, v20;
	v3 =	vmul.f32 v0, v37;
	v6 =	vadd.f32 v6, v2  }
0x5be: {  	v2 =	vmul.f32 v30, v41;
	v52 =	vmul.f32 v61, v52;
	v9 =	vand.u32 $0xFFFF0000, v56  }
0x5bf: {  	v61 =	vperm.xlane v50, v57;
	v50 =	vimm.s32 $0xE;
	v51 =	vimm.s32 $0xF  }
0x5c0: {  	v9 =	vmul.f32 v9, v49;
	v56 =	vshll.u32 v7, $0x10;
	v32 =	vand.u32 $0xFFFF0000, v7;
	v7 =	vld [tilespmem:$0x1FCB0]  }
0x5c1: {  	v38 =	vshll.u32 v23, $0x10;
	v31 =	vperm.xlane v43, v50;
	v40 =	vperm.xlane v45, v51  }
0x5c2: {  	s25 =	sadd.s32 $0x4, s25;
	v23 =	vand.u32 $0xFFFF0000, v23;
	v45 =	vperm.xlane v47, v20;
	v44 =	vperm.xlane v44, v51  }
0x5c3: {  	p0 =	slt.u32 s25, $0x3C;
	v19 =	vadd.f32 v2, v1;
	v21 =	vperm.xlane v43, v51;
	v36 =	vperm.xlane v52, v57  }
.Ltmp2:
0x5c4: {  	v22 =	vperm.xlane v52, v22;
	v0 =	vadd.f32 v9, v14;
	v37 =	vmul.f32 v39, v45;
	(pc) =	sbr.rel @p0 .LBB2_7-.Ltmp2, $4  }
0x5c5: {  	v30 =	vmul.f32 v42, v53;
	v35 =	vmul.f32 v46, v44;
	v34 =	vshll.u32 v7, $0x10  }
0x5c6: {  	v20 =	vand.u32 $0xFFFF0000, v7;
	v7 =	vadd.f32 v4, v8;
	v8 =	vadd.f32 v5, v10  }
0x5c7: {  	v39 =	vmul.f32 v56, v61;
	v4 =	vadd.f32 v28, v26;
	v26 =	vadd.f32 v17, v18;
	v18 =	vld [tilespmem:$0x1FCD0]  }
0x5c8: {  	s7 =	sadd.s32 $0x440, s7;
	v5 =	vmul.f32 v27, v40;
	v28 =	vadd.f32 v12, v15;
	v17 =	vld [tilespmem:$0x1FCE0];
	v27 =	vadd.f32 v16, v13  }
0x5c9: {  	v1 =	vadd.f32 v37, v7;
	v2 =	vmul.f32 v32, v33  }
0x5ca: {  	v56 =	vadd.f32 v39, v8;
	v57 =	vmul.f32 v38, v36;
	v60 =	vadd.f32 v35, v25  }
0x5cb: {  	v58 =	vmul.f32 v23, v22;
	v3 =	vadd.f32 v3, v28;
	v5 =	vadd.f32 v5, v26  }
0x5cc: {  	v9 =	vmul.f32 v34, v31;
	v59 =	vadd.f32 v30, v27;
	v2 =	vadd.f32 v2, v6  }
0x5cd: {  	v10 =	vmul.f32 v20, v21;
	v4 =	vadd.f32 v57, v4;
	v0 =	vadd.f32 v58, v0  }
0x5ce: {  	v9 =	vadd.f32 v9, v29;
	v1 =	vadd.f32 v1, v19  }
0x5cf: {  	v10 =	vadd.f32 v10, v24;
	v3 =	vadd.f32 v5, v3  }
0x5d0: {  	v61 =	vadd.f32 v60, v59;
	v2 =	vadd.f32 v2, v56  }
0x5d1: {  	s17 =	sadd.s32 $0x1, s17;
	v0 =	vadd.f32 v0, v4;
	v62 =	vadd.f32 v17, v18  }
0x5d2: {  	p0 =	sne.s32 s17, $0x2A;
	v63 =	vadd.f32 v10, v9;
	v1 =	vadd.f32 v1, v3  }
.Ltmp3:
0x5d3: {  	v2 =	vadd.f32 v2, v61;
	[tilespmem:s21+$0x0] =	vst v62;
	(pc) =	sbr.rel @p0 .LBB2_4-.Ltmp3, $4  }
0x5d4: {  	v0 =	vadd.f32 v0, v63;
	[tilespmem:s22+$0xFFFFFFC0] =	vst v1  }
0x5d5: {  	s7 =	sand.u32 $0x3FFFFFC0, s18;
	[tilespmem:s22+$0xFFFFFFE0] =	vst v2  }
0x5d6: {  	s7 =	sadd.s32 $0x1500, s7;
	[tilespmem:s22+$0x0] =	vst v0  }
0x5d7: {  	v1 =	vimm.s32 $0xC;
	v2 =	vimm.s32 $0xD;
	[spmem:s2] =	stream.indirect.scatter.add.f32 [tilespmem:s13], [sflag:$0x8], $0x20, s7, s29, $0xb8;
	[tilespmem:$0x14A00] =	vst v63  }
0x5d8: {  	_ =	swait.ge [sflag:s14], $0x800  }
0x5d9: {  	[sflag:s14] =	ssyncset.done $0x0  }
0x5da: {  	[sflag:s14] =	ssyncadd.s32 $0xFFFFF800  }
0x5db: {  	_ =	swait.ge [sflag:s15], $0x800  }
0x5dc: {  	[sflag:s15] =	ssyncset.done $0x0  }
0x5dd: {  	[sflag:s15] =	ssyncadd.s32 $0xFFFFF800  }
0x5de: {  	s7 =	stileid.u32;
	[bflag:$0x0] =	sbarrier.arrive $0xFFFF  }
0x5df: {  	s7 =	sshll.u32 s7, $0x6;
	s17 =	rddreg [dreg:$0x7]  }
0x5e0: {  	s7 =	sor.u32 $0x1C09, s7;
	s18 =	rddreg [dreg:$0x12]  }
0x5e1: {  	[hbm:s17], [sflag:s7] =	dma.local [spmem:s18], $0xA00  }
0x5e2: {  	_ =	swait.ge [sflag:s24], $0xA00  }
0x5e3: {  	s16 =	sadd.s32 $0x1, s16;
	s25 =	rddreg [dreg:$0x8]  }
0x5e4: {  	p0 =	sne.s32 s16, s25  }
.Ltmp4:
0x5e5: {  	_ = 	snop;
	(pc) =	sbr.rel @p0 .LBB2_1-.Ltmp4, $3  }
0x5e6: {  	_ =	sdelay $0x1  }
0x5e7: {  	[sflag:s24] =	ssyncset.done $0x0  }
0x5e8: {  	v0 =	vimm.f32 $0.0e+00;
	[sflag:s24] =	ssyncadd.s32 $0xFFFFF600  }
0x5e9: {  	_ =	sfence.sel $0x180000  }
0x5ea: {  	[bflag:$0x0] =	sbarrier.arrive $0xFFFF  }
0x5eb: {  	_ =	strace $0x9000004A  }
0x5ec: {  	s0 =	stileid.u32;
	[bflag:$0x2] =	sbarrier.arrive $0xFFFF  }
0x5ed: {  	p0 =	sne.s32 s0, $0x0;
	s0 =	rddreg [dreg:$0x2]  }
0x5ee: {  	s0 =	sadd.s32 @!p0 $0x100000, s0  }
0x5ef: {  	[sflag:s0] =	ssyncadd.tile.s32 @!p0 $0x1;
	_ =	shalt  }
.Lfunc_end2:
_tile_overlayer_lowered:
.L_overlay_start_2:
0x5f0: {  	(tag) =	ssettag $0x2  }
0x5f1: {  	s0 =	rddreg [dreg:$0x0];
	s2 =	stileid.u32  }
0x5f2: {  	s1 =	rddreg [dreg:$0x1];
	p0 =	sne.s32 s2, $0x0  }
0x5f3: {  	s3 =	rddreg [dreg:$0x2];
	[bflag:$0x3] =	sbarrier.arrive $0xFFFF;
	s2 =	simm.s32 @!p0 $0x1C09  }
0x5f4: {  	[timem:s3], [sflag:s2] =	dma.local @!p0 [hbm:s0], s1  }
0x5f5: {  	s0 =	simm.s32 @!p0 $0x9  }
0x5f6: {  	_ =	swait.ge @!p0 [sflag:s0], s1  }
0x5f7: {  	s1 =	ssub.s32 @!p0 $0x0, s1;
	[sflag:s0] =	ssyncset.done @!p0 $0x0  }
0x5f8: {  	[sflag:s0] =	ssyncadd.s32 @!p0 s1  }
0x5f9: {  	[bflag:$0x3] =	sbarrier.arrive $0xFFFF  }
0x5fa: {  	_ =	shalt  }

</sc_bundles>
